<compile_context>
chip_gen: v7x
topology: tpu7x:2x2x1
jax: 0.10.2.dev20260603
libtpu: 0.0.44.dev20260713+nightly
codegen_flags: <defaults>
</compile_context>

<pallas_src>
import functools

import jax
import jax.numpy as jnp
from jax import lax
from jax.experimental import pallas as pl
from jax.experimental.pallas import tpu as pltpu
from jax.experimental.pallas import tpu_sc as plsc

L = 16
NC, NS = 2, 16
NW = NC * NS
B, H, W, C = 4, 56, 56, 256
N_ROI = 128
OH, OW = 14, 14
R_TOTAL = B * N_ROI
R_PER_W = R_TOTAL // NW
TAB_ROWS = H * W
NG = C // L


def _sc_body(table, rois_hbm, out_hbm, rois_v, sy_ref, wr0_ref, wr1_ref,
             w4_ref, idx0, idx1, buf0, buf1, out_v0, out_v1,
             sem_g0, sem_g1, sem_o0, sem_o1):
    wid = lax.axis_index("s") * NC + lax.axis_index("c")
    pltpu.sync_copy(rois_hbm.at[pl.ds(wid * (R_PER_W * 4), R_PER_W * 4)],
                    rois_v.at[pl.ds(0, R_PER_W * 4)])
    iota_i = lax.iota(jnp.int32, L)
    iota_f = iota_i.astype(jnp.float32)

    def axis_coeffs(c1, c2):
        c1v = jnp.full((L,), c1, jnp.float32)
        c2v = jnp.full((L,), c2, jnp.float32)
        b1 = (c1v * 56.0) / 55.0
        b2 = (c2v * 56.0) / 55.0
        scale = ((b2 - b1) * 55.0) / 13.0
        pos = b1 * 55.0 + iota_f * scale
        ti = pos.astype(jnp.int32)
        tf = ti.astype(jnp.float32)
        lerp = pos - tf
        one_i = jnp.full((L,), 1, jnp.int32)
        zero_i = jnp.full((L,), 0, jnp.int32)
        ceil_i = ti + jnp.where(pos > tf, one_i, zero_i)
        tpi = jnp.minimum(ti, H - 1)
        bpi = jnp.minimum(ceil_i, H - 1)
        s = jnp.minimum(jnp.maximum(ti, 0), H - 2)
        valid = jnp.where((pos >= 0.0) & (pos <= 55.0), 1.0, 0.0)
        one = jnp.full((L,), 1.0, jnp.float32)
        zero = jnp.full((L,), 0.0, jnp.float32)
        w0 = (jnp.where(tpi == s, one - lerp, zero)
              + jnp.where(bpi == s, lerp, zero))
        w1 = (jnp.where(tpi == s + 1, one - lerp, zero)
              + jnp.where(bpi == s + 1, lerp, zero))
        return s, w0 * valid, w1 * valid

    def out_wait(out_v, sem):
        pltpu.make_async_copy(out_v, out_hbm.at[pl.ds(0, OW * C)], sem).wait()

    def roi_body(r, carry):
        roi = wid * R_PER_W + r
        b = lax.shift_right_logical(roi, 7)
        tab_base = b * TAB_ROWS
        out_elem_base = roi * (OH * OW * C)
        rv = rois_v[pl.ds(r * 4, L)]
        sy, wr0, wr1 = axis_coeffs(rv[1], rv[3])
        sx, wc0, wc1 = axis_coeffs(rv[0], rv[2])
        sy_ref[pl.ds(0, L)] = sy
        wr0_ref[pl.ds(0, L)] = wr0
        wr1_ref[pl.ds(0, L)] = wr1

        def build_idx(idx_ref, y):
            sy_s = sy_ref[pl.ds(y, L)][0]
            basev = (tab_base + sy_s * W) + sx
            idx_ref[pl.ds(0, L)] = basev
            idx_ref[pl.ds(L, L)] = basev + W

        def compute_row(y, rows_v, out_v, sem):
            wr0s = wr0_ref[pl.ds(y, L)][0]
            wr1s = wr1_ref[pl.ds(y, L)][0]
            w4_ref[0, pl.ds(0, L)] = wr0s * wc0
            w4_ref[1, pl.ds(0, L)] = wr0s * wc1
            w4_ref[2, pl.ds(0, L)] = wr1s * wc0
            w4_ref[3, pl.ds(0, L)] = wr1s * wc1

            @plsc.parallel_loop(0, OW, unroll=2)
            def px_body(x):
                a0 = w4_ref[0, pl.ds(x, L)][0]
                a1 = w4_ref[1, pl.ds(x, L)][0]
                a2 = w4_ref[2, pl.ds(x, L)][0]
                a3 = w4_ref[3, pl.ds(x, L)][0]
                sixteen = jnp.full((L,), 16, jnp.int32)
                himask = jnp.full((L,), -65536, jnp.int32)

                def halves(w):
                    lo = lax.bitcast_convert_type(
                        lax.shift_left(w, sixteen), jnp.float32)
                    hi = lax.bitcast_convert_type(w & himask, jnp.float32)
                    return lo, hi

                for g in range(NG // 2):
                    sl = pl.ds(g * L, L)
                    sr = pl.ds(C // 2 + g * L, L)
                    tl_lo, tl_hi = halves(rows_v[x, sl])
                    tr_lo, tr_hi = halves(rows_v[x, sr])
                    bl_lo, bl_hi = halves(rows_v[L + x, sl])
                    br_lo, br_hi = halves(rows_v[L + x, sr])
                    out_v[pl.ds(x * C + g * 2 * L, L)] = (
                        a0 * tl_lo + a1 * tr_lo + a2 * bl_lo + a3 * br_lo)
                    out_v[pl.ds(x * C + g * 2 * L + L, L)] = (
                        a0 * tl_hi + a1 * tr_hi + a2 * bl_hi + a3 * br_hi)
            pltpu.async_copy(
                out_v, out_hbm.at[pl.ds(out_elem_base + y * (OW * C), OW * C)],
                sem)

        build_idx(idx0, 0)
        pltpu.async_copy(table.at[idx0], buf0, sem_g0)

        def step(k, icarry):
            yb = 2 * k + 1
            build_idx(idx1, yb)
            pltpu.async_copy(table.at[idx1], buf1, sem_g1)
            pltpu.make_async_copy(table.at[idx0], buf0, sem_g0).wait()

            @pl.when(k > 0)
            def _():
                out_wait(out_v0, sem_o0)
            compute_row(2 * k, buf0, out_v0, sem_o0)

            @pl.when(k < (OH // 2 - 1))
            def _():
                build_idx(idx0, 2 * k + 2)
                pltpu.async_copy(table.at[idx0], buf0, sem_g0)
            pltpu.make_async_copy(table.at[idx1], buf1, sem_g1).wait()

            @pl.when(k > 0)
            def _():
                out_wait(out_v1, sem_o1)
            compute_row(yb, buf1, out_v1, sem_o1)
            return icarry

        lax.fori_loop(0, OH // 2, step, 0)
        out_wait(out_v0, sem_o0)
        out_wait(out_v1, sem_o1)
        return carry

    lax.fori_loop(0, R_PER_W, roi_body, 0)


_sc_call = functools.partial(
    pl.kernel,
    out_type=jax.ShapeDtypeStruct((R_TOTAL * OH * OW * C,), jnp.float32),
    mesh=plsc.VectorSubcoreMesh(core_axis_name="c", subcore_axis_name="s"),
    scratch_types=[
        pltpu.VMEM((R_PER_W * 4 + L,), jnp.float32),
        pltpu.VMEM((2 * L,), jnp.int32),
        pltpu.VMEM((2 * L,), jnp.float32),
        pltpu.VMEM((2 * L,), jnp.float32),
        pltpu.VMEM((4, 2 * L), jnp.float32),
        pltpu.VMEM((2 * L,), jnp.int32),
        pltpu.VMEM((2 * L,), jnp.int32),
        pltpu.VMEM((2 * L, C), jnp.int32),
        pltpu.VMEM((2 * L, C), jnp.int32),
        pltpu.VMEM((OW * C,), jnp.float32),
        pltpu.VMEM((OW * C,), jnp.float32),
        pltpu.SemaphoreType.DMA,
        pltpu.SemaphoreType.DMA,
        pltpu.SemaphoreType.DMA,
        pltpu.SemaphoreType.DMA,
    ],
)(_sc_body)


@jax.jit
def kernel(fmaps, rois):
    flat = fmaps.reshape(B * H * W, C)
    pairs = jnp.concatenate(
        [flat, jnp.concatenate([flat[1:], flat[:1]], axis=0)], axis=1)
    table_bf = (pairs.reshape(B * H * W, 2 * C // (2 * L), 2, L)
                .transpose(0, 1, 3, 2)
                .reshape(B * H * W, C, 2)
                .astype(jnp.bfloat16))
    table = lax.bitcast_convert_type(table_bf, jnp.int32)
    rois_flat = rois.reshape(R_TOTAL * 4)
    out = _sc_call(table, rois_flat)
    return out.reshape(B, N_ROI, OH, OW, C)

# --- scband reference (transcript-rebuilt; emitter-appended) ---
"""Pipeline reference for scband-roialigner-16312285790451 (READ-ONLY COPY).

The authoritative reference and input builder live on the scoring server;
editing this copy changes nothing except your own understanding.
"""

import jax, jax.numpy as jnp
import numpy as np

O_H, O_W = 14, 14

def _crop_and_resize(image, boxes, crop_h, crop_w):
    # image: [H, W, C], boxes: [N, 4] as (y1, x1, y2, x2) normalized by (H-1, W-1)
    # Faithful reimplementation of tf.image.crop_and_resize (bilinear, extrapolation_value=0)
    H = image.shape[0]; W = image.shape[1]
    y1 = boxes[:, 0]; x1 = boxes[:, 1]; y2 = boxes[:, 2]; x2 = boxes[:, 3]
    if crop_h > 1:
        h_scale = (y2 - y1) * (H - 1) / (crop_h - 1)
        in_y = y1[:, None] * (H - 1) + jnp.arange(crop_h, dtype=jnp.float32)[None, :] * h_scale[:, None]
    else:
        in_y = (0.5 * (y1 + y2) * (H - 1))[:, None]
    if crop_w > 1:
        w_scale = (x2 - x1) * (W - 1) / (crop_w - 1)
        in_x = x1[:, None] * (W - 1) + jnp.arange(crop_w, dtype=jnp.float32)[None, :] * w_scale[:, None]
    else:
        in_x = (0.5 * (x1 + x2) * (W - 1))[:, None]
    valid_y = (in_y >= 0) & (in_y <= H - 1)
    valid_x = (in_x >= 0) & (in_x <= W - 1)
    ty = jnp.floor(in_y); by = jnp.ceil(in_y)
    y_lerp = in_y - ty
    lx = jnp.floor(in_x); rx = jnp.ceil(in_x)
    x_lerp = in_x - lx
    tyi = jnp.clip(ty, 0, H - 1).astype(jnp.int32)
    byi = jnp.clip(by, 0, H - 1).astype(jnp.int32)
    lxi = jnp.clip(lx, 0, W - 1).astype(jnp.int32)
    rxi = jnp.clip(rx, 0, W - 1).astype(jnp.int32)
    # gather 4 bilinear taps: [N, crop_h, crop_w, C]
    tl = image[tyi[:, :, None], lxi[:, None, :]]
    tr = image[tyi[:, :, None], rxi[:, None, :]]
    bl = image[byi[:, :, None], lxi[:, None, :]]
    br = image[byi[:, :, None], rxi[:, None, :]]
    xl = x_lerp[:, None, :, None]
    top = tl + (tr - tl) * xl
    bottom = bl + (br - bl) * xl
    out = top + (bottom - top) * y_lerp[:, :, None, None]
    mask = (valid_y[:, :, None] & valid_x[:, None, :])[:, :, :, None]
    return jnp.where(mask, out, jnp.float32(0.0))

def _roi_align_single(fmap, rois):
    # fmap: [H, W, C], rois: [N, 4] as (x1, y1, x2, y2) normalized in [0,1]
    H = fmap.shape[0]; W = fmap.shape[1]
    Hf = jnp.float32(H); Wf = jnp.float32(W)
    x1 = rois[:, 0] * Wf
    y1 = rois[:, 1] * Hf
    x2 = rois[:, 2] * Wf
    y2 = rois[:, 3] * Hf
    boxes = jnp.stack([y1, x1, y2, x2], axis=1)
    boxes = boxes / jnp.array([H - 1, W - 1, H - 1, W - 1], dtype=jnp.float32)
    return _crop_and_resize(fmap, boxes, O_H, O_W)

def setup_inputs(seed: int = 0) -> dict:
    key = jax.random.key(seed)
    k1, k2 = jax.random.split(key)
    fmaps = jax.random.normal(k1, (4, 56, 56, 256), dtype=jnp.float32)
    rois = jax.random.uniform(k2, (4, 128, 4), dtype=jnp.float32)
    return {"fmaps": fmaps, "rois": rois}

def reference(fmaps, rois):
    # equivalent to tf.map_fn over the batch dim -> [B, N, O_H, O_W, C]
    return jax.vmap(_roi_align_single)(fmaps, rois)

if __name__ == "__main__":
    import jax
    _d = setup_inputs()
    print(jax.jit(kernel)(*tuple(_d.values())))

</pallas_src>

<mosaic_0001>
#map = affine_map<(d0, d1) -> (0, 0)>
#map1 = affine_map<(d0, d1) -> (0)>
module attributes {stable_mosaic.version = 14 : i64} {
  func.func @_sc_body(%arg0: i32, %arg1: i32, %arg2: memref<12544x256xi32, #tpu.memory_space<hbm>>, %arg3: memref<2048xf32, #tpu.memory_space<hbm>>, %arg4: memref<25690112xf32, #tpu.memory_space<hbm>>, %arg5: memref<80xf32, #tpu.memory_space<vmem>>, %arg6: memref<32xi32, #tpu.memory_space<vmem>>, %arg7: memref<32xf32, #tpu.memory_space<vmem>>, %arg8: memref<32xf32, #tpu.memory_space<vmem>>, %arg9: memref<4x32xf32, #tpu.memory_space<vmem>>, %arg10: memref<32xi32, #tpu.memory_space<vmem>>, %arg11: memref<32xi32, #tpu.memory_space<vmem>>, %arg12: memref<32x256xi32, #tpu.memory_space<vmem>>, %arg13: memref<32x256xi32, #tpu.memory_space<vmem>>, %arg14: memref<3584xf32, #tpu.memory_space<vmem>>, %arg15: memref<3584xf32, #tpu.memory_space<vmem>>, %arg16: memref<!tpu.dma_semaphore, #tpu.memory_space<semaphore_mem>>, %arg17: memref<!tpu.dma_semaphore, #tpu.memory_space<semaphore_mem>>, %arg18: memref<!tpu.dma_semaphore, #tpu.memory_space<semaphore_mem>>, %arg19: memref<!tpu.dma_semaphore, #tpu.memory_space<semaphore_mem>>) attributes {dimension_semantics = [#tpu.dimension_semantics<core_parallel>, #tpu.dimension_semantics<subcore_parallel>], iteration_bounds = array<i64: 2, 16>, scalar_prefetch = 0 : i64, scratch_operands = 15 : i64, tpu.core_type = #tpu.core_type<sc_vector_subcore>, window_params = [{transform_indices = #map}, {transform_indices = #map1}, {transform_indices = #map1}]} {
    %mul3A = arith.constant 2 : i32
    %mul3A_0 = arith.muli %arg1, %mul3A : i32
    %add3A = arith.addi %mul3A_0, %arg0 : i32
    %mul3A_1 = arith.constant 64 : i32
    %mul3A_2 = arith.muli %add3A, %mul3A_1 : i32
    "tpu.region"() ({
      %run_scoped3A = tpu.sem_alloc : memref<!tpu.dma_semaphore, #tpu.memory_space<semaphore_mem>>
      %dma_start3A = arith.constant 0 : i32
      %dma_start3A_8 = tpu.memref_slice %arg5[%dma_start3A] : memref<80xf32, #tpu.memory_space<vmem>> -> memref<64xf32, #tpu.memory_space<vmem>>
      %dma_start3A_9 = tpu.memref_slice %arg3[%mul3A_2] : memref<2048xf32, #tpu.memory_space<hbm>> -> memref<64xf32, #tpu.memory_space<hbm>>
      %dma_start3A_10 = arith.constant 0 : i32
      %dma_start3A_11 = tpu.memref_slice %arg5[%dma_start3A_10] : memref<80xf32, #tpu.memory_space<vmem>> -> memref<64xf32, #tpu.memory_space<vmem>>
      %dma_start3A_12 = tpu.memref_slice %arg3[%mul3A_2] : memref<2048xf32, #tpu.memory_space<hbm>> -> memref<64xf32, #tpu.memory_space<hbm>>
      tpu.enqueue_dma source(%dma_start3A_12 : memref<64xf32, #tpu.memory_space<hbm>>) target(%dma_start3A_11 : memref<64xf32, #tpu.memory_space<vmem>>) target_semaphore(%run_scoped3A : memref<!tpu.dma_semaphore, #tpu.memory_space<semaphore_mem>>)
      %dma_wait3A = arith.constant 0 : i32
      %dma_wait3A_13 = tpu.memref_slice %arg5[%dma_wait3A] : memref<80xf32, #tpu.memory_space<vmem>> -> memref<64xf32, #tpu.memory_space<vmem>>
      %dma_wait3A_14 = tpu.memref_slice %arg3[%mul3A_2] : memref<2048xf32, #tpu.memory_space<hbm>> -> memref<64xf32, #tpu.memory_space<hbm>>
      %dma_wait3A_15 = arith.constant 0 : i32
      %dma_wait3A_16 = tpu.memref_slice %arg5[%dma_wait3A_15] : memref<80xf32, #tpu.memory_space<vmem>> -> memref<64xf32, #tpu.memory_space<vmem>>
      %dma_wait3A_17 = tpu.memref_slice %arg3[%mul3A_2] : memref<2048xf32, #tpu.memory_space<hbm>> -> memref<64xf32, #tpu.memory_space<hbm>>
      tpu.wait_dma2 semaphore(%run_scoped3A : memref<!tpu.dma_semaphore, #tpu.memory_space<semaphore_mem>>) src(%dma_wait3A_17 : memref<64xf32, #tpu.memory_space<hbm>>) dst(%dma_wait3A_16 : memref<64xf32, #tpu.memory_space<vmem>>)
      tpu.yield
    }) : () -> ()
    %iota3A = tpu.iota {dimensions = array<i32: 0>} : vector<16xi32>
    %convert_element_type3A = arith.sitofp %iota3A : vector<16xi32> to vector<16xf32>
    %scan3A = arith.constant 0 : i32
    %scan3A_3 = arith.constant 0 : i32
    %scan3A_4 = arith.constant 16 : i32
    %scan3A_5 = arith.addi %scan3A_3, %scan3A_4 : i32
    %scan3A_6 = arith.constant 1 : i32
    scf.for %scan3A_8 = %scan3A_3 to %scan3A_5 step %scan3A_6  : i32 {
      %mul3A_9 = arith.constant 16 : i32
      %mul3A_10 = arith.muli %add3A, %mul3A_9 : i32
      %add3A_11 = arith.addi %mul3A_10, %scan3A_8 : i32
      %shift_right_logical3A = arith.constant 7 : i32
      %shift_right_logical3A_12 = arith.shrui %add3A_11, %shift_right_logical3A : i32
      %mul3A_13 = arith.constant 3136 : i32
      %mul3A_14 = arith.muli %shift_right_logical3A_12, %mul3A_13 : i32
      %mul3A_15 = arith.constant 50176 : i32
      %mul3A_16 = arith.muli %add3A_11, %mul3A_15 : i32
      %mul3A_17 = arith.constant 4 : i32
      %mul3A_18 = arith.muli %scan3A_8, %mul3A_17 : i32
      %get3A = arith.index_cast %mul3A_18 : i32 to index
      %get3A_19 = tpu.vector_load %arg5[%get3A] {strides = array<i32>} : memref<80xf32, #tpu.memory_space<vmem>>, vector<16xf32>,
      %get3A_20 = vector.shape_cast %get3A_19 : vector<16xf32> to vector<16xf32>
      %slice3A = vector.extract_strided_slice %get3A_20 {offsets = [1], sizes = [1], strides = [1]} : vector<16xf32> to vector<1xf32>
      %squeeze3A = vector.extract %slice3A[0] : f32 from vector<1xf32>
      %slice3A_21 = vector.extract_strided_slice %get3A_20 {offsets = [3], sizes = [1], strides = [1]} : vector<16xf32> to vector<1xf32>
      %squeeze3A_22 = vector.extract %slice3A_21[0] : f32 from vector<1xf32>
      %broadcast_in_dim3A = vector.broadcast %squeeze3A : f32 to vector<16xf32>
      %broadcast_in_dim3A_23 = vector.broadcast %squeeze3A_22 : f32 to vector<16xf32>
      %mul3A_24 = arith.constant 5.600000e+01 : f32
      %mul3A_25 = vector.broadcast %mul3A_24 : f32 to vector<16xf32>
      %mul3A_26 = arith.mulf %broadcast_in_dim3A, %mul3A_25 : vector<16xf32>
      %div3A = arith.constant 5.500000e+01 : f32
      %div3A_27 = vector.broadcast %div3A : f32 to vector<16xf32>
      %div3A_28 = arith.divf %mul3A_26, %div3A_27 : vector<16xf32>
      %mul3A_29 = arith.constant 5.600000e+01 : f32
      %mul3A_30 = vector.broadcast %mul3A_29 : f32 to vector<16xf32>
      %mul3A_31 = arith.mulf %broadcast_in_dim3A_23, %mul3A_30 : vector<16xf32>
      %div3A_32 = arith.constant 5.500000e+01 : f32
      %div3A_33 = vector.broadcast %div3A_32 : f32 to vector<16xf32>
      %div3A_34 = arith.divf %mul3A_31, %div3A_33 : vector<16xf32>
      %sub3A = arith.subf %div3A_34, %div3A_28 : vector<16xf32>
      %mul3A_35 = arith.constant 5.500000e+01 : f32
      %mul3A_36 = vector.broadcast %mul3A_35 : f32 to vector<16xf32>
      %mul3A_37 = arith.mulf %sub3A, %mul3A_36 : vector<16xf32>
      %div3A_38 = arith.constant 1.300000e+01 : f32
      %div3A_39 = vector.broadcast %div3A_38 : f32 to vector<16xf32>
      %div3A_40 = arith.divf %mul3A_37, %div3A_39 : vector<16xf32>
      %mul3A_41 = arith.constant 5.500000e+01 : f32
      %mul3A_42 = vector.broadcast %mul3A_41 : f32 to vector<16xf32>
      %mul3A_43 = arith.mulf %div3A_28, %mul3A_42 : vector<16xf32>
      %mul3A_44 = arith.mulf %convert_element_type3A, %div3A_40 : vector<16xf32>
      %add3A_45 = arith.addf %mul3A_43, %mul3A_44 : vector<16xf32>
      %convert_element_type3A_46 = arith.fptosi %add3A_45 : vector<16xf32> to vector<16xi32>
      %convert_element_type3A_47 = arith.sitofp %convert_element_type3A_46 : vector<16xi32> to vector<16xf32>
      %sub3A_48 = arith.subf %add3A_45, %convert_element_type3A_47 : vector<16xf32>
      %broadcast_in_dim3A_49 = arith.constant 1 : i32
      %broadcast_in_dim3A_50 = vector.broadcast %broadcast_in_dim3A_49 : i32 to vector<16xi32>
      %broadcast_in_dim3A_51 = arith.constant 0 : i32
      %broadcast_in_dim3A_52 = vector.broadcast %broadcast_in_dim3A_51 : i32 to vector<16xi32>
      %gt3A = arith.cmpf ogt, %add3A_45, %convert_element_type3A_47 : vector<16xf32>
      %select_n3A = arith.select %gt3A, %broadcast_in_dim3A_50, %broadcast_in_dim3A_52 : vector<16xi1>, vector<16xi32>
      %add3A_53 = arith.addi %convert_element_type3A_46, %select_n3A : vector<16xi32>
      %min3A = arith.constant 55 : i32
      %min3A_54 = vector.broadcast %min3A : i32 to vector<16xi32>
      %min3A_55 = arith.minsi %convert_element_type3A_46, %min3A_54 : vector<16xi32>
      %min3A_56 = arith.constant 55 : i32
      %min3A_57 = vector.broadcast %min3A_56 : i32 to vector<16xi32>
      %min3A_58 = arith.minsi %add3A_53, %min3A_57 : vector<16xi32>
      %max3A = arith.constant 0 : i32
      %max3A_59 = vector.broadcast %max3A : i32 to vector<16xi32>
      %max3A_60 = arith.maxsi %convert_element_type3A_46, %max3A_59 : vector<16xi32>
      %min3A_61 = arith.constant 54 : i32
      %min3A_62 = vector.broadcast %min3A_61 : i32 to vector<16xi32>
      %min3A_63 = arith.minsi %max3A_60, %min3A_62 : vector<16xi32>
      %ge3A = arith.constant 0.000000e+00 : f32
      %ge3A_64 = vector.broadcast %ge3A : f32 to vector<16xf32>
      %ge3A_65 = arith.cmpf oge, %add3A_45, %ge3A_64 : vector<16xf32>
      %le3A = arith.constant 5.500000e+01 : f32
      %le3A_66 = vector.broadcast %le3A : f32 to vector<16xf32>
      %le3A_67 = arith.cmpf ole, %add3A_45, %le3A_66 : vector<16xf32>
      %and3A = arith.andi %ge3A_65, %le3A_67 : vector<16xi1>
      %jit3A = arith.constant 1.000000e+00 : f32
      %jit3A_68 = arith.constant 0.000000e+00 : f32
      %broadcast_in_dim3A_69 = vector.broadcast %jit3A : f32 to vector<16xf32>
      %broadcast_in_dim3A_70 = vector.broadcast %jit3A_68 : f32 to vector<16xf32>
      %select_n3A_71 = arith.select %and3A, %broadcast_in_dim3A_69, %broadcast_in_dim3A_70 : vector<16xi1>, vector<16xf32>
      %broadcast_in_dim3A_72 = arith.constant 1.000000e+00 : f32
      %broadcast_in_dim3A_73 = vector.broadcast %broadcast_in_dim3A_72 : f32 to vector<16xf32>
      %broadcast_in_dim3A_74 = arith.constant 0.000000e+00 : f32
      %broadcast_in_dim3A_75 = vector.broadcast %broadcast_in_dim3A_74 : f32 to vector<16xf32>
      %eq3A = arith.cmpi eq, %min3A_55, %min3A_63 : vector<16xi32>
      %sub3A_76 = arith.subf %broadcast_in_dim3A_73, %sub3A_48 : vector<16xf32>
      %select_n3A_77 = arith.select %eq3A, %sub3A_76, %broadcast_in_dim3A_75 : vector<16xi1>, vector<16xf32>
      %eq3A_78 = arith.cmpi eq, %min3A_58, %min3A_63 : vector<16xi32>
      %select_n3A_79 = arith.select %eq3A_78, %sub3A_48, %broadcast_in_dim3A_75 : vector<16xi1>, vector<16xf32>
      %add3A_80 = arith.addf %select_n3A_77, %select_n3A_79 : vector<16xf32>
      %add3A_81 = arith.constant 1 : i32
      %add3A_82 = vector.broadcast %add3A_81 : i32 to vector<16xi32>
      %add3A_83 = arith.addi %min3A_63, %add3A_82 : vector<16xi32>
      %eq3A_84 = arith.cmpi eq, %min3A_55, %add3A_83 : vector<16xi32>
      %sub3A_85 = arith.subf %broadcast_in_dim3A_73, %sub3A_48 : vector<16xf32>
      %select_n3A_86 = arith.select %eq3A_84, %sub3A_85, %broadcast_in_dim3A_75 : vector<16xi1>, vector<16xf32>
      %add3A_87 = arith.constant 1 : i32
      %add3A_88 = vector.broadcast %add3A_87 : i32 to vector<16xi32>
      %add3A_89 = arith.addi %min3A_63, %add3A_88 : vector<16xi32>
      %eq3A_90 = arith.cmpi eq, %min3A_58, %add3A_89 : vector<16xi32>
      %select_n3A_91 = arith.select %eq3A_90, %sub3A_48, %broadcast_in_dim3A_75 : vector<16xi1>, vector<16xf32>
      %add3A_92 = arith.addf %select_n3A_86, %select_n3A_91 : vector<16xf32>
      %mul3A_93 = arith.mulf %add3A_80, %select_n3A_71 : vector<16xf32>
      %mul3A_94 = arith.mulf %add3A_92, %select_n3A_71 : vector<16xf32>
      %slice3A_95 = vector.extract_strided_slice %get3A_20 {offsets = [0], sizes = [1], strides = [1]} : vector<16xf32> to vector<1xf32>
      %squeeze3A_96 = vector.extract %slice3A_95[0] : f32 from vector<1xf32>
      %slice3A_97 = vector.extract_strided_slice %get3A_20 {offsets = [2], sizes = [1], strides = [1]} : vector<16xf32> to vector<1xf32>
      %squeeze3A_98 = vector.extract %slice3A_97[0] : f32 from vector<1xf32>
      %broadcast_in_dim3A_99 = vector.broadcast %squeeze3A_96 : f32 to vector<16xf32>
      %broadcast_in_dim3A_100 = vector.broadcast %squeeze3A_98 : f32 to vector<16xf32>
      %mul3A_101 = arith.constant 5.600000e+01 : f32
      %mul3A_102 = vector.broadcast %mul3A_101 : f32 to vector<16xf32>
      %mul3A_103 = arith.mulf %broadcast_in_dim3A_99, %mul3A_102 : vector<16xf32>
      %div3A_104 = arith.constant 5.500000e+01 : f32
      %div3A_105 = vector.broadcast %div3A_104 : f32 to vector<16xf32>
      %div3A_106 = arith.divf %mul3A_103, %div3A_105 : vector<16xf32>
      %mul3A_107 = arith.constant 5.600000e+01 : f32
      %mul3A_108 = vector.broadcast %mul3A_107 : f32 to vector<16xf32>
      %mul3A_109 = arith.mulf %broadcast_in_dim3A_100, %mul3A_108 : vector<16xf32>
      %div3A_110 = arith.constant 5.500000e+01 : f32
      %div3A_111 = vector.broadcast %div3A_110 : f32 to vector<16xf32>
      %div3A_112 = arith.divf %mul3A_109, %div3A_111 : vector<16xf32>
      %sub3A_113 = arith.subf %div3A_112, %div3A_106 : vector<16xf32>
      %mul3A_114 = arith.constant 5.500000e+01 : f32
      %mul3A_115 = vector.broadcast %mul3A_114 : f32 to vector<16xf32>
      %mul3A_116 = arith.mulf %sub3A_113, %mul3A_115 : vector<16xf32>
      %div3A_117 = arith.constant 1.300000e+01 : f32
      %div3A_118 = vector.broadcast %div3A_117 : f32 to vector<16xf32>
      %div3A_119 = arith.divf %mul3A_116, %div3A_118 : vector<16xf32>
      %mul3A_120 = arith.constant 5.500000e+01 : f32
      %mul3A_121 = vector.broadcast %mul3A_120 : f32 to vector<16xf32>
      %mul3A_122 = arith.mulf %div3A_106, %mul3A_121 : vector<16xf32>
      %mul3A_123 = arith.mulf %convert_element_type3A, %div3A_119 : vector<16xf32>
      %add3A_124 = arith.addf %mul3A_122, %mul3A_123 : vector<16xf32>
      %convert_element_type3A_125 = arith.fptosi %add3A_124 : vector<16xf32> to vector<16xi32>
      %convert_element_type3A_126 = arith.sitofp %convert_element_type3A_125 : vector<16xi32> to vector<16xf32>
      %sub3A_127 = arith.subf %add3A_124, %convert_element_type3A_126 : vector<16xf32>
      %broadcast_in_dim3A_128 = arith.constant 1 : i32
      %broadcast_in_dim3A_129 = vector.broadcast %broadcast_in_dim3A_128 : i32 to vector<16xi32>
      %broadcast_in_dim3A_130 = arith.constant 0 : i32
      %broadcast_in_dim3A_131 = vector.broadcast %broadcast_in_dim3A_130 : i32 to vector<16xi32>
      %gt3A_132 = arith.cmpf ogt, %add3A_124, %convert_element_type3A_126 : vector<16xf32>
      %select_n3A_133 = arith.select %gt3A_132, %broadcast_in_dim3A_129, %broadcast_in_dim3A_131 : vector<16xi1>, vector<16xi32>
      %add3A_134 = arith.addi %convert_element_type3A_125, %select_n3A_133 : vector<16xi32>
      %min3A_135 = arith.constant 55 : i32
      %min3A_136 = vector.broadcast %min3A_135 : i32 to vector<16xi32>
      %min3A_137 = arith.minsi %convert_element_type3A_125, %min3A_136 : vector<16xi32>
      %min3A_138 = arith.constant 55 : i32
      %min3A_139 = vector.broadcast %min3A_138 : i32 to vector<16xi32>
      %min3A_140 = arith.minsi %add3A_134, %min3A_139 : vector<16xi32>
      %max3A_141 = arith.constant 0 : i32
      %max3A_142 = vector.broadcast %max3A_141 : i32 to vector<16xi32>
      %max3A_143 = arith.maxsi %convert_element_type3A_125, %max3A_142 : vector<16xi32>
      %min3A_144 = arith.constant 54 : i32
      %min3A_145 = vector.broadcast %min3A_144 : i32 to vector<16xi32>
      %min3A_146 = arith.minsi %max3A_143, %min3A_145 : vector<16xi32>
      %ge3A_147 = arith.constant 0.000000e+00 : f32
      %ge3A_148 = vector.broadcast %ge3A_147 : f32 to vector<16xf32>
      %ge3A_149 = arith.cmpf oge, %add3A_124, %ge3A_148 : vector<16xf32>
      %le3A_150 = arith.constant 5.500000e+01 : f32
      %le3A_151 = vector.broadcast %le3A_150 : f32 to vector<16xf32>
      %le3A_152 = arith.cmpf ole, %add3A_124, %le3A_151 : vector<16xf32>
      %and3A_153 = arith.andi %ge3A_149, %le3A_152 : vector<16xi1>
      %jit3A_154 = arith.constant 1.000000e+00 : f32
      %jit3A_155 = arith.constant 0.000000e+00 : f32
      %broadcast_in_dim3A_156 = vector.broadcast %jit3A_154 : f32 to vector<16xf32>
      %broadcast_in_dim3A_157 = vector.broadcast %jit3A_155 : f32 to vector<16xf32>
      %select_n3A_158 = arith.select %and3A_153, %broadcast_in_dim3A_156, %broadcast_in_dim3A_157 : vector<16xi1>, vector<16xf32>
      %broadcast_in_dim3A_159 = arith.constant 1.000000e+00 : f32
      %broadcast_in_dim3A_160 = vector.broadcast %broadcast_in_dim3A_159 : f32 to vector<16xf32>
      %broadcast_in_dim3A_161 = arith.constant 0.000000e+00 : f32
      %broadcast_in_dim3A_162 = vector.broadcast %broadcast_in_dim3A_161 : f32 to vector<16xf32>
      %eq3A_163 = arith.cmpi eq, %min3A_137, %min3A_146 : vector<16xi32>
      %sub3A_164 = arith.subf %broadcast_in_dim3A_160, %sub3A_127 : vector<16xf32>
      %select_n3A_165 = arith.select %eq3A_163, %sub3A_164, %broadcast_in_dim3A_162 : vector<16xi1>, vector<16xf32>
      %eq3A_166 = arith.cmpi eq, %min3A_140, %min3A_146 : vector<16xi32>
      %select_n3A_167 = arith.select %eq3A_166, %sub3A_127, %broadcast_in_dim3A_162 : vector<16xi1>, vector<16xf32>
      %add3A_168 = arith.addf %select_n3A_165, %select_n3A_167 : vector<16xf32>
      %add3A_169 = arith.constant 1 : i32
      %add3A_170 = vector.broadcast %add3A_169 : i32 to vector<16xi32>
      %add3A_171 = arith.addi %min3A_146, %add3A_170 : vector<16xi32>
      %eq3A_172 = arith.cmpi eq, %min3A_137, %add3A_171 : vector<16xi32>
      %sub3A_173 = arith.subf %broadcast_in_dim3A_160, %sub3A_127 : vector<16xf32>
      %select_n3A_174 = arith.select %eq3A_172, %sub3A_173, %broadcast_in_dim3A_162 : vector<16xi1>, vector<16xf32>
      %add3A_175 = arith.constant 1 : i32
      %add3A_176 = vector.broadcast %add3A_175 : i32 to vector<16xi32>
      %add3A_177 = arith.addi %min3A_146, %add3A_176 : vector<16xi32>
      %eq3A_178 = arith.cmpi eq, %min3A_140, %add3A_177 : vector<16xi32>
      %select_n3A_179 = arith.select %eq3A_178, %sub3A_127, %broadcast_in_dim3A_162 : vector<16xi1>, vector<16xf32>
      %add3A_180 = arith.addf %select_n3A_174, %select_n3A_179 : vector<16xf32>
      %mul3A_181 = arith.mulf %add3A_168, %select_n3A_158 : vector<16xf32>
      %mul3A_182 = arith.mulf %add3A_180, %select_n3A_158 : vector<16xf32>
      %swap3A = arith.constant 0 : index
      %swap3A_183 = tpu.vector_load %arg6[%swap3A] {strides = array<i32>} : memref<32xi32, #tpu.memory_space<vmem>>, vector<16xi32>,
      %swap3A_184 = vector.shape_cast %swap3A_183 : vector<16xi32> to vector<16xi32>
      %swap3A_185 = vector.shape_cast %min3A_63 : vector<16xi32> to vector<16xi32>
      tpu.vector_store %arg6[%swap3A], %swap3A_185 {strides = array<i32>} : memref<32xi32, #tpu.memory_space<vmem>>, vector<16xi32>,
      %swap3A_186 = arith.constant 0 : index
      %swap3A_187 = tpu.vector_load %arg7[%swap3A_186] {strides = array<i32>} : memref<32xf32, #tpu.memory_space<vmem>>, vector<16xf32>,
      %swap3A_188 = vector.shape_cast %swap3A_187 : vector<16xf32> to vector<16xf32>
      %swap3A_189 = vector.shape_cast %mul3A_93 : vector<16xf32> to vector<16xf32>
      tpu.vector_store %arg7[%swap3A_186], %swap3A_189 {strides = array<i32>} : memref<32xf32, #tpu.memory_space<vmem>>, vector<16xf32>,
      %swap3A_190 = arith.constant 0 : index
      %swap3A_191 = tpu.vector_load %arg8[%swap3A_190] {strides = array<i32>} : memref<32xf32, #tpu.memory_space<vmem>>, vector<16xf32>,
      %swap3A_192 = vector.shape_cast %swap3A_191 : vector<16xf32> to vector<16xf32>
      %swap3A_193 = vector.shape_cast %mul3A_94 : vector<16xf32> to vector<16xf32>
      tpu.vector_store %arg8[%swap3A_190], %swap3A_193 {strides = array<i32>} : memref<32xf32, #tpu.memory_space<vmem>>, vector<16xf32>,
      %get3A_194 = arith.constant 0 : index
      %get3A_195 = tpu.vector_load %arg6[%get3A_194] {strides = array<i32>} : memref<32xi32, #tpu.memory_space<vmem>>, vector<16xi32>,
      %get3A_196 = vector.shape_cast %get3A_195 : vector<16xi32> to vector<16xi32>
      %slice3A_197 = vector.extract_strided_slice %get3A_196 {offsets = [0], sizes = [1], strides = [1]} : vector<16xi32> to vector<1xi32>
      %squeeze3A_198 = vector.extract %slice3A_197[0] : i32 from vector<1xi32>
      %mul3A_199 = arith.constant 56 : i32
      %mul3A_200 = arith.muli %squeeze3A_198, %mul3A_199 : i32
      %add3A_201 = arith.addi %mul3A_14, %mul3A_200 : i32
      %add3A_202 = vector.broadcast %add3A_201 : i32 to vector<16xi32>
      %add3A_203 = arith.addi %add3A_202, %min3A_146 : vector<16xi32>
      %swap3A_204 = arith.constant 0 : index
      %swap3A_205 = tpu.vector_load %arg10[%swap3A_204] {strides = array<i32>} : memref<32xi32, #tpu.memory_space<vmem>>, vector<16xi32>,
      %swap3A_206 = vector.shape_cast %swap3A_205 : vector<16xi32> to vector<16xi32>
      %swap3A_207 = vector.shape_cast %add3A_203 : vector<16xi32> to vector<16xi32>
      tpu.vector_store %arg10[%swap3A_204], %swap3A_207 {strides = array<i32>} : memref<32xi32, #tpu.memory_space<vmem>>, vector<16xi32>,
      %add3A_208 = arith.constant 56 : i32
      %add3A_209 = vector.broadcast %add3A_208 : i32 to vector<16xi32>
      %add3A_210 = arith.addi %add3A_203, %add3A_209 : vector<16xi32>
      %swap3A_211 = arith.constant 16 : index
      %swap3A_212 = tpu.vector_load %arg10[%swap3A_211] {strides = array<i32>} : memref<32xi32, #tpu.memory_space<vmem>>, vector<16xi32>,
      %swap3A_213 = vector.shape_cast %swap3A_212 : vector<16xi32> to vector<16xi32>
      %swap3A_214 = vector.shape_cast %add3A_210 : vector<16xi32> to vector<16xi32>
      tpu.vector_store %arg10[%swap3A_211], %swap3A_214 {strides = array<i32>} : memref<32xi32, #tpu.memory_space<vmem>>, vector<16xi32>,
      %dma_start3A = arith.constant 0 : i32
      %dma_start3A_215 = arith.constant 0 : i32
      %dma_start3A_216 = tpu.memref_slice %arg2[%dma_start3A, %dma_start3A_215] : memref<12544x256xi32, #tpu.memory_space<hbm>> -> memref<12544x256xi32, #tpu.memory_space<hbm>>
      tpu.enqueue_indirect_dma source(%dma_start3A_216 : memref<12544x256xi32, #tpu.memory_space<hbm>>) target(%arg12 : memref<32x256xi32, #tpu.memory_space<vmem>>) offsets(%arg10 : memref<32xi32, #tpu.memory_space<vmem>>) semaphore(%arg16 : memref<!tpu.dma_semaphore, #tpu.memory_space<semaphore_mem>>)
      %scan3A_217 = arith.constant 0 : i32
      %scan3A_218 = arith.constant 0 : i32
      %scan3A_219 = arith.constant 7 : i32
      %scan3A_220 = arith.addi %scan3A_218, %scan3A_219 : i32
      %scan3A_221 = arith.constant 1 : i32
      scf.for %scan3A_230 = %scan3A_218 to %scan3A_220 step %scan3A_221  : i32 {
        %mul3A_231 = arith.constant 2 : i32
        %mul3A_232 = arith.muli %mul3A_231, %scan3A_230 : i32
        %add3A_233 = arith.constant 1 : i32
        %add3A_234 = arith.addi %mul3A_232, %add3A_233 : i32
        %get3A_235 = arith.index_cast %add3A_234 : i32 to index
        %get3A_236 = tpu.vector_load %arg6[%get3A_235] {strides = array<i32>} : memref<32xi32, #tpu.memory_space<vmem>>, vector<16xi32>,
        %get3A_237 = vector.shape_cast %get3A_236 : vector<16xi32> to vector<16xi32>
        %slice3A_238 = vector.extract_strided_slice %get3A_237 {offsets = [0], sizes = [1], strides = [1]} : vector<16xi32> to vector<1xi32>
        %squeeze3A_239 = vector.extract %slice3A_238[0] : i32 from vector<1xi32>
        %mul3A_240 = arith.constant 56 : i32
        %mul3A_241 = arith.muli %squeeze3A_239, %mul3A_240 : i32
        %add3A_242 = arith.addi %mul3A_14, %mul3A_241 : i32
        %add3A_243 = vector.broadcast %add3A_242 : i32 to vector<16xi32>
        %add3A_244 = arith.addi %add3A_243, %min3A_146 : vector<16xi32>
        %swap3A_245 = arith.constant 0 : index
        %swap3A_246 = tpu.vector_load %arg11[%swap3A_245] {strides = array<i32>} : memref<32xi32, #tpu.memory_space<vmem>>, vector<16xi32>,
        %swap3A_247 = vector.shape_cast %swap3A_246 : vector<16xi32> to vector<16xi32>
        %swap3A_248 = vector.shape_cast %add3A_244 : vector<16xi32> to vector<16xi32>
        tpu.vector_store %arg11[%swap3A_245], %swap3A_248 {strides = array<i32>} : memref<32xi32, #tpu.memory_space<vmem>>, vector<16xi32>,
        %add3A_249 = arith.constant 56 : i32
        %add3A_250 = vector.broadcast %add3A_249 : i32 to vector<16xi32>
        %add3A_251 = arith.addi %add3A_244, %add3A_250 : vector<16xi32>
        %swap3A_252 = arith.constant 16 : index
        %swap3A_253 = tpu.vector_load %arg11[%swap3A_252] {strides = array<i32>} : memref<32xi32, #tpu.memory_space<vmem>>, vector<16xi32>,
        %swap3A_254 = vector.shape_cast %swap3A_253 : vector<16xi32> to vector<16xi32>
        %swap3A_255 = vector.shape_cast %add3A_251 : vector<16xi32> to vector<16xi32>
        tpu.vector_store %arg11[%swap3A_252], %swap3A_255 {strides = array<i32>} : memref<32xi32, #tpu.memory_space<vmem>>, vector<16xi32>,
        %dma_start3A_256 = arith.constant 0 : i32
        %dma_start3A_257 = arith.constant 0 : i32
        %dma_start3A_258 = tpu.memref_slice %arg2[%dma_start3A_256, %dma_start3A_257] : memref<12544x256xi32, #tpu.memory_space<hbm>> -> memref<12544x256xi32, #tpu.memory_space<hbm>>
        tpu.enqueue_indirect_dma source(%dma_start3A_258 : memref<12544x256xi32, #tpu.memory_space<hbm>>) target(%arg13 : memref<32x256xi32, #tpu.memory_space<vmem>>) offsets(%arg11 : memref<32xi32, #tpu.memory_space<vmem>>) semaphore(%arg17 : memref<!tpu.dma_semaphore, #tpu.memory_space<semaphore_mem>>)
        %dma_wait3A_259 = arith.constant 0 : i32
        %dma_wait3A_260 = arith.constant 0 : i32
        %dma_wait3A_261 = tpu.memref_slice %arg2[%dma_wait3A_259, %dma_wait3A_260] : memref<12544x256xi32, #tpu.memory_space<hbm>> -> memref<12544x256xi32, #tpu.memory_space<hbm>>
        tpu.wait_indirect_dma semaphore(%arg16 : memref<!tpu.dma_semaphore, #tpu.memory_space<semaphore_mem>>) src(%dma_wait3A_261 : memref<12544x256xi32, #tpu.memory_space<hbm>>) dst(%arg12 : memref<32x256xi32, #tpu.memory_space<vmem>>)
        %gt3A_262 = arith.constant 0 : i32
        %gt3A_263 = arith.cmpi sgt, %scan3A_230, %gt3A_262 : i32
        %convert_element_type3A_264 = arith.extui %gt3A_263 : i1 to i32
        %cond3A = arith.constant 0 : i32
        %cond3A_265 = arith.cmpi ne, %convert_element_type3A_264, %cond3A : i32
        scf.if %cond3A_265 {
          %dma_wait3A_379 = arith.constant 0 : i32
          %dma_wait3A_380 = tpu.memref_slice %arg4[%dma_wait3A_379] : memref<25690112xf32, #tpu.memory_space<hbm>> -> memref<3584xf32, #tpu.memory_space<hbm>>
          %dma_wait3A_381 = arith.constant 0 : i32
          %dma_wait3A_382 = tpu.memref_slice %arg4[%dma_wait3A_381] : memref<25690112xf32, #tpu.memory_space<hbm>> -> memref<3584xf32, #tpu.memory_space<hbm>>
          tpu.wait_dma2 semaphore(%arg18 : memref<!tpu.dma_semaphore, #tpu.memory_space<semaphore_mem>>) src(%arg14 : memref<3584xf32, #tpu.memory_space<vmem>>) dst(%dma_wait3A_382 : memref<3584xf32, #tpu.memory_space<hbm>>)
        } else {
        }
        %mul3A_266 = arith.constant 2 : i32
        %mul3A_267 = arith.muli %mul3A_266, %scan3A_230 : i32
        %get3A_268 = arith.index_cast %mul3A_267 : i32 to index
        %get3A_269 = tpu.vector_load %arg7[%get3A_268] {strides = array<i32>} : memref<32xf32, #tpu.memory_space<vmem>>, vector<16xf32>,
        %get3A_270 = vector.shape_cast %get3A_269 : vector<16xf32> to vector<16xf32>
        %slice3A_271 = vector.extract_strided_slice %get3A_270 {offsets = [0], sizes = [1], strides = [1]} : vector<16xf32> to vector<1xf32>
        %squeeze3A_272 = vector.extract %slice3A_271[0] : f32 from vector<1xf32>
        %get3A_273 = arith.index_cast %mul3A_267 : i32 to index
        %get3A_274 = tpu.vector_load %arg8[%get3A_273] {strides = array<i32>} : memref<32xf32, #tpu.memory_space<vmem>>, vector<16xf32>,
        %get3A_275 = vector.shape_cast %get3A_274 : vector<16xf32> to vector<16xf32>
        %slice3A_276 = vector.extract_strided_slice %get3A_275 {offsets = [0], sizes = [1], strides = [1]} : vector<16xf32> to vector<1xf32>
        %squeeze3A_277 = vector.extract %slice3A_276[0] : f32 from vector<1xf32>
        %mul3A_278 = vector.broadcast %squeeze3A_272 : f32 to vector<16xf32>
        %mul3A_279 = arith.mulf %mul3A_278, %mul3A_181 : vector<16xf32>
        %swap3A_280 = arith.constant 0 : i32
        %swap3A_281 = arith.index_cast %swap3A_280 : i32 to index
        %swap3A_282 = arith.constant 0 : index
        %swap3A_283 = tpu.vector_load %arg9[%swap3A_281, %swap3A_282] {strides = array<i32>} : memref<4x32xf32, #tpu.memory_space<vmem>>, vector<1x16xf32>,
        %swap3A_284 = vector.shape_cast %swap3A_283 : vector<1x16xf32> to vector<16xf32>
        %swap3A_285 = vector.shape_cast %mul3A_279 : vector<16xf32> to vector<1x16xf32>
        tpu.vector_store %arg9[%swap3A_281, %swap3A_282], %swap3A_285 {strides = array<i32>} : memref<4x32xf32, #tpu.memory_space<vmem>>, vector<1x16xf32>,
        %mul3A_286 = vector.broadcast %squeeze3A_272 : f32 to vector<16xf32>
        %mul3A_287 = arith.mulf %mul3A_286, %mul3A_182 : vector<16xf32>
        %swap3A_288 = arith.constant 1 : i32
        %swap3A_289 = arith.index_cast %swap3A_288 : i32 to index
        %swap3A_290 = arith.constant 0 : index
        %swap3A_291 = tpu.vector_load %arg9[%swap3A_289, %swap3A_290] {strides = array<i32>} : memref<4x32xf32, #tpu.memory_space<vmem>>, vector<1x16xf32>,
        %swap3A_292 = vector.shape_cast %swap3A_291 : vector<1x16xf32> to vector<16xf32>
        %swap3A_293 = vector.shape_cast %mul3A_287 : vector<16xf32> to vector<1x16xf32>
        tpu.vector_store %arg9[%swap3A_289, %swap3A_290], %swap3A_293 {strides = array<i32>} : memref<4x32xf32, #tpu.memory_space<vmem>>, vector<1x16xf32>,
        %mul3A_294 = vector.broadcast %squeeze3A_277 : f32 to vector<16xf32>
        %mul3A_295 = arith.mulf %mul3A_294, %mul3A_181 : vector<16xf32>
        %swap3A_296 = arith.constant 2 : i32
        %swap3A_297 = arith.index_cast %swap3A_296 : i32 to index
        %swap3A_298 = arith.constant 0 : index
        %swap3A_299 = tpu.vector_load %arg9[%swap3A_297, %swap3A_298] {strides = array<i32>} : memref<4x32xf32, #tpu.memory_space<vmem>>, vector<1x16xf32>,
        %swap3A_300 = vector.shape_cast %swap3A_299 : vector<1x16xf32> to vector<16xf32>
        %swap3A_301 = vector.shape_cast %mul3A_295 : vector<16xf32> to vector<1x16xf32>
        tpu.vector_store %arg9[%swap3A_297, %swap3A_298], %swap3A_301 {strides = array<i32>} : memref<4x32xf32, #tpu.memory_space<vmem>>, vector<1x16xf32>,
        %mul3A_302 = vector.broadcast %squeeze3A_277 : f32 to vector<16xf32>
        %mul3A_303 = arith.mulf %mul3A_302, %mul3A_182 : vector<16xf32>
        %swap3A_304 = arith.constant 3 : i32
        %swap3A_305 = arith.index_cast %swap3A_304 : i32 to index
        %swap3A_306 = arith.constant 0 : index
        %swap3A_307 = tpu.vector_load %arg9[%swap3A_305, %swap3A_306] {strides = array<i32>} : memref<4x32xf32, #tpu.memory_space<vmem>>, vector<1x16xf32>,
        %swap3A_308 = vector.shape_cast %swap3A_307 : vector<1x16xf32> to vector<16xf32>
        %swap3A_309 = vector.shape_cast %mul3A_303 : vector<16xf32> to vector<1x16xf32>
        tpu.vector_store %arg9[%swap3A_305, %swap3A_306], %swap3A_309 {strides = array<i32>} : memref<4x32xf32, #tpu.memory_space<vmem>>, vector<1x16xf32>,
        %parallel_loop3A = arith.constant 0 : i32
        %parallel_loop3A_310 = arith.constant 14 : i32
        %parallel_loop3A_311 = arith.constant 1 : i32
        scf.for %parallel_loop3A_379 = %parallel_loop3A to %parallel_loop3A_310 step %parallel_loop3A_311  : i32 {
          %parallel_loop3A_380 = arith.constant 0 : i32
          %parallel_loop3A_381 = arith.index_cast %parallel_loop3A_380 : i32 to index
          %parallel_loop3A_382 = arith.index_cast %parallel_loop3A_379 : i32 to index
          %parallel_loop3A_383 = tpu.vector_load %arg9[%parallel_loop3A_381, %parallel_loop3A_382] {strides = array<i32>} : memref<4x32xf32, #tpu.memory_space<vmem>>, vector<1x16xf32>,
          %parallel_loop3A_384 = vector.shape_cast %parallel_loop3A_383 : vector<1x16xf32> to vector<16xf32>
          %parallel_loop3A_385 = vector.extract_strided_slice %parallel_loop3A_384 {offsets = [0], sizes = [1], strides = [1]} : vector<16xf32> to vector<1xf32>
          %parallel_loop3A_386 = vector.extract %parallel_loop3A_385[0] : f32 from vector<1xf32>
          %parallel_loop3A_387 = arith.constant 1 : i32
          %parallel_loop3A_388 = arith.index_cast %parallel_loop3A_387 : i32 to index
          %parallel_loop3A_389 = arith.index_cast %parallel_loop3A_379 : i32 to index
          %parallel_loop3A_390 = tpu.vector_load %arg9[%parallel_loop3A_388, %parallel_loop3A_389] {strides = array<i32>} : memref<4x32xf32, #tpu.memory_space<vmem>>, vector<1x16xf32>,
          %parallel_loop3A_391 = vector.shape_cast %parallel_loop3A_390 : vector<1x16xf32> to vector<16xf32>
          %parallel_loop3A_392 = vector.extract_strided_slice %parallel_loop3A_391 {offsets = [0], sizes = [1], strides = [1]} : vector<16xf32> to vector<1xf32>
          %parallel_loop3A_393 = vector.extract %parallel_loop3A_392[0] : f32 from vector<1xf32>
          %parallel_loop3A_394 = arith.constant 2 : i32
          %parallel_loop3A_395 = arith.index_cast %parallel_loop3A_394 : i32 to index
          %parallel_loop3A_396 = arith.index_cast %parallel_loop3A_379 : i32 to index
          %parallel_loop3A_397 = tpu.vector_load %arg9[%parallel_loop3A_395, %parallel_loop3A_396] {strides = array<i32>} : memref<4x32xf32, #tpu.memory_space<vmem>>, vector<1x16xf32>,
          %parallel_loop3A_398 = vector.shape_cast %parallel_loop3A_397 : vector<1x16xf32> to vector<16xf32>
          %parallel_loop3A_399 = vector.extract_strided_slice %parallel_loop3A_398 {offsets = [0], sizes = [1], strides = [1]} : vector<16xf32> to vector<1xf32>
          %parallel_loop3A_400 = vector.extract %parallel_loop3A_399[0] : f32 from vector<1xf32>
          %parallel_loop3A_401 = arith.constant 3 : i32
          %parallel_loop3A_402 = arith.index_cast %parallel_loop3A_401 : i32 to index
          %parallel_loop3A_403 = arith.index_cast %parallel_loop3A_379 : i32 to index
          %parallel_loop3A_404 = tpu.vector_load %arg9[%parallel_loop3A_402, %parallel_loop3A_403] {strides = array<i32>} : memref<4x32xf32, #tpu.memory_space<vmem>>, vector<1x16xf32>,
          %parallel_loop3A_405 = vector.shape_cast %parallel_loop3A_404 : vector<1x16xf32> to vector<16xf32>
          %parallel_loop3A_406 = vector.extract_strided_slice %parallel_loop3A_405 {offsets = [0], sizes = [1], strides = [1]} : vector<16xf32> to vector<1xf32>
          %parallel_loop3A_407 = vector.extract %parallel_loop3A_406[0] : f32 from vector<1xf32>
          %parallel_loop3A_408 = arith.constant 16 : i32
          %parallel_loop3A_409 = vector.broadcast %parallel_loop3A_408 : i32 to vector<16xi32>
          %parallel_loop3A_410 = arith.constant -65536 : i32
          %parallel_loop3A_411 = vector.broadcast %parallel_loop3A_410 : i32 to vector<16xi32>
          %parallel_loop3A_412 = arith.index_cast %parallel_loop3A_379 : i32 to index
          %parallel_loop3A_413 = arith.constant 0 : index
          %parallel_loop3A_414 = tpu.vector_load %arg12[%parallel_loop3A_412, %parallel_loop3A_413] {strides = array<i32>} : memref<32x256xi32, #tpu.memory_space<vmem>>, vector<1x16xi32>,
          %parallel_loop3A_415 = vector.shape_cast %parallel_loop3A_414 : vector<1x16xi32> to vector<16xi32>
          %parallel_loop3A_416 = arith.shli %parallel_loop3A_415, %parallel_loop3A_409 : vector<16xi32>
          %parallel_loop3A_417 = tpu.bitcast %parallel_loop3A_416 : vector<16xi32> -> vector<16xf32>
          %parallel_loop3A_418 = arith.andi %parallel_loop3A_415, %parallel_loop3A_411 : vector<16xi32>
          %parallel_loop3A_419 = tpu.bitcast %parallel_loop3A_418 : vector<16xi32> -> vector<16xf32>
          %parallel_loop3A_420 = arith.index_cast %parallel_loop3A_379 : i32 to index
          %parallel_loop3A_421 = arith.constant 128 : index
          %parallel_loop3A_422 = tpu.vector_load %arg12[%parallel_loop3A_420, %parallel_loop3A_421] {strides = array<i32>} : memref<32x256xi32, #tpu.memory_space<vmem>>, vector<1x16xi32>,
          %parallel_loop3A_423 = vector.shape_cast %parallel_loop3A_422 : vector<1x16xi32> to vector<16xi32>
          %parallel_loop3A_424 = arith.shli %parallel_loop3A_423, %parallel_loop3A_409 : vector<16xi32>
          %parallel_loop3A_425 = tpu.bitcast %parallel_loop3A_424 : vector<16xi32> -> vector<16xf32>
          %parallel_loop3A_426 = arith.andi %parallel_loop3A_423, %parallel_loop3A_411 : vector<16xi32>
          %parallel_loop3A_427 = tpu.bitcast %parallel_loop3A_426 : vector<16xi32> -> vector<16xf32>
          %parallel_loop3A_428 = arith.constant 16 : i32
          %parallel_loop3A_429 = arith.addi %parallel_loop3A_428, %parallel_loop3A_379 : i32
          %parallel_loop3A_430 = arith.index_cast %parallel_loop3A_429 : i32 to index
          %parallel_loop3A_431 = arith.constant 0 : index
          %parallel_loop3A_432 = tpu.vector_load %arg12[%parallel_loop3A_430, %parallel_loop3A_431] {strides = array<i32>} : memref<32x256xi32, #tpu.memory_space<vmem>>, vector<1x16xi32>,
          %parallel_loop3A_433 = vector.shape_cast %parallel_loop3A_432 : vector<1x16xi32> to vector<16xi32>
          %parallel_loop3A_434 = arith.shli %parallel_loop3A_433, %parallel_loop3A_409 : vector<16xi32>
          %parallel_loop3A_435 = tpu.bitcast %parallel_loop3A_434 : vector<16xi32> -> vector<16xf32>
          %parallel_loop3A_436 = arith.andi %parallel_loop3A_433, %parallel_loop3A_411 : vector<16xi32>
          %parallel_loop3A_437 = tpu.bitcast %parallel_loop3A_436 : vector<16xi32> -> vector<16xf32>
          %parallel_loop3A_438 = arith.constant 16 : i32
          %parallel_loop3A_439 = arith.addi %parallel_loop3A_438, %parallel_loop3A_379 : i32
          %parallel_loop3A_440 = arith.index_cast %parallel_loop3A_439 : i32 to index
          %parallel_loop3A_441 = arith.constant 128 : index
          %parallel_loop3A_442 = tpu.vector_load %arg12[%parallel_loop3A_440, %parallel_loop3A_441] {strides = array<i32>} : memref<32x256xi32, #tpu.memory_space<vmem>>, vector<1x16xi32>,
          %parallel_loop3A_443 = vector.shape_cast %parallel_loop3A_442 : vector<1x16xi32> to vector<16xi32>
          %parallel_loop3A_444 = arith.shli %parallel_loop3A_443, %parallel_loop3A_409 : vector<16xi32>
          %parallel_loop3A_445 = tpu.bitcast %parallel_loop3A_444 : vector<16xi32> -> vector<16xf32>
          %parallel_loop3A_446 = arith.andi %parallel_loop3A_443, %parallel_loop3A_411 : vector<16xi32>
          %parallel_loop3A_447 = tpu.bitcast %parallel_loop3A_446 : vector<16xi32> -> vector<16xf32>
          %parallel_loop3A_448 = vector.broadcast %parallel_loop3A_386 : f32 to vector<16xf32>
          %parallel_loop3A_449 = arith.mulf %parallel_loop3A_448, %parallel_loop3A_417 : vector<16xf32>
          %parallel_loop3A_450 = vector.broadcast %parallel_loop3A_393 : f32 to vector<16xf32>
          %parallel_loop3A_451 = arith.mulf %parallel_loop3A_450, %parallel_loop3A_425 : vector<16xf32>
          %parallel_loop3A_452 = arith.addf %parallel_loop3A_449, %parallel_loop3A_451 : vector<16xf32>
          %parallel_loop3A_453 = vector.broadcast %parallel_loop3A_400 : f32 to vector<16xf32>
          %parallel_loop3A_454 = arith.mulf %parallel_loop3A_453, %parallel_loop3A_435 : vector<16xf32>
          %parallel_loop3A_455 = arith.addf %parallel_loop3A_452, %parallel_loop3A_454 : vector<16xf32>
          %parallel_loop3A_456 = vector.broadcast %parallel_loop3A_407 : f32 to vector<16xf32>
          %parallel_loop3A_457 = arith.mulf %parallel_loop3A_456, %parallel_loop3A_445 : vector<16xf32>
          %parallel_loop3A_458 = arith.addf %parallel_loop3A_455, %parallel_loop3A_457 : vector<16xf32>
          %parallel_loop3A_459 = arith.constant 256 : i32
          %parallel_loop3A_460 = arith.muli %parallel_loop3A_379, %parallel_loop3A_459 : i32
          %parallel_loop3A_461 = arith.constant 0 : i32
          %parallel_loop3A_462 = arith.addi %parallel_loop3A_460, %parallel_loop3A_461 : i32
          %parallel_loop3A_463 = arith.index_cast %parallel_loop3A_462 : i32 to index
          %parallel_loop3A_464 = tpu.vector_load %arg14[%parallel_loop3A_463] {strides = array<i32>} : memref<3584xf32, #tpu.memory_space<vmem>>, vector<16xf32>,
          %parallel_loop3A_465 = vector.shape_cast %parallel_loop3A_464 : vector<16xf32> to vector<16xf32>
          %parallel_loop3A_466 = vector.shape_cast %parallel_loop3A_458 : vector<16xf32> to vector<16xf32>
          tpu.vector_store %arg14[%parallel_loop3A_463], %parallel_loop3A_466 {strides = array<i32>} : memref<3584xf32, #tpu.memory_space<vmem>>, vector<16xf32>,
          %parallel_loop3A_467 = vector.broadcast %parallel_loop3A_386 : f32 to vector<16xf32>
          %parallel_loop3A_468 = arith.mulf %parallel_loop3A_467, %parallel_loop3A_419 : vector<16xf32>
          %parallel_loop3A_469 = vector.broadcast %parallel_loop3A_393 : f32 to vector<16xf32>
          %parallel_loop3A_470 = arith.mulf %parallel_loop3A_469, %parallel_loop3A_427 : vector<16xf32>
          %parallel_loop3A_471 = arith.addf %parallel_loop3A_468, %parallel_loop3A_470 : vector<16xf32>
          %parallel_loop3A_472 = vector.broadcast %parallel_loop3A_400 : f32 to vector<16xf32>
          %parallel_loop3A_473 = arith.mulf %parallel_loop3A_472, %parallel_loop3A_437 : vector<16xf32>
          %parallel_loop3A_474 = arith.addf %parallel_loop3A_471, %parallel_loop3A_473 : vector<16xf32>
          %parallel_loop3A_475 = vector.broadcast %parallel_loop3A_407 : f32 to vector<16xf32>
          %parallel_loop3A_476 = arith.mulf %parallel_loop3A_475, %parallel_loop3A_447 : vector<16xf32>
          %parallel_loop3A_477 = arith.addf %parallel_loop3A_474, %parallel_loop3A_476 : vector<16xf32>
          %parallel_loop3A_478 = arith.constant 256 : i32
          %parallel_loop3A_479 = arith.muli %parallel_loop3A_379, %parallel_loop3A_478 : i32
          %parallel_loop3A_480 = arith.constant 0 : i32
          %parallel_loop3A_481 = arith.addi %parallel_loop3A_479, %parallel_loop3A_480 : i32
          %parallel_loop3A_482 = arith.constant 16 : i32
          %parallel_loop3A_483 = arith.addi %parallel_loop3A_481, %parallel_loop3A_482 : i32
          %parallel_loop3A_484 = arith.index_cast %parallel_loop3A_483 : i32 to index
          %parallel_loop3A_485 = tpu.vector_load %arg14[%parallel_loop3A_484] {strides = array<i32>} : memref<3584xf32, #tpu.memory_space<vmem>>, vector<16xf32>,
          %parallel_loop3A_486 = vector.shape_cast %parallel_loop3A_485 : vector<16xf32> to vector<16xf32>
          %parallel_loop3A_487 = vector.shape_cast %parallel_loop3A_477 : vector<16xf32> to vector<16xf32>
          tpu.vector_store %arg14[%parallel_loop3A_484], %parallel_loop3A_487 {strides = array<i32>} : memref<3584xf32, #tpu.memory_space<vmem>>, vector<16xf32>,
          %parallel_loop3A_488 = arith.index_cast %parallel_loop3A_379 : i32 to index
          %parallel_loop3A_489 = arith.constant 16 : index
          %parallel_loop3A_490 = tpu.vector_load %arg12[%parallel_loop3A_488, %parallel_loop3A_489] {strides = array<i32>} : memref<32x256xi32, #tpu.memory_space<vmem>>, vector<1x16xi32>,
          %parallel_loop3A_491 = vector.shape_cast %parallel_loop3A_490 : vector<1x16xi32> to vector<16xi32>
          %parallel_loop3A_492 = arith.shli %parallel_loop3A_491, %parallel_loop3A_409 : vector<16xi32>
          %parallel_loop3A_493 = tpu.bitcast %parallel_loop3A_492 : vector<16xi32> -> vector<16xf32>
          %parallel_loop3A_494 = arith.andi %parallel_loop3A_491, %parallel_loop3A_411 : vector<16xi32>
          %parallel_loop3A_495 = tpu.bitcast %parallel_loop3A_494 : vector<16xi32> -> vector<16xf32>
          %parallel_loop3A_496 = arith.index_cast %parallel_loop3A_379 : i32 to index
          %parallel_loop3A_497 = arith.constant 144 : index
          %parallel_loop3A_498 = tpu.vector_load %arg12[%parallel_loop3A_496, %parallel_loop3A_497] {strides = array<i32>} : memref<32x256xi32, #tpu.memory_space<vmem>>, vector<1x16xi32>,
          %parallel_loop3A_499 = vector.shape_cast %parallel_loop3A_498 : vector<1x16xi32> to vector<16xi32>
          %parallel_loop3A_500 = arith.shli %parallel_loop3A_499, %parallel_loop3A_409 : vector<16xi32>
          %parallel_loop3A_501 = tpu.bitcast %parallel_loop3A_500 : vector<16xi32> -> vector<16xf32>
          %parallel_loop3A_502 = arith.andi %parallel_loop3A_499, %parallel_loop3A_411 : vector<16xi32>
          %parallel_loop3A_503 = tpu.bitcast %parallel_loop3A_502 : vector<16xi32> -> vector<16xf32>
          %parallel_loop3A_504 = arith.constant 16 : i32
          %parallel_loop3A_505 = arith.addi %parallel_loop3A_504, %parallel_loop3A_379 : i32
          %parallel_loop3A_506 = arith.index_cast %parallel_loop3A_505 : i32 to index
          %parallel_loop3A_507 = arith.constant 16 : index
          %parallel_loop3A_508 = tpu.vector_load %arg12[%parallel_loop3A_506, %parallel_loop3A_507] {strides = array<i32>} : memref<32x256xi32, #tpu.memory_space<vmem>>, vector<1x16xi32>,
          %parallel_loop3A_509 = vector.shape_cast %parallel_loop3A_508 : vector<1x16xi32> to vector<16xi32>
          %parallel_loop3A_510 = arith.shli %parallel_loop3A_509, %parallel_loop3A_409 : vector<16xi32>
          %parallel_loop3A_511 = tpu.bitcast %parallel_loop3A_510 : vector<16xi32> -> vector<16xf32>
          %parallel_loop3A_512 = arith.andi %parallel_loop3A_509, %parallel_loop3A_411 : vector<16xi32>
          %parallel_loop3A_513 = tpu.bitcast %parallel_loop3A_512 : vector<16xi32> -> vector<16xf32>
          %parallel_loop3A_514 = arith.constant 16 : i32
          %parallel_loop3A_515 = arith.addi %parallel_loop3A_514, %parallel_loop3A_379 : i32
          %parallel_loop3A_516 = arith.index_cast %parallel_loop3A_515 : i32 to index
          %parallel_loop3A_517 = arith.constant 144 : index
          %parallel_loop3A_518 = tpu.vector_load %arg12[%parallel_loop3A_516, %parallel_loop3A_517] {strides = array<i32>} : memref<32x256xi32, #tpu.memory_space<vmem>>, vector<1x16xi32>,
          %parallel_loop3A_519 = vector.shape_cast %parallel_loop3A_518 : vector<1x16xi32> to vector<16xi32>
          %parallel_loop3A_520 = arith.shli %parallel_loop3A_519, %parallel_loop3A_409 : vector<16xi32>
          %parallel_loop3A_521 = tpu.bitcast %parallel_loop3A_520 : vector<16xi32> -> vector<16xf32>
          %parallel_loop3A_522 = arith.andi %parallel_loop3A_519, %parallel_loop3A_411 : vector<16xi32>
          %parallel_loop3A_523 = tpu.bitcast %parallel_loop3A_522 : vector<16xi32> -> vector<16xf32>
          %parallel_loop3A_524 = vector.broadcast %parallel_loop3A_386 : f32 to vector<16xf32>
          %parallel_loop3A_525 = arith.mulf %parallel_loop3A_524, %parallel_loop3A_493 : vector<16xf32>
          %parallel_loop3A_526 = vector.broadcast %parallel_loop3A_393 : f32 to vector<16xf32>
          %parallel_loop3A_527 = arith.mulf %parallel_loop3A_526, %parallel_loop3A_501 : vector<16xf32>
          %parallel_loop3A_528 = arith.addf %parallel_loop3A_525, %parallel_loop3A_527 : vector<16xf32>
          %parallel_loop3A_529 = vector.broadcast %parallel_loop3A_400 : f32 to vector<16xf32>
          %parallel_loop3A_530 = arith.mulf %parallel_loop3A_529, %parallel_loop3A_511 : vector<16xf32>
          %parallel_loop3A_531 = arith.addf %parallel_loop3A_528, %parallel_loop3A_530 : vector<16xf32>
          %parallel_loop3A_532 = vector.broadcast %parallel_loop3A_407 : f32 to vector<16xf32>
          %parallel_loop3A_533 = arith.mulf %parallel_loop3A_532, %parallel_loop3A_521 : vector<16xf32>
          %parallel_loop3A_534 = arith.addf %parallel_loop3A_531, %parallel_loop3A_533 : vector<16xf32>
          %parallel_loop3A_535 = arith.constant 256 : i32
          %parallel_loop3A_536 = arith.muli %parallel_loop3A_379, %parallel_loop3A_535 : i32
          %parallel_loop3A_537 = arith.constant 32 : i32
          %parallel_loop3A_538 = arith.addi %parallel_loop3A_536, %parallel_loop3A_537 : i32
          %parallel_loop3A_539 = arith.index_cast %parallel_loop3A_538 : i32 to index
          %parallel_loop3A_540 = tpu.vector_load %arg14[%parallel_loop3A_539] {strides = array<i32>} : memref<3584xf32, #tpu.memory_space<vmem>>, vector<16xf32>,
          %parallel_loop3A_541 = vector.shape_cast %parallel_loop3A_540 : vector<16xf32> to vector<16xf32>
          %parallel_loop3A_542 = vector.shape_cast %parallel_loop3A_534 : vector<16xf32> to vector<16xf32>
          tpu.vector_store %arg14[%parallel_loop3A_539], %parallel_loop3A_542 {strides = array<i32>} : memref<3584xf32, #tpu.memory_space<vmem>>, vector<16xf32>,
          %parallel_loop3A_543 = vector.broadcast %parallel_loop3A_386 : f32 to vector<16xf32>
          %parallel_loop3A_544 = arith.mulf %parallel_loop3A_543, %parallel_loop3A_495 : vector<16xf32>
          %parallel_loop3A_545 = vector.broadcast %parallel_loop3A_393 : f32 to vector<16xf32>
          %parallel_loop3A_546 = arith.mulf %parallel_loop3A_545, %parallel_loop3A_503 : vector<16xf32>
          %parallel_loop3A_547 = arith.addf %parallel_loop3A_544, %parallel_loop3A_546 : vector<16xf32>
          %parallel_loop3A_548 = vector.broadcast %parallel_loop3A_400 : f32 to vector<16xf32>
          %parallel_loop3A_549 = arith.mulf %parallel_loop3A_548, %parallel_loop3A_513 : vector<16xf32>
          %parallel_loop3A_550 = arith.addf %parallel_loop3A_547, %parallel_loop3A_549 : vector<16xf32>
          %parallel_loop3A_551 = vector.broadcast %parallel_loop3A_407 : f32 to vector<16xf32>
          %parallel_loop3A_552 = arith.mulf %parallel_loop3A_551, %parallel_loop3A_523 : vector<16xf32>
          %parallel_loop3A_553 = arith.addf %parallel_loop3A_550, %parallel_loop3A_552 : vector<16xf32>
          %parallel_loop3A_554 = arith.constant 256 : i32
          %parallel_loop3A_555 = arith.muli %parallel_loop3A_379, %parallel_loop3A_554 : i32
          %parallel_loop3A_556 = arith.constant 32 : i32
          %parallel_loop3A_557 = arith.addi %parallel_loop3A_555, %parallel_loop3A_556 : i32
          %parallel_loop3A_558 = arith.constant 16 : i32
          %parallel_loop3A_559 = arith.addi %parallel_loop3A_557, %parallel_loop3A_558 : i32
          %parallel_loop3A_560 = arith.index_cast %parallel_loop3A_559 : i32 to index
          %parallel_loop3A_561 = tpu.vector_load %arg14[%parallel_loop3A_560] {strides = array<i32>} : memref<3584xf32, #tpu.memory_space<vmem>>, vector<16xf32>,
          %parallel_loop3A_562 = vector.shape_cast %parallel_loop3A_561 : vector<16xf32> to vector<16xf32>
          %parallel_loop3A_563 = vector.shape_cast %parallel_loop3A_553 : vector<16xf32> to vector<16xf32>
          tpu.vector_store %arg14[%parallel_loop3A_560], %parallel_loop3A_563 {strides = array<i32>} : memref<3584xf32, #tpu.memory_space<vmem>>, vector<16xf32>,
          %parallel_loop3A_564 = arith.index_cast %parallel_loop3A_379 : i32 to index
          %parallel_loop3A_565 = arith.constant 32 : index
          %parallel_loop3A_566 = tpu.vector_load %arg12[%parallel_loop3A_564, %parallel_loop3A_565] {strides = array<i32>} : memref<32x256xi32, #tpu.memory_space<vmem>>, vector<1x16xi32>,
          %parallel_loop3A_567 = vector.shape_cast %parallel_loop3A_566 : vector<1x16xi32> to vector<16xi32>
          %parallel_loop3A_568 = arith.shli %parallel_loop3A_567, %parallel_loop3A_409 : vector<16xi32>
          %parallel_loop3A_569 = tpu.bitcast %parallel_loop3A_568 : vector<16xi32> -> vector<16xf32>
          %parallel_loop3A_570 = arith.andi %parallel_loop3A_567, %parallel_loop3A_411 : vector<16xi32>
          %parallel_loop3A_571 = tpu.bitcast %parallel_loop3A_570 : vector<16xi32> -> vector<16xf32>
          %parallel_loop3A_572 = arith.index_cast %parallel_loop3A_379 : i32 to index
          %parallel_loop3A_573 = arith.constant 160 : index
          %parallel_loop3A_574 = tpu.vector_load %arg12[%parallel_loop3A_572, %parallel_loop3A_573] {strides = array<i32>} : memref<32x256xi32, #tpu.memory_space<vmem>>, vector<1x16xi32>,
          %parallel_loop3A_575 = vector.shape_cast %parallel_loop3A_574 : vector<1x16xi32> to vector<16xi32>
          %parallel_loop3A_576 = arith.shli %parallel_loop3A_575, %parallel_loop3A_409 : vector<16xi32>
          %parallel_loop3A_577 = tpu.bitcast %parallel_loop3A_576 : vector<16xi32> -> vector<16xf32>
          %parallel_loop3A_578 = arith.andi %parallel_loop3A_575, %parallel_loop3A_411 : vector<16xi32>
          %parallel_loop3A_579 = tpu.bitcast %parallel_loop3A_578 : vector<16xi32> -> vector<16xf32>
          %parallel_loop3A_580 = arith.constant 16 : i32
          %parallel_loop3A_581 = arith.addi %parallel_loop3A_580, %parallel_loop3A_379 : i32
          %parallel_loop3A_582 = arith.index_cast %parallel_loop3A_581 : i32 to index
          %parallel_loop3A_583 = arith.constant 32 : index
          %parallel_loop3A_584 = tpu.vector_load %arg12[%parallel_loop3A_582, %parallel_loop3A_583] {strides = array<i32>} : memref<32x256xi32, #tpu.memory_space<vmem>>, vector<1x16xi32>,
          %parallel_loop3A_585 = vector.shape_cast %parallel_loop3A_584 : vector<1x16xi32> to vector<16xi32>
          %parallel_loop3A_586 = arith.shli %parallel_loop3A_585, %parallel_loop3A_409 : vector<16xi32>
          %parallel_loop3A_587 = tpu.bitcast %parallel_loop3A_586 : vector<16xi32> -> vector<16xf32>
          %parallel_loop3A_588 = arith.andi %parallel_loop3A_585, %parallel_loop3A_411 : vector<16xi32>
          %parallel_loop3A_589 = tpu.bitcast %parallel_loop3A_588 : vector<16xi32> -> vector<16xf32>
          %parallel_loop3A_590 = arith.constant 16 : i32
          %parallel_loop3A_591 = arith.addi %parallel_loop3A_590, %parallel_loop3A_379 : i32
          %parallel_loop3A_592 = arith.index_cast %parallel_loop3A_591 : i32 to index
          %parallel_loop3A_593 = arith.constant 160 : index
          %parallel_loop3A_594 = tpu.vector_load %arg12[%parallel_loop3A_592, %parallel_loop3A_593] {strides = array<i32>} : memref<32x256xi32, #tpu.memory_space<vmem>>, vector<1x16xi32>,
          %parallel_loop3A_595 = vector.shape_cast %parallel_loop3A_594 : vector<1x16xi32> to vector<16xi32>
          %parallel_loop3A_596 = arith.shli %parallel_loop3A_595, %parallel_loop3A_409 : vector<16xi32>
          %parallel_loop3A_597 = tpu.bitcast %parallel_loop3A_596 : vector<16xi32> -> vector<16xf32>
          %parallel_loop3A_598 = arith.andi %parallel_loop3A_595, %parallel_loop3A_411 : vector<16xi32>
          %parallel_loop3A_599 = tpu.bitcast %parallel_loop3A_598 : vector<16xi32> -> vector<16xf32>
          %parallel_loop3A_600 = vector.broadcast %parallel_loop3A_386 : f32 to vector<16xf32>
          %parallel_loop3A_601 = arith.mulf %parallel_loop3A_600, %parallel_loop3A_569 : vector<16xf32>
          %parallel_loop3A_602 = vector.broadcast %parallel_loop3A_393 : f32 to vector<16xf32>
          %parallel_loop3A_603 = arith.mulf %parallel_loop3A_602, %parallel_loop3A_577 : vector<16xf32>
          %parallel_loop3A_604 = arith.addf %parallel_loop3A_601, %parallel_loop3A_603 : vector<16xf32>
          %parallel_loop3A_605 = vector.broadcast %parallel_loop3A_400 : f32 to vector<16xf32>
          %parallel_loop3A_606 = arith.mulf %parallel_loop3A_605, %parallel_loop3A_587 : vector<16xf32>
          %parallel_loop3A_607 = arith.addf %parallel_loop3A_604, %parallel_loop3A_606 : vector<16xf32>
          %parallel_loop3A_608 = vector.broadcast %parallel_loop3A_407 : f32 to vector<16xf32>
          %parallel_loop3A_609 = arith.mulf %parallel_loop3A_608, %parallel_loop3A_597 : vector<16xf32>
          %parallel_loop3A_610 = arith.addf %parallel_loop3A_607, %parallel_loop3A_609 : vector<16xf32>
          %parallel_loop3A_611 = arith.constant 256 : i32
          %parallel_loop3A_612 = arith.muli %parallel_loop3A_379, %parallel_loop3A_611 : i32
          %parallel_loop3A_613 = arith.constant 64 : i32
          %parallel_loop3A_614 = arith.addi %parallel_loop3A_612, %parallel_loop3A_613 : i32
          %parallel_loop3A_615 = arith.index_cast %parallel_loop3A_614 : i32 to index
          %parallel_loop3A_616 = tpu.vector_load %arg14[%parallel_loop3A_615] {strides = array<i32>} : memref<3584xf32, #tpu.memory_space<vmem>>, vector<16xf32>,
          %parallel_loop3A_617 = vector.shape_cast %parallel_loop3A_616 : vector<16xf32> to vector<16xf32>
          %parallel_loop3A_618 = vector.shape_cast %parallel_loop3A_610 : vector<16xf32> to vector<16xf32>
          tpu.vector_store %arg14[%parallel_loop3A_615], %parallel_loop3A_618 {strides = array<i32>} : memref<3584xf32, #tpu.memory_space<vmem>>, vector<16xf32>,
          %parallel_loop3A_619 = vector.broadcast %parallel_loop3A_386 : f32 to vector<16xf32>
          %parallel_loop3A_620 = arith.mulf %parallel_loop3A_619, %parallel_loop3A_571 : vector<16xf32>
          %parallel_loop3A_621 = vector.broadcast %parallel_loop3A_393 : f32 to vector<16xf32>
          %parallel_loop3A_622 = arith.mulf %parallel_loop3A_621, %parallel_loop3A_579 : vector<16xf32>
          %parallel_loop3A_623 = arith.addf %parallel_loop3A_620, %parallel_loop3A_622 : vector<16xf32>
          %parallel_loop3A_624 = vector.broadcast %parallel_loop3A_400 : f32 to vector<16xf32>
          %parallel_loop3A_625 = arith.mulf %parallel_loop3A_624, %parallel_loop3A_589 : vector<16xf32>
          %parallel_loop3A_626 = arith.addf %parallel_loop3A_623, %parallel_loop3A_625 : vector<16xf32>
          %parallel_loop3A_627 = vector.broadcast %parallel_loop3A_407 : f32 to vector<16xf32>
          %parallel_loop3A_628 = arith.mulf %parallel_loop3A_627, %parallel_loop3A_599 : vector<16xf32>
          %parallel_loop3A_629 = arith.addf %parallel_loop3A_626, %parallel_loop3A_628 : vector<16xf32>
          %parallel_loop3A_630 = arith.constant 256 : i32
          %parallel_loop3A_631 = arith.muli %parallel_loop3A_379, %parallel_loop3A_630 : i32
          %parallel_loop3A_632 = arith.constant 64 : i32
          %parallel_loop3A_633 = arith.addi %parallel_loop3A_631, %parallel_loop3A_632 : i32
          %parallel_loop3A_634 = arith.constant 16 : i32
          %parallel_loop3A_635 = arith.addi %parallel_loop3A_633, %parallel_loop3A_634 : i32
          %parallel_loop3A_636 = arith.index_cast %parallel_loop3A_635 : i32 to index
          %parallel_loop3A_637 = tpu.vector_load %arg14[%parallel_loop3A_636] {strides = array<i32>} : memref<3584xf32, #tpu.memory_space<vmem>>, vector<16xf32>,
          %parallel_loop3A_638 = vector.shape_cast %parallel_loop3A_637 : vector<16xf32> to vector<16xf32>
          %parallel_loop3A_639 = vector.shape_cast %parallel_loop3A_629 : vector<16xf32> to vector<16xf32>
          tpu.vector_store %arg14[%parallel_loop3A_636], %parallel_loop3A_639 {strides = array<i32>} : memref<3584xf32, #tpu.memory_space<vmem>>, vector<16xf32>,
          %parallel_loop3A_640 = arith.index_cast %parallel_loop3A_379 : i32 to index
          %parallel_loop3A_641 = arith.constant 48 : index
          %parallel_loop3A_642 = tpu.vector_load %arg12[%parallel_loop3A_640, %parallel_loop3A_641] {strides = array<i32>} : memref<32x256xi32, #tpu.memory_space<vmem>>, vector<1x16xi32>,
          %parallel_loop3A_643 = vector.shape_cast %parallel_loop3A_642 : vector<1x16xi32> to vector<16xi32>
          %parallel_loop3A_644 = arith.shli %parallel_loop3A_643, %parallel_loop3A_409 : vector<16xi32>
          %parallel_loop3A_645 = tpu.bitcast %parallel_loop3A_644 : vector<16xi32> -> vector<16xf32>
          %parallel_loop3A_646 = arith.andi %parallel_loop3A_643, %parallel_loop3A_411 : vector<16xi32>
          %parallel_loop3A_647 = tpu.bitcast %parallel_loop3A_646 : vector<16xi32> -> vector<16xf32>
          %parallel_loop3A_648 = arith.index_cast %parallel_loop3A_379 : i32 to index
          %parallel_loop3A_649 = arith.constant 176 : index
          %parallel_loop3A_650 = tpu.vector_load %arg12[%parallel_loop3A_648, %parallel_loop3A_649] {strides = array<i32>} : memref<32x256xi32, #tpu.memory_space<vmem>>, vector<1x16xi32>,
          %parallel_loop3A_651 = vector.shape_cast %parallel_loop3A_650 : vector<1x16xi32> to vector<16xi32>
          %parallel_loop3A_652 = arith.shli %parallel_loop3A_651, %parallel_loop3A_409 : vector<16xi32>
          %parallel_loop3A_653 = tpu.bitcast %parallel_loop3A_652 : vector<16xi32> -> vector<16xf32>
          %parallel_loop3A_654 = arith.andi %parallel_loop3A_651, %parallel_loop3A_411 : vector<16xi32>
          %parallel_loop3A_655 = tpu.bitcast %parallel_loop3A_654 : vector<16xi32> -> vector<16xf32>
          %parallel_loop3A_656 = arith.constant 16 : i32
          %parallel_loop3A_657 = arith.addi %parallel_loop3A_656, %parallel_loop3A_379 : i32
          %parallel_loop3A_658 = arith.index_cast %parallel_loop3A_657 : i32 to index
          %parallel_loop3A_659 = arith.constant 48 : index
          %parallel_loop3A_660 = tpu.vector_load %arg12[%parallel_loop3A_658, %parallel_loop3A_659] {strides = array<i32>} : memref<32x256xi32, #tpu.memory_space<vmem>>, vector<1x16xi32>,
          %parallel_loop3A_661 = vector.shape_cast %parallel_loop3A_660 : vector<1x16xi32> to vector<16xi32>
          %parallel_loop3A_662 = arith.shli %parallel_loop3A_661, %parallel_loop3A_409 : vector<16xi32>
          %parallel_loop3A_663 = tpu.bitcast %parallel_loop3A_662 : vector<16xi32> -> vector<16xf32>
          %parallel_loop3A_664 = arith.andi %parallel_loop3A_661, %parallel_loop3A_411 : vector<16xi32>
          %parallel_loop3A_665 = tpu.bitcast %parallel_loop3A_664 : vector<16xi32> -> vector<16xf32>
          %parallel_loop3A_666 = arith.constant 16 : i32
          %parallel_loop3A_667 = arith.addi %parallel_loop3A_666, %parallel_loop3A_379 : i32
          %parallel_loop3A_668 = arith.index_cast %parallel_loop3A_667 : i32 to index
          %parallel_loop3A_669 = arith.constant 176 : index
          %parallel_loop3A_670 = tpu.vector_load %arg12[%parallel_loop3A_668, %parallel_loop3A_669] {strides = array<i32>} : memref<32x256xi32, #tpu.memory_space<vmem>>, vector<1x16xi32>,
          %parallel_loop3A_671 = vector.shape_cast %parallel_loop3A_670 : vector<1x16xi32> to vector<16xi32>
          %parallel_loop3A_672 = arith.shli %parallel_loop3A_671, %parallel_loop3A_409 : vector<16xi32>
          %parallel_loop3A_673 = tpu.bitcast %parallel_loop3A_672 : vector<16xi32> -> vector<16xf32>
          %parallel_loop3A_674 = arith.andi %parallel_loop3A_671, %parallel_loop3A_411 : vector<16xi32>
          %parallel_loop3A_675 = tpu.bitcast %parallel_loop3A_674 : vector<16xi32> -> vector<16xf32>
          %parallel_loop3A_676 = vector.broadcast %parallel_loop3A_386 : f32 to vector<16xf32>
          %parallel_loop3A_677 = arith.mulf %parallel_loop3A_676, %parallel_loop3A_645 : vector<16xf32>
          %parallel_loop3A_678 = vector.broadcast %parallel_loop3A_393 : f32 to vector<16xf32>
          %parallel_loop3A_679 = arith.mulf %parallel_loop3A_678, %parallel_loop3A_653 : vector<16xf32>
          %parallel_loop3A_680 = arith.addf %parallel_loop3A_677, %parallel_loop3A_679 : vector<16xf32>
          %parallel_loop3A_681 = vector.broadcast %parallel_loop3A_400 : f32 to vector<16xf32>
          %parallel_loop3A_682 = arith.mulf %parallel_loop3A_681, %parallel_loop3A_663 : vector<16xf32>
          %parallel_loop3A_683 = arith.addf %parallel_loop3A_680, %parallel_loop3A_682 : vector<16xf32>
          %parallel_loop3A_684 = vector.broadcast %parallel_loop3A_407 : f32 to vector<16xf32>
          %parallel_loop3A_685 = arith.mulf %parallel_loop3A_684, %parallel_loop3A_673 : vector<16xf32>
          %parallel_loop3A_686 = arith.addf %parallel_loop3A_683, %parallel_loop3A_685 : vector<16xf32>
          %parallel_loop3A_687 = arith.constant 256 : i32
          %parallel_loop3A_688 = arith.muli %parallel_loop3A_379, %parallel_loop3A_687 : i32
          %parallel_loop3A_689 = arith.constant 96 : i32
          %parallel_loop3A_690 = arith.addi %parallel_loop3A_688, %parallel_loop3A_689 : i32
          %parallel_loop3A_691 = arith.index_cast %parallel_loop3A_690 : i32 to index
          %parallel_loop3A_692 = tpu.vector_load %arg14[%parallel_loop3A_691] {strides = array<i32>} : memref<3584xf32, #tpu.memory_space<vmem>>, vector<16xf32>,
          %parallel_loop3A_693 = vector.shape_cast %parallel_loop3A_692 : vector<16xf32> to vector<16xf32>
          %parallel_loop3A_694 = vector.shape_cast %parallel_loop3A_686 : vector<16xf32> to vector<16xf32>
          tpu.vector_store %arg14[%parallel_loop3A_691], %parallel_loop3A_694 {strides = array<i32>} : memref<3584xf32, #tpu.memory_space<vmem>>, vector<16xf32>,
          %parallel_loop3A_695 = vector.broadcast %parallel_loop3A_386 : f32 to vector<16xf32>
          %parallel_loop3A_696 = arith.mulf %parallel_loop3A_695, %parallel_loop3A_647 : vector<16xf32>
          %parallel_loop3A_697 = vector.broadcast %parallel_loop3A_393 : f32 to vector<16xf32>
          %parallel_loop3A_698 = arith.mulf %parallel_loop3A_697, %parallel_loop3A_655 : vector<16xf32>
          %parallel_loop3A_699 = arith.addf %parallel_loop3A_696, %parallel_loop3A_698 : vector<16xf32>
          %parallel_loop3A_700 = vector.broadcast %parallel_loop3A_400 : f32 to vector<16xf32>
          %parallel_loop3A_701 = arith.mulf %parallel_loop3A_700, %parallel_loop3A_665 : vector<16xf32>
          %parallel_loop3A_702 = arith.addf %parallel_loop3A_699, %parallel_loop3A_701 : vector<16xf32>
          %parallel_loop3A_703 = vector.broadcast %parallel_loop3A_407 : f32 to vector<16xf32>
          %parallel_loop3A_704 = arith.mulf %parallel_loop3A_703, %parallel_loop3A_675 : vector<16xf32>
          %parallel_loop3A_705 = arith.addf %parallel_loop3A_702, %parallel_loop3A_704 : vector<16xf32>
          %parallel_loop3A_706 = arith.constant 256 : i32
          %parallel_loop3A_707 = arith.muli %parallel_loop3A_379, %parallel_loop3A_706 : i32
          %parallel_loop3A_708 = arith.constant 96 : i32
          %parallel_loop3A_709 = arith.addi %parallel_loop3A_707, %parallel_loop3A_708 : i32
          %parallel_loop3A_710 = arith.constant 16 : i32
          %parallel_loop3A_711 = arith.addi %parallel_loop3A_709, %parallel_loop3A_710 : i32
          %parallel_loop3A_712 = arith.index_cast %parallel_loop3A_711 : i32 to index
          %parallel_loop3A_713 = tpu.vector_load %arg14[%parallel_loop3A_712] {strides = array<i32>} : memref<3584xf32, #tpu.memory_space<vmem>>, vector<16xf32>,
          %parallel_loop3A_714 = vector.shape_cast %parallel_loop3A_713 : vector<16xf32> to vector<16xf32>
          %parallel_loop3A_715 = vector.shape_cast %parallel_loop3A_705 : vector<16xf32> to vector<16xf32>
          tpu.vector_store %arg14[%parallel_loop3A_712], %parallel_loop3A_715 {strides = array<i32>} : memref<3584xf32, #tpu.memory_space<vmem>>, vector<16xf32>,
          %parallel_loop3A_716 = arith.index_cast %parallel_loop3A_379 : i32 to index
          %parallel_loop3A_717 = arith.constant 64 : index
          %parallel_loop3A_718 = tpu.vector_load %arg12[%parallel_loop3A_716, %parallel_loop3A_717] {strides = array<i32>} : memref<32x256xi32, #tpu.memory_space<vmem>>, vector<1x16xi32>,
          %parallel_loop3A_719 = vector.shape_cast %parallel_loop3A_718 : vector<1x16xi32> to vector<16xi32>
          %parallel_loop3A_720 = arith.shli %parallel_loop3A_719, %parallel_loop3A_409 : vector<16xi32>
          %parallel_loop3A_721 = tpu.bitcast %parallel_loop3A_720 : vector<16xi32> -> vector<16xf32>
          %parallel_loop3A_722 = arith.andi %parallel_loop3A_719, %parallel_loop3A_411 : vector<16xi32>
          %parallel_loop3A_723 = tpu.bitcast %parallel_loop3A_722 : vector<16xi32> -> vector<16xf32>
          %parallel_loop3A_724 = arith.index_cast %parallel_loop3A_379 : i32 to index
          %parallel_loop3A_725 = arith.constant 192 : index
          %parallel_loop3A_726 = tpu.vector_load %arg12[%parallel_loop3A_724, %parallel_loop3A_725] {strides = array<i32>} : memref<32x256xi32, #tpu.memory_space<vmem>>, vector<1x16xi32>,
          %parallel_loop3A_727 = vector.shape_cast %parallel_loop3A_726 : vector<1x16xi32> to vector<16xi32>
          %parallel_loop3A_728 = arith.shli %parallel_loop3A_727, %parallel_loop3A_409 : vector<16xi32>
          %parallel_loop3A_729 = tpu.bitcast %parallel_loop3A_728 : vector<16xi32> -> vector<16xf32>
          %parallel_loop3A_730 = arith.andi %parallel_loop3A_727, %parallel_loop3A_411 : vector<16xi32>
          %parallel_loop3A_731 = tpu.bitcast %parallel_loop3A_730 : vector<16xi32> -> vector<16xf32>
          %parallel_loop3A_732 = arith.constant 16 : i32
          %parallel_loop3A_733 = arith.addi %parallel_loop3A_732, %parallel_loop3A_379 : i32
          %parallel_loop3A_734 = arith.index_cast %parallel_loop3A_733 : i32 to index
          %parallel_loop3A_735 = arith.constant 64 : index
          %parallel_loop3A_736 = tpu.vector_load %arg12[%parallel_loop3A_734, %parallel_loop3A_735] {strides = array<i32>} : memref<32x256xi32, #tpu.memory_space<vmem>>, vector<1x16xi32>,
          %parallel_loop3A_737 = vector.shape_cast %parallel_loop3A_736 : vector<1x16xi32> to vector<16xi32>
          %parallel_loop3A_738 = arith.shli %parallel_loop3A_737, %parallel_loop3A_409 : vector<16xi32>
          %parallel_loop3A_739 = tpu.bitcast %parallel_loop3A_738 : vector<16xi32> -> vector<16xf32>
          %parallel_loop3A_740 = arith.andi %parallel_loop3A_737, %parallel_loop3A_411 : vector<16xi32>
          %parallel_loop3A_741 = tpu.bitcast %parallel_loop3A_740 : vector<16xi32> -> vector<16xf32>
          %parallel_loop3A_742 = arith.constant 16 : i32
          %parallel_loop3A_743 = arith.addi %parallel_loop3A_742, %parallel_loop3A_379 : i32
          %parallel_loop3A_744 = arith.index_cast %parallel_loop3A_743 : i32 to index
          %parallel_loop3A_745 = arith.constant 192 : index
          %parallel_loop3A_746 = tpu.vector_load %arg12[%parallel_loop3A_744, %parallel_loop3A_745] {strides = array<i32>} : memref<32x256xi32, #tpu.memory_space<vmem>>, vector<1x16xi32>,
          %parallel_loop3A_747 = vector.shape_cast %parallel_loop3A_746 : vector<1x16xi32> to vector<16xi32>
          %parallel_loop3A_748 = arith.shli %parallel_loop3A_747, %parallel_loop3A_409 : vector<16xi32>
          %parallel_loop3A_749 = tpu.bitcast %parallel_loop3A_748 : vector<16xi32> -> vector<16xf32>
          %parallel_loop3A_750 = arith.andi %parallel_loop3A_747, %parallel_loop3A_411 : vector<16xi32>
          %parallel_loop3A_751 = tpu.bitcast %parallel_loop3A_750 : vector<16xi32> -> vector<16xf32>
          %parallel_loop3A_752 = vector.broadcast %parallel_loop3A_386 : f32 to vector<16xf32>
          %parallel_loop3A_753 = arith.mulf %parallel_loop3A_752, %parallel_loop3A_721 : vector<16xf32>
          %parallel_loop3A_754 = vector.broadcast %parallel_loop3A_393 : f32 to vector<16xf32>
          %parallel_loop3A_755 = arith.mulf %parallel_loop3A_754, %parallel_loop3A_729 : vector<16xf32>
          %parallel_loop3A_756 = arith.addf %parallel_loop3A_753, %parallel_loop3A_755 : vector<16xf32>
          %parallel_loop3A_757 = vector.broadcast %parallel_loop3A_400 : f32 to vector<16xf32>
          %parallel_loop3A_758 = arith.mulf %parallel_loop3A_757, %parallel_loop3A_739 : vector<16xf32>
          %parallel_loop3A_759 = arith.addf %parallel_loop3A_756, %parallel_loop3A_758 : vector<16xf32>
          %parallel_loop3A_760 = vector.broadcast %parallel_loop3A_407 : f32 to vector<16xf32>
          %parallel_loop3A_761 = arith.mulf %parallel_loop3A_760, %parallel_loop3A_749 : vector<16xf32>
          %parallel_loop3A_762 = arith.addf %parallel_loop3A_759, %parallel_loop3A_761 : vector<16xf32>
          %parallel_loop3A_763 = arith.constant 256 : i32
          %parallel_loop3A_764 = arith.muli %parallel_loop3A_379, %parallel_loop3A_763 : i32
          %parallel_loop3A_765 = arith.constant 128 : i32
          %parallel_loop3A_766 = arith.addi %parallel_loop3A_764, %parallel_loop3A_765 : i32
          %parallel_loop3A_767 = arith.index_cast %parallel_loop3A_766 : i32 to index
          %parallel_loop3A_768 = tpu.vector_load %arg14[%parallel_loop3A_767] {strides = array<i32>} : memref<3584xf32, #tpu.memory_space<vmem>>, vector<16xf32>,
          %parallel_loop3A_769 = vector.shape_cast %parallel_loop3A_768 : vector<16xf32> to vector<16xf32>
          %parallel_loop3A_770 = vector.shape_cast %parallel_loop3A_762 : vector<16xf32> to vector<16xf32>
          tpu.vector_store %arg14[%parallel_loop3A_767], %parallel_loop3A_770 {strides = array<i32>} : memref<3584xf32, #tpu.memory_space<vmem>>, vector<16xf32>,
          %parallel_loop3A_771 = vector.broadcast %parallel_loop3A_386 : f32 to vector<16xf32>
          %parallel_loop3A_772 = arith.mulf %parallel_loop3A_771, %parallel_loop3A_723 : vector<16xf32>
          %parallel_loop3A_773 = vector.broadcast %parallel_loop3A_393 : f32 to vector<16xf32>
          %parallel_loop3A_774 = arith.mulf %parallel_loop3A_773, %parallel_loop3A_731 : vector<16xf32>
          %parallel_loop3A_775 = arith.addf %parallel_loop3A_772, %parallel_loop3A_774 : vector<16xf32>
          %parallel_loop3A_776 = vector.broadcast %parallel_loop3A_400 : f32 to vector<16xf32>
          %parallel_loop3A_777 = arith.mulf %parallel_loop3A_776, %parallel_loop3A_741 : vector<16xf32>
          %parallel_loop3A_778 = arith.addf %parallel_loop3A_775, %parallel_loop3A_777 : vector<16xf32>
          %parallel_loop3A_779 = vector.broadcast %parallel_loop3A_407 : f32 to vector<16xf32>
          %parallel_loop3A_780 = arith.mulf %parallel_loop3A_779, %parallel_loop3A_751 : vector<16xf32>
          %parallel_loop3A_781 = arith.addf %parallel_loop3A_778, %parallel_loop3A_780 : vector<16xf32>
          %parallel_loop3A_782 = arith.constant 256 : i32
          %parallel_loop3A_783 = arith.muli %parallel_loop3A_379, %parallel_loop3A_782 : i32
          %parallel_loop3A_784 = arith.constant 128 : i32
          %parallel_loop3A_785 = arith.addi %parallel_loop3A_783, %parallel_loop3A_784 : i32
          %parallel_loop3A_786 = arith.constant 16 : i32
          %parallel_loop3A_787 = arith.addi %parallel_loop3A_785, %parallel_loop3A_786 : i32
          %parallel_loop3A_788 = arith.index_cast %parallel_loop3A_787 : i32 to index
          %parallel_loop3A_789 = tpu.vector_load %arg14[%parallel_loop3A_788] {strides = array<i32>} : memref<3584xf32, #tpu.memory_space<vmem>>, vector<16xf32>,
          %parallel_loop3A_790 = vector.shape_cast %parallel_loop3A_789 : vector<16xf32> to vector<16xf32>
          %parallel_loop3A_791 = vector.shape_cast %parallel_loop3A_781 : vector<16xf32> to vector<16xf32>
          tpu.vector_store %arg14[%parallel_loop3A_788], %parallel_loop3A_791 {strides = array<i32>} : memref<3584xf32, #tpu.memory_space<vmem>>, vector<16xf32>,
          %parallel_loop3A_792 = arith.index_cast %parallel_loop3A_379 : i32 to index
          %parallel_loop3A_793 = arith.constant 80 : index
          %parallel_loop3A_794 = tpu.vector_load %arg12[%parallel_loop3A_792, %parallel_loop3A_793] {strides = array<i32>} : memref<32x256xi32, #tpu.memory_space<vmem>>, vector<1x16xi32>,
          %parallel_loop3A_795 = vector.shape_cast %parallel_loop3A_794 : vector<1x16xi32> to vector<16xi32>
          %parallel_loop3A_796 = arith.shli %parallel_loop3A_795, %parallel_loop3A_409 : vector<16xi32>
          %parallel_loop3A_797 = tpu.bitcast %parallel_loop3A_796 : vector<16xi32> -> vector<16xf32>
          %parallel_loop3A_798 = arith.andi %parallel_loop3A_795, %parallel_loop3A_411 : vector<16xi32>
          %parallel_loop3A_799 = tpu.bitcast %parallel_loop3A_798 : vector<16xi32> -> vector<16xf32>
          %parallel_loop3A_800 = arith.index_cast %parallel_loop3A_379 : i32 to index
          %parallel_loop3A_801 = arith.constant 208 : index
          %parallel_loop3A_802 = tpu.vector_load %arg12[%parallel_loop3A_800, %parallel_loop3A_801] {strides = array<i32>} : memref<32x256xi32, #tpu.memory_space<vmem>>, vector<1x16xi32>,
          %parallel_loop3A_803 = vector.shape_cast %parallel_loop3A_802 : vector<1x16xi32> to vector<16xi32>
          %parallel_loop3A_804 = arith.shli %parallel_loop3A_803, %parallel_loop3A_409 : vector<16xi32>
          %parallel_loop3A_805 = tpu.bitcast %parallel_loop3A_804 : vector<16xi32> -> vector<16xf32>
          %parallel_loop3A_806 = arith.andi %parallel_loop3A_803, %parallel_loop3A_411 : vector<16xi32>
          %parallel_loop3A_807 = tpu.bitcast %parallel_loop3A_806 : vector<16xi32> -> vector<16xf32>
          %parallel_loop3A_808 = arith.constant 16 : i32
          %parallel_loop3A_809 = arith.addi %parallel_loop3A_808, %parallel_loop3A_379 : i32
          %parallel_loop3A_810 = arith.index_cast %parallel_loop3A_809 : i32 to index
          %parallel_loop3A_811 = arith.constant 80 : index
          %parallel_loop3A_812 = tpu.vector_load %arg12[%parallel_loop3A_810, %parallel_loop3A_811] {strides = array<i32>} : memref<32x256xi32, #tpu.memory_space<vmem>>, vector<1x16xi32>,
          %parallel_loop3A_813 = vector.shape_cast %parallel_loop3A_812 : vector<1x16xi32> to vector<16xi32>
          %parallel_loop3A_814 = arith.shli %parallel_loop3A_813, %parallel_loop3A_409 : vector<16xi32>
          %parallel_loop3A_815 = tpu.bitcast %parallel_loop3A_814 : vector<16xi32> -> vector<16xf32>
          %parallel_loop3A_816 = arith.andi %parallel_loop3A_813, %parallel_loop3A_411 : vector<16xi32>
          %parallel_loop3A_817 = tpu.bitcast %parallel_loop3A_816 : vector<16xi32> -> vector<16xf32>
          %parallel_loop3A_818 = arith.constant 16 : i32
          %parallel_loop3A_819 = arith.addi %parallel_loop3A_818, %parallel_loop3A_379 : i32
          %parallel_loop3A_820 = arith.index_cast %parallel_loop3A_819 : i32 to index
          %parallel_loop3A_821 = arith.constant 208 : index
          %parallel_loop3A_822 = tpu.vector_load %arg12[%parallel_loop3A_820, %parallel_loop3A_821] {strides = array<i32>} : memref<32x256xi32, #tpu.memory_space<vmem>>, vector<1x16xi32>,
          %parallel_loop3A_823 = vector.shape_cast %parallel_loop3A_822 : vector<1x16xi32> to vector<16xi32>
          %parallel_loop3A_824 = arith.shli %parallel_loop3A_823, %parallel_loop3A_409 : vector<16xi32>
          %parallel_loop3A_825 = tpu.bitcast %parallel_loop3A_824 : vector<16xi32> -> vector<16xf32>
          %parallel_loop3A_826 = arith.andi %parallel_loop3A_823, %parallel_loop3A_411 : vector<16xi32>
          %parallel_loop3A_827 = tpu.bitcast %parallel_loop3A_826 : vector<16xi32> -> vector<16xf32>
          %parallel_loop3A_828 = vector.broadcast %parallel_loop3A_386 : f32 to vector<16xf32>
          %parallel_loop3A_829 = arith.mulf %parallel_loop3A_828, %parallel_loop3A_797 : vector<16xf32>
          %parallel_loop3A_830 = vector.broadcast %parallel_loop3A_393 : f32 to vector<16xf32>
          %parallel_loop3A_831 = arith.mulf %parallel_loop3A_830, %parallel_loop3A_805 : vector<16xf32>
          %parallel_loop3A_832 = arith.addf %parallel_loop3A_829, %parallel_loop3A_831 : vector<16xf32>
          %parallel_loop3A_833 = vector.broadcast %parallel_loop3A_400 : f32 to vector<16xf32>
          %parallel_loop3A_834 = arith.mulf %parallel_loop3A_833, %parallel_loop3A_815 : vector<16xf32>
          %parallel_loop3A_835 = arith.addf %parallel_loop3A_832, %parallel_loop3A_834 : vector<16xf32>
          %parallel_loop3A_836 = vector.broadcast %parallel_loop3A_407 : f32 to vector<16xf32>
          %parallel_loop3A_837 = arith.mulf %parallel_loop3A_836, %parallel_loop3A_825 : vector<16xf32>
          %parallel_loop3A_838 = arith.addf %parallel_loop3A_835, %parallel_loop3A_837 : vector<16xf32>
          %parallel_loop3A_839 = arith.constant 256 : i32
          %parallel_loop3A_840 = arith.muli %parallel_loop3A_379, %parallel_loop3A_839 : i32
          %parallel_loop3A_841 = arith.constant 160 : i32
          %parallel_loop3A_842 = arith.addi %parallel_loop3A_840, %parallel_loop3A_841 : i32
          %parallel_loop3A_843 = arith.index_cast %parallel_loop3A_842 : i32 to index
          %parallel_loop3A_844 = tpu.vector_load %arg14[%parallel_loop3A_843] {strides = array<i32>} : memref<3584xf32, #tpu.memory_space<vmem>>, vector<16xf32>,
          %parallel_loop3A_845 = vector.shape_cast %parallel_loop3A_844 : vector<16xf32> to vector<16xf32>
          %parallel_loop3A_846 = vector.shape_cast %parallel_loop3A_838 : vector<16xf32> to vector<16xf32>
          tpu.vector_store %arg14[%parallel_loop3A_843], %parallel_loop3A_846 {strides = array<i32>} : memref<3584xf32, #tpu.memory_space<vmem>>, vector<16xf32>,
          %parallel_loop3A_847 = vector.broadcast %parallel_loop3A_386 : f32 to vector<16xf32>
          %parallel_loop3A_848 = arith.mulf %parallel_loop3A_847, %parallel_loop3A_799 : vector<16xf32>
          %parallel_loop3A_849 = vector.broadcast %parallel_loop3A_393 : f32 to vector<16xf32>
          %parallel_loop3A_850 = arith.mulf %parallel_loop3A_849, %parallel_loop3A_807 : vector<16xf32>
          %parallel_loop3A_851 = arith.addf %parallel_loop3A_848, %parallel_loop3A_850 : vector<16xf32>
          %parallel_loop3A_852 = vector.broadcast %parallel_loop3A_400 : f32 to vector<16xf32>
          %parallel_loop3A_853 = arith.mulf %parallel_loop3A_852, %parallel_loop3A_817 : vector<16xf32>
          %parallel_loop3A_854 = arith.addf %parallel_loop3A_851, %parallel_loop3A_853 : vector<16xf32>
          %parallel_loop3A_855 = vector.broadcast %parallel_loop3A_407 : f32 to vector<16xf32>
          %parallel_loop3A_856 = arith.mulf %parallel_loop3A_855, %parallel_loop3A_827 : vector<16xf32>
          %parallel_loop3A_857 = arith.addf %parallel_loop3A_854, %parallel_loop3A_856 : vector<16xf32>
          %parallel_loop3A_858 = arith.constant 256 : i32
          %parallel_loop3A_859 = arith.muli %parallel_loop3A_379, %parallel_loop3A_858 : i32
          %parallel_loop3A_860 = arith.constant 160 : i32
          %parallel_loop3A_861 = arith.addi %parallel_loop3A_859, %parallel_loop3A_860 : i32
          %parallel_loop3A_862 = arith.constant 16 : i32
          %parallel_loop3A_863 = arith.addi %parallel_loop3A_861, %parallel_loop3A_862 : i32
          %parallel_loop3A_864 = arith.index_cast %parallel_loop3A_863 : i32 to index
          %parallel_loop3A_865 = tpu.vector_load %arg14[%parallel_loop3A_864] {strides = array<i32>} : memref<3584xf32, #tpu.memory_space<vmem>>, vector<16xf32>,
          %parallel_loop3A_866 = vector.shape_cast %parallel_loop3A_865 : vector<16xf32> to vector<16xf32>
          %parallel_loop3A_867 = vector.shape_cast %parallel_loop3A_857 : vector<16xf32> to vector<16xf32>
          tpu.vector_store %arg14[%parallel_loop3A_864], %parallel_loop3A_867 {strides = array<i32>} : memref<3584xf32, #tpu.memory_space<vmem>>, vector<16xf32>,
          %parallel_loop3A_868 = arith.index_cast %parallel_loop3A_379 : i32 to index
          %parallel_loop3A_869 = arith.constant 96 : index
          %parallel_loop3A_870 = tpu.vector_load %arg12[%parallel_loop3A_868, %parallel_loop3A_869] {strides = array<i32>} : memref<32x256xi32, #tpu.memory_space<vmem>>, vector<1x16xi32>,
          %parallel_loop3A_871 = vector.shape_cast %parallel_loop3A_870 : vector<1x16xi32> to vector<16xi32>
          %parallel_loop3A_872 = arith.shli %parallel_loop3A_871, %parallel_loop3A_409 : vector<16xi32>
          %parallel_loop3A_873 = tpu.bitcast %parallel_loop3A_872 : vector<16xi32> -> vector<16xf32>
          %parallel_loop3A_874 = arith.andi %parallel_loop3A_871, %parallel_loop3A_411 : vector<16xi32>
          %parallel_loop3A_875 = tpu.bitcast %parallel_loop3A_874 : vector<16xi32> -> vector<16xf32>
          %parallel_loop3A_876 = arith.index_cast %parallel_loop3A_379 : i32 to index
          %parallel_loop3A_877 = arith.constant 224 : index
          %parallel_loop3A_878 = tpu.vector_load %arg12[%parallel_loop3A_876, %parallel_loop3A_877] {strides = array<i32>} : memref<32x256xi32, #tpu.memory_space<vmem>>, vector<1x16xi32>,
          %parallel_loop3A_879 = vector.shape_cast %parallel_loop3A_878 : vector<1x16xi32> to vector<16xi32>
          %parallel_loop3A_880 = arith.shli %parallel_loop3A_879, %parallel_loop3A_409 : vector<16xi32>
          %parallel_loop3A_881 = tpu.bitcast %parallel_loop3A_880 : vector<16xi32> -> vector<16xf32>
          %parallel_loop3A_882 = arith.andi %parallel_loop3A_879, %parallel_loop3A_411 : vector<16xi32>
          %parallel_loop3A_883 = tpu.bitcast %parallel_loop3A_882 : vector<16xi32> -> vector<16xf32>
          %parallel_loop3A_884 = arith.constant 16 : i32
          %parallel_loop3A_885 = arith.addi %parallel_loop3A_884, %parallel_loop3A_379 : i32
          %parallel_loop3A_886 = arith.index_cast %parallel_loop3A_885 : i32 to index
          %parallel_loop3A_887 = arith.constant 96 : index
          %parallel_loop3A_888 = tpu.vector_load %arg12[%parallel_loop3A_886, %parallel_loop3A_887] {strides = array<i32>} : memref<32x256xi32, #tpu.memory_space<vmem>>, vector<1x16xi32>,
          %parallel_loop3A_889 = vector.shape_cast %parallel_loop3A_888 : vector<1x16xi32> to vector<16xi32>
          %parallel_loop3A_890 = arith.shli %parallel_loop3A_889, %parallel_loop3A_409 : vector<16xi32>
          %parallel_loop3A_891 = tpu.bitcast %parallel_loop3A_890 : vector<16xi32> -> vector<16xf32>
          %parallel_loop3A_892 = arith.andi %parallel_loop3A_889, %parallel_loop3A_411 : vector<16xi32>
          %parallel_loop3A_893 = tpu.bitcast %parallel_loop3A_892 : vector<16xi32> -> vector<16xf32>
          %parallel_loop3A_894 = arith.constant 16 : i32
          %parallel_loop3A_895 = arith.addi %parallel_loop3A_894, %parallel_loop3A_379 : i32
          %parallel_loop3A_896 = arith.index_cast %parallel_loop3A_895 : i32 to index
          %parallel_loop3A_897 = arith.constant 224 : index
          %parallel_loop3A_898 = tpu.vector_load %arg12[%parallel_loop3A_896, %parallel_loop3A_897] {strides = array<i32>} : memref<32x256xi32, #tpu.memory_space<vmem>>, vector<1x16xi32>,
          %parallel_loop3A_899 = vector.shape_cast %parallel_loop3A_898 : vector<1x16xi32> to vector<16xi32>
          %parallel_loop3A_900 = arith.shli %parallel_loop3A_899, %parallel_loop3A_409 : vector<16xi32>
          %parallel_loop3A_901 = tpu.bitcast %parallel_loop3A_900 : vector<16xi32> -> vector<16xf32>
          %parallel_loop3A_902 = arith.andi %parallel_loop3A_899, %parallel_loop3A_411 : vector<16xi32>
          %parallel_loop3A_903 = tpu.bitcast %parallel_loop3A_902 : vector<16xi32> -> vector<16xf32>
          %parallel_loop3A_904 = vector.broadcast %parallel_loop3A_386 : f32 to vector<16xf32>
          %parallel_loop3A_905 = arith.mulf %parallel_loop3A_904, %parallel_loop3A_873 : vector<16xf32>
          %parallel_loop3A_906 = vector.broadcast %parallel_loop3A_393 : f32 to vector<16xf32>
          %parallel_loop3A_907 = arith.mulf %parallel_loop3A_906, %parallel_loop3A_881 : vector<16xf32>
          %parallel_loop3A_908 = arith.addf %parallel_loop3A_905, %parallel_loop3A_907 : vector<16xf32>
          %parallel_loop3A_909 = vector.broadcast %parallel_loop3A_400 : f32 to vector<16xf32>
          %parallel_loop3A_910 = arith.mulf %parallel_loop3A_909, %parallel_loop3A_891 : vector<16xf32>
          %parallel_loop3A_911 = arith.addf %parallel_loop3A_908, %parallel_loop3A_910 : vector<16xf32>
          %parallel_loop3A_912 = vector.broadcast %parallel_loop3A_407 : f32 to vector<16xf32>
          %parallel_loop3A_913 = arith.mulf %parallel_loop3A_912, %parallel_loop3A_901 : vector<16xf32>
          %parallel_loop3A_914 = arith.addf %parallel_loop3A_911, %parallel_loop3A_913 : vector<16xf32>
          %parallel_loop3A_915 = arith.constant 256 : i32
          %parallel_loop3A_916 = arith.muli %parallel_loop3A_379, %parallel_loop3A_915 : i32
          %parallel_loop3A_917 = arith.constant 192 : i32
          %parallel_loop3A_918 = arith.addi %parallel_loop3A_916, %parallel_loop3A_917 : i32
          %parallel_loop3A_919 = arith.index_cast %parallel_loop3A_918 : i32 to index
          %parallel_loop3A_920 = tpu.vector_load %arg14[%parallel_loop3A_919] {strides = array<i32>} : memref<3584xf32, #tpu.memory_space<vmem>>, vector<16xf32>,
          %parallel_loop3A_921 = vector.shape_cast %parallel_loop3A_920 : vector<16xf32> to vector<16xf32>
          %parallel_loop3A_922 = vector.shape_cast %parallel_loop3A_914 : vector<16xf32> to vector<16xf32>
          tpu.vector_store %arg14[%parallel_loop3A_919], %parallel_loop3A_922 {strides = array<i32>} : memref<3584xf32, #tpu.memory_space<vmem>>, vector<16xf32>,
          %parallel_loop3A_923 = vector.broadcast %parallel_loop3A_386 : f32 to vector<16xf32>
          %parallel_loop3A_924 = arith.mulf %parallel_loop3A_923, %parallel_loop3A_875 : vector<16xf32>
          %parallel_loop3A_925 = vector.broadcast %parallel_loop3A_393 : f32 to vector<16xf32>
          %parallel_loop3A_926 = arith.mulf %parallel_loop3A_925, %parallel_loop3A_883 : vector<16xf32>
          %parallel_loop3A_927 = arith.addf %parallel_loop3A_924, %parallel_loop3A_926 : vector<16xf32>
          %parallel_loop3A_928 = vector.broadcast %parallel_loop3A_400 : f32 to vector<16xf32>
          %parallel_loop3A_929 = arith.mulf %parallel_loop3A_928, %parallel_loop3A_893 : vector<16xf32>
          %parallel_loop3A_930 = arith.addf %parallel_loop3A_927, %parallel_loop3A_929 : vector<16xf32>
          %parallel_loop3A_931 = vector.broadcast %parallel_loop3A_407 : f32 to vector<16xf32>
          %parallel_loop3A_932 = arith.mulf %parallel_loop3A_931, %parallel_loop3A_903 : vector<16xf32>
          %parallel_loop3A_933 = arith.addf %parallel_loop3A_930, %parallel_loop3A_932 : vector<16xf32>
          %parallel_loop3A_934 = arith.constant 256 : i32
          %parallel_loop3A_935 = arith.muli %parallel_loop3A_379, %parallel_loop3A_934 : i32
          %parallel_loop3A_936 = arith.constant 192 : i32
          %parallel_loop3A_937 = arith.addi %parallel_loop3A_935, %parallel_loop3A_936 : i32
          %parallel_loop3A_938 = arith.constant 16 : i32
          %parallel_loop3A_939 = arith.addi %parallel_loop3A_937, %parallel_loop3A_938 : i32
          %parallel_loop3A_940 = arith.index_cast %parallel_loop3A_939 : i32 to index
          %parallel_loop3A_941 = tpu.vector_load %arg14[%parallel_loop3A_940] {strides = array<i32>} : memref<3584xf32, #tpu.memory_space<vmem>>, vector<16xf32>,
          %parallel_loop3A_942 = vector.shape_cast %parallel_loop3A_941 : vector<16xf32> to vector<16xf32>
          %parallel_loop3A_943 = vector.shape_cast %parallel_loop3A_933 : vector<16xf32> to vector<16xf32>
          tpu.vector_store %arg14[%parallel_loop3A_940], %parallel_loop3A_943 {strides = array<i32>} : memref<3584xf32, #tpu.memory_space<vmem>>, vector<16xf32>,
          %parallel_loop3A_944 = arith.index_cast %parallel_loop3A_379 : i32 to index
          %parallel_loop3A_945 = arith.constant 112 : index
          %parallel_loop3A_946 = tpu.vector_load %arg12[%parallel_loop3A_944, %parallel_loop3A_945] {strides = array<i32>} : memref<32x256xi32, #tpu.memory_space<vmem>>, vector<1x16xi32>,
          %parallel_loop3A_947 = vector.shape_cast %parallel_loop3A_946 : vector<1x16xi32> to vector<16xi32>
          %parallel_loop3A_948 = arith.shli %parallel_loop3A_947, %parallel_loop3A_409 : vector<16xi32>
          %parallel_loop3A_949 = tpu.bitcast %parallel_loop3A_948 : vector<16xi32> -> vector<16xf32>
          %parallel_loop3A_950 = arith.andi %parallel_loop3A_947, %parallel_loop3A_411 : vector<16xi32>
          %parallel_loop3A_951 = tpu.bitcast %parallel_loop3A_950 : vector<16xi32> -> vector<16xf32>
          %parallel_loop3A_952 = arith.index_cast %parallel_loop3A_379 : i32 to index
          %parallel_loop3A_953 = arith.constant 240 : index
          %parallel_loop3A_954 = tpu.vector_load %arg12[%parallel_loop3A_952, %parallel_loop3A_953] {strides = array<i32>} : memref<32x256xi32, #tpu.memory_space<vmem>>, vector<1x16xi32>,
          %parallel_loop3A_955 = vector.shape_cast %parallel_loop3A_954 : vector<1x16xi32> to vector<16xi32>
          %parallel_loop3A_956 = arith.shli %parallel_loop3A_955, %parallel_loop3A_409 : vector<16xi32>
          %parallel_loop3A_957 = tpu.bitcast %parallel_loop3A_956 : vector<16xi32> -> vector<16xf32>
          %parallel_loop3A_958 = arith.andi %parallel_loop3A_955, %parallel_loop3A_411 : vector<16xi32>
          %parallel_loop3A_959 = tpu.bitcast %parallel_loop3A_958 : vector<16xi32> -> vector<16xf32>
          %parallel_loop3A_960 = arith.constant 16 : i32
          %parallel_loop3A_961 = arith.addi %parallel_loop3A_960, %parallel_loop3A_379 : i32
          %parallel_loop3A_962 = arith.index_cast %parallel_loop3A_961 : i32 to index
          %parallel_loop3A_963 = arith.constant 112 : index
          %parallel_loop3A_964 = tpu.vector_load %arg12[%parallel_loop3A_962, %parallel_loop3A_963] {strides = array<i32>} : memref<32x256xi32, #tpu.memory_space<vmem>>, vector<1x16xi32>,
          %parallel_loop3A_965 = vector.shape_cast %parallel_loop3A_964 : vector<1x16xi32> to vector<16xi32>
          %parallel_loop3A_966 = arith.shli %parallel_loop3A_965, %parallel_loop3A_409 : vector<16xi32>
          %parallel_loop3A_967 = tpu.bitcast %parallel_loop3A_966 : vector<16xi32> -> vector<16xf32>
          %parallel_loop3A_968 = arith.andi %parallel_loop3A_965, %parallel_loop3A_411 : vector<16xi32>
          %parallel_loop3A_969 = tpu.bitcast %parallel_loop3A_968 : vector<16xi32> -> vector<16xf32>
          %parallel_loop3A_970 = arith.constant 16 : i32
          %parallel_loop3A_971 = arith.addi %parallel_loop3A_970, %parallel_loop3A_379 : i32
          %parallel_loop3A_972 = arith.index_cast %parallel_loop3A_971 : i32 to index
          %parallel_loop3A_973 = arith.constant 240 : index
          %parallel_loop3A_974 = tpu.vector_load %arg12[%parallel_loop3A_972, %parallel_loop3A_973] {strides = array<i32>} : memref<32x256xi32, #tpu.memory_space<vmem>>, vector<1x16xi32>,
          %parallel_loop3A_975 = vector.shape_cast %parallel_loop3A_974 : vector<1x16xi32> to vector<16xi32>
          %parallel_loop3A_976 = arith.shli %parallel_loop3A_975, %parallel_loop3A_409 : vector<16xi32>
          %parallel_loop3A_977 = tpu.bitcast %parallel_loop3A_976 : vector<16xi32> -> vector<16xf32>
          %parallel_loop3A_978 = arith.andi %parallel_loop3A_975, %parallel_loop3A_411 : vector<16xi32>
          %parallel_loop3A_979 = tpu.bitcast %parallel_loop3A_978 : vector<16xi32> -> vector<16xf32>
          %parallel_loop3A_980 = vector.broadcast %parallel_loop3A_386 : f32 to vector<16xf32>
          %parallel_loop3A_981 = arith.mulf %parallel_loop3A_980, %parallel_loop3A_949 : vector<16xf32>
          %parallel_loop3A_982 = vector.broadcast %parallel_loop3A_393 : f32 to vector<16xf32>
          %parallel_loop3A_983 = arith.mulf %parallel_loop3A_982, %parallel_loop3A_957 : vector<16xf32>
          %parallel_loop3A_984 = arith.addf %parallel_loop3A_981, %parallel_loop3A_983 : vector<16xf32>
          %parallel_loop3A_985 = vector.broadcast %parallel_loop3A_400 : f32 to vector<16xf32>
          %parallel_loop3A_986 = arith.mulf %parallel_loop3A_985, %parallel_loop3A_967 : vector<16xf32>
          %parallel_loop3A_987 = arith.addf %parallel_loop3A_984, %parallel_loop3A_986 : vector<16xf32>
          %parallel_loop3A_988 = vector.broadcast %parallel_loop3A_407 : f32 to vector<16xf32>
          %parallel_loop3A_989 = arith.mulf %parallel_loop3A_988, %parallel_loop3A_977 : vector<16xf32>
          %parallel_loop3A_990 = arith.addf %parallel_loop3A_987, %parallel_loop3A_989 : vector<16xf32>
          %parallel_loop3A_991 = arith.constant 256 : i32
          %parallel_loop3A_992 = arith.muli %parallel_loop3A_379, %parallel_loop3A_991 : i32
          %parallel_loop3A_993 = arith.constant 224 : i32
          %parallel_loop3A_994 = arith.addi %parallel_loop3A_992, %parallel_loop3A_993 : i32
          %parallel_loop3A_995 = arith.index_cast %parallel_loop3A_994 : i32 to index
          %parallel_loop3A_996 = tpu.vector_load %arg14[%parallel_loop3A_995] {strides = array<i32>} : memref<3584xf32, #tpu.memory_space<vmem>>, vector<16xf32>,
          %parallel_loop3A_997 = vector.shape_cast %parallel_loop3A_996 : vector<16xf32> to vector<16xf32>
          %parallel_loop3A_998 = vector.shape_cast %parallel_loop3A_990 : vector<16xf32> to vector<16xf32>
          tpu.vector_store %arg14[%parallel_loop3A_995], %parallel_loop3A_998 {strides = array<i32>} : memref<3584xf32, #tpu.memory_space<vmem>>, vector<16xf32>,
          %parallel_loop3A_999 = vector.broadcast %parallel_loop3A_386 : f32 to vector<16xf32>
          %parallel_loop3A_1000 = arith.mulf %parallel_loop3A_999, %parallel_loop3A_951 : vector<16xf32>
          %parallel_loop3A_1001 = vector.broadcast %parallel_loop3A_393 : f32 to vector<16xf32>
          %parallel_loop3A_1002 = arith.mulf %parallel_loop3A_1001, %parallel_loop3A_959 : vector<16xf32>
          %parallel_loop3A_1003 = arith.addf %parallel_loop3A_1000, %parallel_loop3A_1002 : vector<16xf32>
          %parallel_loop3A_1004 = vector.broadcast %parallel_loop3A_400 : f32 to vector<16xf32>
          %parallel_loop3A_1005 = arith.mulf %parallel_loop3A_1004, %parallel_loop3A_969 : vector<16xf32>
          %parallel_loop3A_1006 = arith.addf %parallel_loop3A_1003, %parallel_loop3A_1005 : vector<16xf32>
          %parallel_loop3A_1007 = vector.broadcast %parallel_loop3A_407 : f32 to vector<16xf32>
          %parallel_loop3A_1008 = arith.mulf %parallel_loop3A_1007, %parallel_loop3A_979 : vector<16xf32>
          %parallel_loop3A_1009 = arith.addf %parallel_loop3A_1006, %parallel_loop3A_1008 : vector<16xf32>
          %parallel_loop3A_1010 = arith.constant 256 : i32
          %parallel_loop3A_1011 = arith.muli %parallel_loop3A_379, %parallel_loop3A_1010 : i32
          %parallel_loop3A_1012 = arith.constant 224 : i32
          %parallel_loop3A_1013 = arith.addi %parallel_loop3A_1011, %parallel_loop3A_1012 : i32
          %parallel_loop3A_1014 = arith.constant 16 : i32
          %parallel_loop3A_1015 = arith.addi %parallel_loop3A_1013, %parallel_loop3A_1014 : i32
          %parallel_loop3A_1016 = arith.index_cast %parallel_loop3A_1015 : i32 to index
          %parallel_loop3A_1017 = tpu.vector_load %arg14[%parallel_loop3A_1016] {strides = array<i32>} : memref<3584xf32, #tpu.memory_space<vmem>>, vector<16xf32>,
          %parallel_loop3A_1018 = vector.shape_cast %parallel_loop3A_1017 : vector<16xf32> to vector<16xf32>
          %parallel_loop3A_1019 = vector.shape_cast %parallel_loop3A_1009 : vector<16xf32> to vector<16xf32>
          tpu.vector_store %arg14[%parallel_loop3A_1016], %parallel_loop3A_1019 {strides = array<i32>} : memref<3584xf32, #tpu.memory_space<vmem>>, vector<16xf32>,
        } {sc.loop_unroll_factor = 2 : i64, sc.parallel_access}
        %mul3A_312 = arith.constant 3584 : i32
        %mul3A_313 = arith.muli %mul3A_267, %mul3A_312 : i32
        %add3A_314 = arith.addi %mul3A_16, %mul3A_313 : i32
        %dma_start3A_315 = tpu.memref_slice %arg4[%add3A_314] : memref<25690112xf32, #tpu.memory_space<hbm>> -> memref<3584xf32, #tpu.memory_space<hbm>>
        %dma_start3A_316 = tpu.memref_slice %arg4[%add3A_314] : memref<25690112xf32, #tpu.memory_space<hbm>> -> memref<3584xf32, #tpu.memory_space<hbm>>
        tpu.enqueue_dma source(%arg14 : memref<3584xf32, #tpu.memory_space<vmem>>) target(%dma_start3A_316 : memref<3584xf32, #tpu.memory_space<hbm>>) target_semaphore(%arg18 : memref<!tpu.dma_semaphore, #tpu.memory_space<semaphore_mem>>)
        %lt3A = arith.constant 6 : i32
        %lt3A_317 = arith.cmpi slt, %scan3A_230, %lt3A : i32
        %convert_element_type3A_318 = arith.extui %lt3A_317 : i1 to i32
        %cond3A_319 = arith.constant 0 : i32
        %cond3A_320 = arith.cmpi ne, %convert_element_type3A_318, %cond3A_319 : i32
        scf.if %cond3A_320 {
          %mul3A_379 = arith.constant 2 : i32
          %mul3A_380 = arith.muli %mul3A_379, %scan3A_230 : i32
          %add3A_381 = arith.constant 2 : i32
          %add3A_382 = arith.addi %mul3A_380, %add3A_381 : i32
          %get3A_383 = arith.index_cast %add3A_382 : i32 to index
          %get3A_384 = tpu.vector_load %arg6[%get3A_383] {strides = array<i32>} : memref<32xi32, #tpu.memory_space<vmem>>, vector<16xi32>,
          %get3A_385 = vector.shape_cast %get3A_384 : vector<16xi32> to vector<16xi32>
          %slice3A_386 = vector.extract_strided_slice %get3A_385 {offsets = [0], sizes = [1], strides = [1]} : vector<16xi32> to vector<1xi32>
          %squeeze3A_387 = vector.extract %slice3A_386[0] : i32 from vector<1xi32>
          %mul3A_388 = arith.constant 56 : i32
          %mul3A_389 = arith.muli %squeeze3A_387, %mul3A_388 : i32
          %add3A_390 = arith.addi %mul3A_14, %mul3A_389 : i32
          %add3A_391 = vector.broadcast %add3A_390 : i32 to vector<16xi32>
          %add3A_392 = arith.addi %add3A_391, %min3A_146 : vector<16xi32>
          %swap3A_393 = arith.constant 0 : index
          %swap3A_394 = tpu.vector_load %arg10[%swap3A_393] {strides = array<i32>} : memref<32xi32, #tpu.memory_space<vmem>>, vector<16xi32>,
          %swap3A_395 = vector.shape_cast %swap3A_394 : vector<16xi32> to vector<16xi32>
          %swap3A_396 = vector.shape_cast %add3A_392 : vector<16xi32> to vector<16xi32>
          tpu.vector_store %arg10[%swap3A_393], %swap3A_396 {strides = array<i32>} : memref<32xi32, #tpu.memory_space<vmem>>, vector<16xi32>,
          %add3A_397 = arith.constant 56 : i32
          %add3A_398 = vector.broadcast %add3A_397 : i32 to vector<16xi32>
          %add3A_399 = arith.addi %add3A_392, %add3A_398 : vector<16xi32>
          %swap3A_400 = arith.constant 16 : index
          %swap3A_401 = tpu.vector_load %arg10[%swap3A_400] {strides = array<i32>} : memref<32xi32, #tpu.memory_space<vmem>>, vector<16xi32>,
          %swap3A_402 = vector.shape_cast %swap3A_401 : vector<16xi32> to vector<16xi32>
          %swap3A_403 = vector.shape_cast %add3A_399 : vector<16xi32> to vector<16xi32>
          tpu.vector_store %arg10[%swap3A_400], %swap3A_403 {strides = array<i32>} : memref<32xi32, #tpu.memory_space<vmem>>, vector<16xi32>,
          %dma_start3A_404 = arith.constant 0 : i32
          %dma_start3A_405 = arith.constant 0 : i32
          %dma_start3A_406 = tpu.memref_slice %arg2[%dma_start3A_404, %dma_start3A_405] : memref<12544x256xi32, #tpu.memory_space<hbm>> -> memref<12544x256xi32, #tpu.memory_space<hbm>>
          tpu.enqueue_indirect_dma source(%dma_start3A_406 : memref<12544x256xi32, #tpu.memory_space<hbm>>) target(%arg12 : memref<32x256xi32, #tpu.memory_space<vmem>>) offsets(%arg10 : memref<32xi32, #tpu.memory_space<vmem>>) semaphore(%arg16 : memref<!tpu.dma_semaphore, #tpu.memory_space<semaphore_mem>>)
        } else {
        }
        %dma_wait3A_321 = arith.constant 0 : i32
        %dma_wait3A_322 = arith.constant 0 : i32
        %dma_wait3A_323 = tpu.memref_slice %arg2[%dma_wait3A_321, %dma_wait3A_322] : memref<12544x256xi32, #tpu.memory_space<hbm>> -> memref<12544x256xi32, #tpu.memory_space<hbm>>
        tpu.wait_indirect_dma semaphore(%arg17 : memref<!tpu.dma_semaphore, #tpu.memory_space<semaphore_mem>>) src(%dma_wait3A_323 : memref<12544x256xi32, #tpu.memory_space<hbm>>) dst(%arg13 : memref<32x256xi32, #tpu.memory_space<vmem>>)
        %gt3A_324 = arith.constant 0 : i32
        %gt3A_325 = arith.cmpi sgt, %scan3A_230, %gt3A_324 : i32
        %convert_element_type3A_326 = arith.extui %gt3A_325 : i1 to i32
        %cond3A_327 = arith.constant 0 : i32
        %cond3A_328 = arith.cmpi ne, %convert_element_type3A_326, %cond3A_327 : i32
        scf.if %cond3A_328 {
          %dma_wait3A_379 = arith.constant 0 : i32
          %dma_wait3A_380 = tpu.memref_slice %arg4[%dma_wait3A_379] : memref<25690112xf32, #tpu.memory_space<hbm>> -> memref<3584xf32, #tpu.memory_space<hbm>>
          %dma_wait3A_381 = arith.constant 0 : i32
          %dma_wait3A_382 = tpu.memref_slice %arg4[%dma_wait3A_381] : memref<25690112xf32, #tpu.memory_space<hbm>> -> memref<3584xf32, #tpu.memory_space<hbm>>
          tpu.wait_dma2 semaphore(%arg19 : memref<!tpu.dma_semaphore, #tpu.memory_space<semaphore_mem>>) src(%arg15 : memref<3584xf32, #tpu.memory_space<vmem>>) dst(%dma_wait3A_382 : memref<3584xf32, #tpu.memory_space<hbm>>)
        } else {
        }
        %get3A_329 = arith.index_cast %add3A_234 : i32 to index
        %get3A_330 = tpu.vector_load %arg7[%get3A_329] {strides = array<i32>} : memref<32xf32, #tpu.memory_space<vmem>>, vector<16xf32>,
        %get3A_331 = vector.shape_cast %get3A_330 : vector<16xf32> to vector<16xf32>
        %slice3A_332 = vector.extract_strided_slice %get3A_331 {offsets = [0], sizes = [1], strides = [1]} : vector<16xf32> to vector<1xf32>
        %squeeze3A_333 = vector.extract %slice3A_332[0] : f32 from vector<1xf32>
        %get3A_334 = arith.index_cast %add3A_234 : i32 to index
        %get3A_335 = tpu.vector_load %arg8[%get3A_334] {strides = array<i32>} : memref<32xf32, #tpu.memory_space<vmem>>, vector<16xf32>,
        %get3A_336 = vector.shape_cast %get3A_335 : vector<16xf32> to vector<16xf32>
        %slice3A_337 = vector.extract_strided_slice %get3A_336 {offsets = [0], sizes = [1], strides = [1]} : vector<16xf32> to vector<1xf32>
        %squeeze3A_338 = vector.extract %slice3A_337[0] : f32 from vector<1xf32>
        %mul3A_339 = vector.broadcast %squeeze3A_333 : f32 to vector<16xf32>
        %mul3A_340 = arith.mulf %mul3A_339, %mul3A_181 : vector<16xf32>
        %swap3A_341 = arith.constant 0 : i32
        %swap3A_342 = arith.index_cast %swap3A_341 : i32 to index
        %swap3A_343 = arith.constant 0 : index
        %swap3A_344 = tpu.vector_load %arg9[%swap3A_342, %swap3A_343] {strides = array<i32>} : memref<4x32xf32, #tpu.memory_space<vmem>>, vector<1x16xf32>,
        %swap3A_345 = vector.shape_cast %swap3A_344 : vector<1x16xf32> to vector<16xf32>
        %swap3A_346 = vector.shape_cast %mul3A_340 : vector<16xf32> to vector<1x16xf32>
        tpu.vector_store %arg9[%swap3A_342, %swap3A_343], %swap3A_346 {strides = array<i32>} : memref<4x32xf32, #tpu.memory_space<vmem>>, vector<1x16xf32>,
        %mul3A_347 = vector.broadcast %squeeze3A_333 : f32 to vector<16xf32>
        %mul3A_348 = arith.mulf %mul3A_347, %mul3A_182 : vector<16xf32>
        %swap3A_349 = arith.constant 1 : i32
        %swap3A_350 = arith.index_cast %swap3A_349 : i32 to index
        %swap3A_351 = arith.constant 0 : index
        %swap3A_352 = tpu.vector_load %arg9[%swap3A_350, %swap3A_351] {strides = array<i32>} : memref<4x32xf32, #tpu.memory_space<vmem>>, vector<1x16xf32>,
        %swap3A_353 = vector.shape_cast %swap3A_352 : vector<1x16xf32> to vector<16xf32>
        %swap3A_354 = vector.shape_cast %mul3A_348 : vector<16xf32> to vector<1x16xf32>
        tpu.vector_store %arg9[%swap3A_350, %swap3A_351], %swap3A_354 {strides = array<i32>} : memref<4x32xf32, #tpu.memory_space<vmem>>, vector<1x16xf32>,
        %mul3A_355 = vector.broadcast %squeeze3A_338 : f32 to vector<16xf32>
        %mul3A_356 = arith.mulf %mul3A_355, %mul3A_181 : vector<16xf32>
        %swap3A_357 = arith.constant 2 : i32
        %swap3A_358 = arith.index_cast %swap3A_357 : i32 to index
        %swap3A_359 = arith.constant 0 : index
        %swap3A_360 = tpu.vector_load %arg9[%swap3A_358, %swap3A_359] {strides = array<i32>} : memref<4x32xf32, #tpu.memory_space<vmem>>, vector<1x16xf32>,
        %swap3A_361 = vector.shape_cast %swap3A_360 : vector<1x16xf32> to vector<16xf32>
        %swap3A_362 = vector.shape_cast %mul3A_356 : vector<16xf32> to vector<1x16xf32>
        tpu.vector_store %arg9[%swap3A_358, %swap3A_359], %swap3A_362 {strides = array<i32>} : memref<4x32xf32, #tpu.memory_space<vmem>>, vector<1x16xf32>,
        %mul3A_363 = vector.broadcast %squeeze3A_338 : f32 to vector<16xf32>
        %mul3A_364 = arith.mulf %mul3A_363, %mul3A_182 : vector<16xf32>
        %swap3A_365 = arith.constant 3 : i32
        %swap3A_366 = arith.index_cast %swap3A_365 : i32 to index
        %swap3A_367 = arith.constant 0 : index
        %swap3A_368 = tpu.vector_load %arg9[%swap3A_366, %swap3A_367] {strides = array<i32>} : memref<4x32xf32, #tpu.memory_space<vmem>>, vector<1x16xf32>,
        %swap3A_369 = vector.shape_cast %swap3A_368 : vector<1x16xf32> to vector<16xf32>
        %swap3A_370 = vector.shape_cast %mul3A_364 : vector<16xf32> to vector<1x16xf32>
        tpu.vector_store %arg9[%swap3A_366, %swap3A_367], %swap3A_370 {strides = array<i32>} : memref<4x32xf32, #tpu.memory_space<vmem>>, vector<1x16xf32>,
        %parallel_loop3A_371 = arith.constant 0 : i32
        %parallel_loop3A_372 = arith.constant 14 : i32
        %parallel_loop3A_373 = arith.constant 1 : i32
        scf.for %parallel_loop3A_379 = %parallel_loop3A_371 to %parallel_loop3A_372 step %parallel_loop3A_373  : i32 {
          %parallel_loop3A_380 = arith.constant 0 : i32
          %parallel_loop3A_381 = arith.index_cast %parallel_loop3A_380 : i32 to index
          %parallel_loop3A_382 = arith.index_cast %parallel_loop3A_379 : i32 to index
          %parallel_loop3A_383 = tpu.vector_load %arg9[%parallel_loop3A_381, %parallel_loop3A_382] {strides = array<i32>} : memref<4x32xf32, #tpu.memory_space<vmem>>, vector<1x16xf32>,
          %parallel_loop3A_384 = vector.shape_cast %parallel_loop3A_383 : vector<1x16xf32> to vector<16xf32>
          %parallel_loop3A_385 = vector.extract_strided_slice %parallel_loop3A_384 {offsets = [0], sizes = [1], strides = [1]} : vector<16xf32> to vector<1xf32>
          %parallel_loop3A_386 = vector.extract %parallel_loop3A_385[0] : f32 from vector<1xf32>
          %parallel_loop3A_387 = arith.constant 1 : i32
          %parallel_loop3A_388 = arith.index_cast %parallel_loop3A_387 : i32 to index
          %parallel_loop3A_389 = arith.index_cast %parallel_loop3A_379 : i32 to index
          %parallel_loop3A_390 = tpu.vector_load %arg9[%parallel_loop3A_388, %parallel_loop3A_389] {strides = array<i32>} : memref<4x32xf32, #tpu.memory_space<vmem>>, vector<1x16xf32>,
          %parallel_loop3A_391 = vector.shape_cast %parallel_loop3A_390 : vector<1x16xf32> to vector<16xf32>
          %parallel_loop3A_392 = vector.extract_strided_slice %parallel_loop3A_391 {offsets = [0], sizes = [1], strides = [1]} : vector<16xf32> to vector<1xf32>
          %parallel_loop3A_393 = vector.extract %parallel_loop3A_392[0] : f32 from vector<1xf32>
          %parallel_loop3A_394 = arith.constant 2 : i32
          %parallel_loop3A_395 = arith.index_cast %parallel_loop3A_394 : i32 to index
          %parallel_loop3A_396 = arith.index_cast %parallel_loop3A_379 : i32 to index
          %parallel_loop3A_397 = tpu.vector_load %arg9[%parallel_loop3A_395, %parallel_loop3A_396] {strides = array<i32>} : memref<4x32xf32, #tpu.memory_space<vmem>>, vector<1x16xf32>,
          %parallel_loop3A_398 = vector.shape_cast %parallel_loop3A_397 : vector<1x16xf32> to vector<16xf32>
          %parallel_loop3A_399 = vector.extract_strided_slice %parallel_loop3A_398 {offsets = [0], sizes = [1], strides = [1]} : vector<16xf32> to vector<1xf32>
          %parallel_loop3A_400 = vector.extract %parallel_loop3A_399[0] : f32 from vector<1xf32>
          %parallel_loop3A_401 = arith.constant 3 : i32
          %parallel_loop3A_402 = arith.index_cast %parallel_loop3A_401 : i32 to index
          %parallel_loop3A_403 = arith.index_cast %parallel_loop3A_379 : i32 to index
          %parallel_loop3A_404 = tpu.vector_load %arg9[%parallel_loop3A_402, %parallel_loop3A_403] {strides = array<i32>} : memref<4x32xf32, #tpu.memory_space<vmem>>, vector<1x16xf32>,
          %parallel_loop3A_405 = vector.shape_cast %parallel_loop3A_404 : vector<1x16xf32> to vector<16xf32>
          %parallel_loop3A_406 = vector.extract_strided_slice %parallel_loop3A_405 {offsets = [0], sizes = [1], strides = [1]} : vector<16xf32> to vector<1xf32>
          %parallel_loop3A_407 = vector.extract %parallel_loop3A_406[0] : f32 from vector<1xf32>
          %parallel_loop3A_408 = arith.constant 16 : i32
          %parallel_loop3A_409 = vector.broadcast %parallel_loop3A_408 : i32 to vector<16xi32>
          %parallel_loop3A_410 = arith.constant -65536 : i32
          %parallel_loop3A_411 = vector.broadcast %parallel_loop3A_410 : i32 to vector<16xi32>
          %parallel_loop3A_412 = arith.index_cast %parallel_loop3A_379 : i32 to index
          %parallel_loop3A_413 = arith.constant 0 : index
          %parallel_loop3A_414 = tpu.vector_load %arg13[%parallel_loop3A_412, %parallel_loop3A_413] {strides = array<i32>} : memref<32x256xi32, #tpu.memory_space<vmem>>, vector<1x16xi32>,
          %parallel_loop3A_415 = vector.shape_cast %parallel_loop3A_414 : vector<1x16xi32> to vector<16xi32>
          %parallel_loop3A_416 = arith.shli %parallel_loop3A_415, %parallel_loop3A_409 : vector<16xi32>
          %parallel_loop3A_417 = tpu.bitcast %parallel_loop3A_416 : vector<16xi32> -> vector<16xf32>
          %parallel_loop3A_418 = arith.andi %parallel_loop3A_415, %parallel_loop3A_411 : vector<16xi32>
          %parallel_loop3A_419 = tpu.bitcast %parallel_loop3A_418 : vector<16xi32> -> vector<16xf32>
          %parallel_loop3A_420 = arith.index_cast %parallel_loop3A_379 : i32 to index
          %parallel_loop3A_421 = arith.constant 128 : index
          %parallel_loop3A_422 = tpu.vector_load %arg13[%parallel_loop3A_420, %parallel_loop3A_421] {strides = array<i32>} : memref<32x256xi32, #tpu.memory_space<vmem>>, vector<1x16xi32>,
          %parallel_loop3A_423 = vector.shape_cast %parallel_loop3A_422 : vector<1x16xi32> to vector<16xi32>
          %parallel_loop3A_424 = arith.shli %parallel_loop3A_423, %parallel_loop3A_409 : vector<16xi32>
          %parallel_loop3A_425 = tpu.bitcast %parallel_loop3A_424 : vector<16xi32> -> vector<16xf32>
          %parallel_loop3A_426 = arith.andi %parallel_loop3A_423, %parallel_loop3A_411 : vector<16xi32>
          %parallel_loop3A_427 = tpu.bitcast %parallel_loop3A_426 : vector<16xi32> -> vector<16xf32>
          %parallel_loop3A_428 = arith.constant 16 : i32
          %parallel_loop3A_429 = arith.addi %parallel_loop3A_428, %parallel_loop3A_379 : i32
          %parallel_loop3A_430 = arith.index_cast %parallel_loop3A_429 : i32 to index
          %parallel_loop3A_431 = arith.constant 0 : index
          %parallel_loop3A_432 = tpu.vector_load %arg13[%parallel_loop3A_430, %parallel_loop3A_431] {strides = array<i32>} : memref<32x256xi32, #tpu.memory_space<vmem>>, vector<1x16xi32>,
          %parallel_loop3A_433 = vector.shape_cast %parallel_loop3A_432 : vector<1x16xi32> to vector<16xi32>
          %parallel_loop3A_434 = arith.shli %parallel_loop3A_433, %parallel_loop3A_409 : vector<16xi32>
          %parallel_loop3A_435 = tpu.bitcast %parallel_loop3A_434 : vector<16xi32> -> vector<16xf32>
          %parallel_loop3A_436 = arith.andi %parallel_loop3A_433, %parallel_loop3A_411 : vector<16xi32>
          %parallel_loop3A_437 = tpu.bitcast %parallel_loop3A_436 : vector<16xi32> -> vector<16xf32>
          %parallel_loop3A_438 = arith.constant 16 : i32
          %parallel_loop3A_439 = arith.addi %parallel_loop3A_438, %parallel_loop3A_379 : i32
          %parallel_loop3A_440 = arith.index_cast %parallel_loop3A_439 : i32 to index
          %parallel_loop3A_441 = arith.constant 128 : index
          %parallel_loop3A_442 = tpu.vector_load %arg13[%parallel_loop3A_440, %parallel_loop3A_441] {strides = array<i32>} : memref<32x256xi32, #tpu.memory_space<vmem>>, vector<1x16xi32>,
          %parallel_loop3A_443 = vector.shape_cast %parallel_loop3A_442 : vector<1x16xi32> to vector<16xi32>
          %parallel_loop3A_444 = arith.shli %parallel_loop3A_443, %parallel_loop3A_409 : vector<16xi32>
          %parallel_loop3A_445 = tpu.bitcast %parallel_loop3A_444 : vector<16xi32> -> vector<16xf32>
          %parallel_loop3A_446 = arith.andi %parallel_loop3A_443, %parallel_loop3A_411 : vector<16xi32>
          %parallel_loop3A_447 = tpu.bitcast %parallel_loop3A_446 : vector<16xi32> -> vector<16xf32>
          %parallel_loop3A_448 = vector.broadcast %parallel_loop3A_386 : f32 to vector<16xf32>
          %parallel_loop3A_449 = arith.mulf %parallel_loop3A_448, %parallel_loop3A_417 : vector<16xf32>
          %parallel_loop3A_450 = vector.broadcast %parallel_loop3A_393 : f32 to vector<16xf32>
          %parallel_loop3A_451 = arith.mulf %parallel_loop3A_450, %parallel_loop3A_425 : vector<16xf32>
          %parallel_loop3A_452 = arith.addf %parallel_loop3A_449, %parallel_loop3A_451 : vector<16xf32>
          %parallel_loop3A_453 = vector.broadcast %parallel_loop3A_400 : f32 to vector<16xf32>
          %parallel_loop3A_454 = arith.mulf %parallel_loop3A_453, %parallel_loop3A_435 : vector<16xf32>
          %parallel_loop3A_455 = arith.addf %parallel_loop3A_452, %parallel_loop3A_454 : vector<16xf32>
          %parallel_loop3A_456 = vector.broadcast %parallel_loop3A_407 : f32 to vector<16xf32>
          %parallel_loop3A_457 = arith.mulf %parallel_loop3A_456, %parallel_loop3A_445 : vector<16xf32>
          %parallel_loop3A_458 = arith.addf %parallel_loop3A_455, %parallel_loop3A_457 : vector<16xf32>
          %parallel_loop3A_459 = arith.constant 256 : i32
          %parallel_loop3A_460 = arith.muli %parallel_loop3A_379, %parallel_loop3A_459 : i32
          %parallel_loop3A_461 = arith.constant 0 : i32
          %parallel_loop3A_462 = arith.addi %parallel_loop3A_460, %parallel_loop3A_461 : i32
          %parallel_loop3A_463 = arith.index_cast %parallel_loop3A_462 : i32 to index
          %parallel_loop3A_464 = tpu.vector_load %arg15[%parallel_loop3A_463] {strides = array<i32>} : memref<3584xf32, #tpu.memory_space<vmem>>, vector<16xf32>,
          %parallel_loop3A_465 = vector.shape_cast %parallel_loop3A_464 : vector<16xf32> to vector<16xf32>
          %parallel_loop3A_466 = vector.shape_cast %parallel_loop3A_458 : vector<16xf32> to vector<16xf32>
          tpu.vector_store %arg15[%parallel_loop3A_463], %parallel_loop3A_466 {strides = array<i32>} : memref<3584xf32, #tpu.memory_space<vmem>>, vector<16xf32>,
          %parallel_loop3A_467 = vector.broadcast %parallel_loop3A_386 : f32 to vector<16xf32>
          %parallel_loop3A_468 = arith.mulf %parallel_loop3A_467, %parallel_loop3A_419 : vector<16xf32>
          %parallel_loop3A_469 = vector.broadcast %parallel_loop3A_393 : f32 to vector<16xf32>
          %parallel_loop3A_470 = arith.mulf %parallel_loop3A_469, %parallel_loop3A_427 : vector<16xf32>
          %parallel_loop3A_471 = arith.addf %parallel_loop3A_468, %parallel_loop3A_470 : vector<16xf32>
          %parallel_loop3A_472 = vector.broadcast %parallel_loop3A_400 : f32 to vector<16xf32>
          %parallel_loop3A_473 = arith.mulf %parallel_loop3A_472, %parallel_loop3A_437 : vector<16xf32>
          %parallel_loop3A_474 = arith.addf %parallel_loop3A_471, %parallel_loop3A_473 : vector<16xf32>
          %parallel_loop3A_475 = vector.broadcast %parallel_loop3A_407 : f32 to vector<16xf32>
          %parallel_loop3A_476 = arith.mulf %parallel_loop3A_475, %parallel_loop3A_447 : vector<16xf32>
          %parallel_loop3A_477 = arith.addf %parallel_loop3A_474, %parallel_loop3A_476 : vector<16xf32>
          %parallel_loop3A_478 = arith.constant 256 : i32
          %parallel_loop3A_479 = arith.muli %parallel_loop3A_379, %parallel_loop3A_478 : i32
          %parallel_loop3A_480 = arith.constant 0 : i32
          %parallel_loop3A_481 = arith.addi %parallel_loop3A_479, %parallel_loop3A_480 : i32
          %parallel_loop3A_482 = arith.constant 16 : i32
          %parallel_loop3A_483 = arith.addi %parallel_loop3A_481, %parallel_loop3A_482 : i32
          %parallel_loop3A_484 = arith.index_cast %parallel_loop3A_483 : i32 to index
          %parallel_loop3A_485 = tpu.vector_load %arg15[%parallel_loop3A_484] {strides = array<i32>} : memref<3584xf32, #tpu.memory_space<vmem>>, vector<16xf32>,
          %parallel_loop3A_486 = vector.shape_cast %parallel_loop3A_485 : vector<16xf32> to vector<16xf32>
          %parallel_loop3A_487 = vector.shape_cast %parallel_loop3A_477 : vector<16xf32> to vector<16xf32>
          tpu.vector_store %arg15[%parallel_loop3A_484], %parallel_loop3A_487 {strides = array<i32>} : memref<3584xf32, #tpu.memory_space<vmem>>, vector<16xf32>,
          %parallel_loop3A_488 = arith.index_cast %parallel_loop3A_379 : i32 to index
          %parallel_loop3A_489 = arith.constant 16 : index
          %parallel_loop3A_490 = tpu.vector_load %arg13[%parallel_loop3A_488, %parallel_loop3A_489] {strides = array<i32>} : memref<32x256xi32, #tpu.memory_space<vmem>>, vector<1x16xi32>,
          %parallel_loop3A_491 = vector.shape_cast %parallel_loop3A_490 : vector<1x16xi32> to vector<16xi32>
          %parallel_loop3A_492 = arith.shli %parallel_loop3A_491, %parallel_loop3A_409 : vector<16xi32>
          %parallel_loop3A_493 = tpu.bitcast %parallel_loop3A_492 : vector<16xi32> -> vector<16xf32>
          %parallel_loop3A_494 = arith.andi %parallel_loop3A_491, %parallel_loop3A_411 : vector<16xi32>
          %parallel_loop3A_495 = tpu.bitcast %parallel_loop3A_494 : vector<16xi32> -> vector<16xf32>
          %parallel_loop3A_496 = arith.index_cast %parallel_loop3A_379 : i32 to index
          %parallel_loop3A_497 = arith.constant 144 : index
          %parallel_loop3A_498 = tpu.vector_load %arg13[%parallel_loop3A_496, %parallel_loop3A_497] {strides = array<i32>} : memref<32x256xi32, #tpu.memory_space<vmem>>, vector<1x16xi32>,
          %parallel_loop3A_499 = vector.shape_cast %parallel_loop3A_498 : vector<1x16xi32> to vector<16xi32>
          %parallel_loop3A_500 = arith.shli %parallel_loop3A_499, %parallel_loop3A_409 : vector<16xi32>
          %parallel_loop3A_501 = tpu.bitcast %parallel_loop3A_500 : vector<16xi32> -> vector<16xf32>
          %parallel_loop3A_502 = arith.andi %parallel_loop3A_499, %parallel_loop3A_411 : vector<16xi32>
          %parallel_loop3A_503 = tpu.bitcast %parallel_loop3A_502 : vector<16xi32> -> vector<16xf32>
          %parallel_loop3A_504 = arith.constant 16 : i32
          %parallel_loop3A_505 = arith.addi %parallel_loop3A_504, %parallel_loop3A_379 : i32
          %parallel_loop3A_506 = arith.index_cast %parallel_loop3A_505 : i32 to index
          %parallel_loop3A_507 = arith.constant 16 : index
          %parallel_loop3A_508 = tpu.vector_load %arg13[%parallel_loop3A_506, %parallel_loop3A_507] {strides = array<i32>} : memref<32x256xi32, #tpu.memory_space<vmem>>, vector<1x16xi32>,
          %parallel_loop3A_509 = vector.shape_cast %parallel_loop3A_508 : vector<1x16xi32> to vector<16xi32>
          %parallel_loop3A_510 = arith.shli %parallel_loop3A_509, %parallel_loop3A_409 : vector<16xi32>
          %parallel_loop3A_511 = tpu.bitcast %parallel_loop3A_510 : vector<16xi32> -> vector<16xf32>
          %parallel_loop3A_512 = arith.andi %parallel_loop3A_509, %parallel_loop3A_411 : vector<16xi32>
          %parallel_loop3A_513 = tpu.bitcast %parallel_loop3A_512 : vector<16xi32> -> vector<16xf32>
          %parallel_loop3A_514 = arith.constant 16 : i32
          %parallel_loop3A_515 = arith.addi %parallel_loop3A_514, %parallel_loop3A_379 : i32
          %parallel_loop3A_516 = arith.index_cast %parallel_loop3A_515 : i32 to index
          %parallel_loop3A_517 = arith.constant 144 : index
          %parallel_loop3A_518 = tpu.vector_load %arg13[%parallel_loop3A_516, %parallel_loop3A_517] {strides = array<i32>} : memref<32x256xi32, #tpu.memory_space<vmem>>, vector<1x16xi32>,
          %parallel_loop3A_519 = vector.shape_cast %parallel_loop3A_518 : vector<1x16xi32> to vector<16xi32>
          %parallel_loop3A_520 = arith.shli %parallel_loop3A_519, %parallel_loop3A_409 : vector<16xi32>
          %parallel_loop3A_521 = tpu.bitcast %parallel_loop3A_520 : vector<16xi32> -> vector<16xf32>
          %parallel_loop3A_522 = arith.andi %parallel_loop3A_519, %parallel_loop3A_411 : vector<16xi32>
          %parallel_loop3A_523 = tpu.bitcast %parallel_loop3A_522 : vector<16xi32> -> vector<16xf32>
          %parallel_loop3A_524 = vector.broadcast %parallel_loop3A_386 : f32 to vector<16xf32>
          %parallel_loop3A_525 = arith.mulf %parallel_loop3A_524, %parallel_loop3A_493 : vector<16xf32>
          %parallel_loop3A_526 = vector.broadcast %parallel_loop3A_393 : f32 to vector<16xf32>
          %parallel_loop3A_527 = arith.mulf %parallel_loop3A_526, %parallel_loop3A_501 : vector<16xf32>
          %parallel_loop3A_528 = arith.addf %parallel_loop3A_525, %parallel_loop3A_527 : vector<16xf32>
          %parallel_loop3A_529 = vector.broadcast %parallel_loop3A_400 : f32 to vector<16xf32>
          %parallel_loop3A_530 = arith.mulf %parallel_loop3A_529, %parallel_loop3A_511 : vector<16xf32>
          %parallel_loop3A_531 = arith.addf %parallel_loop3A_528, %parallel_loop3A_530 : vector<16xf32>
          %parallel_loop3A_532 = vector.broadcast %parallel_loop3A_407 : f32 to vector<16xf32>
          %parallel_loop3A_533 = arith.mulf %parallel_loop3A_532, %parallel_loop3A_521 : vector<16xf32>
          %parallel_loop3A_534 = arith.addf %parallel_loop3A_531, %parallel_loop3A_533 : vector<16xf32>
          %parallel_loop3A_535 = arith.constant 256 : i32
          %parallel_loop3A_536 = arith.muli %parallel_loop3A_379, %parallel_loop3A_535 : i32
          %parallel_loop3A_537 = arith.constant 32 : i32
          %parallel_loop3A_538 = arith.addi %parallel_loop3A_536, %parallel_loop3A_537 : i32
          %parallel_loop3A_539 = arith.index_cast %parallel_loop3A_538 : i32 to index
          %parallel_loop3A_540 = tpu.vector_load %arg15[%parallel_loop3A_539] {strides = array<i32>} : memref<3584xf32, #tpu.memory_space<vmem>>, vector<16xf32>,
          %parallel_loop3A_541 = vector.shape_cast %parallel_loop3A_540 : vector<16xf32> to vector<16xf32>
          %parallel_loop3A_542 = vector.shape_cast %parallel_loop3A_534 : vector<16xf32> to vector<16xf32>
          tpu.vector_store %arg15[%parallel_loop3A_539], %parallel_loop3A_542 {strides = array<i32>} : memref<3584xf32, #tpu.memory_space<vmem>>, vector<16xf32>,
          %parallel_loop3A_543 = vector.broadcast %parallel_loop3A_386 : f32 to vector<16xf32>
          %parallel_loop3A_544 = arith.mulf %parallel_loop3A_543, %parallel_loop3A_495 : vector<16xf32>
          %parallel_loop3A_545 = vector.broadcast %parallel_loop3A_393 : f32 to vector<16xf32>
          %parallel_loop3A_546 = arith.mulf %parallel_loop3A_545, %parallel_loop3A_503 : vector<16xf32>
          %parallel_loop3A_547 = arith.addf %parallel_loop3A_544, %parallel_loop3A_546 : vector<16xf32>
          %parallel_loop3A_548 = vector.broadcast %parallel_loop3A_400 : f32 to vector<16xf32>
          %parallel_loop3A_549 = arith.mulf %parallel_loop3A_548, %parallel_loop3A_513 : vector<16xf32>
          %parallel_loop3A_550 = arith.addf %parallel_loop3A_547, %parallel_loop3A_549 : vector<16xf32>
          %parallel_loop3A_551 = vector.broadcast %parallel_loop3A_407 : f32 to vector<16xf32>
          %parallel_loop3A_552 = arith.mulf %parallel_loop3A_551, %parallel_loop3A_523 : vector<16xf32>
          %parallel_loop3A_553 = arith.addf %parallel_loop3A_550, %parallel_loop3A_552 : vector<16xf32>
          %parallel_loop3A_554 = arith.constant 256 : i32
          %parallel_loop3A_555 = arith.muli %parallel_loop3A_379, %parallel_loop3A_554 : i32
          %parallel_loop3A_556 = arith.constant 32 : i32
          %parallel_loop3A_557 = arith.addi %parallel_loop3A_555, %parallel_loop3A_556 : i32
          %parallel_loop3A_558 = arith.constant 16 : i32
          %parallel_loop3A_559 = arith.addi %parallel_loop3A_557, %parallel_loop3A_558 : i32
          %parallel_loop3A_560 = arith.index_cast %parallel_loop3A_559 : i32 to index
          %parallel_loop3A_561 = tpu.vector_load %arg15[%parallel_loop3A_560] {strides = array<i32>} : memref<3584xf32, #tpu.memory_space<vmem>>, vector<16xf32>,
          %parallel_loop3A_562 = vector.shape_cast %parallel_loop3A_561 : vector<16xf32> to vector<16xf32>
          %parallel_loop3A_563 = vector.shape_cast %parallel_loop3A_553 : vector<16xf32> to vector<16xf32>
          tpu.vector_store %arg15[%parallel_loop3A_560], %parallel_loop3A_563 {strides = array<i32>} : memref<3584xf32, #tpu.memory_space<vmem>>, vector<16xf32>,
          %parallel_loop3A_564 = arith.index_cast %parallel_loop3A_379 : i32 to index
          %parallel_loop3A_565 = arith.constant 32 : index
          %parallel_loop3A_566 = tpu.vector_load %arg13[%parallel_loop3A_564, %parallel_loop3A_565] {strides = array<i32>} : memref<32x256xi32, #tpu.memory_space<vmem>>, vector<1x16xi32>,
          %parallel_loop3A_567 = vector.shape_cast %parallel_loop3A_566 : vector<1x16xi32> to vector<16xi32>
          %parallel_loop3A_568 = arith.shli %parallel_loop3A_567, %parallel_loop3A_409 : vector<16xi32>
          %parallel_loop3A_569 = tpu.bitcast %parallel_loop3A_568 : vector<16xi32> -> vector<16xf32>
          %parallel_loop3A_570 = arith.andi %parallel_loop3A_567, %parallel_loop3A_411 : vector<16xi32>
          %parallel_loop3A_571 = tpu.bitcast %parallel_loop3A_570 : vector<16xi32> -> vector<16xf32>
          %parallel_loop3A_572 = arith.index_cast %parallel_loop3A_379 : i32 to index
          %parallel_loop3A_573 = arith.constant 160 : index
          %parallel_loop3A_574 = tpu.vector_load %arg13[%parallel_loop3A_572, %parallel_loop3A_573] {strides = array<i32>} : memref<32x256xi32, #tpu.memory_space<vmem>>, vector<1x16xi32>,
          %parallel_loop3A_575 = vector.shape_cast %parallel_loop3A_574 : vector<1x16xi32> to vector<16xi32>
          %parallel_loop3A_576 = arith.shli %parallel_loop3A_575, %parallel_loop3A_409 : vector<16xi32>
          %parallel_loop3A_577 = tpu.bitcast %parallel_loop3A_576 : vector<16xi32> -> vector<16xf32>
          %parallel_loop3A_578 = arith.andi %parallel_loop3A_575, %parallel_loop3A_411 : vector<16xi32>
          %parallel_loop3A_579 = tpu.bitcast %parallel_loop3A_578 : vector<16xi32> -> vector<16xf32>
          %parallel_loop3A_580 = arith.constant 16 : i32
          %parallel_loop3A_581 = arith.addi %parallel_loop3A_580, %parallel_loop3A_379 : i32
          %parallel_loop3A_582 = arith.index_cast %parallel_loop3A_581 : i32 to index
          %parallel_loop3A_583 = arith.constant 32 : index
          %parallel_loop3A_584 = tpu.vector_load %arg13[%parallel_loop3A_582, %parallel_loop3A_583] {strides = array<i32>} : memref<32x256xi32, #tpu.memory_space<vmem>>, vector<1x16xi32>,
          %parallel_loop3A_585 = vector.shape_cast %parallel_loop3A_584 : vector<1x16xi32> to vector<16xi32>
          %parallel_loop3A_586 = arith.shli %parallel_loop3A_585, %parallel_loop3A_409 : vector<16xi32>
          %parallel_loop3A_587 = tpu.bitcast %parallel_loop3A_586 : vector<16xi32> -> vector<16xf32>
          %parallel_loop3A_588 = arith.andi %parallel_loop3A_585, %parallel_loop3A_411 : vector<16xi32>
          %parallel_loop3A_589 = tpu.bitcast %parallel_loop3A_588 : vector<16xi32> -> vector<16xf32>
          %parallel_loop3A_590 = arith.constant 16 : i32
          %parallel_loop3A_591 = arith.addi %parallel_loop3A_590, %parallel_loop3A_379 : i32
          %parallel_loop3A_592 = arith.index_cast %parallel_loop3A_591 : i32 to index
          %parallel_loop3A_593 = arith.constant 160 : index
          %parallel_loop3A_594 = tpu.vector_load %arg13[%parallel_loop3A_592, %parallel_loop3A_593] {strides = array<i32>} : memref<32x256xi32, #tpu.memory_space<vmem>>, vector<1x16xi32>,
          %parallel_loop3A_595 = vector.shape_cast %parallel_loop3A_594 : vector<1x16xi32> to vector<16xi32>
          %parallel_loop3A_596 = arith.shli %parallel_loop3A_595, %parallel_loop3A_409 : vector<16xi32>
          %parallel_loop3A_597 = tpu.bitcast %parallel_loop3A_596 : vector<16xi32> -> vector<16xf32>
          %parallel_loop3A_598 = arith.andi %parallel_loop3A_595, %parallel_loop3A_411 : vector<16xi32>
          %parallel_loop3A_599 = tpu.bitcast %parallel_loop3A_598 : vector<16xi32> -> vector<16xf32>
          %parallel_loop3A_600 = vector.broadcast %parallel_loop3A_386 : f32 to vector<16xf32>
          %parallel_loop3A_601 = arith.mulf %parallel_loop3A_600, %parallel_loop3A_569 : vector<16xf32>
          %parallel_loop3A_602 = vector.broadcast %parallel_loop3A_393 : f32 to vector<16xf32>
          %parallel_loop3A_603 = arith.mulf %parallel_loop3A_602, %parallel_loop3A_577 : vector<16xf32>
          %parallel_loop3A_604 = arith.addf %parallel_loop3A_601, %parallel_loop3A_603 : vector<16xf32>
          %parallel_loop3A_605 = vector.broadcast %parallel_loop3A_400 : f32 to vector<16xf32>
          %parallel_loop3A_606 = arith.mulf %parallel_loop3A_605, %parallel_loop3A_587 : vector<16xf32>
          %parallel_loop3A_607 = arith.addf %parallel_loop3A_604, %parallel_loop3A_606 : vector<16xf32>
          %parallel_loop3A_608 = vector.broadcast %parallel_loop3A_407 : f32 to vector<16xf32>
          %parallel_loop3A_609 = arith.mulf %parallel_loop3A_608, %parallel_loop3A_597 : vector<16xf32>
          %parallel_loop3A_610 = arith.addf %parallel_loop3A_607, %parallel_loop3A_609 : vector<16xf32>
          %parallel_loop3A_611 = arith.constant 256 : i32
          %parallel_loop3A_612 = arith.muli %parallel_loop3A_379, %parallel_loop3A_611 : i32
          %parallel_loop3A_613 = arith.constant 64 : i32
          %parallel_loop3A_614 = arith.addi %parallel_loop3A_612, %parallel_loop3A_613 : i32
          %parallel_loop3A_615 = arith.index_cast %parallel_loop3A_614 : i32 to index
          %parallel_loop3A_616 = tpu.vector_load %arg15[%parallel_loop3A_615] {strides = array<i32>} : memref<3584xf32, #tpu.memory_space<vmem>>, vector<16xf32>,
          %parallel_loop3A_617 = vector.shape_cast %parallel_loop3A_616 : vector<16xf32> to vector<16xf32>
          %parallel_loop3A_618 = vector.shape_cast %parallel_loop3A_610 : vector<16xf32> to vector<16xf32>
          tpu.vector_store %arg15[%parallel_loop3A_615], %parallel_loop3A_618 {strides = array<i32>} : memref<3584xf32, #tpu.memory_space<vmem>>, vector<16xf32>,
          %parallel_loop3A_619 = vector.broadcast %parallel_loop3A_386 : f32 to vector<16xf32>
          %parallel_loop3A_620 = arith.mulf %parallel_loop3A_619, %parallel_loop3A_571 : vector<16xf32>
          %parallel_loop3A_621 = vector.broadcast %parallel_loop3A_393 : f32 to vector<16xf32>
          %parallel_loop3A_622 = arith.mulf %parallel_loop3A_621, %parallel_loop3A_579 : vector<16xf32>
          %parallel_loop3A_623 = arith.addf %parallel_loop3A_620, %parallel_loop3A_622 : vector<16xf32>
          %parallel_loop3A_624 = vector.broadcast %parallel_loop3A_400 : f32 to vector<16xf32>
          %parallel_loop3A_625 = arith.mulf %parallel_loop3A_624, %parallel_loop3A_589 : vector<16xf32>
          %parallel_loop3A_626 = arith.addf %parallel_loop3A_623, %parallel_loop3A_625 : vector<16xf32>
          %parallel_loop3A_627 = vector.broadcast %parallel_loop3A_407 : f32 to vector<16xf32>
          %parallel_loop3A_628 = arith.mulf %parallel_loop3A_627, %parallel_loop3A_599 : vector<16xf32>
          %parallel_loop3A_629 = arith.addf %parallel_loop3A_626, %parallel_loop3A_628 : vector<16xf32>
          %parallel_loop3A_630 = arith.constant 256 : i32
          %parallel_loop3A_631 = arith.muli %parallel_loop3A_379, %parallel_loop3A_630 : i32
          %parallel_loop3A_632 = arith.constant 64 : i32
          %parallel_loop3A_633 = arith.addi %parallel_loop3A_631, %parallel_loop3A_632 : i32
          %parallel_loop3A_634 = arith.constant 16 : i32
          %parallel_loop3A_635 = arith.addi %parallel_loop3A_633, %parallel_loop3A_634 : i32
          %parallel_loop3A_636 = arith.index_cast %parallel_loop3A_635 : i32 to index
          %parallel_loop3A_637 = tpu.vector_load %arg15[%parallel_loop3A_636] {strides = array<i32>} : memref<3584xf32, #tpu.memory_space<vmem>>, vector<16xf32>,
          %parallel_loop3A_638 = vector.shape_cast %parallel_loop3A_637 : vector<16xf32> to vector<16xf32>
          %parallel_loop3A_639 = vector.shape_cast %parallel_loop3A_629 : vector<16xf32> to vector<16xf32>
          tpu.vector_store %arg15[%parallel_loop3A_636], %parallel_loop3A_639 {strides = array<i32>} : memref<3584xf32, #tpu.memory_space<vmem>>, vector<16xf32>,
          %parallel_loop3A_640 = arith.index_cast %parallel_loop3A_379 : i32 to index
          %parallel_loop3A_641 = arith.constant 48 : index
          %parallel_loop3A_642 = tpu.vector_load %arg13[%parallel_loop3A_640, %parallel_loop3A_641] {strides = array<i32>} : memref<32x256xi32, #tpu.memory_space<vmem>>, vector<1x16xi32>,
          %parallel_loop3A_643 = vector.shape_cast %parallel_loop3A_642 : vector<1x16xi32> to vector<16xi32>
          %parallel_loop3A_644 = arith.shli %parallel_loop3A_643, %parallel_loop3A_409 : vector<16xi32>
          %parallel_loop3A_645 = tpu.bitcast %parallel_loop3A_644 : vector<16xi32> -> vector<16xf32>
          %parallel_loop3A_646 = arith.andi %parallel_loop3A_643, %parallel_loop3A_411 : vector<16xi32>
          %parallel_loop3A_647 = tpu.bitcast %parallel_loop3A_646 : vector<16xi32> -> vector<16xf32>
          %parallel_loop3A_648 = arith.index_cast %parallel_loop3A_379 : i32 to index
          %parallel_loop3A_649 = arith.constant 176 : index
          %parallel_loop3A_650 = tpu.vector_load %arg13[%parallel_loop3A_648, %parallel_loop3A_649] {strides = array<i32>} : memref<32x256xi32, #tpu.memory_space<vmem>>, vector<1x16xi32>,
          %parallel_loop3A_651 = vector.shape_cast %parallel_loop3A_650 : vector<1x16xi32> to vector<16xi32>
          %parallel_loop3A_652 = arith.shli %parallel_loop3A_651, %parallel_loop3A_409 : vector<16xi32>
          %parallel_loop3A_653 = tpu.bitcast %parallel_loop3A_652 : vector<16xi32> -> vector<16xf32>
          %parallel_loop3A_654 = arith.andi %parallel_loop3A_651, %parallel_loop3A_411 : vector<16xi32>
          %parallel_loop3A_655 = tpu.bitcast %parallel_loop3A_654 : vector<16xi32> -> vector<16xf32>
          %parallel_loop3A_656 = arith.constant 16 : i32
          %parallel_loop3A_657 = arith.addi %parallel_loop3A_656, %parallel_loop3A_379 : i32
          %parallel_loop3A_658 = arith.index_cast %parallel_loop3A_657 : i32 to index
          %parallel_loop3A_659 = arith.constant 48 : index
          %parallel_loop3A_660 = tpu.vector_load %arg13[%parallel_loop3A_658, %parallel_loop3A_659] {strides = array<i32>} : memref<32x256xi32, #tpu.memory_space<vmem>>, vector<1x16xi32>,
          %parallel_loop3A_661 = vector.shape_cast %parallel_loop3A_660 : vector<1x16xi32> to vector<16xi32>
          %parallel_loop3A_662 = arith.shli %parallel_loop3A_661, %parallel_loop3A_409 : vector<16xi32>
          %parallel_loop3A_663 = tpu.bitcast %parallel_loop3A_662 : vector<16xi32> -> vector<16xf32>
          %parallel_loop3A_664 = arith.andi %parallel_loop3A_661, %parallel_loop3A_411 : vector<16xi32>
          %parallel_loop3A_665 = tpu.bitcast %parallel_loop3A_664 : vector<16xi32> -> vector<16xf32>
          %parallel_loop3A_666 = arith.constant 16 : i32
          %parallel_loop3A_667 = arith.addi %parallel_loop3A_666, %parallel_loop3A_379 : i32
          %parallel_loop3A_668 = arith.index_cast %parallel_loop3A_667 : i32 to index
          %parallel_loop3A_669 = arith.constant 176 : index
          %parallel_loop3A_670 = tpu.vector_load %arg13[%parallel_loop3A_668, %parallel_loop3A_669] {strides = array<i32>} : memref<32x256xi32, #tpu.memory_space<vmem>>, vector<1x16xi32>,
          %parallel_loop3A_671 = vector.shape_cast %parallel_loop3A_670 : vector<1x16xi32> to vector<16xi32>
          %parallel_loop3A_672 = arith.shli %parallel_loop3A_671, %parallel_loop3A_409 : vector<16xi32>
          %parallel_loop3A_673 = tpu.bitcast %parallel_loop3A_672 : vector<16xi32> -> vector<16xf32>
          %parallel_loop3A_674 = arith.andi %parallel_loop3A_671, %parallel_loop3A_411 : vector<16xi32>
          %parallel_loop3A_675 = tpu.bitcast %parallel_loop3A_674 : vector<16xi32> -> vector<16xf32>
          %parallel_loop3A_676 = vector.broadcast %parallel_loop3A_386 : f32 to vector<16xf32>
          %parallel_loop3A_677 = arith.mulf %parallel_loop3A_676, %parallel_loop3A_645 : vector<16xf32>
          %parallel_loop3A_678 = vector.broadcast %parallel_loop3A_393 : f32 to vector<16xf32>
          %parallel_loop3A_679 = arith.mulf %parallel_loop3A_678, %parallel_loop3A_653 : vector<16xf32>
          %parallel_loop3A_680 = arith.addf %parallel_loop3A_677, %parallel_loop3A_679 : vector<16xf32>
          %parallel_loop3A_681 = vector.broadcast %parallel_loop3A_400 : f32 to vector<16xf32>
          %parallel_loop3A_682 = arith.mulf %parallel_loop3A_681, %parallel_loop3A_663 : vector<16xf32>
          %parallel_loop3A_683 = arith.addf %parallel_loop3A_680, %parallel_loop3A_682 : vector<16xf32>
          %parallel_loop3A_684 = vector.broadcast %parallel_loop3A_407 : f32 to vector<16xf32>
          %parallel_loop3A_685 = arith.mulf %parallel_loop3A_684, %parallel_loop3A_673 : vector<16xf32>
          %parallel_loop3A_686 = arith.addf %parallel_loop3A_683, %parallel_loop3A_685 : vector<16xf32>
          %parallel_loop3A_687 = arith.constant 256 : i32
          %parallel_loop3A_688 = arith.muli %parallel_loop3A_379, %parallel_loop3A_687 : i32
          %parallel_loop3A_689 = arith.constant 96 : i32
          %parallel_loop3A_690 = arith.addi %parallel_loop3A_688, %parallel_loop3A_689 : i32
          %parallel_loop3A_691 = arith.index_cast %parallel_loop3A_690 : i32 to index
          %parallel_loop3A_692 = tpu.vector_load %arg15[%parallel_loop3A_691] {strides = array<i32>} : memref<3584xf32, #tpu.memory_space<vmem>>, vector<16xf32>,
          %parallel_loop3A_693 = vector.shape_cast %parallel_loop3A_692 : vector<16xf32> to vector<16xf32>
          %parallel_loop3A_694 = vector.shape_cast %parallel_loop3A_686 : vector<16xf32> to vector<16xf32>
          tpu.vector_store %arg15[%parallel_loop3A_691], %parallel_loop3A_694 {strides = array<i32>} : memref<3584xf32, #tpu.memory_space<vmem>>, vector<16xf32>,
          %parallel_loop3A_695 = vector.broadcast %parallel_loop3A_386 : f32 to vector<16xf32>
          %parallel_loop3A_696 = arith.mulf %parallel_loop3A_695, %parallel_loop3A_647 : vector<16xf32>
          %parallel_loop3A_697 = vector.broadcast %parallel_loop3A_393 : f32 to vector<16xf32>
          %parallel_loop3A_698 = arith.mulf %parallel_loop3A_697, %parallel_loop3A_655 : vector<16xf32>
          %parallel_loop3A_699 = arith.addf %parallel_loop3A_696, %parallel_loop3A_698 : vector<16xf32>
          %parallel_loop3A_700 = vector.broadcast %parallel_loop3A_400 : f32 to vector<16xf32>
          %parallel_loop3A_701 = arith.mulf %parallel_loop3A_700, %parallel_loop3A_665 : vector<16xf32>
          %parallel_loop3A_702 = arith.addf %parallel_loop3A_699, %parallel_loop3A_701 : vector<16xf32>
          %parallel_loop3A_703 = vector.broadcast %parallel_loop3A_407 : f32 to vector<16xf32>
          %parallel_loop3A_704 = arith.mulf %parallel_loop3A_703, %parallel_loop3A_675 : vector<16xf32>
          %parallel_loop3A_705 = arith.addf %parallel_loop3A_702, %parallel_loop3A_704 : vector<16xf32>
          %parallel_loop3A_706 = arith.constant 256 : i32
          %parallel_loop3A_707 = arith.muli %parallel_loop3A_379, %parallel_loop3A_706 : i32
          %parallel_loop3A_708 = arith.constant 96 : i32
          %parallel_loop3A_709 = arith.addi %parallel_loop3A_707, %parallel_loop3A_708 : i32
          %parallel_loop3A_710 = arith.constant 16 : i32
          %parallel_loop3A_711 = arith.addi %parallel_loop3A_709, %parallel_loop3A_710 : i32
          %parallel_loop3A_712 = arith.index_cast %parallel_loop3A_711 : i32 to index
          %parallel_loop3A_713 = tpu.vector_load %arg15[%parallel_loop3A_712] {strides = array<i32>} : memref<3584xf32, #tpu.memory_space<vmem>>, vector<16xf32>,
          %parallel_loop3A_714 = vector.shape_cast %parallel_loop3A_713 : vector<16xf32> to vector<16xf32>
          %parallel_loop3A_715 = vector.shape_cast %parallel_loop3A_705 : vector<16xf32> to vector<16xf32>
          tpu.vector_store %arg15[%parallel_loop3A_712], %parallel_loop3A_715 {strides = array<i32>} : memref<3584xf32, #tpu.memory_space<vmem>>, vector<16xf32>,
          %parallel_loop3A_716 = arith.index_cast %parallel_loop3A_379 : i32 to index
          %parallel_loop3A_717 = arith.constant 64 : index
          %parallel_loop3A_718 = tpu.vector_load %arg13[%parallel_loop3A_716, %parallel_loop3A_717] {strides = array<i32>} : memref<32x256xi32, #tpu.memory_space<vmem>>, vector<1x16xi32>,
          %parallel_loop3A_719 = vector.shape_cast %parallel_loop3A_718 : vector<1x16xi32> to vector<16xi32>
          %parallel_loop3A_720 = arith.shli %parallel_loop3A_719, %parallel_loop3A_409 : vector<16xi32>
          %parallel_loop3A_721 = tpu.bitcast %parallel_loop3A_720 : vector<16xi32> -> vector<16xf32>
          %parallel_loop3A_722 = arith.andi %parallel_loop3A_719, %parallel_loop3A_411 : vector<16xi32>
          %parallel_loop3A_723 = tpu.bitcast %parallel_loop3A_722 : vector<16xi32> -> vector<16xf32>
          %parallel_loop3A_724 = arith.index_cast %parallel_loop3A_379 : i32 to index
          %parallel_loop3A_725 = arith.constant 192 : index
          %parallel_loop3A_726 = tpu.vector_load %arg13[%parallel_loop3A_724, %parallel_loop3A_725] {strides = array<i32>} : memref<32x256xi32, #tpu.memory_space<vmem>>, vector<1x16xi32>,
          %parallel_loop3A_727 = vector.shape_cast %parallel_loop3A_726 : vector<1x16xi32> to vector<16xi32>
          %parallel_loop3A_728 = arith.shli %parallel_loop3A_727, %parallel_loop3A_409 : vector<16xi32>
          %parallel_loop3A_729 = tpu.bitcast %parallel_loop3A_728 : vector<16xi32> -> vector<16xf32>
          %parallel_loop3A_730 = arith.andi %parallel_loop3A_727, %parallel_loop3A_411 : vector<16xi32>
          %parallel_loop3A_731 = tpu.bitcast %parallel_loop3A_730 : vector<16xi32> -> vector<16xf32>
          %parallel_loop3A_732 = arith.constant 16 : i32
          %parallel_loop3A_733 = arith.addi %parallel_loop3A_732, %parallel_loop3A_379 : i32
          %parallel_loop3A_734 = arith.index_cast %parallel_loop3A_733 : i32 to index
          %parallel_loop3A_735 = arith.constant 64 : index
          %parallel_loop3A_736 = tpu.vector_load %arg13[%parallel_loop3A_734, %parallel_loop3A_735] {strides = array<i32>} : memref<32x256xi32, #tpu.memory_space<vmem>>, vector<1x16xi32>,
          %parallel_loop3A_737 = vector.shape_cast %parallel_loop3A_736 : vector<1x16xi32> to vector<16xi32>
          %parallel_loop3A_738 = arith.shli %parallel_loop3A_737, %parallel_loop3A_409 : vector<16xi32>
          %parallel_loop3A_739 = tpu.bitcast %parallel_loop3A_738 : vector<16xi32> -> vector<16xf32>
          %parallel_loop3A_740 = arith.andi %parallel_loop3A_737, %parallel_loop3A_411 : vector<16xi32>
          %parallel_loop3A_741 = tpu.bitcast %parallel_loop3A_740 : vector<16xi32> -> vector<16xf32>
          %parallel_loop3A_742 = arith.constant 16 : i32
          %parallel_loop3A_743 = arith.addi %parallel_loop3A_742, %parallel_loop3A_379 : i32
          %parallel_loop3A_744 = arith.index_cast %parallel_loop3A_743 : i32 to index
          %parallel_loop3A_745 = arith.constant 192 : index
          %parallel_loop3A_746 = tpu.vector_load %arg13[%parallel_loop3A_744, %parallel_loop3A_745] {strides = array<i32>} : memref<32x256xi32, #tpu.memory_space<vmem>>, vector<1x16xi32>,
          %parallel_loop3A_747 = vector.shape_cast %parallel_loop3A_746 : vector<1x16xi32> to vector<16xi32>
          %parallel_loop3A_748 = arith.shli %parallel_loop3A_747, %parallel_loop3A_409 : vector<16xi32>
          %parallel_loop3A_749 = tpu.bitcast %parallel_loop3A_748 : vector<16xi32> -> vector<16xf32>
          %parallel_loop3A_750 = arith.andi %parallel_loop3A_747, %parallel_loop3A_411 : vector<16xi32>
          %parallel_loop3A_751 = tpu.bitcast %parallel_loop3A_750 : vector<16xi32> -> vector<16xf32>
          %parallel_loop3A_752 = vector.broadcast %parallel_loop3A_386 : f32 to vector<16xf32>
          %parallel_loop3A_753 = arith.mulf %parallel_loop3A_752, %parallel_loop3A_721 : vector<16xf32>
          %parallel_loop3A_754 = vector.broadcast %parallel_loop3A_393 : f32 to vector<16xf32>
          %parallel_loop3A_755 = arith.mulf %parallel_loop3A_754, %parallel_loop3A_729 : vector<16xf32>
          %parallel_loop3A_756 = arith.addf %parallel_loop3A_753, %parallel_loop3A_755 : vector<16xf32>
          %parallel_loop3A_757 = vector.broadcast %parallel_loop3A_400 : f32 to vector<16xf32>
          %parallel_loop3A_758 = arith.mulf %parallel_loop3A_757, %parallel_loop3A_739 : vector<16xf32>
          %parallel_loop3A_759 = arith.addf %parallel_loop3A_756, %parallel_loop3A_758 : vector<16xf32>
          %parallel_loop3A_760 = vector.broadcast %parallel_loop3A_407 : f32 to vector<16xf32>
          %parallel_loop3A_761 = arith.mulf %parallel_loop3A_760, %parallel_loop3A_749 : vector<16xf32>
          %parallel_loop3A_762 = arith.addf %parallel_loop3A_759, %parallel_loop3A_761 : vector<16xf32>
          %parallel_loop3A_763 = arith.constant 256 : i32
          %parallel_loop3A_764 = arith.muli %parallel_loop3A_379, %parallel_loop3A_763 : i32
          %parallel_loop3A_765 = arith.constant 128 : i32
          %parallel_loop3A_766 = arith.addi %parallel_loop3A_764, %parallel_loop3A_765 : i32
          %parallel_loop3A_767 = arith.index_cast %parallel_loop3A_766 : i32 to index
          %parallel_loop3A_768 = tpu.vector_load %arg15[%parallel_loop3A_767] {strides = array<i32>} : memref<3584xf32, #tpu.memory_space<vmem>>, vector<16xf32>,
          %parallel_loop3A_769 = vector.shape_cast %parallel_loop3A_768 : vector<16xf32> to vector<16xf32>
          %parallel_loop3A_770 = vector.shape_cast %parallel_loop3A_762 : vector<16xf32> to vector<16xf32>
          tpu.vector_store %arg15[%parallel_loop3A_767], %parallel_loop3A_770 {strides = array<i32>} : memref<3584xf32, #tpu.memory_space<vmem>>, vector<16xf32>,
          %parallel_loop3A_771 = vector.broadcast %parallel_loop3A_386 : f32 to vector<16xf32>
          %parallel_loop3A_772 = arith.mulf %parallel_loop3A_771, %parallel_loop3A_723 : vector<16xf32>
          %parallel_loop3A_773 = vector.broadcast %parallel_loop3A_393 : f32 to vector<16xf32>
          %parallel_loop3A_774 = arith.mulf %parallel_loop3A_773, %parallel_loop3A_731 : vector<16xf32>
          %parallel_loop3A_775 = arith.addf %parallel_loop3A_772, %parallel_loop3A_774 : vector<16xf32>
          %parallel_loop3A_776 = vector.broadcast %parallel_loop3A_400 : f32 to vector<16xf32>
          %parallel_loop3A_777 = arith.mulf %parallel_loop3A_776, %parallel_loop3A_741 : vector<16xf32>
          %parallel_loop3A_778 = arith.addf %parallel_loop3A_775, %parallel_loop3A_777 : vector<16xf32>
          %parallel_loop3A_779 = vector.broadcast %parallel_loop3A_407 : f32 to vector<16xf32>
          %parallel_loop3A_780 = arith.mulf %parallel_loop3A_779, %parallel_loop3A_751 : vector<16xf32>
          %parallel_loop3A_781 = arith.addf %parallel_loop3A_778, %parallel_loop3A_780 : vector<16xf32>
          %parallel_loop3A_782 = arith.constant 256 : i32
          %parallel_loop3A_783 = arith.muli %parallel_loop3A_379, %parallel_loop3A_782 : i32
          %parallel_loop3A_784 = arith.constant 128 : i32
          %parallel_loop3A_785 = arith.addi %parallel_loop3A_783, %parallel_loop3A_784 : i32
          %parallel_loop3A_786 = arith.constant 16 : i32
          %parallel_loop3A_787 = arith.addi %parallel_loop3A_785, %parallel_loop3A_786 : i32
          %parallel_loop3A_788 = arith.index_cast %parallel_loop3A_787 : i32 to index
          %parallel_loop3A_789 = tpu.vector_load %arg15[%parallel_loop3A_788] {strides = array<i32>} : memref<3584xf32, #tpu.memory_space<vmem>>, vector<16xf32>,
          %parallel_loop3A_790 = vector.shape_cast %parallel_loop3A_789 : vector<16xf32> to vector<16xf32>
          %parallel_loop3A_791 = vector.shape_cast %parallel_loop3A_781 : vector<16xf32> to vector<16xf32>
          tpu.vector_store %arg15[%parallel_loop3A_788], %parallel_loop3A_791 {strides = array<i32>} : memref<3584xf32, #tpu.memory_space<vmem>>, vector<16xf32>,
          %parallel_loop3A_792 = arith.index_cast %parallel_loop3A_379 : i32 to index
          %parallel_loop3A_793 = arith.constant 80 : index
          %parallel_loop3A_794 = tpu.vector_load %arg13[%parallel_loop3A_792, %parallel_loop3A_793] {strides = array<i32>} : memref<32x256xi32, #tpu.memory_space<vmem>>, vector<1x16xi32>,
          %parallel_loop3A_795 = vector.shape_cast %parallel_loop3A_794 : vector<1x16xi32> to vector<16xi32>
          %parallel_loop3A_796 = arith.shli %parallel_loop3A_795, %parallel_loop3A_409 : vector<16xi32>
          %parallel_loop3A_797 = tpu.bitcast %parallel_loop3A_796 : vector<16xi32> -> vector<16xf32>
          %parallel_loop3A_798 = arith.andi %parallel_loop3A_795, %parallel_loop3A_411 : vector<16xi32>
          %parallel_loop3A_799 = tpu.bitcast %parallel_loop3A_798 : vector<16xi32> -> vector<16xf32>
          %parallel_loop3A_800 = arith.index_cast %parallel_loop3A_379 : i32 to index
          %parallel_loop3A_801 = arith.constant 208 : index
          %parallel_loop3A_802 = tpu.vector_load %arg13[%parallel_loop3A_800, %parallel_loop3A_801] {strides = array<i32>} : memref<32x256xi32, #tpu.memory_space<vmem>>, vector<1x16xi32>,
          %parallel_loop3A_803 = vector.shape_cast %parallel_loop3A_802 : vector<1x16xi32> to vector<16xi32>
          %parallel_loop3A_804 = arith.shli %parallel_loop3A_803, %parallel_loop3A_409 : vector<16xi32>
          %parallel_loop3A_805 = tpu.bitcast %parallel_loop3A_804 : vector<16xi32> -> vector<16xf32>
          %parallel_loop3A_806 = arith.andi %parallel_loop3A_803, %parallel_loop3A_411 : vector<16xi32>
          %parallel_loop3A_807 = tpu.bitcast %parallel_loop3A_806 : vector<16xi32> -> vector<16xf32>
          %parallel_loop3A_808 = arith.constant 16 : i32
          %parallel_loop3A_809 = arith.addi %parallel_loop3A_808, %parallel_loop3A_379 : i32
          %parallel_loop3A_810 = arith.index_cast %parallel_loop3A_809 : i32 to index
          %parallel_loop3A_811 = arith.constant 80 : index
          %parallel_loop3A_812 = tpu.vector_load %arg13[%parallel_loop3A_810, %parallel_loop3A_811] {strides = array<i32>} : memref<32x256xi32, #tpu.memory_space<vmem>>, vector<1x16xi32>,
          %parallel_loop3A_813 = vector.shape_cast %parallel_loop3A_812 : vector<1x16xi32> to vector<16xi32>
          %parallel_loop3A_814 = arith.shli %parallel_loop3A_813, %parallel_loop3A_409 : vector<16xi32>
          %parallel_loop3A_815 = tpu.bitcast %parallel_loop3A_814 : vector<16xi32> -> vector<16xf32>
          %parallel_loop3A_816 = arith.andi %parallel_loop3A_813, %parallel_loop3A_411 : vector<16xi32>
          %parallel_loop3A_817 = tpu.bitcast %parallel_loop3A_816 : vector<16xi32> -> vector<16xf32>
          %parallel_loop3A_818 = arith.constant 16 : i32
          %parallel_loop3A_819 = arith.addi %parallel_loop3A_818, %parallel_loop3A_379 : i32
          %parallel_loop3A_820 = arith.index_cast %parallel_loop3A_819 : i32 to index
          %parallel_loop3A_821 = arith.constant 208 : index
          %parallel_loop3A_822 = tpu.vector_load %arg13[%parallel_loop3A_820, %parallel_loop3A_821] {strides = array<i32>} : memref<32x256xi32, #tpu.memory_space<vmem>>, vector<1x16xi32>,
          %parallel_loop3A_823 = vector.shape_cast %parallel_loop3A_822 : vector<1x16xi32> to vector<16xi32>
          %parallel_loop3A_824 = arith.shli %parallel_loop3A_823, %parallel_loop3A_409 : vector<16xi32>
          %parallel_loop3A_825 = tpu.bitcast %parallel_loop3A_824 : vector<16xi32> -> vector<16xf32>
          %parallel_loop3A_826 = arith.andi %parallel_loop3A_823, %parallel_loop3A_411 : vector<16xi32>
          %parallel_loop3A_827 = tpu.bitcast %parallel_loop3A_826 : vector<16xi32> -> vector<16xf32>
          %parallel_loop3A_828 = vector.broadcast %parallel_loop3A_386 : f32 to vector<16xf32>
          %parallel_loop3A_829 = arith.mulf %parallel_loop3A_828, %parallel_loop3A_797 : vector<16xf32>
          %parallel_loop3A_830 = vector.broadcast %parallel_loop3A_393 : f32 to vector<16xf32>
          %parallel_loop3A_831 = arith.mulf %parallel_loop3A_830, %parallel_loop3A_805 : vector<16xf32>
          %parallel_loop3A_832 = arith.addf %parallel_loop3A_829, %parallel_loop3A_831 : vector<16xf32>
          %parallel_loop3A_833 = vector.broadcast %parallel_loop3A_400 : f32 to vector<16xf32>
          %parallel_loop3A_834 = arith.mulf %parallel_loop3A_833, %parallel_loop3A_815 : vector<16xf32>
          %parallel_loop3A_835 = arith.addf %parallel_loop3A_832, %parallel_loop3A_834 : vector<16xf32>
          %parallel_loop3A_836 = vector.broadcast %parallel_loop3A_407 : f32 to vector<16xf32>
          %parallel_loop3A_837 = arith.mulf %parallel_loop3A_836, %parallel_loop3A_825 : vector<16xf32>
          %parallel_loop3A_838 = arith.addf %parallel_loop3A_835, %parallel_loop3A_837 : vector<16xf32>
          %parallel_loop3A_839 = arith.constant 256 : i32
          %parallel_loop3A_840 = arith.muli %parallel_loop3A_379, %parallel_loop3A_839 : i32
          %parallel_loop3A_841 = arith.constant 160 : i32
          %parallel_loop3A_842 = arith.addi %parallel_loop3A_840, %parallel_loop3A_841 : i32
          %parallel_loop3A_843 = arith.index_cast %parallel_loop3A_842 : i32 to index
          %parallel_loop3A_844 = tpu.vector_load %arg15[%parallel_loop3A_843] {strides = array<i32>} : memref<3584xf32, #tpu.memory_space<vmem>>, vector<16xf32>,
          %parallel_loop3A_845 = vector.shape_cast %parallel_loop3A_844 : vector<16xf32> to vector<16xf32>
          %parallel_loop3A_846 = vector.shape_cast %parallel_loop3A_838 : vector<16xf32> to vector<16xf32>
          tpu.vector_store %arg15[%parallel_loop3A_843], %parallel_loop3A_846 {strides = array<i32>} : memref<3584xf32, #tpu.memory_space<vmem>>, vector<16xf32>,
          %parallel_loop3A_847 = vector.broadcast %parallel_loop3A_386 : f32 to vector<16xf32>
          %parallel_loop3A_848 = arith.mulf %parallel_loop3A_847, %parallel_loop3A_799 : vector<16xf32>
          %parallel_loop3A_849 = vector.broadcast %parallel_loop3A_393 : f32 to vector<16xf32>
          %parallel_loop3A_850 = arith.mulf %parallel_loop3A_849, %parallel_loop3A_807 : vector<16xf32>
          %parallel_loop3A_851 = arith.addf %parallel_loop3A_848, %parallel_loop3A_850 : vector<16xf32>
          %parallel_loop3A_852 = vector.broadcast %parallel_loop3A_400 : f32 to vector<16xf32>
          %parallel_loop3A_853 = arith.mulf %parallel_loop3A_852, %parallel_loop3A_817 : vector<16xf32>
          %parallel_loop3A_854 = arith.addf %parallel_loop3A_851, %parallel_loop3A_853 : vector<16xf32>
          %parallel_loop3A_855 = vector.broadcast %parallel_loop3A_407 : f32 to vector<16xf32>
          %parallel_loop3A_856 = arith.mulf %parallel_loop3A_855, %parallel_loop3A_827 : vector<16xf32>
          %parallel_loop3A_857 = arith.addf %parallel_loop3A_854, %parallel_loop3A_856 : vector<16xf32>
          %parallel_loop3A_858 = arith.constant 256 : i32
          %parallel_loop3A_859 = arith.muli %parallel_loop3A_379, %parallel_loop3A_858 : i32
          %parallel_loop3A_860 = arith.constant 160 : i32
          %parallel_loop3A_861 = arith.addi %parallel_loop3A_859, %parallel_loop3A_860 : i32
          %parallel_loop3A_862 = arith.constant 16 : i32
          %parallel_loop3A_863 = arith.addi %parallel_loop3A_861, %parallel_loop3A_862 : i32
          %parallel_loop3A_864 = arith.index_cast %parallel_loop3A_863 : i32 to index
          %parallel_loop3A_865 = tpu.vector_load %arg15[%parallel_loop3A_864] {strides = array<i32>} : memref<3584xf32, #tpu.memory_space<vmem>>, vector<16xf32>,
          %parallel_loop3A_866 = vector.shape_cast %parallel_loop3A_865 : vector<16xf32> to vector<16xf32>
          %parallel_loop3A_867 = vector.shape_cast %parallel_loop3A_857 : vector<16xf32> to vector<16xf32>
          tpu.vector_store %arg15[%parallel_loop3A_864], %parallel_loop3A_867 {strides = array<i32>} : memref<3584xf32, #tpu.memory_space<vmem>>, vector<16xf32>,
          %parallel_loop3A_868 = arith.index_cast %parallel_loop3A_379 : i32 to index
          %parallel_loop3A_869 = arith.constant 96 : index
          %parallel_loop3A_870 = tpu.vector_load %arg13[%parallel_loop3A_868, %parallel_loop3A_869] {strides = array<i32>} : memref<32x256xi32, #tpu.memory_space<vmem>>, vector<1x16xi32>,
          %parallel_loop3A_871 = vector.shape_cast %parallel_loop3A_870 : vector<1x16xi32> to vector<16xi32>
          %parallel_loop3A_872 = arith.shli %parallel_loop3A_871, %parallel_loop3A_409 : vector<16xi32>
          %parallel_loop3A_873 = tpu.bitcast %parallel_loop3A_872 : vector<16xi32> -> vector<16xf32>
          %parallel_loop3A_874 = arith.andi %parallel_loop3A_871, %parallel_loop3A_411 : vector<16xi32>
          %parallel_loop3A_875 = tpu.bitcast %parallel_loop3A_874 : vector<16xi32> -> vector<16xf32>
          %parallel_loop3A_876 = arith.index_cast %parallel_loop3A_379 : i32 to index
          %parallel_loop3A_877 = arith.constant 224 : index
          %parallel_loop3A_878 = tpu.vector_load %arg13[%parallel_loop3A_876, %parallel_loop3A_877] {strides = array<i32>} : memref<32x256xi32, #tpu.memory_space<vmem>>, vector<1x16xi32>,
          %parallel_loop3A_879 = vector.shape_cast %parallel_loop3A_878 : vector<1x16xi32> to vector<16xi32>
          %parallel_loop3A_880 = arith.shli %parallel_loop3A_879, %parallel_loop3A_409 : vector<16xi32>
          %parallel_loop3A_881 = tpu.bitcast %parallel_loop3A_880 : vector<16xi32> -> vector<16xf32>
          %parallel_loop3A_882 = arith.andi %parallel_loop3A_879, %parallel_loop3A_411 : vector<16xi32>
          %parallel_loop3A_883 = tpu.bitcast %parallel_loop3A_882 : vector<16xi32> -> vector<16xf32>
          %parallel_loop3A_884 = arith.constant 16 : i32
          %parallel_loop3A_885 = arith.addi %parallel_loop3A_884, %parallel_loop3A_379 : i32
          %parallel_loop3A_886 = arith.index_cast %parallel_loop3A_885 : i32 to index
          %parallel_loop3A_887 = arith.constant 96 : index
          %parallel_loop3A_888 = tpu.vector_load %arg13[%parallel_loop3A_886, %parallel_loop3A_887] {strides = array<i32>} : memref<32x256xi32, #tpu.memory_space<vmem>>, vector<1x16xi32>,
          %parallel_loop3A_889 = vector.shape_cast %parallel_loop3A_888 : vector<1x16xi32> to vector<16xi32>
          %parallel_loop3A_890 = arith.shli %parallel_loop3A_889, %parallel_loop3A_409 : vector<16xi32>
          %parallel_loop3A_891 = tpu.bitcast %parallel_loop3A_890 : vector<16xi32> -> vector<16xf32>
          %parallel_loop3A_892 = arith.andi %parallel_loop3A_889, %parallel_loop3A_411 : vector<16xi32>
          %parallel_loop3A_893 = tpu.bitcast %parallel_loop3A_892 : vector<16xi32> -> vector<16xf32>
          %parallel_loop3A_894 = arith.constant 16 : i32
          %parallel_loop3A_895 = arith.addi %parallel_loop3A_894, %parallel_loop3A_379 : i32
          %parallel_loop3A_896 = arith.index_cast %parallel_loop3A_895 : i32 to index
          %parallel_loop3A_897 = arith.constant 224 : index
          %parallel_loop3A_898 = tpu.vector_load %arg13[%parallel_loop3A_896, %parallel_loop3A_897] {strides = array<i32>} : memref<32x256xi32, #tpu.memory_space<vmem>>, vector<1x16xi32>,
          %parallel_loop3A_899 = vector.shape_cast %parallel_loop3A_898 : vector<1x16xi32> to vector<16xi32>
          %parallel_loop3A_900 = arith.shli %parallel_loop3A_899, %parallel_loop3A_409 : vector<16xi32>
          %parallel_loop3A_901 = tpu.bitcast %parallel_loop3A_900 : vector<16xi32> -> vector<16xf32>
          %parallel_loop3A_902 = arith.andi %parallel_loop3A_899, %parallel_loop3A_411 : vector<16xi32>
          %parallel_loop3A_903 = tpu.bitcast %parallel_loop3A_902 : vector<16xi32> -> vector<16xf32>
          %parallel_loop3A_904 = vector.broadcast %parallel_loop3A_386 : f32 to vector<16xf32>
          %parallel_loop3A_905 = arith.mulf %parallel_loop3A_904, %parallel_loop3A_873 : vector<16xf32>
          %parallel_loop3A_906 = vector.broadcast %parallel_loop3A_393 : f32 to vector<16xf32>
          %parallel_loop3A_907 = arith.mulf %parallel_loop3A_906, %parallel_loop3A_881 : vector<16xf32>
          %parallel_loop3A_908 = arith.addf %parallel_loop3A_905, %parallel_loop3A_907 : vector<16xf32>
          %parallel_loop3A_909 = vector.broadcast %parallel_loop3A_400 : f32 to vector<16xf32>
          %parallel_loop3A_910 = arith.mulf %parallel_loop3A_909, %parallel_loop3A_891 : vector<16xf32>
          %parallel_loop3A_911 = arith.addf %parallel_loop3A_908, %parallel_loop3A_910 : vector<16xf32>
          %parallel_loop3A_912 = vector.broadcast %parallel_loop3A_407 : f32 to vector<16xf32>
          %parallel_loop3A_913 = arith.mulf %parallel_loop3A_912, %parallel_loop3A_901 : vector<16xf32>
          %parallel_loop3A_914 = arith.addf %parallel_loop3A_911, %parallel_loop3A_913 : vector<16xf32>
          %parallel_loop3A_915 = arith.constant 256 : i32
          %parallel_loop3A_916 = arith.muli %parallel_loop3A_379, %parallel_loop3A_915 : i32
          %parallel_loop3A_917 = arith.constant 192 : i32
          %parallel_loop3A_918 = arith.addi %parallel_loop3A_916, %parallel_loop3A_917 : i32
          %parallel_loop3A_919 = arith.index_cast %parallel_loop3A_918 : i32 to index
          %parallel_loop3A_920 = tpu.vector_load %arg15[%parallel_loop3A_919] {strides = array<i32>} : memref<3584xf32, #tpu.memory_space<vmem>>, vector<16xf32>,
          %parallel_loop3A_921 = vector.shape_cast %parallel_loop3A_920 : vector<16xf32> to vector<16xf32>
          %parallel_loop3A_922 = vector.shape_cast %parallel_loop3A_914 : vector<16xf32> to vector<16xf32>
          tpu.vector_store %arg15[%parallel_loop3A_919], %parallel_loop3A_922 {strides = array<i32>} : memref<3584xf32, #tpu.memory_space<vmem>>, vector<16xf32>,
          %parallel_loop3A_923 = vector.broadcast %parallel_loop3A_386 : f32 to vector<16xf32>
          %parallel_loop3A_924 = arith.mulf %parallel_loop3A_923, %parallel_loop3A_875 : vector<16xf32>
          %parallel_loop3A_925 = vector.broadcast %parallel_loop3A_393 : f32 to vector<16xf32>
          %parallel_loop3A_926 = arith.mulf %parallel_loop3A_925, %parallel_loop3A_883 : vector<16xf32>
          %parallel_loop3A_927 = arith.addf %parallel_loop3A_924, %parallel_loop3A_926 : vector<16xf32>
          %parallel_loop3A_928 = vector.broadcast %parallel_loop3A_400 : f32 to vector<16xf32>
          %parallel_loop3A_929 = arith.mulf %parallel_loop3A_928, %parallel_loop3A_893 : vector<16xf32>
          %parallel_loop3A_930 = arith.addf %parallel_loop3A_927, %parallel_loop3A_929 : vector<16xf32>
          %parallel_loop3A_931 = vector.broadcast %parallel_loop3A_407 : f32 to vector<16xf32>
          %parallel_loop3A_932 = arith.mulf %parallel_loop3A_931, %parallel_loop3A_903 : vector<16xf32>
          %parallel_loop3A_933 = arith.addf %parallel_loop3A_930, %parallel_loop3A_932 : vector<16xf32>
          %parallel_loop3A_934 = arith.constant 256 : i32
          %parallel_loop3A_935 = arith.muli %parallel_loop3A_379, %parallel_loop3A_934 : i32
          %parallel_loop3A_936 = arith.constant 192 : i32
          %parallel_loop3A_937 = arith.addi %parallel_loop3A_935, %parallel_loop3A_936 : i32
          %parallel_loop3A_938 = arith.constant 16 : i32
          %parallel_loop3A_939 = arith.addi %parallel_loop3A_937, %parallel_loop3A_938 : i32
          %parallel_loop3A_940 = arith.index_cast %parallel_loop3A_939 : i32 to index
          %parallel_loop3A_941 = tpu.vector_load %arg15[%parallel_loop3A_940] {strides = array<i32>} : memref<3584xf32, #tpu.memory_space<vmem>>, vector<16xf32>,
          %parallel_loop3A_942 = vector.shape_cast %parallel_loop3A_941 : vector<16xf32> to vector<16xf32>
          %parallel_loop3A_943 = vector.shape_cast %parallel_loop3A_933 : vector<16xf32> to vector<16xf32>
          tpu.vector_store %arg15[%parallel_loop3A_940], %parallel_loop3A_943 {strides = array<i32>} : memref<3584xf32, #tpu.memory_space<vmem>>, vector<16xf32>,
          %parallel_loop3A_944 = arith.index_cast %parallel_loop3A_379 : i32 to index
          %parallel_loop3A_945 = arith.constant 112 : index
          %parallel_loop3A_946 = tpu.vector_load %arg13[%parallel_loop3A_944, %parallel_loop3A_945] {strides = array<i32>} : memref<32x256xi32, #tpu.memory_space<vmem>>, vector<1x16xi32>,
          %parallel_loop3A_947 = vector.shape_cast %parallel_loop3A_946 : vector<1x16xi32> to vector<16xi32>
          %parallel_loop3A_948 = arith.shli %parallel_loop3A_947, %parallel_loop3A_409 : vector<16xi32>
          %parallel_loop3A_949 = tpu.bitcast %parallel_loop3A_948 : vector<16xi32> -> vector<16xf32>
          %parallel_loop3A_950 = arith.andi %parallel_loop3A_947, %parallel_loop3A_411 : vector<16xi32>
          %parallel_loop3A_951 = tpu.bitcast %parallel_loop3A_950 : vector<16xi32> -> vector<16xf32>
          %parallel_loop3A_952 = arith.index_cast %parallel_loop3A_379 : i32 to index
          %parallel_loop3A_953 = arith.constant 240 : index
          %parallel_loop3A_954 = tpu.vector_load %arg13[%parallel_loop3A_952, %parallel_loop3A_953] {strides = array<i32>} : memref<32x256xi32, #tpu.memory_space<vmem>>, vector<1x16xi32>,
          %parallel_loop3A_955 = vector.shape_cast %parallel_loop3A_954 : vector<1x16xi32> to vector<16xi32>
          %parallel_loop3A_956 = arith.shli %parallel_loop3A_955, %parallel_loop3A_409 : vector<16xi32>
          %parallel_loop3A_957 = tpu.bitcast %parallel_loop3A_956 : vector<16xi32> -> vector<16xf32>
          %parallel_loop3A_958 = arith.andi %parallel_loop3A_955, %parallel_loop3A_411 : vector<16xi32>
          %parallel_loop3A_959 = tpu.bitcast %parallel_loop3A_958 : vector<16xi32> -> vector<16xf32>
          %parallel_loop3A_960 = arith.constant 16 : i32
          %parallel_loop3A_961 = arith.addi %parallel_loop3A_960, %parallel_loop3A_379 : i32
          %parallel_loop3A_962 = arith.index_cast %parallel_loop3A_961 : i32 to index
          %parallel_loop3A_963 = arith.constant 112 : index
          %parallel_loop3A_964 = tpu.vector_load %arg13[%parallel_loop3A_962, %parallel_loop3A_963] {strides = array<i32>} : memref<32x256xi32, #tpu.memory_space<vmem>>, vector<1x16xi32>,
          %parallel_loop3A_965 = vector.shape_cast %parallel_loop3A_964 : vector<1x16xi32> to vector<16xi32>
          %parallel_loop3A_966 = arith.shli %parallel_loop3A_965, %parallel_loop3A_409 : vector<16xi32>
          %parallel_loop3A_967 = tpu.bitcast %parallel_loop3A_966 : vector<16xi32> -> vector<16xf32>
          %parallel_loop3A_968 = arith.andi %parallel_loop3A_965, %parallel_loop3A_411 : vector<16xi32>
          %parallel_loop3A_969 = tpu.bitcast %parallel_loop3A_968 : vector<16xi32> -> vector<16xf32>
          %parallel_loop3A_970 = arith.constant 16 : i32
          %parallel_loop3A_971 = arith.addi %parallel_loop3A_970, %parallel_loop3A_379 : i32
          %parallel_loop3A_972 = arith.index_cast %parallel_loop3A_971 : i32 to index
          %parallel_loop3A_973 = arith.constant 240 : index
          %parallel_loop3A_974 = tpu.vector_load %arg13[%parallel_loop3A_972, %parallel_loop3A_973] {strides = array<i32>} : memref<32x256xi32, #tpu.memory_space<vmem>>, vector<1x16xi32>,
          %parallel_loop3A_975 = vector.shape_cast %parallel_loop3A_974 : vector<1x16xi32> to vector<16xi32>
          %parallel_loop3A_976 = arith.shli %parallel_loop3A_975, %parallel_loop3A_409 : vector<16xi32>
          %parallel_loop3A_977 = tpu.bitcast %parallel_loop3A_976 : vector<16xi32> -> vector<16xf32>
          %parallel_loop3A_978 = arith.andi %parallel_loop3A_975, %parallel_loop3A_411 : vector<16xi32>
          %parallel_loop3A_979 = tpu.bitcast %parallel_loop3A_978 : vector<16xi32> -> vector<16xf32>
          %parallel_loop3A_980 = vector.broadcast %parallel_loop3A_386 : f32 to vector<16xf32>
          %parallel_loop3A_981 = arith.mulf %parallel_loop3A_980, %parallel_loop3A_949 : vector<16xf32>
          %parallel_loop3A_982 = vector.broadcast %parallel_loop3A_393 : f32 to vector<16xf32>
          %parallel_loop3A_983 = arith.mulf %parallel_loop3A_982, %parallel_loop3A_957 : vector<16xf32>
          %parallel_loop3A_984 = arith.addf %parallel_loop3A_981, %parallel_loop3A_983 : vector<16xf32>
          %parallel_loop3A_985 = vector.broadcast %parallel_loop3A_400 : f32 to vector<16xf32>
          %parallel_loop3A_986 = arith.mulf %parallel_loop3A_985, %parallel_loop3A_967 : vector<16xf32>
          %parallel_loop3A_987 = arith.addf %parallel_loop3A_984, %parallel_loop3A_986 : vector<16xf32>
          %parallel_loop3A_988 = vector.broadcast %parallel_loop3A_407 : f32 to vector<16xf32>
          %parallel_loop3A_989 = arith.mulf %parallel_loop3A_988, %parallel_loop3A_977 : vector<16xf32>
          %parallel_loop3A_990 = arith.addf %parallel_loop3A_987, %parallel_loop3A_989 : vector<16xf32>
          %parallel_loop3A_991 = arith.constant 256 : i32
          %parallel_loop3A_992 = arith.muli %parallel_loop3A_379, %parallel_loop3A_991 : i32
          %parallel_loop3A_993 = arith.constant 224 : i32
          %parallel_loop3A_994 = arith.addi %parallel_loop3A_992, %parallel_loop3A_993 : i32
          %parallel_loop3A_995 = arith.index_cast %parallel_loop3A_994 : i32 to index
          %parallel_loop3A_996 = tpu.vector_load %arg15[%parallel_loop3A_995] {strides = array<i32>} : memref<3584xf32, #tpu.memory_space<vmem>>, vector<16xf32>,
          %parallel_loop3A_997 = vector.shape_cast %parallel_loop3A_996 : vector<16xf32> to vector<16xf32>
          %parallel_loop3A_998 = vector.shape_cast %parallel_loop3A_990 : vector<16xf32> to vector<16xf32>
          tpu.vector_store %arg15[%parallel_loop3A_995], %parallel_loop3A_998 {strides = array<i32>} : memref<3584xf32, #tpu.memory_space<vmem>>, vector<16xf32>,
          %parallel_loop3A_999 = vector.broadcast %parallel_loop3A_386 : f32 to vector<16xf32>
          %parallel_loop3A_1000 = arith.mulf %parallel_loop3A_999, %parallel_loop3A_951 : vector<16xf32>
          %parallel_loop3A_1001 = vector.broadcast %parallel_loop3A_393 : f32 to vector<16xf32>
          %parallel_loop3A_1002 = arith.mulf %parallel_loop3A_1001, %parallel_loop3A_959 : vector<16xf32>
          %parallel_loop3A_1003 = arith.addf %parallel_loop3A_1000, %parallel_loop3A_1002 : vector<16xf32>
          %parallel_loop3A_1004 = vector.broadcast %parallel_loop3A_400 : f32 to vector<16xf32>
          %parallel_loop3A_1005 = arith.mulf %parallel_loop3A_1004, %parallel_loop3A_969 : vector<16xf32>
          %parallel_loop3A_1006 = arith.addf %parallel_loop3A_1003, %parallel_loop3A_1005 : vector<16xf32>
          %parallel_loop3A_1007 = vector.broadcast %parallel_loop3A_407 : f32 to vector<16xf32>
          %parallel_loop3A_1008 = arith.mulf %parallel_loop3A_1007, %parallel_loop3A_979 : vector<16xf32>
          %parallel_loop3A_1009 = arith.addf %parallel_loop3A_1006, %parallel_loop3A_1008 : vector<16xf32>
          %parallel_loop3A_1010 = arith.constant 256 : i32
          %parallel_loop3A_1011 = arith.muli %parallel_loop3A_379, %parallel_loop3A_1010 : i32
          %parallel_loop3A_1012 = arith.constant 224 : i32
          %parallel_loop3A_1013 = arith.addi %parallel_loop3A_1011, %parallel_loop3A_1012 : i32
          %parallel_loop3A_1014 = arith.constant 16 : i32
          %parallel_loop3A_1015 = arith.addi %parallel_loop3A_1013, %parallel_loop3A_1014 : i32
          %parallel_loop3A_1016 = arith.index_cast %parallel_loop3A_1015 : i32 to index
          %parallel_loop3A_1017 = tpu.vector_load %arg15[%parallel_loop3A_1016] {strides = array<i32>} : memref<3584xf32, #tpu.memory_space<vmem>>, vector<16xf32>,
          %parallel_loop3A_1018 = vector.shape_cast %parallel_loop3A_1017 : vector<16xf32> to vector<16xf32>
          %parallel_loop3A_1019 = vector.shape_cast %parallel_loop3A_1009 : vector<16xf32> to vector<16xf32>
          tpu.vector_store %arg15[%parallel_loop3A_1016], %parallel_loop3A_1019 {strides = array<i32>} : memref<3584xf32, #tpu.memory_space<vmem>>, vector<16xf32>,
        } {sc.loop_unroll_factor = 2 : i64, sc.parallel_access}
        %mul3A_374 = arith.constant 3584 : i32
        %mul3A_375 = arith.muli %add3A_234, %mul3A_374 : i32
        %add3A_376 = arith.addi %mul3A_16, %mul3A_375 : i32
        %dma_start3A_377 = tpu.memref_slice %arg4[%add3A_376] : memref<25690112xf32, #tpu.memory_space<hbm>> -> memref<3584xf32, #tpu.memory_space<hbm>>
        %dma_start3A_378 = tpu.memref_slice %arg4[%add3A_376] : memref<25690112xf32, #tpu.memory_space<hbm>> -> memref<3584xf32, #tpu.memory_space<hbm>>
        tpu.enqueue_dma source(%arg15 : memref<3584xf32, #tpu.memory_space<vmem>>) target(%dma_start3A_378 : memref<3584xf32, #tpu.memory_space<hbm>>) target_semaphore(%arg19 : memref<!tpu.dma_semaphore, #tpu.memory_space<semaphore_mem>>)
      }
      %scan3A_222 = arith.constant 7 : i32
      %dma_wait3A = arith.constant 0 : i32
      %dma_wait3A_223 = tpu.memref_slice %arg4[%dma_wait3A] : memref<25690112xf32, #tpu.memory_space<hbm>> -> memref<3584xf32, #tpu.memory_space<hbm>>
      %dma_wait3A_224 = arith.constant 0 : i32
      %dma_wait3A_225 = tpu.memref_slice %arg4[%dma_wait3A_224] : memref<25690112xf32, #tpu.memory_space<hbm>> -> memref<3584xf32, #tpu.memory_space<hbm>>
      tpu.wait_dma2 semaphore(%arg18 : memref<!tpu.dma_semaphore, #tpu.memory_space<semaphore_mem>>) src(%arg14 : memref<3584xf32, #tpu.memory_space<vmem>>) dst(%dma_wait3A_225 : memref<3584xf32, #tpu.memory_space<hbm>>)
      %dma_wait3A_226 = arith.constant 0 : i32
      %dma_wait3A_227 = tpu.memref_slice %arg4[%dma_wait3A_226] : memref<25690112xf32, #tpu.memory_space<hbm>> -> memref<3584xf32, #tpu.memory_space<hbm>>
      %dma_wait3A_228 = arith.constant 0 : i32
      %dma_wait3A_229 = tpu.memref_slice %arg4[%dma_wait3A_228] : memref<25690112xf32, #tpu.memory_space<hbm>> -> memref<3584xf32, #tpu.memory_space<hbm>>
      tpu.wait_dma2 semaphore(%arg19 : memref<!tpu.dma_semaphore, #tpu.memory_space<semaphore_mem>>) src(%arg15 : memref<3584xf32, #tpu.memory_space<vmem>>) dst(%dma_wait3A_229 : memref<3584xf32, #tpu.memory_space<hbm>>)
    }
    %scan3A_7 = arith.constant 16 : i32
    return
  }
}

</mosaic_0001>

<sc_bundles>
// kernel: kernel.3.cloned.1.call-start
scs
__scs_entry_jumppad:
0x0: {  	(pc) =	sbr.rel $0x88, $3  }
0x1: {  	(tag) =	ssettag $0x0;
	lr =	simm.s32 $0x1  }
0x2: {  	[smem:$0x3F9F] =	sst lr;
	_ =	strace $0xD0000000  }
0x3: {  	_ = 	snop  }
0x4: {  	_ = 	snop  }
0x5: {  	_ = 	snop  }
0x6: {  	_ = 	snop  }
0x7: {  	_ = 	snop  }
__scs_overlays_trampoline_lowered:
0x8: {  	[smem:$0x3FAE] =	sst s0  }
0x9: {  	[smem:$0x3FAF] =	sst s1  }
0xa: {  	[smem:$0x3FB0] =	sst s2  }
0xb: {  	[smem:$0x3FB1] =	sst s3  }
0xc: {  	[smem:$0x3FB2] =	sst s4  }
0xd: {  	[smem:$0x3FB3] =	sst s5  }
0xe: {  	[smem:$0x3FB4] =	sst s6  }
0xf: {  	[smem:$0x3FB5] =	sst s7  }
0x10: {  	[smem:$0x3FB6] =	sst s8  }
0x11: {  	[smem:$0x3FB7] =	sst s9;
	s0 =	simm.s32 @!p0 $0x0  }
0x12: {  	s1 =	sld [smem:$0x3F9D];
	s0 =	simm.s32 @p0 $0x1  }
0x13: {  	[smem:$0x3FB8] =	sst s0;
	s0 =	simm.s32 @!p1 $0x0  }
0x14: {  	s2 =	sld [smem:$0x3F9C];
	s0 =	simm.s32 @p1 $0x1  }
0x15: {  	[smem:$0x3FB9] =	sst s0;
	s0 =	simm.s32 @!p2 $0x0  }
0x16: {  	s3 =	sld [smem:$0x3FDB];
	s0 =	simm.s32 @p2 $0x1  }
0x17: {  	s4 =	simm.s32 $0x1BF5;
	[smem:$0x3FBB] =	sst s0  }
0x18: {  	s0 =	sld [smem:$0x3F9E];
	_ =	swait.ge [sflag:s4], $0x0  }
0x19: {  	s7 =	sld [smem:$0x3F9F]  }
0x1a: {  	s8 =	sadd.s32 $0xFFFFE003, lr  }
0x1b: {  	s9 =	sadd.s32 $0xFFFFFEF7, lr;
	s5 =	simm.s32 $0xFFFFFFFF;
	p2 =	slt.u32 s8, $0xFFFFF086  }
0x1c: {  	p1 =	slt.u32 s9, $0xF7A;
	s5 =	simm.s32 @!p2 $0x0  }
0x1d: {  	s5 =	simm.s32 @p1 $0x1;
	p0 =	seq.s32 s7, s2  }
0x1e: {  	s7 =	smul.u32 @!p0 $0xF7A, s2;
	p2 =	seq.s32 @!p0 s5, $0x0  }
0x1f: {  	s9 =	smul.u32 $0xF7A, s1;
	s8 =	simm.s32 @!p0 $0x1BF5;
	p2 =	por !p2, p0  }
0x20: {  	[sflag:s8] =	ssyncset.s32 @!p0 $0xFFFFF086;
	s6 =	sadd.s32 @!p0 s3, s7;
	s7 =	simm.s32 @!p0 $0x108  }
0x21: {  	s3 =	sadd.s32 s3, s9;
	s6 =	sadd.s32 @!p0 $0x88, s6;
	s7 =	simm.s32 @p2 $0x1082  }
0x22: {  	[simem:s7], [sflag:s8] =	dma.local @!p0 [hbm:s6], $0xF7A  }
0x23: {  	s9 =	sor.u32 $0xD0000000, s2;
	s6 =	simm.s32 $0x108;
	_ =	swait.ge @!p0 [sflag:s8], $0x0  }
0x24: {  	s3 =	sadd.s32 $0x88, s3;
	s6 =	simm.s32 @!p1 $0x1082;
	[sflag:s4] =	ssyncset.s32 $0xFFFFF086  }
0x25: {  	[simem:s6], [sflag:s4] =	dma.local [hbm:s3], $0xF7A  }
0x26: {  	[smem:$0x3F9F] =	sst s1;
	(tag) =	ssettag s2;
	_ =	strace s9  }
0x27: {  	s1 =	sld [smem:$0x3FAF]  }
0x28: {  	s2 =	sld [smem:$0x3FB0]  }
0x29: {  	s4 =	sld [smem:$0x3FB2]  }
0x2a: {  	p0 =	seq.s32 s5, $0x0;
	s5 =	sld [smem:$0x3FB3]  }
0x2b: {  	s6 =	sld [smem:$0x3FB4]  }
0x2c: {  	s7 =	sld [smem:$0x3FB5]  }
0x2d: {  	s3 =	simm.s32 $0x108;
	s8 =	sld [smem:$0x3FB6]  }
0x2e: {  	s3 =	simm.s32 @!p0 $0x1082;
	s9 =	sld [smem:$0x3FB7]  }
0x2f: {  	lr =	sadd.s32 s0, s3;
	s0 =	sld [smem:$0x3FAE]  }
0x30: {  	s3 =	sld [smem:$0x3FB1]  }
0x31: {  	[smem:$0x3FBA] =	sst s10  }
0x32: {  	s10 =	sld [smem:$0x3FB8];
	_ =	sdelay $0x3  }
0x33: {  	p0 =	seq.s32 s10, $0x1;
	s10 =	sld [smem:$0x3FBA];
	_ =	sdelay $0x3  }
0x34: {  	[smem:$0x3FBA] =	sst s10  }
0x35: {  	s10 =	sld [smem:$0x3FB9];
	_ =	sdelay $0x3  }
0x36: {  	p1 =	seq.s32 s10, $0x1;
	s10 =	sld [smem:$0x3FBA];
	_ =	sdelay $0x3  }
0x37: {  	[smem:$0x3FBA] =	sst s10  }
0x38: {  	s10 =	sld [smem:$0x3FBB]  }
0x39: {  	_ = 	snop;
	(pc) =	sbr.ind lr, $3  }
0x3a: {  	_ = 	snop  }
0x3b: {  	_ = 	snop  }
0x3c: {  	p2 =	seq.s32 s10, $0x1;
	s10 =	sld [smem:$0x3FBA]  }
0x3d: {  	_ =	shalt  }
0x3e: {  	_ =	shalt  }
0x3f: {  	_ =	shalt  }
0x40: {  	_ =	shalt  }
0x41: {  	_ =	shalt  }
0x42: {  	_ =	shalt  }
0x43: {  	_ =	shalt  }
0x44: {  	_ =	shalt  }
0x45: {  	_ =	shalt  }
0x46: {  	_ =	shalt  }
0x47: {  	_ =	shalt  }
0x48: {  	_ =	shalt  }
0x49: {  	_ =	shalt  }
0x4a: {  	_ =	shalt  }
0x4b: {  	_ =	shalt  }
0x4c: {  	_ =	shalt  }
0x4d: {  	_ =	shalt  }
0x4e: {  	_ =	shalt  }
0x4f: {  	_ =	shalt  }
0x50: {  	_ =	shalt  }
0x51: {  	_ =	shalt  }
0x52: {  	_ =	shalt  }
0x53: {  	_ =	shalt  }
0x54: {  	_ =	shalt  }
0x55: {  	_ =	shalt  }
0x56: {  	_ =	shalt  }
0x57: {  	_ =	shalt  }
0x58: {  	_ =	shalt  }
0x59: {  	_ =	shalt  }
0x5a: {  	_ =	shalt  }
0x5b: {  	_ =	shalt  }
0x5c: {  	_ =	shalt  }
0x5d: {  	_ =	shalt  }
0x5e: {  	_ =	shalt  }
0x5f: {  	_ =	shalt  }
0x60: {  	_ =	shalt  }
0x61: {  	_ =	shalt  }
0x62: {  	_ =	shalt  }
0x63: {  	_ =	shalt  }
0x64: {  	_ =	shalt  }
0x65: {  	_ =	shalt  }
0x66: {  	_ =	shalt  }
0x67: {  	_ =	shalt  }
0x68: {  	_ =	shalt  }
0x69: {  	_ =	shalt  }
0x6a: {  	_ =	shalt  }
0x6b: {  	_ =	shalt  }
0x6c: {  	_ =	shalt  }
0x6d: {  	_ =	shalt  }
0x6e: {  	_ =	shalt  }
0x6f: {  	_ =	shalt  }
0x70: {  	_ =	shalt  }
0x71: {  	_ =	shalt  }
0x72: {  	_ =	shalt  }
0x73: {  	_ =	shalt  }
0x74: {  	_ =	shalt  }
0x75: {  	_ =	shalt  }
0x76: {  	_ =	shalt  }
0x77: {  	_ =	shalt  }
0x78: {  	_ =	shalt  }
0x79: {  	_ =	shalt  }
0x7a: {  	_ =	shalt  }
0x7b: {  	_ =	shalt  }
0x7c: {  	_ =	shalt  }
0x7d: {  	_ =	shalt  }
0x7e: {  	_ =	shalt  }
0x7f: {  	_ =	shalt  }
0x80: {  	_ =	shalt  }
0x81: {  	_ =	shalt  }
0x82: {  	_ =	shalt  }
0x83: {  	_ =	shalt  }
0x84: {  	_ =	shalt  }
0x85: {  	_ =	shalt  }
0x86: {  	_ =	shalt  }
0x87: {  	_ =	shalt  }
.Lfunc_end0:
.L_simem_size_0:
called_computation.1_lowered:
.L_overlay_start_0:
0x88: {  	s2 =	sld [smem:$0x3FD9]  }
0x89: {  	s3 =	sld [smem:$0x3FFE];
	_ =	sdelay $0x1  }
0x8a: {  	s1 =	srdreg.scid  }
0x8b: {  	s0 =	sand.u32 $0x1, s1  }
0x8c: {  	s17 =	sshll.u32 s0, $0xA;
	s2 =	sadd.s32 s3, s2  }
0x8d: {  	s2 =	sadd.s32 s2, s17  }
0x8e: {  	[smem:$0x3FC6] =	sst s2  }
0x8f: {  	_ = 	snop  }
0x90: {  	s2 =	sld [smem:$0x3FD0];
	(tm) =	ssettm $0x1  }
0x91: {  	s18 =	sld [smem:$0x3FFB];
	_ =	sdelay $0x3  }
0x92: {  	_ =	strace s18  }
0x93: {  	s3 =	sld [smem:$0x3FFC];
	_ =	sdelay $0x3  }
0x94: {  	_ =	strace s3  }
0x95: {  	s3 =	sld [smem:$0x3FFD];
	_ =	sdelay $0x3  }
0x96: {  	_ =	strace s3  }
0x97: {  	_ =	strace $0x8FFFFFFF  }
0x98: {  	s19 =	sld [smem:$0x3FDB];
	_ =	sdelay $0x1  }
0x99: {  	s4 =	simm.s32 $_scs_section_size  }
0x9a: {  	s5 =	simm.s32 $_size__tile_overlayer_lowered;
	s6 =	simm.s32 $_tile_overlayer_lowered  }
0x9b: {  	s22 =	simm.s32 $0x1BFF;
	s21 =	sshll.u32 s6, $0x1;
	s3 =	sadd.s32 s4, s19  }
0x9c: {  	s7 =	simm.s32 $0x0;
	s20 =	sshll.u32 s5, $0x1;
	s5 =	sadd.s32 s21, s3  }
0x9d: {  	[timem:s7], [sflag:s22] =	dma.local [hbm:s5], s20  }
0x9e: {  	_ =	swait.ge [sflag:s22], s20  }
0x9f: {  	s4 =	ssub.s32 $0x0, s20;
	[sflag:s22] =	ssyncset.done $0x0  }
0xa0: {  	[sflag:s22] =	ssyncadd.s32 s4;
	_ =	sdelay $0x1  }
0xa1: {  	s23 =	simm.s32 $0x1B8B  }
0xa2: {  	_ =	swait.ge [sflag:s23], $0x1  }
0xa3: {  	[sflag:s23] =	ssyncset.done $0x0  }
0xa4: {  	s25 =	simm.s32 $0x1B8E;
	s24 =	sld [smem:$0x3FFE];
	[sflag:s23] =	ssyncadd.s32 $0xFFFFFFFF  }
0xa5: {  	s26 =	simm.s32 $execute0_lowered;
	[smem:$0x3FD2] =	sst s25  }
0xa6: {  	s5 =	sshll.u32 s26, $0x1;
	_ =	strace $0x80000046;
	[dreg:$0x1] =	wrdreg $0xFFFFFFFF  }
0xa7: {  	s28 =	simm.s32 $_size_execute0_lowered;
	s3 =	sadd.s32 s3, s5;
	[dreg:$0x0] =	wrdreg $0x0  }
0xa8: {  	s5 =	sshll.u32 s28, $0x1;
	[dreg:$0x2] =	wrdreg s3  }
0xa9: {  	[dreg:$0x3] =	wrdreg s5  }
0xaa: {  	[dreg:$0x4] =	wrdreg $0xC0  }
0xab: {  	_ =	task [dreg:s7], $0x5FFFF  }
0xac: {  	[dreg:$0x1] =	wrdreg $0xFFFFFFFF  }
0xad: {  	[dreg:$0x0] =	wrdreg $0x60  }
0xae: {  	[dreg:$0x2] =	wrdreg s24  }
0xaf: {  	[dreg:$0x3] =	wrdreg s2  }
0xb0: {  	[dreg:$0x4] =	wrdreg $0x9  }
0xb1: {  	_ =	task.clear_ibuf [dreg:s7], $0x5FFFF;
	_ =	strace $0x90000046  }
0xb2: {  	s29 =	simm.s32 $0x9;
	_ =	strace $0x80000048  }
0xb3: {  	_ =	swait.ge [sflag:s29], $0x1  }
0xb4: {  	[sflag:s29] =	ssyncadd.s32 $0xFFFFFFFF  }
0xb5: {  	_ =	strace $0x90000048  }
0xb6: {  	_ =	sfence  }
0xb7: {  	s30 =	sld [smem:$0x0];
	_ =	sdelay $0x2  }
0xb8: {  	s31 =	sshll.u32 s1, $0xD;
	s1 =	sshrl.u32 s1, $0x2  }
0xb9: {  	s3 =	sand.u32 $0x4000, s31;
	s1 =	sadd.s32 s1, s30  }
0xba: {  	s0 =	sor.u32 s3, s0;
	s1 =	sshll.u32 s1, $0x11  }
0xbb: {  	s0 =	sor.u32 s1, s0  }
0xbc: {  	s0 =	sadd.s32 $0x8F2B, s0  }
0xbd: {  	[sflag:s0] =	ssyncadd.remote.s32 $0x1  }
0xbe: {  	_ =	sfence.sel $0xFFFF  }
0xbf: {  	[dreg:$0x0] =	wrdreg $0xFFFFFFFF;
	(pc) =	sbr.abs _section_cstart, $3  }
0xc0: {  	[dreg:$0x1] =	wrdreg $0xFFFFFFFF  }
0xc1: {  	_ =	task.clear_ibuf [dreg:s7], $0x2FFFF;
	_ =	strace $0x9FFFFFFF  }
0xc2: {  	(tm) =	ssettm $0x7FFFFFFF  }
0xc3: {  	_ =	shalt  }
tec
execute0_lowered:
.L_overlay_start_1:
0x0: {  	(tag) =	ssettag $0x1  }
0x1: {  	v0 =	vimm.f32 $1.500000000e+01;
	vm0 =	vcmask $0x300  }
0x2: {  	s0 =	rddreg [dreg:$0x0];
	s2 =	simm.s32 $0x0;
	v0 =	vsel vm0, $0x0, v0;
	vm0 =	vcmask $0x704  }
0x3: {  	[smem:$0x7FF] =	sst s2;
	v0 =	vsel vm0, $0x3F800000, v0;
	vm0 =	vcmask $0xB08  }
0x4: {  	s1 =	rddreg [dreg:$0x1];
	v1 =	vimm.f32 $5.500000000e+01;
	_ =	strace $0x80000047;
	v0 =	vsel vm0, $0x40000000, v0;
	vm0 =	vcmask $0xF0C  }
0x5: {  	(erf) = vrcp.f32 v1;
	v0 =	vsel vm0, $0x40400000, v0;
	vm0 =	vcmask $0x1310  }
0x6: {  	v1 =	vimm.f32 $1.300000000e+01;
	v0 =	vsel vm0, $0x40800000, v0;
	vm0 =	vcmask $0x1714  }
0x7: {  	(erf) = vrcp.f32 v1;
	v0 =	vsel vm0, $0x40A00000, v0;
	vm0 =	vcmask $0x1B18  }
0x8: {  	s3 =	srdreg.scid;
	v0 =	vsel vm0, $0x40C00000, v0;
	vm0 =	vcmask $0x1F1C  }
0x9: {  	s7 =	stileid.u32;
	s17 =	simm.s32 $0x3D00;
	s18 =	simm.s32 $0x1;
	v0 =	vsel vm0, $0x40E00000, v0;
	vm0 =	vcmask $0x2320  }
0xa: {  	v7 =	vlaneseq.u32;
	s19 =	simm.s32 $0x4500;
	s20 =	simm.s32 $0x2;
	s21 =	simm.s32 $0x4;
	v0 =	vsel vm0, $0x41000000, v0;
	vm0 =	vcmask $0x2724  }
0xb: {  	v3 =	vimm.f32 $0.0e+00;
	s22 =	simm.s32 $0x5300;
	s3 =	sand.u32 $0x1, s3;
	s4 =	sshll.u32 s7, $0x1;
	v0 =	vsel vm0, $0x41100000, v0;
	vm0 =	vcmask $0x2B28  }
0xc: {  	v4 =	vand.u32 $0x7, v7;
	s5 =	ssub.s32 $0x2, s3;
	s3 =	sor.u32 s3, s4;
	s4 =	sadd.s32 $0x200, s0;
	v0 =	vsel vm0, $0x41200000, v0;
	vm0 =	vcmask $0x2F2C  }
0xd: {  	v6 =	vshrl.u32 v7, $0x3;
	s6 =	sshrl.u32 s5, $0x1;
	s28 =	sshll.u32 s3, $0x3;
	s29 =	sshll.u32 s3, $0x4;
	v0 =	vsel vm0, $0x41300000, v0;
	vm0 =	vcmask $0x3330  }
0xe: {  	v7 =	vor.u32 $0x8, v7;
	s5 =	ssub.s32 s5, s6;
	s0 =	sadd.s32 s0, s28;
	[dreg:$0x4] =	wrdreg s29;
	v0 =	vsel vm0, $0x41400000, v0;
	vm0 =	vcmask $0x3734  }
0xf: {  	s30 =	sshrl.u32 s7, $0x2;
	v6 =	vmul.u32 $0x8, v6;
	[dreg:$0x3] =	wrdreg s0;
	s31 =	smax.u32 s5, $0x1;
	v2 =	vpop (erf);
	v0 =	vsel vm0, $0x41500000, v0;
	vm0 =	vcmask $0x3B38  }
0x10: {  	s7 =	smul.u32 $0xC40, s30;
	s3 =	simm.s32 $0x0;
	v1 =	vimm.s32 $0x0;
	[dreg:$0x5] =	wrdreg s31;
	v5 =	vpop (erf);
	v0 =	vsel vm0, $0x41600000, v0;
	vm0 =	vmmov $0xffff  }
.LBB2_1:
0x11: {  	[dreg:$0x6] =	wrdreg s3  }
0x12: {  	s0 =	rddreg [dreg:$0x3];
	s31 =	simm.s32 $0x5  }
0x13: {  	[tilespmem:s2], [sflag:$0x5] =	stream.linear.gather [hbm4b:s0+s2], $0x40, $0x38;
	[tilespmem:$0x6100] =	vst v63  }
0x14: {  	_ =	swait.ge [sflag:s31], $0x40  }
0x15: {  	[sflag:s31] =	ssyncset.done $0x0  }
0x16: {  	s3 =	simm.s32 $0x0;
	[sflag:s31] =	ssyncadd.s32 $0xFFFFFFC0  }
.LBB2_2:
0x17: {  	s0 =	sshll.u32 s3, $0x2  }
0x18: {  	s0 =	sand.u32 $0x3FFFFFFC, s0  }
0x19: {  	v8 =	vld [tilespmem:s0+$0x0];
	_ =	sdelay $0x4  }
0x1a: {  	v8 =	vmul.f32 $5.600000000e+01, v8;
	_ =	sdelay $0x1  }
0x1b: {  	v9 =	vbroadcast v8, $0x1;
	v10 =	vbroadcast v8, $0x3;
	_ =	sdelay $0x1  }
0x1c: {  	v9 =	vmul.f32 v9, v2;
	v10 =	vmul.f32 v10, v2;
	_ =	sdelay $0x1  }
0x1d: {  	v10 =	vsub.f32 v10, v9;
	_ =	sdelay $0x1  }
0x1e: {  	v10 =	vmul.f32 $5.500000000e+01, v10;
	_ =	sdelay $0x1  }
0x1f: {  	v10 =	vmul.f32 v10, v5;
	_ =	sdelay $0x1  }
0x20: {  	v9 =	vmul.f32 $5.500000000e+01, v9;
	v10 =	vmul.f32 v0, v10;
	_ =	sdelay $0x1  }
0x21: {  	v9 =	vadd.f32 v10, v9;
	_ =	sdelay $0x1  }
0x22: {  	v10 =	vtrunc.f32 v9  }
0x23: {  	v10 =	vcvt.f32.s32 v10;
	_ =	sdelay $0x1  }
0x24: {  	vm1 =	vgt.s32 v10, $0x0  }
0x25: {  	v11 =	vnsel vm1, $0x0, v10  }
0x26: {  	v11 =	vmin.u32 v11, $0x36  }
0x27: {  	[tilespmem:$0x80] =	vst v11  }
0x28: {  	v12 =	vld [tilespmem:$0x80];
	_ =	sdelay $0x2  }
0x29: {  	v13 =	vbroadcast v8, $0x0;
	v8 =	vbroadcast v8, $0x2;
	_ =	sdelay $0x1  }
0x2a: {  	v48 =	vmul.f32 v13, v2;
	v8 =	vmul.f32 v8, v2;
	(v2sf) =	vpush v12, $0x0;
	_ =	sdelay $0x1  }
0x2b: {  	v8 =	vsub.f32 v8, v48;
	_ =	sdelay $0x1  }
0x2c: {  	v8 =	vmul.f32 $5.500000000e+01, v8;
	_ =	sdelay $0x1  }
0x2d: {  	v8 =	vmul.f32 v8, v5;
	_ =	sdelay $0x1  }
0x2e: {  	v8 =	vmul.f32 v0, v8  }
0x2f: {  	v49 =	vcvt.s32.f32 v10;
	v12 =	vmul.f32 $5.500000000e+01, v48;
	_ =	sdelay $0x1  }
0x30: {  	vm1 =	vgt.f32 v9, v49;
	v12 =	vadd.f32 v8, v12  }
0x31: {  	v8 =	vsel vm1, $0x1, v1  }
0x32: {  	v13 =	vsub.f32 v9, v49;
	v14 =	vadd.s32 v10, v8;
	v8 =	vtrunc.f32 v12  }
0x33: {  	vm1 =	vlt.s32 v10, $0x37;
	vm2 =	vlt.s32 v14, $0x37;
	v15 =	vcvt.f32.s32 v8  }
0x34: {  	v16 =	vnsel vm1, $0x37, v10;
	vm1 =	vge.f32 v9, $0.0e+00;
	v17 =	vnsel vm2, $0x37, v14;
	s16 =	spop (v2sf)  }
0x35: {  	vm2 =	vle.f32 v9, $5.500000000e+01;
	v9 =	vsub.f32 $1.000000000e+00, v13;
	vm3 =	vgt.s32 v15, $0x0;
	s0 =	smul.u32 $0x38, s16  }
0x36: {  	vm1 =	vmand vm1, vm2;
	vm2 =	veq.s32 v11, v10;
	v8 =	vnsel vm3, $0x0, v15  }
0x37: {  	v18 =	vadd.s32 $0x1, v11;
	v10 =	vnsel vm2, $0x0, v9;
	v8 =	vmin.u32 v8, $0x36;
	s0 =	sadd.s32 s7, s0  }
0x38: {  	vm2 =	veq.s32 v14, v11;
	vm3 =	veq.s32 v16, v18;
	v11 =	vadd.s32 s0, v8  }
0x39: {  	v14 =	vnsel vm2, $0x0, v13;
	vm2 =	veq.s32 v17, v18;
	v19 =	vshll.u32 v11, $0x1  }
0x3a: {  	v16 =	vnsel vm3, $0x0, v9;
	v9 =	vand.u32 $0x7, v8;
	v50 =	vand.u32 $0xFFFFFFF0, v19  }
0x3b: {  	v10 =	vadd.f32 v14, v10;
	v13 =	vnsel vm2, $0x0, v13;
	v51 =	vor.u32 v9, v50  }
0x3c: {  	v52 =	vsel vm1, $0x3F800000, v3;
	v13 =	vadd.f32 v13, v16;
	v53 =	vperm.xlane v51, v4  }
0x3d: {  	v10 =	vmul.f32 v10, v52  }
0x3e: {  	v13 =	vmul.f32 v13, v52;
	v14 =	vperm.xlane v51, v7;
	v16 =	vadd.s32 v6, v53  }
0x3f: {  	[tilespmem:$0x100] =	vst v10  }
0x40: {  	[tilespmem:$0x180] =	vst v13;
	v10 =	vadd.s32 v6, v14  }
0x41: {  	[tilespmem:$0x400] =	vst v11;
	v11 =	vadd.s32 $0x38, v11  }
0x42: {  	s26 =	simm.s32 $0x0;
	s23 =	simm.s32 $0x500;
	[tilespmem:$0x410] =	vst v11  }
0x43: {  	[tilespmem:s23], [sflag:$0x1] =	stream.indirect_vreg.gather [hbm4b:s4+s26], $0x80, v16, vm0, $0xb8;
	[tilespmem:$0x6100] =	vst v63  }
0x44: {  	s24 =	simm.s32 $0xD00  }
0x45: {  	[tilespmem:s24], [sflag:$0x1] =	stream.indirect_vreg.gather [hbm4b:s4+s26], $0x80, v10, vm0, $0xb8;
	[tilespmem:$0x6100] =	vst v63  }
0x46: {  	v10 =	vld [tilespmem:$0x410];
	_ =	sdelay $0x4  }
0x47: {  	v54 =	vcvt.s32.f32 v15;
	v11 =	vshll.u32 v10, $0x1  }
0x48: {  	v10 =	vand.u32 $0x7, v10;
	v11 =	vand.u32 $0xFFFFFFF0, v11  }
0x49: {  	vm1 =	vgt.f32 v12, v54;
	v10 =	vor.u32 v10, v11  }
0x4a: {  	v55 =	vsel vm1, $0x1, v1;
	v11 =	vperm.xlane v10, v4  }
0x4b: {  	vm1 =	vlt.s32 v15, $0x37;
	v59 =	vadd.s32 $0x1, v8;
	v13 =	vsub.f32 v12, v54  }
0x4c: {  	v56 =	vnsel vm1, $0x37, v15;
	v14 =	vadd.s32 v15, v55;
	v11 =	vadd.s32 v6, v11  }
0x4d: {  	v57 =	vsub.f32 $1.000000000e+00, v13;
	vm1 =	vlt.s32 v14, $0x37;
	v10 =	vperm.xlane v10, v7  }
0x4e: {  	s25 =	rddreg [dreg:$0x4];
	vm2 =	veq.s32 v14, v8;
	v58 =	vnsel vm1, $0x37, v14;
	vm1 =	veq.s32 v8, v15  }
0x4f: {  	s0 =	sadd.s32 s25, s3;
	v60 =	vnsel vm1, $0x0, v57;
	vm1 =	veq.s32 v56, v59;
	v10 =	vadd.s32 v6, v10  }
0x50: {  	s30 =	simm.s32 $0x1500;
	s28 =	smul.u32 $0xC400, s0;
	v61 =	vnsel vm2, $0x0, v13;
	v16 =	vnsel vm1, $0x0, v57;
	vm1 =	veq.s32 v58, v59  }
0x51: {  	vm2 =	vge.f32 v12, $0.0e+00;
	[tilespmem:s30], [sflag:$0x1] =	stream.indirect_vreg.gather [hbm4b:s4+s26], $0x80, v11, vm0, $0xb8;
	v11 =	vnsel vm1, $0x0, v13;
	vm1 =	vle.f32 v12, $5.500000000e+01;
	[tilespmem:$0x6100] =	vst v63  }
0x52: {  	v62 =	vadd.f32 v61, v60;
	vm1 =	vmand vm2, vm1;
	v11 =	vadd.f32 v11, v16  }
0x53: {  	[dreg:$0x7] =	wrdreg s3;
	s31 =	simm.s32 $0x1D00;
	s29 =	sadd.s32 $0xE00, s28;
	v63 =	vsel vm1, $0x3F800000, v3  }
0x54: {  	[tilespmem:s31], [sflag:$0x1] =	stream.indirect_vreg.gather [hbm4b:s4+s26], $0x80, v10, vm0, $0xb8;
	v10 =	vmul.f32 v62, v63;
	v11 =	vmul.f32 v11, v63;
	[tilespmem:$0x6100] =	vst v63  }
.LBB2_3:
0x55: {  	s31 =	sshll.u32 s26, $0x1  }
0x56: {  	v12 =	vld [tilespmem:s31+$0x81];
	_ =	sdelay $0x4  }
0x57: {  	(v2sf) =	vpush v12, $0x0;
	_ =	sdelay $0xe  }
0x58: {  	s0 =	spop (v2sf)  }
0x59: {  	s0 =	smul.u32 $0x38, s0;
	_ =	sdelay $0x1  }
0x5a: {  	s0 =	sadd.s32 s7, s0  }
0x5b: {  	v12 =	vadd.s32 s0, v8  }
0x5c: {  	v13 =	vshll.u32 v12, $0x1  }
0x5d: {  	v13 =	vand.u32 $0xFFFFFFF0, v13  }
0x5e: {  	v13 =	vor.u32 v9, v13  }
0x5f: {  	v14 =	vperm.xlane v13, v4;
	_ =	sdelay $0x1  }
0x60: {  	v13 =	vperm.xlane v13, v7;
	v14 =	vadd.s32 v6, v14;
	_ =	sdelay $0x1  }
0x61: {  	v13 =	vadd.s32 v6, v13  }
0x62: {  	[tilespmem:$0x480] =	vst v12;
	v12 =	vadd.s32 $0x38, v12  }
0x63: {  	s6 =	simm.s32 $0x2500;
	[tilespmem:$0x490] =	vst v12  }
0x64: {  	[tilespmem:s6], [sflag:$0x2] =	stream.indirect_vreg.gather [hbm4b:s4+s2], $0x80, v14, vm0, $0xb8;
	[tilespmem:$0x6100] =	vst v63  }
0x65: {  	s8 =	simm.s32 $0x2D00  }
0x66: {  	[tilespmem:s8], [sflag:$0x2] =	stream.indirect_vreg.gather [hbm4b:s4+s2], $0x80, v13, vm0, $0xb8;
	[tilespmem:$0x6100] =	vst v63  }
0x67: {  	v12 =	vld [tilespmem:$0x490];
	_ =	sdelay $0x4  }
0x68: {  	v13 =	vshll.u32 v12, $0x1  }
0x69: {  	v12 =	vand.u32 $0x7, v12;
	v13 =	vand.u32 $0xFFFFFFF0, v13  }
0x6a: {  	v12 =	vor.u32 v12, v13  }
0x6b: {  	v13 =	vperm.xlane v12, v4;
	_ =	sdelay $0x1  }
0x6c: {  	v12 =	vperm.xlane v12, v7;
	v13 =	vadd.s32 v6, v13;
	_ =	sdelay $0x1  }
0x6d: {  	v12 =	vadd.s32 v6, v12;
	_ =	sdelay $0x1  }
0x6e: {  	s9 =	simm.s32 $0x3500  }
0x6f: {  	[tilespmem:s9], [sflag:$0x2] =	stream.indirect_vreg.gather [hbm4b:s4+s2], $0x80, v13, vm0, $0xb8;
	[tilespmem:$0x6100] =	vst v63  }
0x70: {  	_ = 	snop  }
0x71: {  	[tilespmem:s17], [sflag:$0x2] =	stream.indirect_vreg.gather [hbm4b:s4+s2], $0x80, v12, vm0, $0xb8;
	[tilespmem:$0x6100] =	vst v63  }
0x72: {  	_ =	swait.ge [sflag:s18], $0x2000  }
0x73: {  	p0 =	seq.s32 s26, $0x0;
	[sflag:s18] =	ssyncset.done $0x0  }
0x74: {  	s0 =	simm.s32 @!p0 $0x3;
	[sflag:s18] =	ssyncadd.s32 $0xFFFFE000  }
0x75: {  	_ =	swait.ge @!p0 [sflag:s0], $0xE00  }
0x76: {  	[sflag:s0] =	ssyncset.done @!p0 $0x0  }
0x77: {  	[sflag:s0] =	ssyncadd.s32 @!p0 $0xFFFFF200  }
0x78: {  	v12 =	vld.msk [tilespmem:s31+$0x100 ss:$0x0], $0xffff;
	_ =	sdelay $0x1  }
0x79: {  	v13 =	vld.msk [tilespmem:s31+$0x180 ss:$0x0], $0xffff;
	_ =	sdelay $0x2  }
0x7a: {  	v14 =	vmul.f32 v12, v10  }
0x7b: {  	v12 =	vmul.f32 v12, v11  }
0x7c: {  	[tilespmem:$0x200] =	vst v14;
	v14 =	vmul.f32 v13, v10  }
0x7d: {  	s10 =	simm.s32 $0x0;
	[tilespmem:$0x280] =	vst v12;
	v12 =	vmul.f32 v13, v11  }
0x7e: {  	s11 =	simm.s32 $0x80;
	s3 =	sand.u32 $0x800, s10;
	[tilespmem:$0x300] =	vst v14  }
0x7f: {  	s6 =	simm.s32 $0x300;
	s8 =	sor.u32 $0x500, s3;
	s0 =	sand.u32 $0x380, s11;
	[tilespmem:$0x380] =	vst v12  }
0x80: {  	s5 =	sadd.s32 s0, s8;
	v28 =	vld.msk [tilespmem:s6+$0xFFFFFF01 ss:$0x0], $0xffff  }
0x81: {  	s12 =	simm.s32 $0x880;
	s9 =	simm.s32 $0x1100;
	v13 =	vld [tilespmem:s5+$0x0]  }
0x82: {  	s9 =	sand.u32 $0x1800, s9;
	s0 =	sand.u32 $0x380, s12;
	v14 =	vld [tilespmem:s5+$0x400]  }
0x83: {  	s0 =	sor.u32 s0, s9;
	v25 =	vld.msk [tilespmem:s6+$0xFFFFFF81 ss:$0x0], $0xffff  }
0x84: {  	v15 =	vld [tilespmem:s0+$0x500]  }
0x85: {  	s13 =	simm.s32 $0x0;
	v23 =	vld.msk [tilespmem:s6+$0x1 ss:$0x0], $0xffff  }
0x86: {  	s10 =	sand.u32 $0x300, s13;
	v16 =	vld [tilespmem:s0+$0x900]  }
0x87: {  	s10 =	sadd.s32 s10, s8;
	v12 =	vld.msk [tilespmem:s6+$0x81 ss:$0x0], $0xffff;
	v17 =	vshll.u32 v13, $0x10;
	v13 =	vand.u32 $0xFFFF0000, v13;
	v18 =	vshll.u32 v14, $0x10  }
0x88: {  	v19 =	vld [tilespmem:s10+$0x0];
	v14 =	vand.u32 $0xFFFF0000, v14;
	v17 =	vmul.f32 v17, v28;
	v18 =	vmul.f32 v18, v25  }
0x89: {  	v21 =	vld [tilespmem:s10+$0x400];
	v20 =	vshll.u32 v15, $0x10;
	v13 =	vmul.f32 v13, v28;
	v14 =	vmul.f32 v14, v25  }
0x8a: {  	v27 =	vld.msk [tilespmem:s6+$0xFFFFFF00 ss:$0x0], $0xffff;
	v15 =	vand.u32 $0xFFFF0000, v15;
	v20 =	vmul.f32 v20, v23;
	v17 =	vadd.f32 v18, v17  }
0x8b: {  	v26 =	vld.msk [tilespmem:s6+$0xFFFFFF80 ss:$0x0], $0xffff;
	v18 =	vshll.u32 v16, $0x10;
	v13 =	vadd.f32 v14, v13;
	v14 =	vmul.f32 v15, v23  }
0x8c: {  	s3 =	sor.u32 s3, s13;
	v15 =	vand.u32 $0xFFFF0000, v16;
	v16 =	vmul.f32 v18, v12;
	v18 =	vld [tilespmem:s10+$0x1000];
	v17 =	vadd.f32 v20, v17  }
0x8d: {  	s23 =	sor.u32 $0x1400, s3;
	v24 =	vld.msk [tilespmem:s6+$0x0 ss:$0x0], $0xffff;
	v15 =	vmul.f32 v15, v12;
	v14 =	vadd.f32 v14, v13  }
0x8e: {  	v20 =	vld [tilespmem:s23+$0x500];
	v16 =	vadd.f32 v16, v17;
	v17 =	vshll.u32 v19, $0x10  }
0x8f: {  	s30 =	simm.s32 $0x4600;
	v13 =	vld.msk [tilespmem:s6+$0x80 ss:$0x0], $0xffff;
	v19 =	vand.u32 $0xFFFF0000, v19;
	v14 =	vadd.f32 v15, v14;
	v15 =	vshll.u32 v21, $0x10  }
0x90: {  	v21 =	vand.u32 $0xFFFF0000, v21;
	v15 =	vmul.f32 v15, v26;
	[tilespmem:s30+$0x0] =	vst v16;
	v16 =	vmul.f32 v17, v27  }
0x91: {  	v17 =	vshll.u32 v18, $0x10;
	[tilespmem:s30+$0x10] =	vst v14;
	v14 =	vmul.f32 v19, v27;
	v19 =	vmul.f32 v21, v26  }
0x92: {  	v18 =	vand.u32 $0xFFFF0000, v18;
	v15 =	vadd.f32 v15, v16;
	v16 =	vmul.f32 v17, v24;
	v17 =	vld [tilespmem:s5+$0x10]  }
0x93: {  	v18 =	vmul.f32 v18, v24;
	v21 =	vshll.u32 v20, $0x10;
	v14 =	vadd.f32 v19, v14;
	v19 =	vld [tilespmem:s5+$0x410]  }
0x94: {  	v20 =	vand.u32 $0xFFFF0000, v20;
	v15 =	vadd.f32 v16, v15;
	v16 =	vmul.f32 v21, v13  }
0x95: {  	v20 =	vmul.f32 v20, v13;
	v14 =	vadd.f32 v18, v14;
	v18 =	vld [tilespmem:s0+$0x510]  }
0x96: {  	v15 =	vadd.f32 v16, v15  }
0x97: {  	v14 =	vadd.f32 v20, v14;
	v16 =	vld [tilespmem:s0+$0x910]  }
0x98: {  	v20 =	vshll.u32 v19, $0x10;
	[tilespmem:s30+$0xFFFFFF00] =	vst v15;
	v15 =	vshll.u32 v17, $0x10;
	v17 =	vand.u32 $0xFFFF0000, v17  }
0x99: {  	[tilespmem:s30+$0xFFFFFF10] =	vst v14;
	v14 =	vand.u32 $0xFFFF0000, v19;
	v19 =	vmul.f32 v20, v25;
	v15 =	vmul.f32 v15, v28  }
0x9a: {  	v20 =	vld [tilespmem:s10+$0x10];
	v21 =	vshll.u32 v18, $0x10;
	v17 =	vmul.f32 v17, v28;
	v14 =	vmul.f32 v14, v25  }
0x9b: {  	v22 =	vld [tilespmem:s10+$0x410];
	v18 =	vand.u32 $0xFFFF0000, v18;
	v15 =	vadd.f32 v19, v15;
	v19 =	vmul.f32 v21, v23  }
0x9c: {  	v21 =	vshll.u32 v16, $0x10;
	v14 =	vadd.f32 v14, v17;
	v17 =	vmul.f32 v18, v23  }
0x9d: {  	v18 =	vld [tilespmem:s10+$0x1010];
	v16 =	vand.u32 $0xFFFF0000, v16;
	v15 =	vadd.f32 v19, v15;
	v19 =	vmul.f32 v21, v12  }
0x9e: {  	v16 =	vmul.f32 v16, v12;
	v14 =	vadd.f32 v17, v14  }
0x9f: {  	v17 =	vld [tilespmem:s23+$0x510];
	v21 =	vshll.u32 v20, $0x10;
	v15 =	vadd.f32 v19, v15  }
0xa0: {  	v19 =	vand.u32 $0xFFFF0000, v20;
	v20 =	vshll.u32 v22, $0x10;
	v14 =	vadd.f32 v16, v14  }
0xa1: {  	v16 =	vand.u32 $0xFFFF0000, v22;
	v21 =	vmul.f32 v21, v27;
	v20 =	vmul.f32 v20, v26;
	[tilespmem:s30+$0x20] =	vst v15  }
0xa2: {  	v19 =	vmul.f32 v19, v27;
	v16 =	vmul.f32 v16, v26;
	v15 =	vshll.u32 v18, $0x10;
	[tilespmem:s30+$0x30] =	vst v14  }
0xa3: {  	v14 =	vand.u32 $0xFFFF0000, v18;
	v18 =	vadd.f32 v20, v21;
	v15 =	vmul.f32 v15, v24;
	v20 =	vld [tilespmem:s5+$0x20]  }
0xa4: {  	v14 =	vmul.f32 v14, v24;
	v21 =	vshll.u32 v17, $0x10;
	v16 =	vadd.f32 v16, v19;
	v19 =	vld [tilespmem:s5+$0x420]  }
0xa5: {  	v17 =	vand.u32 $0xFFFF0000, v17;
	v15 =	vadd.f32 v15, v18;
	v18 =	vmul.f32 v21, v13  }
0xa6: {  	v17 =	vmul.f32 v17, v13;
	v14 =	vadd.f32 v14, v16;
	v16 =	vld [tilespmem:s0+$0x520]  }
0xa7: {  	v15 =	vadd.f32 v18, v15  }
0xa8: {  	v14 =	vadd.f32 v17, v14;
	v17 =	vld [tilespmem:s0+$0x920]  }
0xa9: {  	v18 =	vand.u32 $0xFFFF0000, v20;
	[tilespmem:s30+$0xFFFFFF20] =	vst v15;
	v15 =	vshll.u32 v20, $0x10;
	v20 =	vshll.u32 v19, $0x10  }
0xaa: {  	[tilespmem:s30+$0xFFFFFF30] =	vst v14;
	v14 =	vand.u32 $0xFFFF0000, v19;
	v15 =	vmul.f32 v15, v28;
	v19 =	vmul.f32 v20, v25  }
0xab: {  	v18 =	vmul.f32 v18, v28;
	v20 =	vld [tilespmem:s10+$0x20];
	v21 =	vshll.u32 v16, $0x10;
	v14 =	vmul.f32 v14, v25  }
0xac: {  	v22 =	vld [tilespmem:s10+$0x420];
	v16 =	vand.u32 $0xFFFF0000, v16;
	v15 =	vadd.f32 v19, v15;
	v19 =	vmul.f32 v21, v23  }
0xad: {  	v16 =	vmul.f32 v16, v23;
	v21 =	vshll.u32 v17, $0x10;
	v14 =	vadd.f32 v14, v18  }
0xae: {  	v18 =	vld [tilespmem:s10+$0x1020];
	v17 =	vand.u32 $0xFFFF0000, v17;
	v15 =	vadd.f32 v19, v15;
	v19 =	vmul.f32 v21, v12  }
0xaf: {  	v14 =	vadd.f32 v16, v14;
	v16 =	vmul.f32 v17, v12  }
0xb0: {  	v17 =	vld [tilespmem:s23+$0x520];
	v21 =	vshll.u32 v20, $0x10;
	v15 =	vadd.f32 v19, v15  }
0xb1: {  	v19 =	vand.u32 $0xFFFF0000, v20;
	v20 =	vshll.u32 v22, $0x10;
	v14 =	vadd.f32 v16, v14  }
0xb2: {  	v16 =	vand.u32 $0xFFFF0000, v22;
	v21 =	vmul.f32 v21, v27;
	v20 =	vmul.f32 v20, v26;
	[tilespmem:s30+$0x40] =	vst v15  }
0xb3: {  	v19 =	vmul.f32 v19, v27;
	v16 =	vmul.f32 v16, v26;
	v15 =	vshll.u32 v18, $0x10;
	[tilespmem:s30+$0x50] =	vst v14  }
0xb4: {  	v14 =	vand.u32 $0xFFFF0000, v18;
	v18 =	vadd.f32 v20, v21;
	v15 =	vmul.f32 v15, v24;
	v20 =	vld [tilespmem:s5+$0x30]  }
0xb5: {  	v14 =	vmul.f32 v14, v24;
	v21 =	vshll.u32 v17, $0x10;
	v16 =	vadd.f32 v16, v19;
	v19 =	vld [tilespmem:s5+$0x430]  }
0xb6: {  	v17 =	vand.u32 $0xFFFF0000, v17;
	v15 =	vadd.f32 v15, v18;
	v18 =	vmul.f32 v21, v13  }
0xb7: {  	v17 =	vmul.f32 v17, v13;
	v14 =	vadd.f32 v14, v16;
	v16 =	vld [tilespmem:s0+$0x530]  }
0xb8: {  	v15 =	vadd.f32 v18, v15  }
0xb9: {  	v14 =	vadd.f32 v17, v14;
	v17 =	vld [tilespmem:s0+$0x930]  }
0xba: {  	v18 =	vand.u32 $0xFFFF0000, v20;
	[tilespmem:s30+$0xFFFFFF40] =	vst v15;
	v15 =	vshll.u32 v20, $0x10;
	v20 =	vshll.u32 v19, $0x10  }
0xbb: {  	[tilespmem:s30+$0xFFFFFF50] =	vst v14;
	v14 =	vand.u32 $0xFFFF0000, v19;
	v15 =	vmul.f32 v15, v28;
	v19 =	vmul.f32 v20, v25  }
0xbc: {  	v18 =	vmul.f32 v18, v28;
	v20 =	vld [tilespmem:s10+$0x30];
	v21 =	vshll.u32 v16, $0x10;
	v14 =	vmul.f32 v14, v25  }
0xbd: {  	v22 =	vld [tilespmem:s10+$0x430];
	v16 =	vand.u32 $0xFFFF0000, v16;
	v15 =	vadd.f32 v19, v15;
	v19 =	vmul.f32 v21, v23  }
0xbe: {  	v16 =	vmul.f32 v16, v23;
	v21 =	vshll.u32 v17, $0x10;
	v14 =	vadd.f32 v14, v18  }
0xbf: {  	v18 =	vld [tilespmem:s10+$0x1030];
	v17 =	vand.u32 $0xFFFF0000, v17;
	v15 =	vadd.f32 v19, v15;
	v19 =	vmul.f32 v21, v12  }
0xc0: {  	v14 =	vadd.f32 v16, v14;
	v16 =	vmul.f32 v17, v12  }
0xc1: {  	v17 =	vld [tilespmem:s23+$0x530];
	v21 =	vshll.u32 v20, $0x10;
	v15 =	vadd.f32 v19, v15  }
0xc2: {  	v19 =	vand.u32 $0xFFFF0000, v20;
	v20 =	vshll.u32 v22, $0x10;
	v14 =	vadd.f32 v16, v14  }
0xc3: {  	v16 =	vand.u32 $0xFFFF0000, v22;
	v21 =	vmul.f32 v21, v27;
	v20 =	vmul.f32 v20, v26;
	[tilespmem:s30+$0x60] =	vst v15  }
0xc4: {  	v19 =	vmul.f32 v19, v27;
	v16 =	vmul.f32 v16, v26;
	v15 =	vshll.u32 v18, $0x10;
	[tilespmem:s30+$0x70] =	vst v14  }
0xc5: {  	v14 =	vand.u32 $0xFFFF0000, v18;
	v18 =	vadd.f32 v20, v21;
	v15 =	vmul.f32 v15, v24;
	v20 =	vld [tilespmem:s5+$0x40]  }
0xc6: {  	v14 =	vmul.f32 v14, v24;
	v21 =	vshll.u32 v17, $0x10;
	v16 =	vadd.f32 v16, v19;
	v19 =	vld [tilespmem:s5+$0x440]  }
0xc7: {  	v17 =	vand.u32 $0xFFFF0000, v17;
	v15 =	vadd.f32 v15, v18;
	v18 =	vmul.f32 v21, v13  }
0xc8: {  	v17 =	vmul.f32 v17, v13;
	v14 =	vadd.f32 v14, v16;
	v16 =	vld [tilespmem:s0+$0x540]  }
0xc9: {  	v15 =	vadd.f32 v18, v15  }
0xca: {  	v14 =	vadd.f32 v17, v14;
	v17 =	vld [tilespmem:s0+$0x940]  }
0xcb: {  	v18 =	vand.u32 $0xFFFF0000, v20;
	[tilespmem:s30+$0xFFFFFF60] =	vst v15;
	v15 =	vshll.u32 v20, $0x10;
	v20 =	vshll.u32 v19, $0x10  }
0xcc: {  	[tilespmem:s30+$0xFFFFFF70] =	vst v14;
	v14 =	vand.u32 $0xFFFF0000, v19;
	v15 =	vmul.f32 v15, v28;
	v19 =	vmul.f32 v20, v25  }
0xcd: {  	v18 =	vmul.f32 v18, v28;
	v20 =	vld [tilespmem:s10+$0x40];
	v21 =	vshll.u32 v16, $0x10;
	v14 =	vmul.f32 v14, v25  }
0xce: {  	v22 =	vld [tilespmem:s10+$0x440];
	v16 =	vand.u32 $0xFFFF0000, v16;
	v15 =	vadd.f32 v19, v15;
	v19 =	vmul.f32 v21, v23  }
0xcf: {  	v16 =	vmul.f32 v16, v23;
	v21 =	vshll.u32 v17, $0x10;
	v14 =	vadd.f32 v14, v18  }
0xd0: {  	v18 =	vld [tilespmem:s10+$0x1040];
	v17 =	vand.u32 $0xFFFF0000, v17;
	v15 =	vadd.f32 v19, v15;
	v19 =	vmul.f32 v21, v12  }
0xd1: {  	v14 =	vadd.f32 v16, v14;
	v16 =	vmul.f32 v17, v12  }
0xd2: {  	v17 =	vld [tilespmem:s23+$0x540];
	v21 =	vshll.u32 v20, $0x10;
	v15 =	vadd.f32 v19, v15  }
0xd3: {  	v19 =	vand.u32 $0xFFFF0000, v20;
	v20 =	vshll.u32 v22, $0x10;
	v14 =	vadd.f32 v16, v14  }
0xd4: {  	v16 =	vand.u32 $0xFFFF0000, v22;
	v21 =	vmul.f32 v21, v27;
	v20 =	vmul.f32 v20, v26;
	[tilespmem:s30+$0x80] =	vst v15  }
0xd5: {  	v19 =	vmul.f32 v19, v27;
	v16 =	vmul.f32 v16, v26;
	v15 =	vshll.u32 v18, $0x10;
	[tilespmem:s30+$0x90] =	vst v14  }
0xd6: {  	v14 =	vand.u32 $0xFFFF0000, v18;
	v18 =	vadd.f32 v20, v21;
	v15 =	vmul.f32 v15, v24;
	v20 =	vld [tilespmem:s5+$0x50]  }
0xd7: {  	v14 =	vmul.f32 v14, v24;
	v21 =	vshll.u32 v17, $0x10;
	v16 =	vadd.f32 v16, v19;
	v19 =	vld [tilespmem:s5+$0x450]  }
0xd8: {  	v17 =	vand.u32 $0xFFFF0000, v17;
	v15 =	vadd.f32 v15, v18;
	v18 =	vmul.f32 v21, v13  }
0xd9: {  	v17 =	vmul.f32 v17, v13;
	v14 =	vadd.f32 v14, v16;
	v16 =	vld [tilespmem:s0+$0x550]  }
0xda: {  	v15 =	vadd.f32 v18, v15  }
0xdb: {  	v14 =	vadd.f32 v17, v14;
	v17 =	vld [tilespmem:s0+$0x950]  }
0xdc: {  	v18 =	vand.u32 $0xFFFF0000, v20;
	[tilespmem:s30+$0xFFFFFF80] =	vst v15;
	v15 =	vshll.u32 v20, $0x10;
	v20 =	vshll.u32 v19, $0x10  }
0xdd: {  	[tilespmem:s30+$0xFFFFFF90] =	vst v14;
	v14 =	vand.u32 $0xFFFF0000, v19;
	v15 =	vmul.f32 v15, v28;
	v19 =	vmul.f32 v20, v25  }
0xde: {  	v18 =	vmul.f32 v18, v28;
	v20 =	vld [tilespmem:s10+$0x50];
	v21 =	vshll.u32 v16, $0x10;
	v14 =	vmul.f32 v14, v25  }
0xdf: {  	v22 =	vld [tilespmem:s10+$0x450];
	v16 =	vand.u32 $0xFFFF0000, v16;
	v15 =	vadd.f32 v19, v15;
	v19 =	vmul.f32 v21, v23  }
0xe0: {  	v16 =	vmul.f32 v16, v23;
	v21 =	vshll.u32 v17, $0x10;
	v14 =	vadd.f32 v14, v18  }
0xe1: {  	v18 =	vld [tilespmem:s10+$0x1050];
	v17 =	vand.u32 $0xFFFF0000, v17;
	v15 =	vadd.f32 v19, v15;
	v19 =	vmul.f32 v21, v12  }
0xe2: {  	v14 =	vadd.f32 v16, v14;
	v16 =	vmul.f32 v17, v12  }
0xe3: {  	v17 =	vld [tilespmem:s23+$0x550];
	v21 =	vshll.u32 v20, $0x10;
	v15 =	vadd.f32 v19, v15  }
0xe4: {  	v19 =	vand.u32 $0xFFFF0000, v20;
	v20 =	vshll.u32 v22, $0x10;
	v14 =	vadd.f32 v16, v14  }
0xe5: {  	v16 =	vand.u32 $0xFFFF0000, v22;
	v21 =	vmul.f32 v21, v27;
	v20 =	vmul.f32 v20, v26;
	[tilespmem:s30+$0xA0] =	vst v15  }
0xe6: {  	v19 =	vmul.f32 v19, v27;
	v16 =	vmul.f32 v16, v26;
	v15 =	vshll.u32 v18, $0x10;
	[tilespmem:s30+$0xB0] =	vst v14  }
0xe7: {  	v14 =	vand.u32 $0xFFFF0000, v18;
	v18 =	vadd.f32 v20, v21;
	v15 =	vmul.f32 v15, v24;
	v20 =	vld [tilespmem:s5+$0x60]  }
0xe8: {  	v14 =	vmul.f32 v14, v24;
	v21 =	vshll.u32 v17, $0x10;
	v16 =	vadd.f32 v16, v19;
	v19 =	vld [tilespmem:s5+$0x460]  }
0xe9: {  	v17 =	vand.u32 $0xFFFF0000, v17;
	v15 =	vadd.f32 v15, v18;
	v18 =	vmul.f32 v21, v13  }
0xea: {  	v17 =	vmul.f32 v17, v13;
	v14 =	vadd.f32 v14, v16;
	v16 =	vld [tilespmem:s0+$0x560]  }
0xeb: {  	v15 =	vadd.f32 v18, v15  }
0xec: {  	v14 =	vadd.f32 v17, v14;
	v18 =	vld [tilespmem:s0+$0x960]  }
0xed: {  	v17 =	vand.u32 $0xFFFF0000, v20;
	[tilespmem:s30+$0xFFFFFFA0] =	vst v15;
	v15 =	vshll.u32 v20, $0x10;
	v20 =	vshll.u32 v19, $0x10  }
0xee: {  	[tilespmem:s30+$0xFFFFFFB0] =	vst v14;
	v14 =	vand.u32 $0xFFFF0000, v19;
	v15 =	vmul.f32 v15, v28;
	v19 =	vmul.f32 v20, v25  }
0xef: {  	s11 =	simm.s32 $0x302;
	v17 =	vmul.f32 v17, v28;
	v20 =	vld [tilespmem:s10+$0x60];
	v21 =	vshll.u32 v16, $0x10;
	v22 =	vmul.f32 v14, v25  }
0xf0: {  	v14 =	vld.msk [tilespmem:s11+$0x81 ss:$0x0], $0xffff;
	v16 =	vand.u32 $0xFFFF0000, v16;
	v21 =	vmul.f32 v21, v23;
	v19 =	vadd.f32 v19, v15  }
0xf1: {  	s24 =	simm.s32 $0x980;
	s6 =	simm.s32 $0x1300;
	v30 =	vmul.f32 v16, v23;
	v16 =	vld.msk [tilespmem:s11+$0xFFFFFF81 ss:$0x0], $0xffff;
	v29 =	vshll.u32 v18, $0x10;
	v22 =	vadd.f32 v22, v17  }
0xf2: {  	s14 =	simm.s32 $0x200;
	s16 =	sand.u32 $0x380, s24;
	s15 =	sand.u32 $0x1800, s6;
	v15 =	vld.msk [tilespmem:s11+$0x1 ss:$0x0], $0xffff;
	v18 =	vand.u32 $0xFFFF0000, v18;
	v19 =	vadd.f32 v21, v19;
	v21 =	vmul.f32 v29, v12  }
0xf3: {  	s13 =	simm.s32 $0x180;
	s12 =	sand.u32 $0x800, s14;
	s3 =	sor.u32 s16, s15;
	v17 =	vld.msk [tilespmem:s11+$0xFFFFFF01 ss:$0x0], $0xffff;
	v18 =	vmul.f32 v18, v12;
	v22 =	vadd.f32 v30, v22  }
0xf4: {  	s14 =	sand.u32 $0x380, s13;
	s25 =	sor.u32 $0x500, s12;
	v29 =	vld [tilespmem:s3+$0x900];
	v19 =	vadd.f32 v21, v19  }
0xf5: {  	s8 =	sadd.s32 s14, s25;
	v21 =	vld [tilespmem:s3+$0x500];
	v18 =	vadd.f32 v18, v22  }
0xf6: {  	v22 =	vld [tilespmem:s8+$0x0];
	[tilespmem:s30+$0xC0] =	vst v19  }
0xf7: {  	v19 =	vld [tilespmem:s8+$0x400];
	[tilespmem:s30+$0xD0] =	vst v18;
	v18 =	vshll.u32 v20, $0x10  }
0xf8: {  	v20 =	vand.u32 $0xFFFF0000, v20;
	v31 =	vld [tilespmem:s5+$0x70];
	v34 =	vmul.f32 v18, v27  }
0xf9: {  	s15 =	simm.s32 $0x100;
	v33 =	vmul.f32 v20, v27;
	v18 =	vshll.u32 v29, $0x10;
	v32 =	vld [tilespmem:s5+$0x470];
	v29 =	vand.u32 $0xFFFF0000, v29  }
0xfa: {  	s16 =	sand.u32 $0x300, s15;
	v30 =	vld [tilespmem:s0+$0x570];
	v36 =	vmul.f32 v18, v14;
	v29 =	vmul.f32 v29, v14;
	v20 =	vshll.u32 v21, $0x10  }
0xfb: {  	v63 =	vld [tilespmem:s10+$0x1060];
	s5 =	sadd.s32 s16, s25;
	v35 =	vshll.u32 v22, $0x10;
	v18 =	vand.u32 $0xFFFF0000, v22;
	v20 =	vmul.f32 v20, v15  }
0xfc: {  	v37 =	vld [tilespmem:s5+$0x0];
	v21 =	vand.u32 $0xFFFF0000, v21;
	v35 =	vmul.f32 v35, v17;
	v39 =	vmul.f32 v18, v17  }
0xfd: {  	s25 =	sor.u32 s12, s15;
	v40 =	vld [tilespmem:s5+$0x400];
	v21 =	vmul.f32 v21, v15;
	v22 =	vshll.u32 v19, $0x10;
	v19 =	vand.u32 $0xFFFF0000, v19  }
0xfe: {  	v43 =	vld [tilespmem:s5+$0x1000];
	s9 =	sor.u32 $0x1400, s25;
	v38 =	vmul.f32 v22, v16;
	v41 =	vmul.f32 v19, v16  }
0xff: {  	v56 =	vld [tilespmem:s9+$0x500];
	v19 =	vand.u32 $0xFFFF0000, v31;
	v42 =	vand.u32 $0xFFFF0000, v32;
	v52 =	vand.u32 $0xFFFF0000, v30  }
0x100: {  	v18 =	vld.msk [tilespmem:s11+$0xFFFFFF00 ss:$0x0], $0xffff;
	v51 =	vmul.f32 v19, v28;
	v42 =	vmul.f32 v42, v25;
	v35 =	vadd.f32 v38, v35  }
0x101: {  	v19 =	vld.msk [tilespmem:s11+$0xFFFFFF80 ss:$0x0], $0xffff;
	v57 =	vshll.u32 v37, $0x10;
	v37 =	vand.u32 $0xFFFF0000, v37;
	v39 =	vadd.f32 v41, v39  }
0x102: {  	v44 =	vshll.u32 v40, $0x10;
	v40 =	vand.u32 $0xFFFF0000, v40;
	v35 =	vadd.f32 v20, v35  }
0x103: {  	v60 =	vshll.u32 v43, $0x10;
	v46 =	vand.u32 $0xFFFF0000, v43;
	v21 =	vadd.f32 v21, v39;
	v20 =	vld.msk [tilespmem:s11+$0x0 ss:$0x0], $0xffff  }
0x104: {  	v22 =	vld [tilespmem:s0+$0x970];
	v43 =	vshll.u32 v63, $0x10;
	v41 =	vmul.f32 v52, v23;
	v35 =	vadd.f32 v36, v35  }
0x105: {  	s0 =	simm.s32 $0x4800;
	v49 =	vshll.u32 v56, $0x10;
	v43 =	vmul.f32 v43, v24;
	v58 =	vadd.f32 v29, v21;
	v21 =	vld.msk [tilespmem:s11+$0x80 ss:$0x0], $0xffff  }
0x106: {  	v59 =	vld [tilespmem:s10+$0x460];
	v38 =	vadd.f32 v42, v51;
	v61 =	vmul.f32 v57, v18;
	v62 =	vmul.f32 v44, v19;
	[tilespmem:s0+$0x0] =	vst v35  }
0x107: {  	v37 =	vmul.f32 v37, v18;
	v39 =	vand.u32 $0xFFFF0000, v56;
	v40 =	vmul.f32 v40, v19;
	[tilespmem:s0+$0x10] =	vst v58  }
0x108: {  	v54 =	vadd.f32 v41, v38;
	v38 =	vadd.f32 v62, v61;
	v35 =	vmul.f32 v60, v20;
	v48 =	vld [tilespmem:s8+$0x10]  }
0x109: {  	v53 =	vand.u32 $0xFFFF0000, v22;
	v37 =	vadd.f32 v40, v37;
	v47 =	vmul.f32 v46, v20;
	v50 =	vld [tilespmem:s8+$0x410]  }
0x10a: {  	v55 =	vmul.f32 v53, v12;
	v35 =	vadd.f32 v35, v38;
	v51 =	vmul.f32 v49, v21  }
0x10b: {  	v53 =	vshll.u32 v59, $0x10;
	v52 =	vld [tilespmem:s3+$0x510];
	v39 =	vmul.f32 v39, v21;
	v37 =	vadd.f32 v47, v37  }
0x10c: {  	v36 =	vand.u32 $0xFFFF0000, v59;
	v44 =	vand.u32 $0xFFFF0000, v63;
	v35 =	vadd.f32 v51, v35  }
0x10d: {  	v29 =	vadd.f32 v55, v54;
	v54 =	vmul.f32 v53, v26;
	v55 =	vld [tilespmem:s3+$0x910];
	v37 =	vadd.f32 v39, v37  }
0x10e: {  	v56 =	vshll.u32 v48, $0x10;
	v42 =	vand.u32 $0xFFFF0000, v48;
	v45 =	vshll.u32 v50, $0x10;
	[tilespmem:s0+$0xFFFFFF00] =	vst v35  }
0x10f: {  	v57 =	vand.u32 $0xFFFF0000, v50;
	[tilespmem:s0+$0xFFFFFF10] =	vst v37;
	v35 =	vmul.f32 v56, v17;
	v58 =	vmul.f32 v45, v16  }
0x110: {  	v46 =	vshll.u32 v52, $0x10;
	v42 =	vmul.f32 v42, v17;
	v37 =	vmul.f32 v57, v16;
	v59 =	vld [tilespmem:s5+$0x10]  }
0x111: {  	v41 =	vand.u32 $0xFFFF0000, v52;
	v60 =	vmul.f32 v46, v15;
	v47 =	vld [tilespmem:s5+$0x410];
	v35 =	vadd.f32 v58, v35  }
0x112: {  	v48 =	vshll.u32 v55, $0x10;
	v41 =	vmul.f32 v41, v15;
	v37 =	vadd.f32 v37, v42  }
0x113: {  	v39 =	vand.u32 $0xFFFF0000, v55;
	v62 =	vmul.f32 v48, v14;
	v61 =	vld [tilespmem:s5+$0x1010];
	v35 =	vadd.f32 v60, v35  }
0x114: {  	v36 =	vmul.f32 v36, v26;
	v39 =	vmul.f32 v39, v14;
	v37 =	vadd.f32 v41, v37  }
0x115: {  	v34 =	vadd.f32 v54, v34;
	v63 =	vld [tilespmem:s9+$0x510];
	v48 =	vshll.u32 v59, $0x10;
	v35 =	vadd.f32 v62, v35  }
0x116: {  	v49 =	vand.u32 $0xFFFF0000, v59;
	v50 =	vshll.u32 v47, $0x10;
	v37 =	vadd.f32 v39, v37  }
0x117: {  	v51 =	vand.u32 $0xFFFF0000, v47;
	v41 =	vmul.f32 v48, v18;
	v40 =	vmul.f32 v50, v19;
	[tilespmem:s0+$0x20] =	vst v35  }
0x118: {  	v53 =	vld [tilespmem:s23+$0x560];
	v52 =	vshll.u32 v61, $0x10;
	v42 =	vmul.f32 v49, v18;
	v45 =	vmul.f32 v51, v19;
	[tilespmem:s0+$0x30] =	vst v37  }
0x119: {  	v46 =	vand.u32 $0xFFFF0000, v61;
	v39 =	vmul.f32 v52, v20;
	v54 =	vadd.f32 v40, v41;
	v56 =	vld [tilespmem:s8+$0x20]  }
0x11a: {  	v57 =	vshll.u32 v63, $0x10;
	v55 =	vmul.f32 v46, v20;
	v42 =	vadd.f32 v45, v42;
	v58 =	vld [tilespmem:s8+$0x420]  }
0x11b: {  	v38 =	vand.u32 $0xFFFF0000, v63;
	v59 =	vmul.f32 v57, v21;
	v37 =	vadd.f32 v39, v54  }
0x11c: {  	v33 =	vadd.f32 v36, v33;
	v38 =	vmul.f32 v38, v21;
	v60 =	vld [tilespmem:s3+$0x520];
	v40 =	vadd.f32 v55, v42  }
0x11d: {  	v34 =	vadd.f32 v43, v34;
	v62 =	vmul.f32 v44, v24;
	v61 =	vadd.f32 v59, v37  }
0x11e: {  	v35 =	vand.u32 $0xFFFF0000, v53;
	v63 =	vld [tilespmem:s3+$0x920];
	v37 =	vshll.u32 v53, $0x10;
	v38 =	vadd.f32 v38, v40  }
0x11f: {  	v46 =	vshll.u32 v56, $0x10;
	v41 =	vand.u32 $0xFFFF0000, v56;
	v47 =	vshll.u32 v58, $0x10;
	[tilespmem:s0+$0xFFFFFF20] =	vst v61  }
0x120: {  	v48 =	vand.u32 $0xFFFF0000, v58;
	[tilespmem:s0+$0xFFFFFF30] =	vst v38;
	v36 =	vmul.f32 v46, v17;
	v43 =	vmul.f32 v47, v16  }
0x121: {  	v50 =	vshll.u32 v60, $0x10;
	v41 =	vmul.f32 v41, v17;
	v38 =	vmul.f32 v48, v16;
	v49 =	vld [tilespmem:s5+$0x20]  }
0x122: {  	v42 =	vand.u32 $0xFFFF0000, v60;
	v52 =	vmul.f32 v50, v15;
	v51 =	vld [tilespmem:s5+$0x420];
	v36 =	vadd.f32 v43, v36  }
0x123: {  	v54 =	vshll.u32 v63, $0x10;
	v55 =	vmul.f32 v42, v15;
	v38 =	vadd.f32 v38, v41  }
0x124: {  	v40 =	vand.u32 $0xFFFF0000, v63;
	v56 =	vmul.f32 v54, v14;
	v53 =	vld [tilespmem:s5+$0x1020];
	v36 =	vadd.f32 v52, v36  }
0x125: {  	v33 =	vadd.f32 v62, v33;
	v40 =	vmul.f32 v40, v14;
	v38 =	vadd.f32 v55, v38  }
0x126: {  	v35 =	vmul.f32 v35, v13;
	v57 =	vld [tilespmem:s9+$0x520];
	v58 =	vshll.u32 v49, $0x10;
	v36 =	vadd.f32 v56, v36  }
0x127: {  	v59 =	vand.u32 $0xFFFF0000, v49;
	v60 =	vshll.u32 v51, $0x10;
	v38 =	vadd.f32 v40, v38  }
0x128: {  	v61 =	vand.u32 $0xFFFF0000, v51;
	v41 =	vmul.f32 v58, v18;
	v42 =	vmul.f32 v60, v19;
	[tilespmem:s0+$0x40] =	vst v36  }
0x129: {  	v62 =	vshll.u32 v53, $0x10;
	v43 =	vmul.f32 v59, v18;
	v44 =	vmul.f32 v61, v19;
	[tilespmem:s0+$0x50] =	vst v38  }
0x12a: {  	v63 =	vand.u32 $0xFFFF0000, v53;
	v40 =	vmul.f32 v62, v20;
	v48 =	vadd.f32 v42, v41;
	v49 =	vld [tilespmem:s8+$0x30]  }
0x12b: {  	v50 =	vshll.u32 v57, $0x10;
	v36 =	vmul.f32 v63, v20;
	v43 =	vadd.f32 v44, v43;
	v51 =	vld [tilespmem:s8+$0x430]  }
0x12c: {  	v39 =	vand.u32 $0xFFFF0000, v57;
	v52 =	vmul.f32 v50, v21;
	v38 =	vadd.f32 v40, v48  }
0x12d: {  	v37 =	vmul.f32 v37, v13;
	v39 =	vmul.f32 v39, v21;
	v53 =	vld [tilespmem:s3+$0x530];
	v36 =	vadd.f32 v36, v43  }
0x12e: {  	v31 =	vshll.u32 v31, $0x10;
	v33 =	vadd.f32 v35, v33;
	v38 =	vadd.f32 v52, v38  }
0x12f: {  	v28 =	vmul.f32 v31, v28;
	v34 =	vadd.f32 v37, v34;
	v54 =	vld [tilespmem:s3+$0x930];
	v36 =	vadd.f32 v39, v36  }
0x130: {  	v31 =	vshll.u32 v49, $0x10;
	v55 =	vand.u32 $0xFFFF0000, v49;
	v56 =	vshll.u32 v51, $0x10;
	[tilespmem:s0+$0xFFFFFF40] =	vst v38  }
0x131: {  	v57 =	vand.u32 $0xFFFF0000, v51;
	[tilespmem:s0+$0xFFFFFF50] =	vst v36;
	v31 =	vmul.f32 v31, v17;
	v38 =	vmul.f32 v56, v16  }
0x132: {  	v59 =	vshll.u32 v53, $0x10;
	v37 =	vmul.f32 v55, v17;
	v36 =	vmul.f32 v57, v16;
	v58 =	vld [tilespmem:s5+$0x30]  }
0x133: {  	v42 =	vand.u32 $0xFFFF0000, v53;
	v61 =	vmul.f32 v59, v15;
	v60 =	vld [tilespmem:s5+$0x430];
	v31 =	vadd.f32 v38, v31  }
0x134: {  	v63 =	vshll.u32 v54, $0x10;
	v46 =	vmul.f32 v42, v15;
	v36 =	vadd.f32 v36, v37  }
0x135: {  	v39 =	vand.u32 $0xFFFF0000, v54;
	v47 =	vmul.f32 v63, v14;
	v62 =	vld [tilespmem:s5+$0x1030];
	v31 =	vadd.f32 v61, v31  }
0x136: {  	v32 =	vshll.u32 v32, $0x10;
	v48 =	vmul.f32 v39, v14;
	v36 =	vadd.f32 v46, v36  }
0x137: {  	v30 =	vshll.u32 v30, $0x10;
	[tilespmem:s30+$0xFFFFFFD0] =	vst v33;
	v49 =	vld [tilespmem:s9+$0x530];
	v50 =	vshll.u32 v58, $0x10;
	v31 =	vadd.f32 v47, v31  }
0x138: {  	[tilespmem:s30+$0xFFFFFFC0] =	vst v34;
	v51 =	vand.u32 $0xFFFF0000, v58;
	v52 =	vshll.u32 v60, $0x10;
	v36 =	vadd.f32 v48, v36  }
0x139: {  	v57 =	vld [tilespmem:s10+$0x470];
	v53 =	vand.u32 $0xFFFF0000, v60;
	v35 =	vmul.f32 v50, v18;
	v55 =	vmul.f32 v52, v19;
	[tilespmem:s0+$0x60] =	vst v31  }
0x13a: {  	v54 =	vshll.u32 v62, $0x10;
	v39 =	vmul.f32 v51, v18;
	v40 =	vmul.f32 v53, v19;
	v31 =	vld [tilespmem:s10+$0x70];
	[tilespmem:s0+$0x70] =	vst v36  }
0x13b: {  	v56 =	vand.u32 $0xFFFF0000, v62;
	v33 =	vmul.f32 v54, v20;
	v35 =	vadd.f32 v55, v35;
	v59 =	vld [tilespmem:s8+$0x40]  }
0x13c: {  	v60 =	vshll.u32 v49, $0x10;
	v58 =	vmul.f32 v56, v20;
	v39 =	vadd.f32 v40, v39;
	v61 =	vld [tilespmem:s8+$0x440]  }
0x13d: {  	v34 =	vand.u32 $0xFFFF0000, v49;
	v62 =	vmul.f32 v60, v21;
	v33 =	vadd.f32 v33, v35  }
0x13e: {  	v47 =	vshll.u32 v57, $0x10;
	v34 =	vmul.f32 v34, v21;
	v63 =	vld [tilespmem:s3+$0x540];
	v37 =	vadd.f32 v58, v39  }
0x13f: {  	v36 =	vand.u32 $0xFFFF0000, v57;
	v35 =	vmul.f32 v47, v26;
	v33 =	vadd.f32 v62, v33  }
0x140: {  	v48 =	vld [tilespmem:s3+$0x940];
	v46 =	vshll.u32 v31, $0x10;
	v31 =	vand.u32 $0xFFFF0000, v31;
	v34 =	vadd.f32 v34, v37  }
0x141: {  	v49 =	vshll.u32 v59, $0x10;
	v38 =	vand.u32 $0xFFFF0000, v59;
	v50 =	vshll.u32 v61, $0x10;
	[tilespmem:s0+$0xFFFFFF60] =	vst v33  }
0x142: {  	v51 =	vand.u32 $0xFFFF0000, v61;
	[tilespmem:s0+$0xFFFFFF70] =	vst v34;
	v33 =	vmul.f32 v49, v17;
	v52 =	vmul.f32 v50, v16  }
0x143: {  	v54 =	vshll.u32 v63, $0x10;
	v38 =	vmul.f32 v38, v17;
	v34 =	vmul.f32 v51, v16;
	v53 =	vld [tilespmem:s5+$0x40]  }
0x144: {  	v39 =	vand.u32 $0xFFFF0000, v63;
	v56 =	vmul.f32 v54, v15;
	v55 =	vld [tilespmem:s5+$0x440];
	v33 =	vadd.f32 v52, v33  }
0x145: {  	v58 =	vshll.u32 v48, $0x10;
	v59 =	vmul.f32 v39, v15;
	v34 =	vadd.f32 v34, v38  }
0x146: {  	v37 =	vand.u32 $0xFFFF0000, v48;
	v60 =	vmul.f32 v58, v14;
	v57 =	vld [tilespmem:s5+$0x1040];
	v33 =	vadd.f32 v56, v33  }
0x147: {  	v41 =	vmul.f32 v46, v27;
	v37 =	vmul.f32 v37, v14;
	v34 =	vadd.f32 v59, v34  }
0x148: {  	v31 =	vmul.f32 v31, v27;
	v27 =	vld [tilespmem:s9+$0x540];
	v61 =	vshll.u32 v53, $0x10;
	v33 =	vadd.f32 v60, v33  }
0x149: {  	v62 =	vand.u32 $0xFFFF0000, v53;
	v63 =	vshll.u32 v55, $0x10;
	v34 =	vadd.f32 v37, v34  }
0x14a: {  	v45 =	vand.u32 $0xFFFF0000, v55;
	v38 =	vmul.f32 v61, v18;
	v39 =	vmul.f32 v63, v19;
	[tilespmem:s0+$0x80] =	vst v33  }
0x14b: {  	v47 =	vld [tilespmem:s10+$0x1070];
	v46 =	vshll.u32 v57, $0x10;
	v40 =	vmul.f32 v62, v18;
	v42 =	vmul.f32 v45, v19;
	[tilespmem:s0+$0x90] =	vst v34  }
0x14c: {  	v43 =	vand.u32 $0xFFFF0000, v57;
	v37 =	vmul.f32 v46, v20;
	v48 =	vadd.f32 v39, v38;
	v50 =	vld [tilespmem:s8+$0x50]  }
0x14d: {  	v51 =	vshll.u32 v27, $0x10;
	v49 =	vmul.f32 v43, v20;
	v40 =	vadd.f32 v42, v40;
	v52 =	vld [tilespmem:s8+$0x450]  }
0x14e: {  	v27 =	vand.u32 $0xFFFF0000, v27;
	v53 =	vmul.f32 v51, v21;
	v34 =	vadd.f32 v37, v48  }
0x14f: {  	v32 =	vmul.f32 v32, v25;
	v27 =	vmul.f32 v27, v21;
	v54 =	vld [tilespmem:s3+$0x550];
	v38 =	vadd.f32 v49, v40  }
0x150: {  	v26 =	vmul.f32 v36, v26;
	v33 =	vand.u32 $0xFFFF0000, v47;
	v25 =	vadd.f32 v53, v34  }
0x151: {  	v56 =	vld [tilespmem:s3+$0x950];
	v34 =	vshll.u32 v47, $0x10;
	v55 =	vadd.f32 v27, v38;
	v27 =	vadd.f32 v35, v41  }
0x152: {  	v57 =	vand.u32 $0xFFFF0000, v50;
	v58 =	vshll.u32 v52, $0x10;
	v59 =	vand.u32 $0xFFFF0000, v52;
	[tilespmem:s0+$0xFFFFFF80] =	vst v25  }
0x153: {  	v25 =	vshll.u32 v50, $0x10;
	[tilespmem:s0+$0xFFFFFF90] =	vst v55;
	v35 =	vmul.f32 v57, v17;
	v36 =	vmul.f32 v59, v16  }
0x154: {  	v40 =	vand.u32 $0xFFFF0000, v54;
	v38 =	vmul.f32 v58, v16;
	v25 =	vmul.f32 v25, v17;
	v60 =	vld [tilespmem:s5+$0x50]  }
0x155: {  	v61 =	vshll.u32 v54, $0x10;
	v47 =	vmul.f32 v40, v15;
	v62 =	vld [tilespmem:s5+$0x450];
	v35 =	vadd.f32 v36, v35  }
0x156: {  	v37 =	vand.u32 $0xFFFF0000, v56;
	v63 =	vmul.f32 v61, v15;
	v25 =	vadd.f32 v38, v25  }
0x157: {  	v46 =	vshll.u32 v56, $0x10;
	v49 =	vmul.f32 v37, v14;
	v45 =	vld [tilespmem:s5+$0x1050];
	v35 =	vadd.f32 v47, v35  }
0x158: {  	v30 =	vmul.f32 v30, v23;
	v48 =	vmul.f32 v46, v14;
	v25 =	vadd.f32 v63, v25  }
0x159: {  	v26 =	vadd.f32 v26, v31;
	v31 =	vld [tilespmem:s9+$0x550];
	v50 =	vshll.u32 v60, $0x10;
	v35 =	vadd.f32 v49, v35  }
0x15a: {  	v39 =	vand.u32 $0xFFFF0000, v60;
	v51 =	vshll.u32 v62, $0x10;
	v25 =	vadd.f32 v48, v25  }
0x15b: {  	v52 =	vand.u32 $0xFFFF0000, v62;
	v37 =	vmul.f32 v50, v18;
	v38 =	vmul.f32 v51, v19;
	[tilespmem:s0+$0xB0] =	vst v35  }
0x15c: {  	v54 =	vld [tilespmem:s23+$0x570];
	v53 =	vshll.u32 v45, $0x10;
	v39 =	vmul.f32 v39, v18;
	v40 =	vmul.f32 v52, v19;
	[tilespmem:s0+$0xA0] =	vst v25  }
0x15d: {  	v36 =	vmul.f32 v53, v20;
	v25 =	vand.u32 $0xFFFF0000, v45;
	v55 =	vadd.f32 v38, v37;
	v56 =	vld [tilespmem:s8+$0x60]  }
0x15e: {  	v57 =	vshll.u32 v31, $0x10;
	v39 =	vadd.f32 v40, v39;
	v25 =	vmul.f32 v25, v20;
	v58 =	vld [tilespmem:s8+$0x460]  }
0x15f: {  	v31 =	vand.u32 $0xFFFF0000, v31;
	v59 =	vmul.f32 v57, v21;
	v35 =	vadd.f32 v36, v55  }
0x160: {  	v28 =	vadd.f32 v32, v28;
	v60 =	vmul.f32 v31, v21;
	v39 =	vadd.f32 v25, v39;
	v25 =	vld [tilespmem:s3+$0x560]  }
0x161: {  	v31 =	vmul.f32 v34, v24;
	v34 =	vmul.f32 v33, v24;
	v61 =	vadd.f32 v59, v35  }
0x162: {  	v32 =	vld [tilespmem:s3+$0x960];
	v36 =	vshll.u32 v54, $0x10;
	v35 =	vand.u32 $0xFFFF0000, v54;
	v23 =	vadd.f32 v60, v39  }
0x163: {  	[tilespmem:s0+$0xFFFFFFA0] =	vst v61;
	v24 =	vshll.u32 v56, $0x10;
	v37 =	vand.u32 $0xFFFF0000, v56;
	v62 =	vshll.u32 v58, $0x10  }
0x164: {  	v63 =	vand.u32 $0xFFFF0000, v58;
	[tilespmem:s0+$0xFFFFFFB0] =	vst v23;
	v23 =	vmul.f32 v24, v17;
	v33 =	vmul.f32 v62, v16  }
0x165: {  	s11 =	simm.s32 $0x304;
	[tilespmem:s30+$0xF0] =	vst v29;
	s10 =	simm.s32 $0x2;
	s23 =	sshllo.u32 s26, $0x1;
	v29 =	vmul.f32 v37, v17;
	v37 =	vmul.f32 v63, v16;
	v24 =	vld [tilespmem:s5+$0x60];
	v38 =	vshll.u32 v25, $0x10  }
.LBB2_4:
0x166: {  	v39 =	vld.msk [tilespmem:s11+$0x81 ss:$0x0], $0xffff;
	v25 =	vand.u32 $0xFFFF0000, v25;
	v33 =	vadd.f32 v33, v23;
	v38 =	vmul.f32 v38, v15  }
0x167: {  	s24 =	sadd.s32 $0x100, s24;
	s6 =	sadd.s32 $0x200, s6;
	v23 =	vld.msk [tilespmem:s11+$0x1 ss:$0x0], $0xffff;
	v40 =	vshll.u32 v32, $0x10;
	v37 =	vadd.f32 v37, v29;
	v41 =	vmul.f32 v25, v15  }
0x168: {  	s12 =	sadd.s32 $0xFFFFEF00, s6;
	s13 =	sand.u32 $0x1800, s6;
	s25 =	sand.u32 $0x380, s24;
	v32 =	vand.u32 $0xFFFF0000, v32;
	v29 =	vld.msk [tilespmem:s11+$0xFFFFFF01 ss:$0x0], $0xffff;
	v33 =	vadd.f32 v38, v33;
	v38 =	vmul.f32 v40, v14  }
0x169: {  	v22 =	vshll.u32 v22, $0x10;
	s14 =	sadd.s32 $0xFFFFF800, s24;
	s12 =	sand.u32 $0x800, s12;
	s25 =	sor.u32 s25, s13;
	v40 =	vmul.f32 v32, v14;
	v25 =	vld.msk [tilespmem:s11+$0xFFFFFF81 ss:$0x0], $0xffff;
	v37 =	vadd.f32 v41, v37  }
0x16a: {  	s13 =	sadd.s32 $0xFFFFF780, s24;
	s14 =	sand.u32 $0x380, s14;
	s15 =	sor.u32 $0x500, s12;
	v41 =	vld [tilespmem:s25+$0x900];
	v32 =	vshll.u32 v24, $0x10;
	v24 =	vand.u32 $0xFFFF0000, v24;
	v38 =	vadd.f32 v38, v33  }
0x16b: {  	s16 =	sand.u32 $0x300, s13;
	s12 =	sor.u32 s12, s13;
	s14 =	sadd.s32 s14, s15;
	v42 =	vld [tilespmem:s25+$0x500];
	v33 =	vmul.f32 v32, v18;
	v32 =	vmul.f32 v24, v18;
	v24 =	vadd.f32 v40, v37  }
0x16c: {  	v27 =	vadd.f32 v31, v27;
	v31 =	vmul.f32 v36, v13;
	v26 =	vadd.f32 v34, v26;
	s13 =	sadd.s32 s16, s15;
	s12 =	sor.u32 $0x1400, s12;
	v37 =	vld [tilespmem:s14+$0x0];
	[tilespmem:s0+$0xC0] =	vst v38  }
0x16d: {  	v28 =	vadd.f32 v30, v28;
	v22 =	vmul.f32 v22, v12;
	v34 =	vld [tilespmem:s14+$0x400];
	[tilespmem:s0+$0xD0] =	vst v24;
	v24 =	vmul.f32 v35, v13  }
0x16e: {  	v12 =	vmovc v14;
	v27 =	vadd.f32 v31, v27;
	v14 =	vmov v39;
	v13 =	vmov v21;
	v30 =	vld [tilespmem:s8+$0x70]  }
0x16f: {  	v22 =	vadd.f32 v22, v28;
	v21 =	vshll.u32 v41, $0x10;
	v31 =	vld [tilespmem:s8+$0x470];
	v24 =	vadd.f32 v24, v26;
	s8 =	smov.u32 s14  }
0x170: {  	v38 =	vand.u32 $0xFFFF0000, v41;
	v35 =	vld [tilespmem:s13+$0x0];
	v26 =	vshll.u32 v42, $0x10;
	v36 =	vand.u32 $0xFFFF0000, v42;
	[tilespmem:s30+$0xFFFFFFE0] =	vst v27  }
0x171: {  	v40 =	vmul.f32 v21, v14;
	v27 =	vshll.u32 v37, $0x10;
	v39 =	vmul.f32 v26, v23;
	v26 =	vld [tilespmem:s3+$0x570];
	[tilespmem:s30+$0xFFFFFFF0] =	vst v24  }
0x172: {  	v21 =	vand.u32 $0xFFFF0000, v37;
	v41 =	vld [tilespmem:s13+$0x400];
	v24 =	vshll.u32 v34, $0x10;
	v37 =	vmul.f32 v27, v29;
	[tilespmem:s30+$0xE0] =	vst v22;
	s30 =	smov.u32 s0  }
0x173: {  	v27 =	vand.u32 $0xFFFF0000, v34;
	v21 =	vmul.f32 v21, v29;
	v24 =	vmul.f32 v24, v25;
	v22 =	vld [tilespmem:s3+$0x970];
	s3 =	smov.u32 s25  }
0x174: {  	v34 =	vmul.f32 v27, v25;
	v42 =	vand.u32 $0xFFFF0000, v30;
	v28 =	vld.msk [tilespmem:s11+$0xFFFFFF00 ss:$0x0], $0xffff;
	v43 =	vand.u32 $0xFFFF0000, v31  }
0x175: {  	v42 =	vmul.f32 v42, v17;
	v27 =	vld.msk [tilespmem:s11+$0xFFFFFF80 ss:$0x0], $0xffff;
	v37 =	vadd.f32 v24, v37;
	v43 =	vmul.f32 v43, v16  }
0x176: {  	v21 =	vadd.f32 v34, v21;
	v34 =	vmul.f32 v36, v23;
	v44 =	vld [tilespmem:s13+$0x1000];
	v36 =	vand.u32 $0xFFFF0000, v26  }
0x177: {  	v24 =	vld.msk [tilespmem:s11+$0x0 ss:$0x0], $0xffff;
	v37 =	vadd.f32 v39, v37;
	v39 =	vadd.f32 v43, v42;
	v36 =	vmul.f32 v36, v15  }
0x178: {  	s10 =	sadd.s32 $0x2, s10;
	v38 =	vmul.f32 v38, v14;
	v34 =	vadd.f32 v34, v21;
	v42 =	vld [tilespmem:s12+$0x500];
	v43 =	vand.u32 $0xFFFF0000, v22  }
0x179: {  	p1 =	slt.u32 s10, $0xC;
	v21 =	vld.msk [tilespmem:s11+$0x80 ss:$0x0], $0xffff;
	v37 =	vadd.f32 v40, v37;
	v36 =	vadd.f32 v36, v39;
	v39 =	vmul.f32 v43, v12  }
0x17a: {  	s0 =	sadd.s32 $0x200, s0;
	v40 =	vshll.u32 v35, $0x10;
	v35 =	vand.u32 $0xFFFF0000, v35;
	v34 =	vadd.f32 v38, v34;
	v38 =	vld [tilespmem:s5+$0x460]  }
0x17b: {  	v43 =	vshll.u32 v41, $0x10;
	v41 =	vand.u32 $0xFFFF0000, v41;
	[tilespmem:s0+$0x0] =	vst v37;
	v37 =	vld [tilespmem:s5+$0x1060];
	v36 =	vadd.f32 v39, v36  }
0x17c: {  	v40 =	vmul.f32 v40, v28;
	v43 =	vmul.f32 v43, v27;
	v39 =	vshll.u32 v44, $0x10;
	[tilespmem:s0+$0x10] =	vst v34;
	v34 =	vld [tilespmem:s9+$0x560]  }
0x17d: {  	v35 =	vmul.f32 v35, v28;
	v41 =	vmul.f32 v41, v27;
	v44 =	vand.u32 $0xFFFF0000, v44;
	[tilespmem:s30+$0xF0] =	vst v36  }
0x17e: {  	v39 =	vmul.f32 v39, v24;
	v36 =	vadd.f32 v43, v40;
	v40 =	vmul.f32 v44, v24;
	v43 =	vld [tilespmem:s8+$0x10]  }
0x17f: {  	v35 =	vadd.f32 v41, v35;
	v44 =	vshll.u32 v42, $0x10;
	v42 =	vand.u32 $0xFFFF0000, v42;
	v41 =	vld [tilespmem:s8+$0x410]  }
0x180: {  	v42 =	vmul.f32 v42, v21;
	v36 =	vadd.f32 v39, v36;
	v39 =	vmul.f32 v44, v21  }
0x181: {  	v35 =	vadd.f32 v40, v35;
	v44 =	vshll.u32 v38, $0x10;
	v38 =	vand.u32 $0xFFFF0000, v38;
	v40 =	vld [tilespmem:s3+$0x510]  }
0x182: {  	v38 =	vmul.f32 v38, v19;
	v36 =	vadd.f32 v39, v36;
	v39 =	vmul.f32 v44, v19  }
0x183: {  	v35 =	vadd.f32 v42, v35;
	v44 =	vshll.u32 v37, $0x10;
	v37 =	vand.u32 $0xFFFF0000, v37;
	v42 =	vld [tilespmem:s3+$0x910]  }
0x184: {  	[tilespmem:s0+$0xFFFFFF00] =	vst v36;
	v36 =	vshll.u32 v43, $0x10;
	v43 =	vand.u32 $0xFFFF0000, v43;
	v45 =	vshll.u32 v41, $0x10  }
0x185: {  	[tilespmem:s0+$0xFFFFFF10] =	vst v35;
	v35 =	vand.u32 $0xFFFF0000, v41;
	v36 =	vmul.f32 v36, v29;
	v41 =	vmul.f32 v45, v25  }
0x186: {  	v43 =	vmul.f32 v43, v29;
	v45 =	vld [tilespmem:s13+$0x10];
	v46 =	vshll.u32 v40, $0x10;
	v35 =	vmul.f32 v35, v25  }
0x187: {  	v40 =	vand.u32 $0xFFFF0000, v40;
	v47 =	vld [tilespmem:s13+$0x410];
	v36 =	vadd.f32 v41, v36;
	v41 =	vmul.f32 v46, v23  }
0x188: {  	v40 =	vmul.f32 v40, v23;
	v46 =	vld [tilespmem:s13+$0x1010];
	v48 =	vshll.u32 v42, $0x10;
	v35 =	vadd.f32 v35, v43  }
0x189: {  	v42 =	vand.u32 $0xFFFF0000, v42;
	v43 =	vld [tilespmem:s12+$0x510];
	v36 =	vadd.f32 v41, v36;
	v41 =	vmul.f32 v48, v14  }
0x18a: {  	v33 =	vadd.f32 v39, v33;
	v35 =	vadd.f32 v40, v35;
	v40 =	vmul.f32 v42, v14  }
0x18b: {  	v39 =	vshll.u32 v45, $0x10;
	v42 =	vand.u32 $0xFFFF0000, v45;
	v36 =	vadd.f32 v41, v36  }
0x18c: {  	v41 =	vshll.u32 v47, $0x10;
	v45 =	vand.u32 $0xFFFF0000, v47;
	v35 =	vadd.f32 v40, v35  }
0x18d: {  	v39 =	vmul.f32 v39, v28;
	v40 =	vshll.u32 v46, $0x10;
	v41 =	vmul.f32 v41, v27;
	[tilespmem:s0+$0x20] =	vst v36  }
0x18e: {  	v42 =	vmul.f32 v42, v28;
	v36 =	vand.u32 $0xFFFF0000, v46;
	v45 =	vmul.f32 v45, v27;
	[tilespmem:s0+$0x30] =	vst v35  }
0x18f: {  	v36 =	vmul.f32 v36, v24;
	v35 =	vadd.f32 v41, v39;
	v39 =	vmul.f32 v40, v24;
	v40 =	vld [tilespmem:s8+$0x20]  }
0x190: {  	v41 =	vshll.u32 v43, $0x10;
	v43 =	vand.u32 $0xFFFF0000, v43;
	v42 =	vadd.f32 v45, v42;
	v45 =	vld [tilespmem:s8+$0x420]  }
0x191: {  	v35 =	vadd.f32 v39, v35;
	v39 =	vmul.f32 v41, v21;
	v41 =	vmul.f32 v43, v21  }
0x192: {  	v32 =	vadd.f32 v38, v32;
	v36 =	vadd.f32 v36, v42;
	v43 =	vmul.f32 v44, v20;
	v42 =	vld [tilespmem:s3+$0x520]  }
0x193: {  	v38 =	vshll.u32 v34, $0x10;
	v37 =	vmul.f32 v37, v20;
	v35 =	vadd.f32 v39, v35  }
0x194: {  	v34 =	vand.u32 $0xFFFF0000, v34;
	v36 =	vadd.f32 v41, v36;
	v33 =	vadd.f32 v43, v33;
	v39 =	vld [tilespmem:s3+$0x920]  }
0x195: {  	[tilespmem:s0+$0xFFFFFF20] =	vst v35;
	v35 =	vshll.u32 v40, $0x10;
	v40 =	vand.u32 $0xFFFF0000, v40;
	v41 =	vshll.u32 v45, $0x10  }
0x196: {  	[tilespmem:s0+$0xFFFFFF30] =	vst v36;
	v36 =	vand.u32 $0xFFFF0000, v45;
	v35 =	vmul.f32 v35, v29;
	v41 =	vmul.f32 v41, v25  }
0x197: {  	v40 =	vmul.f32 v40, v29;
	v43 =	vld [tilespmem:s13+$0x20];
	v44 =	vshll.u32 v42, $0x10;
	v36 =	vmul.f32 v36, v25  }
0x198: {  	v42 =	vand.u32 $0xFFFF0000, v42;
	v45 =	vld [tilespmem:s13+$0x420];
	v35 =	vadd.f32 v41, v35;
	v41 =	vmul.f32 v44, v23  }
0x199: {  	v44 =	vld [tilespmem:s13+$0x1020];
	v46 =	vshll.u32 v39, $0x10;
	v36 =	vadd.f32 v36, v40;
	v40 =	vmul.f32 v42, v23  }
0x19a: {  	v39 =	vand.u32 $0xFFFF0000, v39;
	v42 =	vld [tilespmem:s12+$0x520];
	v35 =	vadd.f32 v41, v35;
	v41 =	vmul.f32 v46, v14  }
0x19b: {  	v32 =	vadd.f32 v37, v32;
	v39 =	vmul.f32 v39, v14;
	v36 =	vadd.f32 v40, v36  }
0x19c: {  	v37 =	vshll.u32 v43, $0x10;
	v40 =	vand.u32 $0xFFFF0000, v43;
	v35 =	vadd.f32 v41, v35  }
0x19d: {  	v41 =	vshll.u32 v45, $0x10;
	v43 =	vand.u32 $0xFFFF0000, v45;
	v36 =	vadd.f32 v39, v36  }
0x19e: {  	v37 =	vmul.f32 v37, v28;
	v39 =	vshll.u32 v44, $0x10;
	v41 =	vmul.f32 v41, v27;
	[tilespmem:s0+$0x40] =	vst v35  }
0x19f: {  	v40 =	vmul.f32 v40, v28;
	v35 =	vand.u32 $0xFFFF0000, v44;
	v43 =	vmul.f32 v43, v27;
	[tilespmem:s0+$0x50] =	vst v36  }
0x1a0: {  	v35 =	vmul.f32 v35, v24;
	v36 =	vadd.f32 v41, v37;
	v37 =	vmul.f32 v39, v24;
	v39 =	vld [tilespmem:s8+$0x30]  }
0x1a1: {  	v41 =	vshll.u32 v42, $0x10;
	v42 =	vand.u32 $0xFFFF0000, v42;
	v40 =	vadd.f32 v43, v40;
	v43 =	vld [tilespmem:s8+$0x430]  }
0x1a2: {  	v36 =	vadd.f32 v37, v36;
	v37 =	vmul.f32 v41, v21;
	v41 =	vmul.f32 v42, v21  }
0x1a3: {  	v38 =	vmul.f32 v38, v13;
	v34 =	vmul.f32 v34, v13;
	v35 =	vadd.f32 v35, v40;
	v40 =	vld [tilespmem:s3+$0x530]  }
0x1a4: {  	v30 =	vshll.u32 v30, $0x10;
	v31 =	vshll.u32 v31, $0x10;
	v36 =	vadd.f32 v37, v36  }
0x1a5: {  	v30 =	vmul.f32 v30, v17;
	v17 =	vmovc v29;
	v33 =	vadd.f32 v38, v33;
	v35 =	vadd.f32 v41, v35;
	v37 =	vld [tilespmem:s3+$0x930]  }
0x1a6: {  	v29 =	vshll.u32 v39, $0x10;
	[tilespmem:s0+$0xFFFFFF40] =	vst v36;
	v36 =	vand.u32 $0xFFFF0000, v39;
	v38 =	vshll.u32 v43, $0x10  }
0x1a7: {  	v29 =	vmul.f32 v29, v17;
	[tilespmem:s0+$0xFFFFFF50] =	vst v35;
	v35 =	vand.u32 $0xFFFF0000, v43;
	v38 =	vmul.f32 v38, v25  }
0x1a8: {  	v36 =	vmul.f32 v36, v17;
	v39 =	vld [tilespmem:s13+$0x30];
	v41 =	vshll.u32 v40, $0x10;
	v35 =	vmul.f32 v35, v25;
	[tilespmem:s30+$0xFFFFFFC0] =	vst v33  }
0x1a9: {  	v40 =	vand.u32 $0xFFFF0000, v40;
	v33 =	vld [tilespmem:s13+$0x430];
	v29 =	vadd.f32 v38, v29;
	v38 =	vmul.f32 v41, v23  }
0x1aa: {  	v41 =	vld [tilespmem:s13+$0x1030];
	v42 =	vshll.u32 v37, $0x10;
	v35 =	vadd.f32 v35, v36;
	v36 =	vmul.f32 v40, v23  }
0x1ab: {  	v37 =	vand.u32 $0xFFFF0000, v37;
	v40 =	vld [tilespmem:s12+$0x530];
	v29 =	vadd.f32 v38, v29;
	v38 =	vmul.f32 v42, v14  }
0x1ac: {  	v32 =	vadd.f32 v34, v32;
	v35 =	vadd.f32 v36, v35;
	v36 =	vmul.f32 v37, v14  }
0x1ad: {  	v34 =	vshll.u32 v39, $0x10;
	v37 =	vand.u32 $0xFFFF0000, v39;
	v29 =	vadd.f32 v38, v29  }
0x1ae: {  	v38 =	vshll.u32 v33, $0x10;
	v33 =	vand.u32 $0xFFFF0000, v33;
	v35 =	vadd.f32 v36, v35;
	[tilespmem:s30+$0xFFFFFFD0] =	vst v32  }
0x1af: {  	v34 =	vmul.f32 v34, v28;
	v32 =	vshll.u32 v41, $0x10;
	v36 =	vmul.f32 v38, v27;
	[tilespmem:s0+$0x60] =	vst v29;
	v29 =	vld [tilespmem:s5+$0x70]  }
0x1b0: {  	v37 =	vmul.f32 v37, v28;
	v38 =	vand.u32 $0xFFFF0000, v41;
	v33 =	vmul.f32 v33, v27;
	[tilespmem:s0+$0x70] =	vst v35;
	v35 =	vld [tilespmem:s5+$0x470]  }
0x1b1: {  	v32 =	vmul.f32 v32, v24;
	v34 =	vadd.f32 v36, v34;
	v36 =	vmul.f32 v38, v24;
	v38 =	vld [tilespmem:s8+$0x40]  }
0x1b2: {  	v39 =	vshll.u32 v40, $0x10;
	v40 =	vand.u32 $0xFFFF0000, v40;
	v33 =	vadd.f32 v33, v37;
	v37 =	vld [tilespmem:s8+$0x440]  }
0x1b3: {  	v32 =	vadd.f32 v32, v34;
	v34 =	vmul.f32 v39, v21;
	v39 =	vmul.f32 v40, v21;
	v40 =	vld [tilespmem:s5+$0x1070];
	s5 =	smov.u32 s13  }
0x1b4: {  	v33 =	vadd.f32 v36, v33;
	v36 =	vld [tilespmem:s3+$0x540];
	v41 =	vshll.u32 v29, $0x10;
	v42 =	vand.u32 $0xFFFF0000, v29  }
0x1b5: {  	v32 =	vadd.f32 v34, v32;
	v34 =	vshll.u32 v35, $0x10;
	v35 =	vand.u32 $0xFFFF0000, v35;
	v29 =	vld [tilespmem:s9+$0x570];
	s9 =	smov.u32 s12  }
0x1b6: {  	v33 =	vadd.f32 v39, v33;
	v41 =	vmul.f32 v41, v18;
	v39 =	vld [tilespmem:s3+$0x940];
	v34 =	vmul.f32 v34, v19  }
0x1b7: {  	[tilespmem:s0+$0xFFFFFF60] =	vst v32;
	v32 =	vshll.u32 v38, $0x10;
	v38 =	vand.u32 $0xFFFF0000, v38;
	v43 =	vshll.u32 v37, $0x10  }
0x1b8: {  	[tilespmem:s0+$0xFFFFFF70] =	vst v33;
	v33 =	vand.u32 $0xFFFF0000, v37;
	v32 =	vmul.f32 v32, v17;
	v37 =	vmul.f32 v43, v25  }
0x1b9: {  	v38 =	vmul.f32 v38, v17;
	v43 =	vld [tilespmem:s5+$0x40];
	v44 =	vshll.u32 v36, $0x10;
	v33 =	vmul.f32 v33, v25  }
0x1ba: {  	v36 =	vand.u32 $0xFFFF0000, v36;
	v45 =	vld [tilespmem:s5+$0x440];
	v32 =	vadd.f32 v37, v32;
	v37 =	vmul.f32 v44, v23  }
0x1bb: {  	v36 =	vmul.f32 v36, v23;
	v44 =	vld [tilespmem:s5+$0x1040];
	v46 =	vshll.u32 v39, $0x10;
	v33 =	vadd.f32 v33, v38  }
0x1bc: {  	v39 =	vand.u32 $0xFFFF0000, v39;
	v38 =	vld [tilespmem:s9+$0x540];
	v32 =	vadd.f32 v37, v32;
	v37 =	vmul.f32 v46, v14  }
0x1bd: {  	v33 =	vadd.f32 v36, v33;
	v36 =	vmul.f32 v39, v14;
	v39 =	vmul.f32 v42, v18;
	v18 =	vmovc v28  }
0x1be: {  	v28 =	vshll.u32 v43, $0x10;
	v42 =	vand.u32 $0xFFFF0000, v43;
	v32 =	vadd.f32 v37, v32  }
0x1bf: {  	v37 =	vshll.u32 v45, $0x10;
	v43 =	vand.u32 $0xFFFF0000, v45;
	v33 =	vadd.f32 v36, v33  }
0x1c0: {  	v28 =	vmul.f32 v28, v18;
	v36 =	vshll.u32 v44, $0x10;
	v37 =	vmul.f32 v37, v27;
	[tilespmem:s0+$0x80] =	vst v32  }
0x1c1: {  	v42 =	vmul.f32 v42, v18;
	v32 =	vand.u32 $0xFFFF0000, v44;
	v43 =	vmul.f32 v43, v27;
	[tilespmem:s0+$0x90] =	vst v33  }
0x1c2: {  	v33 =	vmul.f32 v36, v24;
	v32 =	vmul.f32 v32, v24;
	v28 =	vadd.f32 v37, v28;
	v36 =	vld [tilespmem:s8+$0x50]  }
0x1c3: {  	v37 =	vshll.u32 v38, $0x10;
	v38 =	vand.u32 $0xFFFF0000, v38;
	v42 =	vadd.f32 v43, v42;
	v43 =	vld [tilespmem:s8+$0x450]  }
0x1c4: {  	v28 =	vadd.f32 v33, v28;
	v33 =	vmul.f32 v37, v21;
	v37 =	vmul.f32 v38, v21  }
0x1c5: {  	v35 =	vmul.f32 v35, v19;
	v32 =	vadd.f32 v32, v42;
	v42 =	vmul.f32 v31, v16;
	v16 =	vmovc v25;
	v38 =	vld [tilespmem:s3+$0x550]  }
0x1c6: {  	v19 =	vmovc v27;
	v25 =	vadd.f32 v33, v28;
	v28 =	vshll.u32 v40, $0x10;
	v33 =	vand.u32 $0xFFFF0000, v40  }
0x1c7: {  	v27 =	vadd.f32 v34, v41;
	v31 =	vadd.f32 v37, v32;
	v37 =	vshll.u32 v26, $0x10;
	v32 =	vld [tilespmem:s3+$0x950]  }
0x1c8: {  	v26 =	vand.u32 $0xFFFF0000, v36;
	[tilespmem:s0+$0xFFFFFF80] =	vst v25;
	v25 =	vshll.u32 v36, $0x10;
	v34 =	vshll.u32 v43, $0x10  }
0x1c9: {  	[tilespmem:s0+$0xFFFFFF90] =	vst v31;
	v31 =	vand.u32 $0xFFFF0000, v43;
	v25 =	vmul.f32 v25, v17;
	v34 =	vmul.f32 v34, v16  }
0x1ca: {  	v26 =	vmul.f32 v26, v17;
	v36 =	vld [tilespmem:s5+$0x50];
	v40 =	vshll.u32 v38, $0x10;
	v31 =	vmul.f32 v31, v16  }
0x1cb: {  	v38 =	vand.u32 $0xFFFF0000, v38;
	v41 =	vld [tilespmem:s5+$0x450];
	v25 =	vadd.f32 v34, v25;
	v34 =	vmul.f32 v40, v23  }
0x1cc: {  	v40 =	vld [tilespmem:s5+$0x1050];
	v43 =	vshll.u32 v32, $0x10;
	v26 =	vadd.f32 v31, v26;
	v31 =	vmul.f32 v38, v23  }
0x1cd: {  	v32 =	vand.u32 $0xFFFF0000, v32;
	v38 =	vld [tilespmem:s9+$0x550];
	v25 =	vadd.f32 v34, v25;
	v34 =	vmul.f32 v43, v14  }
0x1ce: {  	v32 =	vmul.f32 v32, v14;
	v31 =	vadd.f32 v31, v26;
	v26 =	vadd.f32 v35, v39  }
0x1cf: {  	v35 =	vshll.u32 v36, $0x10;
	v36 =	vand.u32 $0xFFFF0000, v36;
	v25 =	vadd.f32 v34, v25  }
0x1d0: {  	v34 =	vshll.u32 v41, $0x10;
	v39 =	vand.u32 $0xFFFF0000, v41;
	v31 =	vadd.f32 v32, v31  }
0x1d1: {  	v35 =	vmul.f32 v35, v18;
	v32 =	vshll.u32 v40, $0x10;
	v34 =	vmul.f32 v34, v19;
	[tilespmem:s0+$0xA0] =	vst v25  }
0x1d2: {  	v36 =	vmul.f32 v36, v18;
	v25 =	vand.u32 $0xFFFF0000, v40;
	v39 =	vmul.f32 v39, v19;
	[tilespmem:s0+$0xB0] =	vst v31  }
0x1d3: {  	v32 =	vmul.f32 v32, v24;
	v25 =	vmul.f32 v25, v24;
	v31 =	vadd.f32 v34, v35;
	v40 =	vld [tilespmem:s8+$0x60]  }
0x1d4: {  	v34 =	vshll.u32 v38, $0x10;
	v35 =	vand.u32 $0xFFFF0000, v38;
	v36 =	vadd.f32 v39, v36;
	v38 =	vld [tilespmem:s8+$0x460]  }
0x1d5: {  	v34 =	vmul.f32 v34, v21;
	v35 =	vmul.f32 v35, v21;
	v32 =	vadd.f32 v32, v31  }
0x1d6: {  	v36 =	vadd.f32 v25, v36;
	v31 =	vmul.f32 v28, v20;
	v28 =	vadd.f32 v42, v30;
	v25 =	vld [tilespmem:s3+$0x560]  }
.Ltmp0:
0x1d7: {  	v30 =	vmul.f32 v37, v15;
	v15 =	vmovc v23;
	v39 =	vadd.f32 v34, v32;
	v34 =	vmul.f32 v33, v20;
	(pc) =	sbr.rel @p1 .LBB2_4-.Ltmp0, $4  }
0x1d8: {  	v23 =	vadd.f32 v35, v36;
	v36 =	vshll.u32 v29, $0x10;
	v35 =	vand.u32 $0xFFFF0000, v29;
	v20 =	vmovc v24;
	v32 =	vld [tilespmem:s3+$0x960]  }
0x1d9: {  	v24 =	vshll.u32 v40, $0x10;
	v29 =	vand.u32 $0xFFFF0000, v40;
	[tilespmem:s0+$0xFFFFFFA0] =	vst v39;
	v33 =	vshll.u32 v38, $0x10  }
0x1da: {  	v37 =	vand.u32 $0xFFFF0000, v38;
	[tilespmem:s0+$0xFFFFFFB0] =	vst v23;
	v23 =	vmul.f32 v24, v17;
	v33 =	vmul.f32 v33, v16  }
0x1db: {  	s11 =	sadd.s32 $0x2, s11;
	v29 =	vmul.f32 v29, v17;
	v37 =	vmul.f32 v37, v16;
	v24 =	vld [tilespmem:s5+$0x60];
	v38 =	vshll.u32 v25, $0x10  }
0x1dc: {  	v25 =	vand.u32 $0xFFFF0000, v25;
	v23 =	vadd.f32 v33, v23;
	v62 =	vmul.f32 v38, v15  }
0x1dd: {  	v40 =	vld [tilespmem:s5+$0x460];
	v63 =	vshll.u32 v32, $0x10;
	v29 =	vadd.f32 v37, v29;
	v25 =	vmul.f32 v25, v15  }
0x1de: {  	v41 =	vand.u32 $0xFFFF0000, v32;
	v23 =	vadd.f32 v62, v23;
	v42 =	vmul.f32 v63, v14  }
0x1df: {  	v44 =	vld [tilespmem:s5+$0x1060];
	v43 =	vmul.f32 v41, v14;
	v25 =	vadd.f32 v25, v29  }
0x1e0: {  	v23 =	vadd.f32 v42, v23  }
0x1e1: {  	v45 =	vld [tilespmem:s9+$0x560];
	v22 =	vshll.u32 v22, $0x10;
	v57 =	vadd.f32 v31, v27;
	v25 =	vadd.f32 v43, v25  }
0x1e2: {  	v46 =	vshll.u32 v24, $0x10;
	v47 =	vand.u32 $0xFFFF0000, v24;
	v48 =	vshll.u32 v40, $0x10;
	[tilespmem:s0+$0xC0] =	vst v23  }
0x1e3: {  	v33 =	vmul.f32 v46, v18;
	v49 =	vand.u32 $0xFFFF0000, v40;
	v23 =	vmul.f32 v48, v19;
	[tilespmem:s0+$0xD0] =	vst v25  }
0x1e4: {  	v24 =	vmul.f32 v47, v18;
	v51 =	vshll.u32 v44, $0x10;
	v25 =	vmul.f32 v49, v19;
	v50 =	vld [tilespmem:s8+$0x70]  }
0x1e5: {  	v32 =	vand.u32 $0xFFFF0000, v44;
	v38 =	vmul.f32 v51, v20;
	v23 =	vadd.f32 v23, v33;
	v52 =	vld [tilespmem:s8+$0x470]  }
0x1e6: {  	v53 =	vshll.u32 v45, $0x10;
	v32 =	vmul.f32 v32, v20;
	v54 =	vld [tilespmem:s3+$0x570];
	v24 =	vadd.f32 v25, v24  }
0x1e7: {  	v29 =	vand.u32 $0xFFFF0000, v45;
	v25 =	vmul.f32 v53, v21;
	v23 =	vadd.f32 v38, v23  }
0x1e8: {  	v60 =	vadd.f32 v34, v26;
	v29 =	vmul.f32 v29, v21;
	v24 =	vadd.f32 v32, v24  }
0x1e9: {  	v58 =	vmul.f32 v36, v13;
	v28 =	vadd.f32 v30, v28;
	v23 =	vadd.f32 v25, v23  }
0x1ea: {  	v12 =	vmul.f32 v22, v12;
	v63 =	vmul.f32 v35, v13;
	v32 =	vld [tilespmem:s3+$0x970];
	v24 =	vadd.f32 v29, v24  }
0x1eb: {  	v55 =	vand.u32 $0xFFFF0000, v50;
	v56 =	vand.u32 $0xFFFF0000, v52;
	v59 =	vand.u32 $0xFFFF0000, v54;
	[tilespmem:s0+$0xFFFFFFC0] =	vst v23  }
0x1ec: {  	v41 =	vshll.u32 v50, $0x10;
	v25 =	vmul.f32 v55, v17;
	v29 =	vmul.f32 v56, v16;
	[tilespmem:s0+$0xFFFFFFD0] =	vst v24  }
0x1ed: {  	v42 =	vshll.u32 v52, $0x10;
	v53 =	vshll.u32 v54, $0x10;
	v61 =	vmul.f32 v59, v15;
	v62 =	vld [tilespmem:s5+$0x70]  }
0x1ee: {  	v43 =	vmul.f32 v41, v17;
	v51 =	vmul.f32 v42, v16;
	v25 =	vadd.f32 v29, v25;
	v35 =	vld [tilespmem:s5+$0x470]  }
0x1ef: {  	v13 =	vadd.f32 v63, v60;
	v56 =	vmul.f32 v53, v15;
	v34 =	vand.u32 $0xFFFF0000, v32  }
0x1f0: {  	v40 =	vld [tilespmem:s5+$0x1070];
	v16 =	vadd.f32 v51, v43;
	v39 =	vmul.f32 v34, v14;
	v36 =	vadd.f32 v61, v25  }
0x1f1: {  	v12 =	vadd.f32 v12, v28;
	v23 =	vadd.f32 v58, v57;
	v59 =	vshll.u32 v32, $0x10  }
0x1f2: {  	[tilespmem:s30+$0xFFFFFFF0] =	vst v13;
	v47 =	vld [tilespmem:s9+$0x570];
	v13 =	vmul.f32 v59, v14;
	v61 =	vadd.f32 v56, v16;
	v22 =	vadd.f32 v39, v36  }
0x1f3: {  	v44 =	vshll.u32 v62, $0x10;
	v45 =	vand.u32 $0xFFFF0000, v62;
	v46 =	vshll.u32 v35, $0x10  }
0x1f4: {  	v48 =	vand.u32 $0xFFFF0000, v35;
	v25 =	vmul.f32 v44, v18;
	v28 =	vmul.f32 v46, v19  }
0x1f5: {  	v52 =	vshll.u32 v40, $0x10;
	v49 =	vmul.f32 v45, v18;
	v50 =	vmul.f32 v48, v19  }
0x1f6: {  	v24 =	vand.u32 $0xFFFF0000, v40;
	v54 =	vmul.f32 v52, v20;
	v25 =	vadd.f32 v28, v25  }
0x1f7: {  	v57 =	vshll.u32 v47, $0x10;
	v55 =	vmul.f32 v24, v20;
	v18 =	vadd.f32 v50, v49  }
0x1f8: {  	[tilespmem:s30+$0xE0] =	vst v12;
	v58 =	vand.u32 $0xFFFF0000, v47;
	v20 =	vmul.f32 v57, v21;
	v19 =	vadd.f32 v54, v25  }
0x1f9: {  	p1 =	sne.s32 s26, $0x6;
	[tilespmem:s30+$0xFFFFFFE0] =	vst v23;
	s30 =	smul.u32 $0x1C00, s26;
	v12 =	vadd.f32 v13, v61;
	v60 =	vmul.f32 v58, v21;
	v17 =	vadd.f32 v55, v18  }
.Ltmp1:
0x1fa: {  	[tilespmem:s0+$0xF0] =	vst v22;
	v62 =	vadd.f32 v20, v19;
	(pc) =	sbr.rel @p1 .LBB2_7-.Ltmp1, $4  }
0x1fb: {  	s24 =	sadd.s32 s28, s30;
	[tilespmem:s0+$0xE0] =	vst v12;
	v63 =	vadd.f32 v60, v17  }
0x1fc: {  	s3 =	sshrl.u32 s24, $0x3;
	[tilespmem:s0+$0xFFFFFFE0] =	vst v62  }
0x1fd: {  	s25 =	sadd.s32 s1, s3;
	[tilespmem:s0+$0xFFFFFFF0] =	vst v63  }
0x1fe: {  	[hbm4b:s25+s2] =	stream.linear.scatter [tilespmem:s19], [sflag:$0x3], $0xE00, $0x38;
	[tilespmem:$0x6100] =	vst v63  }
.Ltmp2:
0x1ff: {  	(pc) =	sbr.rel .LBB2_8-.Ltmp2, $4  }
0x200: {  	_ = 	snop  }
0x201: {  	_ =	swait.ge [sflag:s20], $0x2000  }
0x202: {  	[sflag:s20] =	ssyncset.done $0x0  }
0x203: {  	[sflag:s20] =	ssyncadd.s32 $0xFFFFE000  }
.LBB2_7:
0x204: {  	v12 =	vld [tilespmem:s31+$0x82];
	_ =	sdelay $0x4  }
0x205: {  	(v2sf) =	vpush v12, $0x0;
	_ =	sdelay $0xe  }
0x206: {  	s0 =	spop (v2sf)  }
0x207: {  	s0 =	smul.u32 $0x38, s0;
	_ =	sdelay $0x1  }
0x208: {  	s0 =	sadd.s32 s7, s0  }
0x209: {  	v62 =	vadd.s32 s0, v8  }
0x20a: {  	v13 =	vshll.u32 v62, $0x1  }
0x20b: {  	v13 =	vand.u32 $0xFFFFFFF0, v13  }
0x20c: {  	v13 =	vor.u32 v9, v13  }
0x20d: {  	v14 =	vperm.xlane v13, v4;
	_ =	sdelay $0x1  }
0x20e: {  	v13 =	vperm.xlane v13, v7;
	v14 =	vadd.s32 v6, v14;
	_ =	sdelay $0x1  }
0x20f: {  	v13 =	vadd.s32 v6, v13  }
0x210: {  	[tilespmem:$0x400] =	vst v62;
	v12 =	vadd.s32 $0x38, v62  }
0x211: {  	s16 =	simm.s32 $0x500;
	[tilespmem:$0x410] =	vst v12  }
0x212: {  	[tilespmem:s16], [sflag:$0x1] =	stream.indirect_vreg.gather [hbm4b:s4+s2], $0x80, v14, vm0, $0xb8;
	[tilespmem:$0x6100] =	vst v63  }
0x213: {  	s24 =	simm.s32 $0xD00  }
0x214: {  	[tilespmem:s24], [sflag:$0x1] =	stream.indirect_vreg.gather [hbm4b:s4+s2], $0x80, v13, vm0, $0xb8;
	[tilespmem:$0x6100] =	vst v63  }
0x215: {  	v12 =	vld [tilespmem:$0x410];
	_ =	sdelay $0x4  }
0x216: {  	v63 =	vshll.u32 v12, $0x1  }
0x217: {  	v12 =	vand.u32 $0x7, v12;
	v13 =	vand.u32 $0xFFFFFFF0, v63  }
0x218: {  	v12 =	vor.u32 v12, v13  }
0x219: {  	v13 =	vperm.xlane v12, v4;
	_ =	sdelay $0x1  }
0x21a: {  	v12 =	vperm.xlane v12, v7;
	v13 =	vadd.s32 v6, v13;
	_ =	sdelay $0x1  }
0x21b: {  	v12 =	vadd.s32 v6, v12;
	_ =	sdelay $0x1  }
0x21c: {  	s25 =	simm.s32 $0x1500  }
0x21d: {  	[tilespmem:s25], [sflag:$0x1] =	stream.indirect_vreg.gather [hbm4b:s4+s2], $0x80, v13, vm0, $0xb8;
	[tilespmem:$0x6100] =	vst v63  }
.Ltmp3:
0x21e: {  	s31 =	simm.s32 $0x1D00;
	(pc) =	sbr.rel @p0 .LBB2_9-.Ltmp3, $4  }
0x21f: {  	[tilespmem:s31], [sflag:$0x1] =	stream.indirect_vreg.gather [hbm4b:s4+s2], $0x80, v12, vm0, $0xb8;
	[tilespmem:$0x6100] =	vst v63  }
0x220: {  	_ =	swait.ge [sflag:s20], $0x2000  }
0x221: {  	[sflag:s20] =	ssyncset.done $0x0  }
0x222: {  	[sflag:s20] =	ssyncadd.s32 $0xFFFFE000  }
.LBB2_8:
0x223: {  	_ =	swait.ge [sflag:s21], $0xE00  }
0x224: {  	[sflag:s21] =	ssyncset.done $0x0  }
0x225: {  	[sflag:s21] =	ssyncadd.s32 $0xFFFFF200  }
.LBB2_9:
0x226: {  	v12 =	vld.msk [tilespmem:s23+$0x100 ss:$0x0], $0xffff;
	_ =	sdelay $0x1  }
0x227: {  	v13 =	vld.msk [tilespmem:s23+$0x180 ss:$0x0], $0xffff;
	_ =	sdelay $0x2  }
0x228: {  	v14 =	vmul.f32 v12, v10  }
0x229: {  	v12 =	vmul.f32 v12, v11  }
0x22a: {  	[tilespmem:$0x200] =	vst v14;
	v14 =	vmul.f32 v13, v10  }
0x22b: {  	s0 =	simm.s32 $0x0;
	[tilespmem:$0x280] =	vst v12;
	v12 =	vmul.f32 v13, v11  }
0x22c: {  	s11 =	simm.s32 $0x80;
	s3 =	sand.u32 $0x800, s0;
	[tilespmem:$0x300] =	vst v14  }
0x22d: {  	s6 =	simm.s32 $0x300;
	s0 =	sand.u32 $0x380, s11;
	s8 =	sor.u32 $0x2500, s3;
	[tilespmem:$0x380] =	vst v12  }
0x22e: {  	s5 =	sadd.s32 s0, s8;
	v28 =	vld.msk [tilespmem:s6+$0xFFFFFF01 ss:$0x0], $0xffff  }
0x22f: {  	s12 =	simm.s32 $0x880;
	s9 =	simm.s32 $0x1100;
	v13 =	vld [tilespmem:s5+$0x0]  }
0x230: {  	s9 =	sand.u32 $0x1800, s9;
	s0 =	sand.u32 $0x380, s12;
	v14 =	vld [tilespmem:s5+$0x400]  }
0x231: {  	s0 =	sor.u32 s0, s9;
	v25 =	vld.msk [tilespmem:s6+$0xFFFFFF81 ss:$0x0], $0xffff  }
0x232: {  	v15 =	vld [tilespmem:s0+$0x2500]  }
0x233: {  	s13 =	simm.s32 $0x0;
	v23 =	vld.msk [tilespmem:s6+$0x1 ss:$0x0], $0xffff  }
0x234: {  	s10 =	sand.u32 $0x300, s13;
	v16 =	vld [tilespmem:s0+$0x2900]  }
0x235: {  	s10 =	sadd.s32 s10, s8;
	v12 =	vld.msk [tilespmem:s6+$0x81 ss:$0x0], $0xffff;
	v17 =	vshll.u32 v13, $0x10;
	v13 =	vand.u32 $0xFFFF0000, v13;
	v18 =	vshll.u32 v14, $0x10  }
0x236: {  	v19 =	vld [tilespmem:s10+$0x0];
	v14 =	vand.u32 $0xFFFF0000, v14;
	v17 =	vmul.f32 v17, v28;
	v18 =	vmul.f32 v18, v25  }
0x237: {  	v21 =	vld [tilespmem:s10+$0x400];
	v20 =	vshll.u32 v15, $0x10;
	v13 =	vmul.f32 v13, v28;
	v14 =	vmul.f32 v14, v25  }
0x238: {  	v27 =	vld.msk [tilespmem:s6+$0xFFFFFF00 ss:$0x0], $0xffff;
	v15 =	vand.u32 $0xFFFF0000, v15;
	v20 =	vmul.f32 v20, v23;
	v17 =	vadd.f32 v18, v17  }
0x239: {  	v26 =	vld.msk [tilespmem:s6+$0xFFFFFF80 ss:$0x0], $0xffff;
	v18 =	vshll.u32 v16, $0x10;
	v13 =	vadd.f32 v14, v13;
	v14 =	vmul.f32 v15, v23  }
0x23a: {  	s3 =	sor.u32 s3, s13;
	v15 =	vand.u32 $0xFFFF0000, v16;
	v16 =	vmul.f32 v18, v12;
	v18 =	vld [tilespmem:s10+$0x1000];
	v17 =	vadd.f32 v20, v17  }
0x23b: {  	s23 =	sor.u32 $0x1400, s3;
	v24 =	vld.msk [tilespmem:s6+$0x0 ss:$0x0], $0xffff;
	v15 =	vmul.f32 v15, v12;
	v14 =	vadd.f32 v14, v13  }
0x23c: {  	v20 =	vld [tilespmem:s23+$0x2500];
	v16 =	vadd.f32 v16, v17;
	v17 =	vshll.u32 v19, $0x10  }
0x23d: {  	s31 =	simm.s32 $0x5400;
	v13 =	vld.msk [tilespmem:s6+$0x80 ss:$0x0], $0xffff;
	v19 =	vand.u32 $0xFFFF0000, v19;
	v14 =	vadd.f32 v15, v14;
	v15 =	vshll.u32 v21, $0x10  }
0x23e: {  	v21 =	vand.u32 $0xFFFF0000, v21;
	v15 =	vmul.f32 v15, v26;
	[tilespmem:s31+$0x0] =	vst v16;
	v16 =	vmul.f32 v17, v27  }
0x23f: {  	v17 =	vshll.u32 v18, $0x10;
	[tilespmem:s31+$0x10] =	vst v14;
	v14 =	vmul.f32 v19, v27;
	v19 =	vmul.f32 v21, v26  }
0x240: {  	v18 =	vand.u32 $0xFFFF0000, v18;
	v15 =	vadd.f32 v15, v16;
	v16 =	vmul.f32 v17, v24;
	v17 =	vld [tilespmem:s5+$0x10]  }
0x241: {  	v18 =	vmul.f32 v18, v24;
	v21 =	vshll.u32 v20, $0x10;
	v14 =	vadd.f32 v19, v14;
	v19 =	vld [tilespmem:s5+$0x410]  }
0x242: {  	v20 =	vand.u32 $0xFFFF0000, v20;
	v15 =	vadd.f32 v16, v15;
	v16 =	vmul.f32 v21, v13  }
0x243: {  	v20 =	vmul.f32 v20, v13;
	v14 =	vadd.f32 v18, v14;
	v18 =	vld [tilespmem:s0+$0x2510]  }
0x244: {  	v15 =	vadd.f32 v16, v15  }
0x245: {  	v14 =	vadd.f32 v20, v14;
	v16 =	vld [tilespmem:s0+$0x2910]  }
0x246: {  	v20 =	vshll.u32 v19, $0x10;
	[tilespmem:s31+$0xFFFFFF00] =	vst v15;
	v15 =	vshll.u32 v17, $0x10;
	v17 =	vand.u32 $0xFFFF0000, v17  }
0x247: {  	[tilespmem:s31+$0xFFFFFF10] =	vst v14;
	v14 =	vand.u32 $0xFFFF0000, v19;
	v19 =	vmul.f32 v20, v25;
	v15 =	vmul.f32 v15, v28  }
0x248: {  	v20 =	vld [tilespmem:s10+$0x10];
	v21 =	vshll.u32 v18, $0x10;
	v17 =	vmul.f32 v17, v28;
	v14 =	vmul.f32 v14, v25  }
0x249: {  	v22 =	vld [tilespmem:s10+$0x410];
	v18 =	vand.u32 $0xFFFF0000, v18;
	v15 =	vadd.f32 v19, v15;
	v19 =	vmul.f32 v21, v23  }
0x24a: {  	v21 =	vshll.u32 v16, $0x10;
	v14 =	vadd.f32 v14, v17;
	v17 =	vmul.f32 v18, v23  }
0x24b: {  	v18 =	vld [tilespmem:s10+$0x1010];
	v16 =	vand.u32 $0xFFFF0000, v16;
	v15 =	vadd.f32 v19, v15;
	v19 =	vmul.f32 v21, v12  }
0x24c: {  	v16 =	vmul.f32 v16, v12;
	v14 =	vadd.f32 v17, v14  }
0x24d: {  	v17 =	vld [tilespmem:s23+$0x2510];
	v21 =	vshll.u32 v20, $0x10;
	v15 =	vadd.f32 v19, v15  }
0x24e: {  	v19 =	vand.u32 $0xFFFF0000, v20;
	v20 =	vshll.u32 v22, $0x10;
	v14 =	vadd.f32 v16, v14  }
0x24f: {  	v16 =	vand.u32 $0xFFFF0000, v22;
	v21 =	vmul.f32 v21, v27;
	v20 =	vmul.f32 v20, v26;
	[tilespmem:s31+$0x20] =	vst v15  }
0x250: {  	v19 =	vmul.f32 v19, v27;
	v16 =	vmul.f32 v16, v26;
	v15 =	vshll.u32 v18, $0x10;
	[tilespmem:s31+$0x30] =	vst v14  }
0x251: {  	v14 =	vand.u32 $0xFFFF0000, v18;
	v18 =	vadd.f32 v20, v21;
	v15 =	vmul.f32 v15, v24;
	v20 =	vld [tilespmem:s5+$0x20]  }
0x252: {  	v14 =	vmul.f32 v14, v24;
	v21 =	vshll.u32 v17, $0x10;
	v16 =	vadd.f32 v16, v19;
	v19 =	vld [tilespmem:s5+$0x420]  }
0x253: {  	v17 =	vand.u32 $0xFFFF0000, v17;
	v15 =	vadd.f32 v15, v18;
	v18 =	vmul.f32 v21, v13  }
0x254: {  	v17 =	vmul.f32 v17, v13;
	v14 =	vadd.f32 v14, v16;
	v16 =	vld [tilespmem:s0+$0x2520]  }
0x255: {  	v15 =	vadd.f32 v18, v15  }
0x256: {  	v14 =	vadd.f32 v17, v14;
	v17 =	vld [tilespmem:s0+$0x2920]  }
0x257: {  	v18 =	vand.u32 $0xFFFF0000, v20;
	[tilespmem:s31+$0xFFFFFF20] =	vst v15;
	v15 =	vshll.u32 v20, $0x10;
	v20 =	vshll.u32 v19, $0x10  }
0x258: {  	[tilespmem:s31+$0xFFFFFF30] =	vst v14;
	v14 =	vand.u32 $0xFFFF0000, v19;
	v15 =	vmul.f32 v15, v28;
	v19 =	vmul.f32 v20, v25  }
0x259: {  	v18 =	vmul.f32 v18, v28;
	v20 =	vld [tilespmem:s10+$0x20];
	v21 =	vshll.u32 v16, $0x10;
	v14 =	vmul.f32 v14, v25  }
0x25a: {  	v22 =	vld [tilespmem:s10+$0x420];
	v16 =	vand.u32 $0xFFFF0000, v16;
	v15 =	vadd.f32 v19, v15;
	v19 =	vmul.f32 v21, v23  }
0x25b: {  	v16 =	vmul.f32 v16, v23;
	v21 =	vshll.u32 v17, $0x10;
	v14 =	vadd.f32 v14, v18  }
0x25c: {  	v18 =	vld [tilespmem:s10+$0x1020];
	v17 =	vand.u32 $0xFFFF0000, v17;
	v15 =	vadd.f32 v19, v15;
	v19 =	vmul.f32 v21, v12  }
0x25d: {  	v14 =	vadd.f32 v16, v14;
	v16 =	vmul.f32 v17, v12  }
0x25e: {  	v17 =	vld [tilespmem:s23+$0x2520];
	v21 =	vshll.u32 v20, $0x10;
	v15 =	vadd.f32 v19, v15  }
0x25f: {  	v19 =	vand.u32 $0xFFFF0000, v20;
	v20 =	vshll.u32 v22, $0x10;
	v14 =	vadd.f32 v16, v14  }
0x260: {  	v16 =	vand.u32 $0xFFFF0000, v22;
	v21 =	vmul.f32 v21, v27;
	v20 =	vmul.f32 v20, v26;
	[tilespmem:s31+$0x40] =	vst v15  }
0x261: {  	v19 =	vmul.f32 v19, v27;
	v16 =	vmul.f32 v16, v26;
	v15 =	vshll.u32 v18, $0x10;
	[tilespmem:s31+$0x50] =	vst v14  }
0x262: {  	v14 =	vand.u32 $0xFFFF0000, v18;
	v18 =	vadd.f32 v20, v21;
	v15 =	vmul.f32 v15, v24;
	v20 =	vld [tilespmem:s5+$0x30]  }
0x263: {  	v14 =	vmul.f32 v14, v24;
	v21 =	vshll.u32 v17, $0x10;
	v16 =	vadd.f32 v16, v19;
	v19 =	vld [tilespmem:s5+$0x430]  }
0x264: {  	v17 =	vand.u32 $0xFFFF0000, v17;
	v15 =	vadd.f32 v15, v18;
	v18 =	vmul.f32 v21, v13  }
0x265: {  	v17 =	vmul.f32 v17, v13;
	v14 =	vadd.f32 v14, v16;
	v16 =	vld [tilespmem:s0+$0x2530]  }
0x266: {  	v15 =	vadd.f32 v18, v15  }
0x267: {  	v14 =	vadd.f32 v17, v14;
	v17 =	vld [tilespmem:s0+$0x2930]  }
0x268: {  	v18 =	vand.u32 $0xFFFF0000, v20;
	[tilespmem:s31+$0xFFFFFF40] =	vst v15;
	v15 =	vshll.u32 v20, $0x10;
	v20 =	vshll.u32 v19, $0x10  }
0x269: {  	[tilespmem:s31+$0xFFFFFF50] =	vst v14;
	v14 =	vand.u32 $0xFFFF0000, v19;
	v15 =	vmul.f32 v15, v28;
	v19 =	vmul.f32 v20, v25  }
0x26a: {  	v18 =	vmul.f32 v18, v28;
	v20 =	vld [tilespmem:s10+$0x30];
	v21 =	vshll.u32 v16, $0x10;
	v14 =	vmul.f32 v14, v25  }
0x26b: {  	v22 =	vld [tilespmem:s10+$0x430];
	v16 =	vand.u32 $0xFFFF0000, v16;
	v15 =	vadd.f32 v19, v15;
	v19 =	vmul.f32 v21, v23  }
0x26c: {  	v16 =	vmul.f32 v16, v23;
	v21 =	vshll.u32 v17, $0x10;
	v14 =	vadd.f32 v14, v18  }
0x26d: {  	v18 =	vld [tilespmem:s10+$0x1030];
	v17 =	vand.u32 $0xFFFF0000, v17;
	v15 =	vadd.f32 v19, v15;
	v19 =	vmul.f32 v21, v12  }
0x26e: {  	v14 =	vadd.f32 v16, v14;
	v16 =	vmul.f32 v17, v12  }
0x26f: {  	v17 =	vld [tilespmem:s23+$0x2530];
	v21 =	vshll.u32 v20, $0x10;
	v15 =	vadd.f32 v19, v15  }
0x270: {  	v19 =	vand.u32 $0xFFFF0000, v20;
	v20 =	vshll.u32 v22, $0x10;
	v14 =	vadd.f32 v16, v14  }
0x271: {  	v16 =	vand.u32 $0xFFFF0000, v22;
	v21 =	vmul.f32 v21, v27;
	v20 =	vmul.f32 v20, v26;
	[tilespmem:s31+$0x60] =	vst v15  }
0x272: {  	v19 =	vmul.f32 v19, v27;
	v16 =	vmul.f32 v16, v26;
	v15 =	vshll.u32 v18, $0x10;
	[tilespmem:s31+$0x70] =	vst v14  }
0x273: {  	v14 =	vand.u32 $0xFFFF0000, v18;
	v18 =	vadd.f32 v20, v21;
	v15 =	vmul.f32 v15, v24;
	v20 =	vld [tilespmem:s5+$0x40]  }
0x274: {  	v14 =	vmul.f32 v14, v24;
	v21 =	vshll.u32 v17, $0x10;
	v16 =	vadd.f32 v16, v19;
	v19 =	vld [tilespmem:s5+$0x440]  }
0x275: {  	v17 =	vand.u32 $0xFFFF0000, v17;
	v15 =	vadd.f32 v15, v18;
	v18 =	vmul.f32 v21, v13  }
0x276: {  	v17 =	vmul.f32 v17, v13;
	v14 =	vadd.f32 v14, v16;
	v16 =	vld [tilespmem:s0+$0x2540]  }
0x277: {  	v15 =	vadd.f32 v18, v15  }
0x278: {  	v14 =	vadd.f32 v17, v14;
	v17 =	vld [tilespmem:s0+$0x2940]  }
0x279: {  	v18 =	vand.u32 $0xFFFF0000, v20;
	[tilespmem:s31+$0xFFFFFF60] =	vst v15;
	v15 =	vshll.u32 v20, $0x10;
	v20 =	vshll.u32 v19, $0x10  }
0x27a: {  	[tilespmem:s31+$0xFFFFFF70] =	vst v14;
	v14 =	vand.u32 $0xFFFF0000, v19;
	v15 =	vmul.f32 v15, v28;
	v19 =	vmul.f32 v20, v25  }
0x27b: {  	v18 =	vmul.f32 v18, v28;
	v20 =	vld [tilespmem:s10+$0x40];
	v21 =	vshll.u32 v16, $0x10;
	v14 =	vmul.f32 v14, v25  }
0x27c: {  	v22 =	vld [tilespmem:s10+$0x440];
	v16 =	vand.u32 $0xFFFF0000, v16;
	v15 =	vadd.f32 v19, v15;
	v19 =	vmul.f32 v21, v23  }
0x27d: {  	v16 =	vmul.f32 v16, v23;
	v21 =	vshll.u32 v17, $0x10;
	v14 =	vadd.f32 v14, v18  }
0x27e: {  	v18 =	vld [tilespmem:s10+$0x1040];
	v17 =	vand.u32 $0xFFFF0000, v17;
	v15 =	vadd.f32 v19, v15;
	v19 =	vmul.f32 v21, v12  }
0x27f: {  	v14 =	vadd.f32 v16, v14;
	v16 =	vmul.f32 v17, v12  }
0x280: {  	v17 =	vld [tilespmem:s23+$0x2540];
	v21 =	vshll.u32 v20, $0x10;
	v15 =	vadd.f32 v19, v15  }
0x281: {  	v19 =	vand.u32 $0xFFFF0000, v20;
	v20 =	vshll.u32 v22, $0x10;
	v14 =	vadd.f32 v16, v14  }
0x282: {  	v16 =	vand.u32 $0xFFFF0000, v22;
	v21 =	vmul.f32 v21, v27;
	v20 =	vmul.f32 v20, v26;
	[tilespmem:s31+$0x80] =	vst v15  }
0x283: {  	v19 =	vmul.f32 v19, v27;
	v16 =	vmul.f32 v16, v26;
	v15 =	vshll.u32 v18, $0x10;
	[tilespmem:s31+$0x90] =	vst v14  }
0x284: {  	v14 =	vand.u32 $0xFFFF0000, v18;
	v18 =	vadd.f32 v20, v21;
	v15 =	vmul.f32 v15, v24;
	v20 =	vld [tilespmem:s5+$0x50]  }
0x285: {  	v14 =	vmul.f32 v14, v24;
	v21 =	vshll.u32 v17, $0x10;
	v16 =	vadd.f32 v16, v19;
	v19 =	vld [tilespmem:s5+$0x450]  }
0x286: {  	v17 =	vand.u32 $0xFFFF0000, v17;
	v15 =	vadd.f32 v15, v18;
	v18 =	vmul.f32 v21, v13  }
0x287: {  	v17 =	vmul.f32 v17, v13;
	v14 =	vadd.f32 v14, v16;
	v16 =	vld [tilespmem:s0+$0x2550]  }
0x288: {  	v15 =	vadd.f32 v18, v15  }
0x289: {  	v14 =	vadd.f32 v17, v14;
	v17 =	vld [tilespmem:s0+$0x2950]  }
0x28a: {  	v18 =	vand.u32 $0xFFFF0000, v20;
	[tilespmem:s31+$0xFFFFFF80] =	vst v15;
	v15 =	vshll.u32 v20, $0x10;
	v20 =	vshll.u32 v19, $0x10  }
0x28b: {  	[tilespmem:s31+$0xFFFFFF90] =	vst v14;
	v14 =	vand.u32 $0xFFFF0000, v19;
	v15 =	vmul.f32 v15, v28;
	v19 =	vmul.f32 v20, v25  }
0x28c: {  	v18 =	vmul.f32 v18, v28;
	v20 =	vld [tilespmem:s10+$0x50];
	v21 =	vshll.u32 v16, $0x10;
	v14 =	vmul.f32 v14, v25  }
0x28d: {  	v22 =	vld [tilespmem:s10+$0x450];
	v16 =	vand.u32 $0xFFFF0000, v16;
	v15 =	vadd.f32 v19, v15;
	v19 =	vmul.f32 v21, v23  }
0x28e: {  	v16 =	vmul.f32 v16, v23;
	v21 =	vshll.u32 v17, $0x10;
	v14 =	vadd.f32 v14, v18  }
0x28f: {  	v18 =	vld [tilespmem:s10+$0x1050];
	v17 =	vand.u32 $0xFFFF0000, v17;
	v15 =	vadd.f32 v19, v15;
	v19 =	vmul.f32 v21, v12  }
0x290: {  	v14 =	vadd.f32 v16, v14;
	v16 =	vmul.f32 v17, v12  }
0x291: {  	v17 =	vld [tilespmem:s23+$0x2550];
	v21 =	vshll.u32 v20, $0x10;
	v15 =	vadd.f32 v19, v15  }
0x292: {  	v19 =	vand.u32 $0xFFFF0000, v20;
	v20 =	vshll.u32 v22, $0x10;
	v14 =	vadd.f32 v16, v14  }
0x293: {  	v16 =	vand.u32 $0xFFFF0000, v22;
	v21 =	vmul.f32 v21, v27;
	v20 =	vmul.f32 v20, v26;
	[tilespmem:s31+$0xA0] =	vst v15  }
0x294: {  	v19 =	vmul.f32 v19, v27;
	v16 =	vmul.f32 v16, v26;
	v15 =	vshll.u32 v18, $0x10;
	[tilespmem:s31+$0xB0] =	vst v14  }
0x295: {  	v14 =	vand.u32 $0xFFFF0000, v18;
	v18 =	vadd.f32 v20, v21;
	v15 =	vmul.f32 v15, v24;
	v20 =	vld [tilespmem:s5+$0x60]  }
0x296: {  	v14 =	vmul.f32 v14, v24;
	v21 =	vshll.u32 v17, $0x10;
	v16 =	vadd.f32 v16, v19;
	v19 =	vld [tilespmem:s5+$0x460]  }
0x297: {  	v17 =	vand.u32 $0xFFFF0000, v17;
	v15 =	vadd.f32 v15, v18;
	v18 =	vmul.f32 v21, v13  }
0x298: {  	v17 =	vmul.f32 v17, v13;
	v14 =	vadd.f32 v14, v16;
	v16 =	vld [tilespmem:s0+$0x2560]  }
0x299: {  	v15 =	vadd.f32 v18, v15  }
0x29a: {  	v14 =	vadd.f32 v17, v14;
	v18 =	vld [tilespmem:s0+$0x2960]  }
0x29b: {  	v17 =	vand.u32 $0xFFFF0000, v20;
	[tilespmem:s31+$0xFFFFFFA0] =	vst v15;
	v15 =	vshll.u32 v20, $0x10;
	v20 =	vshll.u32 v19, $0x10  }
0x29c: {  	[tilespmem:s31+$0xFFFFFFB0] =	vst v14;
	v14 =	vand.u32 $0xFFFF0000, v19;
	v15 =	vmul.f32 v15, v28;
	v19 =	vmul.f32 v20, v25  }
0x29d: {  	s11 =	simm.s32 $0x302;
	v17 =	vmul.f32 v17, v28;
	v20 =	vld [tilespmem:s10+$0x60];
	v21 =	vshll.u32 v16, $0x10;
	v22 =	vmul.f32 v14, v25  }
0x29e: {  	v14 =	vld.msk [tilespmem:s11+$0x81 ss:$0x0], $0xffff;
	v16 =	vand.u32 $0xFFFF0000, v16;
	v21 =	vmul.f32 v21, v23;
	v19 =	vadd.f32 v19, v15  }
0x29f: {  	s24 =	simm.s32 $0x1300;
	s6 =	simm.s32 $0x980;
	v30 =	vmul.f32 v16, v23;
	v16 =	vld.msk [tilespmem:s11+$0xFFFFFF81 ss:$0x0], $0xffff;
	v29 =	vshll.u32 v18, $0x10;
	v22 =	vadd.f32 v22, v17  }
0x2a0: {  	s14 =	simm.s32 $0x200;
	s15 =	sand.u32 $0x1800, s24;
	s16 =	sand.u32 $0x380, s6;
	v15 =	vld.msk [tilespmem:s11+$0x1 ss:$0x0], $0xffff;
	v18 =	vand.u32 $0xFFFF0000, v18;
	v19 =	vadd.f32 v21, v19;
	v21 =	vmul.f32 v29, v12  }
0x2a1: {  	s13 =	simm.s32 $0x180;
	s12 =	sand.u32 $0x800, s14;
	s3 =	sor.u32 s16, s15;
	v17 =	vld.msk [tilespmem:s11+$0xFFFFFF01 ss:$0x0], $0xffff;
	v18 =	vmul.f32 v18, v12;
	v22 =	vadd.f32 v30, v22  }
0x2a2: {  	s14 =	sand.u32 $0x380, s13;
	s25 =	sor.u32 $0x2500, s12;
	v29 =	vld [tilespmem:s3+$0x2900];
	v19 =	vadd.f32 v21, v19  }
0x2a3: {  	s8 =	sadd.s32 s14, s25;
	v21 =	vld [tilespmem:s3+$0x2500];
	v18 =	vadd.f32 v18, v22  }
0x2a4: {  	v22 =	vld [tilespmem:s8+$0x0];
	[tilespmem:s31+$0xC0] =	vst v19  }
0x2a5: {  	v19 =	vld [tilespmem:s8+$0x400];
	[tilespmem:s31+$0xD0] =	vst v18;
	v18 =	vshll.u32 v20, $0x10  }
0x2a6: {  	v20 =	vand.u32 $0xFFFF0000, v20;
	v31 =	vld [tilespmem:s5+$0x70];
	v34 =	vmul.f32 v18, v27  }
0x2a7: {  	s15 =	simm.s32 $0x100;
	v33 =	vmul.f32 v20, v27;
	v18 =	vshll.u32 v29, $0x10;
	v32 =	vld [tilespmem:s5+$0x470];
	v29 =	vand.u32 $0xFFFF0000, v29  }
0x2a8: {  	s16 =	sand.u32 $0x300, s15;
	v30 =	vld [tilespmem:s0+$0x2570];
	v36 =	vmul.f32 v18, v14;
	v29 =	vmul.f32 v29, v14;
	v20 =	vshll.u32 v21, $0x10  }
0x2a9: {  	v63 =	vld [tilespmem:s10+$0x1060];
	s5 =	sadd.s32 s16, s25;
	v35 =	vshll.u32 v22, $0x10;
	v18 =	vand.u32 $0xFFFF0000, v22;
	v20 =	vmul.f32 v20, v15  }
0x2aa: {  	v37 =	vld [tilespmem:s5+$0x0];
	v21 =	vand.u32 $0xFFFF0000, v21;
	v35 =	vmul.f32 v35, v17;
	v39 =	vmul.f32 v18, v17  }
0x2ab: {  	s25 =	sor.u32 s12, s15;
	v40 =	vld [tilespmem:s5+$0x400];
	v21 =	vmul.f32 v21, v15;
	v22 =	vshll.u32 v19, $0x10;
	v19 =	vand.u32 $0xFFFF0000, v19  }
0x2ac: {  	v43 =	vld [tilespmem:s5+$0x1000];
	s9 =	sor.u32 $0x1400, s25;
	v38 =	vmul.f32 v22, v16;
	v41 =	vmul.f32 v19, v16  }
0x2ad: {  	v56 =	vld [tilespmem:s9+$0x2500];
	v19 =	vand.u32 $0xFFFF0000, v31;
	v42 =	vand.u32 $0xFFFF0000, v32;
	v52 =	vand.u32 $0xFFFF0000, v30  }
0x2ae: {  	v18 =	vld.msk [tilespmem:s11+$0xFFFFFF00 ss:$0x0], $0xffff;
	v51 =	vmul.f32 v19, v28;
	v42 =	vmul.f32 v42, v25;
	v35 =	vadd.f32 v38, v35  }
0x2af: {  	v19 =	vld.msk [tilespmem:s11+$0xFFFFFF80 ss:$0x0], $0xffff;
	v57 =	vshll.u32 v37, $0x10;
	v37 =	vand.u32 $0xFFFF0000, v37;
	v39 =	vadd.f32 v41, v39  }
0x2b0: {  	v44 =	vshll.u32 v40, $0x10;
	v40 =	vand.u32 $0xFFFF0000, v40;
	v35 =	vadd.f32 v20, v35  }
0x2b1: {  	v60 =	vshll.u32 v43, $0x10;
	v46 =	vand.u32 $0xFFFF0000, v43;
	v21 =	vadd.f32 v21, v39;
	v20 =	vld.msk [tilespmem:s11+$0x0 ss:$0x0], $0xffff  }
0x2b2: {  	v22 =	vld [tilespmem:s0+$0x2970];
	v43 =	vshll.u32 v63, $0x10;
	v41 =	vmul.f32 v52, v23;
	v35 =	vadd.f32 v36, v35  }
0x2b3: {  	s0 =	simm.s32 $0x5600;
	v49 =	vshll.u32 v56, $0x10;
	v43 =	vmul.f32 v43, v24;
	v58 =	vadd.f32 v29, v21;
	v21 =	vld.msk [tilespmem:s11+$0x80 ss:$0x0], $0xffff  }
0x2b4: {  	v59 =	vld [tilespmem:s10+$0x460];
	v38 =	vadd.f32 v42, v51;
	v61 =	vmul.f32 v57, v18;
	v62 =	vmul.f32 v44, v19;
	[tilespmem:s0+$0x0] =	vst v35  }
0x2b5: {  	v37 =	vmul.f32 v37, v18;
	v39 =	vand.u32 $0xFFFF0000, v56;
	v40 =	vmul.f32 v40, v19;
	[tilespmem:s0+$0x10] =	vst v58  }
0x2b6: {  	v54 =	vadd.f32 v41, v38;
	v38 =	vadd.f32 v62, v61;
	v35 =	vmul.f32 v60, v20;
	v48 =	vld [tilespmem:s8+$0x10]  }
0x2b7: {  	v53 =	vand.u32 $0xFFFF0000, v22;
	v37 =	vadd.f32 v40, v37;
	v47 =	vmul.f32 v46, v20;
	v50 =	vld [tilespmem:s8+$0x410]  }
0x2b8: {  	v55 =	vmul.f32 v53, v12;
	v35 =	vadd.f32 v35, v38;
	v51 =	vmul.f32 v49, v21  }
0x2b9: {  	v53 =	vshll.u32 v59, $0x10;
	v52 =	vld [tilespmem:s3+$0x2510];
	v39 =	vmul.f32 v39, v21;
	v37 =	vadd.f32 v47, v37  }
0x2ba: {  	v36 =	vand.u32 $0xFFFF0000, v59;
	v44 =	vand.u32 $0xFFFF0000, v63;
	v35 =	vadd.f32 v51, v35  }
0x2bb: {  	v29 =	vadd.f32 v55, v54;
	v54 =	vmul.f32 v53, v26;
	v55 =	vld [tilespmem:s3+$0x2910];
	v37 =	vadd.f32 v39, v37  }
0x2bc: {  	v56 =	vshll.u32 v48, $0x10;
	v42 =	vand.u32 $0xFFFF0000, v48;
	v45 =	vshll.u32 v50, $0x10;
	[tilespmem:s0+$0xFFFFFF00] =	vst v35  }
0x2bd: {  	v57 =	vand.u32 $0xFFFF0000, v50;
	[tilespmem:s0+$0xFFFFFF10] =	vst v37;
	v35 =	vmul.f32 v56, v17;
	v58 =	vmul.f32 v45, v16  }
0x2be: {  	v46 =	vshll.u32 v52, $0x10;
	v42 =	vmul.f32 v42, v17;
	v37 =	vmul.f32 v57, v16;
	v59 =	vld [tilespmem:s5+$0x10]  }
0x2bf: {  	v41 =	vand.u32 $0xFFFF0000, v52;
	v60 =	vmul.f32 v46, v15;
	v47 =	vld [tilespmem:s5+$0x410];
	v35 =	vadd.f32 v58, v35  }
0x2c0: {  	v48 =	vshll.u32 v55, $0x10;
	v41 =	vmul.f32 v41, v15;
	v37 =	vadd.f32 v37, v42  }
0x2c1: {  	v39 =	vand.u32 $0xFFFF0000, v55;
	v62 =	vmul.f32 v48, v14;
	v61 =	vld [tilespmem:s5+$0x1010];
	v35 =	vadd.f32 v60, v35  }
0x2c2: {  	v36 =	vmul.f32 v36, v26;
	v39 =	vmul.f32 v39, v14;
	v37 =	vadd.f32 v41, v37  }
0x2c3: {  	v34 =	vadd.f32 v54, v34;
	v63 =	vld [tilespmem:s9+$0x2510];
	v48 =	vshll.u32 v59, $0x10;
	v35 =	vadd.f32 v62, v35  }
0x2c4: {  	v49 =	vand.u32 $0xFFFF0000, v59;
	v50 =	vshll.u32 v47, $0x10;
	v37 =	vadd.f32 v39, v37  }
0x2c5: {  	v51 =	vand.u32 $0xFFFF0000, v47;
	v41 =	vmul.f32 v48, v18;
	v40 =	vmul.f32 v50, v19;
	[tilespmem:s0+$0x20] =	vst v35  }
0x2c6: {  	v53 =	vld [tilespmem:s23+$0x2560];
	v52 =	vshll.u32 v61, $0x10;
	v42 =	vmul.f32 v49, v18;
	v45 =	vmul.f32 v51, v19;
	[tilespmem:s0+$0x30] =	vst v37  }
0x2c7: {  	v46 =	vand.u32 $0xFFFF0000, v61;
	v39 =	vmul.f32 v52, v20;
	v54 =	vadd.f32 v40, v41;
	v56 =	vld [tilespmem:s8+$0x20]  }
0x2c8: {  	v57 =	vshll.u32 v63, $0x10;
	v55 =	vmul.f32 v46, v20;
	v42 =	vadd.f32 v45, v42;
	v58 =	vld [tilespmem:s8+$0x420]  }
0x2c9: {  	v38 =	vand.u32 $0xFFFF0000, v63;
	v59 =	vmul.f32 v57, v21;
	v37 =	vadd.f32 v39, v54  }
0x2ca: {  	v33 =	vadd.f32 v36, v33;
	v38 =	vmul.f32 v38, v21;
	v60 =	vld [tilespmem:s3+$0x2520];
	v40 =	vadd.f32 v55, v42  }
0x2cb: {  	v34 =	vadd.f32 v43, v34;
	v62 =	vmul.f32 v44, v24;
	v61 =	vadd.f32 v59, v37  }
0x2cc: {  	v35 =	vand.u32 $0xFFFF0000, v53;
	v63 =	vld [tilespmem:s3+$0x2920];
	v37 =	vshll.u32 v53, $0x10;
	v38 =	vadd.f32 v38, v40  }
0x2cd: {  	v46 =	vshll.u32 v56, $0x10;
	v41 =	vand.u32 $0xFFFF0000, v56;
	v47 =	vshll.u32 v58, $0x10;
	[tilespmem:s0+$0xFFFFFF20] =	vst v61  }
0x2ce: {  	v48 =	vand.u32 $0xFFFF0000, v58;
	[tilespmem:s0+$0xFFFFFF30] =	vst v38;
	v36 =	vmul.f32 v46, v17;
	v43 =	vmul.f32 v47, v16  }
0x2cf: {  	v50 =	vshll.u32 v60, $0x10;
	v41 =	vmul.f32 v41, v17;
	v38 =	vmul.f32 v48, v16;
	v49 =	vld [tilespmem:s5+$0x20]  }
0x2d0: {  	v42 =	vand.u32 $0xFFFF0000, v60;
	v52 =	vmul.f32 v50, v15;
	v51 =	vld [tilespmem:s5+$0x420];
	v36 =	vadd.f32 v43, v36  }
0x2d1: {  	v54 =	vshll.u32 v63, $0x10;
	v55 =	vmul.f32 v42, v15;
	v38 =	vadd.f32 v38, v41  }
0x2d2: {  	v40 =	vand.u32 $0xFFFF0000, v63;
	v56 =	vmul.f32 v54, v14;
	v53 =	vld [tilespmem:s5+$0x1020];
	v36 =	vadd.f32 v52, v36  }
0x2d3: {  	v33 =	vadd.f32 v62, v33;
	v40 =	vmul.f32 v40, v14;
	v38 =	vadd.f32 v55, v38  }
0x2d4: {  	v35 =	vmul.f32 v35, v13;
	v57 =	vld [tilespmem:s9+$0x2520];
	v58 =	vshll.u32 v49, $0x10;
	v36 =	vadd.f32 v56, v36  }
0x2d5: {  	v59 =	vand.u32 $0xFFFF0000, v49;
	v60 =	vshll.u32 v51, $0x10;
	v38 =	vadd.f32 v40, v38  }
0x2d6: {  	v61 =	vand.u32 $0xFFFF0000, v51;
	v41 =	vmul.f32 v58, v18;
	v42 =	vmul.f32 v60, v19;
	[tilespmem:s0+$0x40] =	vst v36  }
0x2d7: {  	v62 =	vshll.u32 v53, $0x10;
	v43 =	vmul.f32 v59, v18;
	v44 =	vmul.f32 v61, v19;
	[tilespmem:s0+$0x50] =	vst v38  }
0x2d8: {  	v63 =	vand.u32 $0xFFFF0000, v53;
	v40 =	vmul.f32 v62, v20;
	v48 =	vadd.f32 v42, v41;
	v49 =	vld [tilespmem:s8+$0x30]  }
0x2d9: {  	v50 =	vshll.u32 v57, $0x10;
	v36 =	vmul.f32 v63, v20;
	v43 =	vadd.f32 v44, v43;
	v51 =	vld [tilespmem:s8+$0x430]  }
0x2da: {  	v39 =	vand.u32 $0xFFFF0000, v57;
	v52 =	vmul.f32 v50, v21;
	v38 =	vadd.f32 v40, v48  }
0x2db: {  	v37 =	vmul.f32 v37, v13;
	v39 =	vmul.f32 v39, v21;
	v53 =	vld [tilespmem:s3+$0x2530];
	v36 =	vadd.f32 v36, v43  }
0x2dc: {  	v31 =	vshll.u32 v31, $0x10;
	v33 =	vadd.f32 v35, v33;
	v38 =	vadd.f32 v52, v38  }
0x2dd: {  	v28 =	vmul.f32 v31, v28;
	v34 =	vadd.f32 v37, v34;
	v54 =	vld [tilespmem:s3+$0x2930];
	v36 =	vadd.f32 v39, v36  }
0x2de: {  	v31 =	vshll.u32 v49, $0x10;
	v55 =	vand.u32 $0xFFFF0000, v49;
	v56 =	vshll.u32 v51, $0x10;
	[tilespmem:s0+$0xFFFFFF40] =	vst v38  }
0x2df: {  	v57 =	vand.u32 $0xFFFF0000, v51;
	[tilespmem:s0+$0xFFFFFF50] =	vst v36;
	v31 =	vmul.f32 v31, v17;
	v38 =	vmul.f32 v56, v16  }
0x2e0: {  	v59 =	vshll.u32 v53, $0x10;
	v37 =	vmul.f32 v55, v17;
	v36 =	vmul.f32 v57, v16;
	v58 =	vld [tilespmem:s5+$0x30]  }
0x2e1: {  	v42 =	vand.u32 $0xFFFF0000, v53;
	v61 =	vmul.f32 v59, v15;
	v60 =	vld [tilespmem:s5+$0x430];
	v31 =	vadd.f32 v38, v31  }
0x2e2: {  	v63 =	vshll.u32 v54, $0x10;
	v46 =	vmul.f32 v42, v15;
	v36 =	vadd.f32 v36, v37  }
0x2e3: {  	v39 =	vand.u32 $0xFFFF0000, v54;
	v47 =	vmul.f32 v63, v14;
	v62 =	vld [tilespmem:s5+$0x1030];
	v31 =	vadd.f32 v61, v31  }
0x2e4: {  	v32 =	vshll.u32 v32, $0x10;
	v48 =	vmul.f32 v39, v14;
	v36 =	vadd.f32 v46, v36  }
0x2e5: {  	v30 =	vshll.u32 v30, $0x10;
	[tilespmem:s31+$0xFFFFFFD0] =	vst v33;
	v49 =	vld [tilespmem:s9+$0x2530];
	v50 =	vshll.u32 v58, $0x10;
	v31 =	vadd.f32 v47, v31  }
0x2e6: {  	[tilespmem:s31+$0xFFFFFFC0] =	vst v34;
	v51 =	vand.u32 $0xFFFF0000, v58;
	v52 =	vshll.u32 v60, $0x10;
	v36 =	vadd.f32 v48, v36  }
0x2e7: {  	v57 =	vld [tilespmem:s10+$0x470];
	v53 =	vand.u32 $0xFFFF0000, v60;
	v35 =	vmul.f32 v50, v18;
	v55 =	vmul.f32 v52, v19;
	[tilespmem:s0+$0x60] =	vst v31  }
0x2e8: {  	v54 =	vshll.u32 v62, $0x10;
	v39 =	vmul.f32 v51, v18;
	v40 =	vmul.f32 v53, v19;
	v31 =	vld [tilespmem:s10+$0x70];
	[tilespmem:s0+$0x70] =	vst v36  }
0x2e9: {  	v56 =	vand.u32 $0xFFFF0000, v62;
	v33 =	vmul.f32 v54, v20;
	v35 =	vadd.f32 v55, v35;
	v59 =	vld [tilespmem:s8+$0x40]  }
0x2ea: {  	v60 =	vshll.u32 v49, $0x10;
	v58 =	vmul.f32 v56, v20;
	v39 =	vadd.f32 v40, v39;
	v61 =	vld [tilespmem:s8+$0x440]  }
0x2eb: {  	v34 =	vand.u32 $0xFFFF0000, v49;
	v62 =	vmul.f32 v60, v21;
	v33 =	vadd.f32 v33, v35  }
0x2ec: {  	v47 =	vshll.u32 v57, $0x10;
	v34 =	vmul.f32 v34, v21;
	v63 =	vld [tilespmem:s3+$0x2540];
	v37 =	vadd.f32 v58, v39  }
0x2ed: {  	v36 =	vand.u32 $0xFFFF0000, v57;
	v35 =	vmul.f32 v47, v26;
	v33 =	vadd.f32 v62, v33  }
0x2ee: {  	v48 =	vld [tilespmem:s3+$0x2940];
	v46 =	vshll.u32 v31, $0x10;
	v31 =	vand.u32 $0xFFFF0000, v31;
	v34 =	vadd.f32 v34, v37  }
0x2ef: {  	v49 =	vshll.u32 v59, $0x10;
	v38 =	vand.u32 $0xFFFF0000, v59;
	v50 =	vshll.u32 v61, $0x10;
	[tilespmem:s0+$0xFFFFFF60] =	vst v33  }
0x2f0: {  	v51 =	vand.u32 $0xFFFF0000, v61;
	[tilespmem:s0+$0xFFFFFF70] =	vst v34;
	v33 =	vmul.f32 v49, v17;
	v52 =	vmul.f32 v50, v16  }
0x2f1: {  	v54 =	vshll.u32 v63, $0x10;
	v38 =	vmul.f32 v38, v17;
	v34 =	vmul.f32 v51, v16;
	v53 =	vld [tilespmem:s5+$0x40]  }
0x2f2: {  	v39 =	vand.u32 $0xFFFF0000, v63;
	v56 =	vmul.f32 v54, v15;
	v55 =	vld [tilespmem:s5+$0x440];
	v33 =	vadd.f32 v52, v33  }
0x2f3: {  	v58 =	vshll.u32 v48, $0x10;
	v59 =	vmul.f32 v39, v15;
	v34 =	vadd.f32 v34, v38  }
0x2f4: {  	v37 =	vand.u32 $0xFFFF0000, v48;
	v60 =	vmul.f32 v58, v14;
	v57 =	vld [tilespmem:s5+$0x1040];
	v33 =	vadd.f32 v56, v33  }
0x2f5: {  	v41 =	vmul.f32 v46, v27;
	v37 =	vmul.f32 v37, v14;
	v34 =	vadd.f32 v59, v34  }
0x2f6: {  	v31 =	vmul.f32 v31, v27;
	v27 =	vld [tilespmem:s9+$0x2540];
	v61 =	vshll.u32 v53, $0x10;
	v33 =	vadd.f32 v60, v33  }
0x2f7: {  	v62 =	vand.u32 $0xFFFF0000, v53;
	v63 =	vshll.u32 v55, $0x10;
	v34 =	vadd.f32 v37, v34  }
0x2f8: {  	v45 =	vand.u32 $0xFFFF0000, v55;
	v38 =	vmul.f32 v61, v18;
	v39 =	vmul.f32 v63, v19;
	[tilespmem:s0+$0x80] =	vst v33  }
0x2f9: {  	v47 =	vld [tilespmem:s10+$0x1070];
	v46 =	vshll.u32 v57, $0x10;
	v40 =	vmul.f32 v62, v18;
	v42 =	vmul.f32 v45, v19;
	[tilespmem:s0+$0x90] =	vst v34  }
0x2fa: {  	v43 =	vand.u32 $0xFFFF0000, v57;
	v37 =	vmul.f32 v46, v20;
	v48 =	vadd.f32 v39, v38;
	v50 =	vld [tilespmem:s8+$0x50]  }
0x2fb: {  	v51 =	vshll.u32 v27, $0x10;
	v49 =	vmul.f32 v43, v20;
	v40 =	vadd.f32 v42, v40;
	v52 =	vld [tilespmem:s8+$0x450]  }
0x2fc: {  	v27 =	vand.u32 $0xFFFF0000, v27;
	v53 =	vmul.f32 v51, v21;
	v34 =	vadd.f32 v37, v48  }
0x2fd: {  	v32 =	vmul.f32 v32, v25;
	v27 =	vmul.f32 v27, v21;
	v54 =	vld [tilespmem:s3+$0x2550];
	v38 =	vadd.f32 v49, v40  }
0x2fe: {  	v26 =	vmul.f32 v36, v26;
	v33 =	vand.u32 $0xFFFF0000, v47;
	v25 =	vadd.f32 v53, v34  }
0x2ff: {  	v56 =	vld [tilespmem:s3+$0x2950];
	v34 =	vshll.u32 v47, $0x10;
	v55 =	vadd.f32 v27, v38;
	v27 =	vadd.f32 v35, v41  }
0x300: {  	v57 =	vand.u32 $0xFFFF0000, v50;
	v58 =	vshll.u32 v52, $0x10;
	v59 =	vand.u32 $0xFFFF0000, v52;
	[tilespmem:s0+$0xFFFFFF80] =	vst v25  }
0x301: {  	v25 =	vshll.u32 v50, $0x10;
	[tilespmem:s0+$0xFFFFFF90] =	vst v55;
	v35 =	vmul.f32 v57, v17;
	v36 =	vmul.f32 v59, v16  }
0x302: {  	v40 =	vand.u32 $0xFFFF0000, v54;
	v38 =	vmul.f32 v58, v16;
	v25 =	vmul.f32 v25, v17;
	v60 =	vld [tilespmem:s5+$0x50]  }
0x303: {  	v61 =	vshll.u32 v54, $0x10;
	v47 =	vmul.f32 v40, v15;
	v62 =	vld [tilespmem:s5+$0x450];
	v35 =	vadd.f32 v36, v35  }
0x304: {  	v37 =	vand.u32 $0xFFFF0000, v56;
	v63 =	vmul.f32 v61, v15;
	v25 =	vadd.f32 v38, v25  }
0x305: {  	v46 =	vshll.u32 v56, $0x10;
	v49 =	vmul.f32 v37, v14;
	v45 =	vld [tilespmem:s5+$0x1050];
	v35 =	vadd.f32 v47, v35  }
0x306: {  	v30 =	vmul.f32 v30, v23;
	v48 =	vmul.f32 v46, v14;
	v25 =	vadd.f32 v63, v25  }
0x307: {  	v26 =	vadd.f32 v26, v31;
	v31 =	vld [tilespmem:s9+$0x2550];
	v50 =	vshll.u32 v60, $0x10;
	v35 =	vadd.f32 v49, v35  }
0x308: {  	v39 =	vand.u32 $0xFFFF0000, v60;
	v51 =	vshll.u32 v62, $0x10;
	v25 =	vadd.f32 v48, v25  }
0x309: {  	v52 =	vand.u32 $0xFFFF0000, v62;
	v37 =	vmul.f32 v50, v18;
	v38 =	vmul.f32 v51, v19;
	[tilespmem:s0+$0xB0] =	vst v35  }
0x30a: {  	v54 =	vld [tilespmem:s23+$0x2570];
	v53 =	vshll.u32 v45, $0x10;
	v39 =	vmul.f32 v39, v18;
	v40 =	vmul.f32 v52, v19;
	[tilespmem:s0+$0xA0] =	vst v25  }
0x30b: {  	v36 =	vmul.f32 v53, v20;
	v25 =	vand.u32 $0xFFFF0000, v45;
	v55 =	vadd.f32 v38, v37;
	v56 =	vld [tilespmem:s8+$0x60]  }
0x30c: {  	v57 =	vshll.u32 v31, $0x10;
	v39 =	vadd.f32 v40, v39;
	v25 =	vmul.f32 v25, v20;
	v58 =	vld [tilespmem:s8+$0x460]  }
0x30d: {  	v31 =	vand.u32 $0xFFFF0000, v31;
	v59 =	vmul.f32 v57, v21;
	v35 =	vadd.f32 v36, v55  }
0x30e: {  	v28 =	vadd.f32 v32, v28;
	v60 =	vmul.f32 v31, v21;
	v39 =	vadd.f32 v25, v39;
	v25 =	vld [tilespmem:s3+$0x2560]  }
0x30f: {  	v31 =	vmul.f32 v34, v24;
	v34 =	vmul.f32 v33, v24;
	v61 =	vadd.f32 v59, v35  }
0x310: {  	v32 =	vld [tilespmem:s3+$0x2960];
	v36 =	vshll.u32 v54, $0x10;
	v35 =	vand.u32 $0xFFFF0000, v54;
	v23 =	vadd.f32 v60, v39  }
0x311: {  	[tilespmem:s0+$0xFFFFFFA0] =	vst v61;
	v24 =	vshll.u32 v56, $0x10;
	v37 =	vand.u32 $0xFFFF0000, v56;
	v62 =	vshll.u32 v58, $0x10  }
0x312: {  	v63 =	vand.u32 $0xFFFF0000, v58;
	[tilespmem:s0+$0xFFFFFFB0] =	vst v23;
	v23 =	vmul.f32 v24, v17;
	v33 =	vmul.f32 v62, v16  }
0x313: {  	s11 =	simm.s32 $0x304;
	[tilespmem:s31+$0xF0] =	vst v29;
	s10 =	simm.s32 $0x2;
	v29 =	vmul.f32 v37, v17;
	v37 =	vmul.f32 v63, v16;
	v24 =	vld [tilespmem:s5+$0x60];
	v38 =	vshll.u32 v25, $0x10  }
.LBB2_10:
0x314: {  	v39 =	vld.msk [tilespmem:s11+$0x81 ss:$0x0], $0xffff;
	v25 =	vand.u32 $0xFFFF0000, v25;
	v33 =	vadd.f32 v33, v23;
	v38 =	vmul.f32 v38, v15  }
0x315: {  	s6 =	sadd.s32 $0x100, s6;
	s24 =	sadd.s32 $0x200, s24;
	v23 =	vld.msk [tilespmem:s11+$0x1 ss:$0x0], $0xffff;
	v40 =	vshll.u32 v32, $0x10;
	v37 =	vadd.f32 v37, v29;
	v41 =	vmul.f32 v25, v15  }
0x316: {  	s12 =	sadd.s32 $0xFFFFEF00, s24;
	s13 =	sand.u32 $0x1800, s24;
	s14 =	sand.u32 $0x380, s6;
	v32 =	vand.u32 $0xFFFF0000, v32;
	v29 =	vld.msk [tilespmem:s11+$0xFFFFFF01 ss:$0x0], $0xffff;
	v33 =	vadd.f32 v38, v33;
	v38 =	vmul.f32 v40, v14  }
0x317: {  	v22 =	vshll.u32 v22, $0x10;
	s15 =	sadd.s32 $0xFFFFF800, s6;
	s12 =	sand.u32 $0x800, s12;
	s23 =	sor.u32 s14, s13;
	v40 =	vmul.f32 v32, v14;
	v25 =	vld.msk [tilespmem:s11+$0xFFFFFF81 ss:$0x0], $0xffff;
	v37 =	vadd.f32 v41, v37  }
0x318: {  	s13 =	sadd.s32 $0xFFFFF780, s6;
	s15 =	sand.u32 $0x380, s15;
	s14 =	sor.u32 $0x2500, s12;
	v41 =	vld [tilespmem:s23+$0x2900];
	v32 =	vshll.u32 v24, $0x10;
	v24 =	vand.u32 $0xFFFF0000, v24;
	v38 =	vadd.f32 v38, v33  }
0x319: {  	s16 =	sand.u32 $0x300, s13;
	s12 =	sor.u32 s12, s13;
	s15 =	sadd.s32 s15, s14;
	v42 =	vld [tilespmem:s23+$0x2500];
	v33 =	vmul.f32 v32, v18;
	v32 =	vmul.f32 v24, v18;
	v24 =	vadd.f32 v40, v37  }
0x31a: {  	v27 =	vadd.f32 v31, v27;
	v31 =	vmul.f32 v36, v13;
	v26 =	vadd.f32 v34, v26;
	s13 =	sadd.s32 s16, s14;
	s12 =	sor.u32 $0x1400, s12;
	v37 =	vld [tilespmem:s15+$0x0];
	[tilespmem:s0+$0xC0] =	vst v38  }
0x31b: {  	v28 =	vadd.f32 v30, v28;
	v22 =	vmul.f32 v22, v12;
	v34 =	vld [tilespmem:s15+$0x400];
	[tilespmem:s0+$0xD0] =	vst v24;
	v24 =	vmul.f32 v35, v13  }
0x31c: {  	v12 =	vmovc v14;
	v27 =	vadd.f32 v31, v27;
	v14 =	vmov v39;
	v13 =	vmov v21;
	v30 =	vld [tilespmem:s8+$0x70]  }
0x31d: {  	v22 =	vadd.f32 v22, v28;
	v21 =	vshll.u32 v41, $0x10;
	v31 =	vld [tilespmem:s8+$0x470];
	v24 =	vadd.f32 v24, v26;
	s8 =	smov.u32 s15  }
0x31e: {  	v38 =	vand.u32 $0xFFFF0000, v41;
	v35 =	vld [tilespmem:s13+$0x0];
	v26 =	vshll.u32 v42, $0x10;
	v36 =	vand.u32 $0xFFFF0000, v42;
	[tilespmem:s31+$0xFFFFFFE0] =	vst v27  }
0x31f: {  	v40 =	vmul.f32 v21, v14;
	v27 =	vshll.u32 v37, $0x10;
	v39 =	vmul.f32 v26, v23;
	v26 =	vld [tilespmem:s3+$0x2570];
	[tilespmem:s31+$0xFFFFFFF0] =	vst v24  }
0x320: {  	v21 =	vand.u32 $0xFFFF0000, v37;
	v41 =	vld [tilespmem:s13+$0x400];
	v24 =	vshll.u32 v34, $0x10;
	v37 =	vmul.f32 v27, v29;
	[tilespmem:s31+$0xE0] =	vst v22;
	s31 =	smov.u32 s0  }
0x321: {  	v27 =	vand.u32 $0xFFFF0000, v34;
	v21 =	vmul.f32 v21, v29;
	v24 =	vmul.f32 v24, v25;
	v22 =	vld [tilespmem:s3+$0x2970];
	s3 =	smov.u32 s23  }
0x322: {  	v34 =	vmul.f32 v27, v25;
	v42 =	vand.u32 $0xFFFF0000, v30;
	v28 =	vld.msk [tilespmem:s11+$0xFFFFFF00 ss:$0x0], $0xffff;
	v43 =	vand.u32 $0xFFFF0000, v31  }
0x323: {  	v42 =	vmul.f32 v42, v17;
	v27 =	vld.msk [tilespmem:s11+$0xFFFFFF80 ss:$0x0], $0xffff;
	v37 =	vadd.f32 v24, v37;
	v43 =	vmul.f32 v43, v16  }
0x324: {  	v21 =	vadd.f32 v34, v21;
	v34 =	vmul.f32 v36, v23;
	v44 =	vld [tilespmem:s13+$0x1000];
	v36 =	vand.u32 $0xFFFF0000, v26  }
0x325: {  	v24 =	vld.msk [tilespmem:s11+$0x0 ss:$0x0], $0xffff;
	v37 =	vadd.f32 v39, v37;
	v39 =	vadd.f32 v43, v42;
	v36 =	vmul.f32 v36, v15  }
0x326: {  	s10 =	sadd.s32 $0x2, s10;
	v38 =	vmul.f32 v38, v14;
	v34 =	vadd.f32 v34, v21;
	v42 =	vld [tilespmem:s12+$0x2500];
	v43 =	vand.u32 $0xFFFF0000, v22  }
0x327: {  	p0 =	slt.u32 s10, $0xC;
	v21 =	vld.msk [tilespmem:s11+$0x80 ss:$0x0], $0xffff;
	v37 =	vadd.f32 v40, v37;
	v36 =	vadd.f32 v36, v39;
	v39 =	vmul.f32 v43, v12  }
0x328: {  	s0 =	sadd.s32 $0x200, s0;
	v40 =	vshll.u32 v35, $0x10;
	v35 =	vand.u32 $0xFFFF0000, v35;
	v34 =	vadd.f32 v38, v34;
	v38 =	vld [tilespmem:s5+$0x460]  }
0x329: {  	v43 =	vshll.u32 v41, $0x10;
	v41 =	vand.u32 $0xFFFF0000, v41;
	[tilespmem:s0+$0x0] =	vst v37;
	v37 =	vld [tilespmem:s5+$0x1060];
	v36 =	vadd.f32 v39, v36  }
0x32a: {  	v40 =	vmul.f32 v40, v28;
	v43 =	vmul.f32 v43, v27;
	v39 =	vshll.u32 v44, $0x10;
	[tilespmem:s0+$0x10] =	vst v34;
	v34 =	vld [tilespmem:s9+$0x2560]  }
0x32b: {  	v35 =	vmul.f32 v35, v28;
	v41 =	vmul.f32 v41, v27;
	v44 =	vand.u32 $0xFFFF0000, v44;
	[tilespmem:s31+$0xF0] =	vst v36  }
0x32c: {  	v39 =	vmul.f32 v39, v24;
	v36 =	vadd.f32 v43, v40;
	v40 =	vmul.f32 v44, v24;
	v43 =	vld [tilespmem:s8+$0x10]  }
0x32d: {  	v35 =	vadd.f32 v41, v35;
	v44 =	vshll.u32 v42, $0x10;
	v42 =	vand.u32 $0xFFFF0000, v42;
	v41 =	vld [tilespmem:s8+$0x410]  }
0x32e: {  	v42 =	vmul.f32 v42, v21;
	v36 =	vadd.f32 v39, v36;
	v39 =	vmul.f32 v44, v21  }
0x32f: {  	v35 =	vadd.f32 v40, v35;
	v44 =	vshll.u32 v38, $0x10;
	v38 =	vand.u32 $0xFFFF0000, v38;
	v40 =	vld [tilespmem:s3+$0x2510]  }
0x330: {  	v38 =	vmul.f32 v38, v19;
	v36 =	vadd.f32 v39, v36;
	v39 =	vmul.f32 v44, v19  }
0x331: {  	v35 =	vadd.f32 v42, v35;
	v44 =	vshll.u32 v37, $0x10;
	v37 =	vand.u32 $0xFFFF0000, v37;
	v42 =	vld [tilespmem:s3+$0x2910]  }
0x332: {  	[tilespmem:s0+$0xFFFFFF00] =	vst v36;
	v36 =	vshll.u32 v43, $0x10;
	v43 =	vand.u32 $0xFFFF0000, v43;
	v45 =	vshll.u32 v41, $0x10  }
0x333: {  	[tilespmem:s0+$0xFFFFFF10] =	vst v35;
	v35 =	vand.u32 $0xFFFF0000, v41;
	v36 =	vmul.f32 v36, v29;
	v41 =	vmul.f32 v45, v25  }
0x334: {  	v43 =	vmul.f32 v43, v29;
	v45 =	vld [tilespmem:s13+$0x10];
	v46 =	vshll.u32 v40, $0x10;
	v35 =	vmul.f32 v35, v25  }
0x335: {  	v40 =	vand.u32 $0xFFFF0000, v40;
	v47 =	vld [tilespmem:s13+$0x410];
	v36 =	vadd.f32 v41, v36;
	v41 =	vmul.f32 v46, v23  }
0x336: {  	v40 =	vmul.f32 v40, v23;
	v46 =	vld [tilespmem:s13+$0x1010];
	v48 =	vshll.u32 v42, $0x10;
	v35 =	vadd.f32 v35, v43  }
0x337: {  	v42 =	vand.u32 $0xFFFF0000, v42;
	v43 =	vld [tilespmem:s12+$0x2510];
	v36 =	vadd.f32 v41, v36;
	v41 =	vmul.f32 v48, v14  }
0x338: {  	v33 =	vadd.f32 v39, v33;
	v35 =	vadd.f32 v40, v35;
	v40 =	vmul.f32 v42, v14  }
0x339: {  	v39 =	vshll.u32 v45, $0x10;
	v42 =	vand.u32 $0xFFFF0000, v45;
	v36 =	vadd.f32 v41, v36  }
0x33a: {  	v41 =	vshll.u32 v47, $0x10;
	v45 =	vand.u32 $0xFFFF0000, v47;
	v35 =	vadd.f32 v40, v35  }
0x33b: {  	v39 =	vmul.f32 v39, v28;
	v40 =	vshll.u32 v46, $0x10;
	v41 =	vmul.f32 v41, v27;
	[tilespmem:s0+$0x20] =	vst v36  }
0x33c: {  	v42 =	vmul.f32 v42, v28;
	v36 =	vand.u32 $0xFFFF0000, v46;
	v45 =	vmul.f32 v45, v27;
	[tilespmem:s0+$0x30] =	vst v35  }
0x33d: {  	v36 =	vmul.f32 v36, v24;
	v35 =	vadd.f32 v41, v39;
	v39 =	vmul.f32 v40, v24;
	v40 =	vld [tilespmem:s8+$0x20]  }
0x33e: {  	v41 =	vshll.u32 v43, $0x10;
	v43 =	vand.u32 $0xFFFF0000, v43;
	v42 =	vadd.f32 v45, v42;
	v45 =	vld [tilespmem:s8+$0x420]  }
0x33f: {  	v35 =	vadd.f32 v39, v35;
	v39 =	vmul.f32 v41, v21;
	v41 =	vmul.f32 v43, v21  }
0x340: {  	v32 =	vadd.f32 v38, v32;
	v36 =	vadd.f32 v36, v42;
	v43 =	vmul.f32 v44, v20;
	v42 =	vld [tilespmem:s3+$0x2520]  }
0x341: {  	v38 =	vshll.u32 v34, $0x10;
	v37 =	vmul.f32 v37, v20;
	v35 =	vadd.f32 v39, v35  }
0x342: {  	v34 =	vand.u32 $0xFFFF0000, v34;
	v36 =	vadd.f32 v41, v36;
	v33 =	vadd.f32 v43, v33;
	v39 =	vld [tilespmem:s3+$0x2920]  }
0x343: {  	[tilespmem:s0+$0xFFFFFF20] =	vst v35;
	v35 =	vshll.u32 v40, $0x10;
	v40 =	vand.u32 $0xFFFF0000, v40;
	v41 =	vshll.u32 v45, $0x10  }
0x344: {  	[tilespmem:s0+$0xFFFFFF30] =	vst v36;
	v36 =	vand.u32 $0xFFFF0000, v45;
	v35 =	vmul.f32 v35, v29;
	v41 =	vmul.f32 v41, v25  }
0x345: {  	v40 =	vmul.f32 v40, v29;
	v43 =	vld [tilespmem:s13+$0x20];
	v44 =	vshll.u32 v42, $0x10;
	v36 =	vmul.f32 v36, v25  }
0x346: {  	v42 =	vand.u32 $0xFFFF0000, v42;
	v45 =	vld [tilespmem:s13+$0x420];
	v35 =	vadd.f32 v41, v35;
	v41 =	vmul.f32 v44, v23  }
0x347: {  	v44 =	vld [tilespmem:s13+$0x1020];
	v46 =	vshll.u32 v39, $0x10;
	v36 =	vadd.f32 v36, v40;
	v40 =	vmul.f32 v42, v23  }
0x348: {  	v39 =	vand.u32 $0xFFFF0000, v39;
	v42 =	vld [tilespmem:s12+$0x2520];
	v35 =	vadd.f32 v41, v35;
	v41 =	vmul.f32 v46, v14  }
0x349: {  	v32 =	vadd.f32 v37, v32;
	v39 =	vmul.f32 v39, v14;
	v36 =	vadd.f32 v40, v36  }
0x34a: {  	v37 =	vshll.u32 v43, $0x10;
	v40 =	vand.u32 $0xFFFF0000, v43;
	v35 =	vadd.f32 v41, v35  }
0x34b: {  	v41 =	vshll.u32 v45, $0x10;
	v43 =	vand.u32 $0xFFFF0000, v45;
	v36 =	vadd.f32 v39, v36  }
0x34c: {  	v37 =	vmul.f32 v37, v28;
	v39 =	vshll.u32 v44, $0x10;
	v41 =	vmul.f32 v41, v27;
	[tilespmem:s0+$0x40] =	vst v35  }
0x34d: {  	v40 =	vmul.f32 v40, v28;
	v35 =	vand.u32 $0xFFFF0000, v44;
	v43 =	vmul.f32 v43, v27;
	[tilespmem:s0+$0x50] =	vst v36  }
0x34e: {  	v35 =	vmul.f32 v35, v24;
	v36 =	vadd.f32 v41, v37;
	v37 =	vmul.f32 v39, v24;
	v39 =	vld [tilespmem:s8+$0x30]  }
0x34f: {  	v41 =	vshll.u32 v42, $0x10;
	v42 =	vand.u32 $0xFFFF0000, v42;
	v40 =	vadd.f32 v43, v40;
	v43 =	vld [tilespmem:s8+$0x430]  }
0x350: {  	v36 =	vadd.f32 v37, v36;
	v37 =	vmul.f32 v41, v21;
	v41 =	vmul.f32 v42, v21  }
0x351: {  	v38 =	vmul.f32 v38, v13;
	v34 =	vmul.f32 v34, v13;
	v35 =	vadd.f32 v35, v40;
	v40 =	vld [tilespmem:s3+$0x2530]  }
0x352: {  	v30 =	vshll.u32 v30, $0x10;
	v31 =	vshll.u32 v31, $0x10;
	v36 =	vadd.f32 v37, v36  }
0x353: {  	v30 =	vmul.f32 v30, v17;
	v17 =	vmovc v29;
	v33 =	vadd.f32 v38, v33;
	v35 =	vadd.f32 v41, v35;
	v37 =	vld [tilespmem:s3+$0x2930]  }
0x354: {  	v29 =	vshll.u32 v39, $0x10;
	[tilespmem:s0+$0xFFFFFF40] =	vst v36;
	v36 =	vand.u32 $0xFFFF0000, v39;
	v38 =	vshll.u32 v43, $0x10  }
0x355: {  	v29 =	vmul.f32 v29, v17;
	[tilespmem:s0+$0xFFFFFF50] =	vst v35;
	v35 =	vand.u32 $0xFFFF0000, v43;
	v38 =	vmul.f32 v38, v25  }
0x356: {  	v36 =	vmul.f32 v36, v17;
	v39 =	vld [tilespmem:s13+$0x30];
	v41 =	vshll.u32 v40, $0x10;
	v35 =	vmul.f32 v35, v25;
	[tilespmem:s31+$0xFFFFFFC0] =	vst v33  }
0x357: {  	v40 =	vand.u32 $0xFFFF0000, v40;
	v33 =	vld [tilespmem:s13+$0x430];
	v29 =	vadd.f32 v38, v29;
	v38 =	vmul.f32 v41, v23  }
0x358: {  	v41 =	vld [tilespmem:s13+$0x1030];
	v42 =	vshll.u32 v37, $0x10;
	v35 =	vadd.f32 v35, v36;
	v36 =	vmul.f32 v40, v23  }
0x359: {  	v37 =	vand.u32 $0xFFFF0000, v37;
	v40 =	vld [tilespmem:s12+$0x2530];
	v29 =	vadd.f32 v38, v29;
	v38 =	vmul.f32 v42, v14  }
0x35a: {  	v32 =	vadd.f32 v34, v32;
	v35 =	vadd.f32 v36, v35;
	v36 =	vmul.f32 v37, v14  }
0x35b: {  	v34 =	vshll.u32 v39, $0x10;
	v37 =	vand.u32 $0xFFFF0000, v39;
	v29 =	vadd.f32 v38, v29  }
0x35c: {  	v38 =	vshll.u32 v33, $0x10;
	v33 =	vand.u32 $0xFFFF0000, v33;
	v35 =	vadd.f32 v36, v35;
	[tilespmem:s31+$0xFFFFFFD0] =	vst v32  }
0x35d: {  	v34 =	vmul.f32 v34, v28;
	v32 =	vshll.u32 v41, $0x10;
	v36 =	vmul.f32 v38, v27;
	[tilespmem:s0+$0x60] =	vst v29;
	v29 =	vld [tilespmem:s5+$0x70]  }
0x35e: {  	v37 =	vmul.f32 v37, v28;
	v38 =	vand.u32 $0xFFFF0000, v41;
	v33 =	vmul.f32 v33, v27;
	[tilespmem:s0+$0x70] =	vst v35;
	v35 =	vld [tilespmem:s5+$0x470]  }
0x35f: {  	v32 =	vmul.f32 v32, v24;
	v34 =	vadd.f32 v36, v34;
	v36 =	vmul.f32 v38, v24;
	v38 =	vld [tilespmem:s8+$0x40]  }
0x360: {  	v39 =	vshll.u32 v40, $0x10;
	v40 =	vand.u32 $0xFFFF0000, v40;
	v33 =	vadd.f32 v33, v37;
	v37 =	vld [tilespmem:s8+$0x440]  }
0x361: {  	v32 =	vadd.f32 v32, v34;
	v34 =	vmul.f32 v39, v21;
	v39 =	vmul.f32 v40, v21;
	v40 =	vld [tilespmem:s5+$0x1070];
	s5 =	smov.u32 s13  }
0x362: {  	v33 =	vadd.f32 v36, v33;
	v36 =	vld [tilespmem:s3+$0x2540];
	v41 =	vshll.u32 v29, $0x10;
	v42 =	vand.u32 $0xFFFF0000, v29  }
0x363: {  	v32 =	vadd.f32 v34, v32;
	v34 =	vshll.u32 v35, $0x10;
	v35 =	vand.u32 $0xFFFF0000, v35;
	v29 =	vld [tilespmem:s9+$0x2570];
	s9 =	smov.u32 s12  }
0x364: {  	v33 =	vadd.f32 v39, v33;
	v41 =	vmul.f32 v41, v18;
	v39 =	vld [tilespmem:s3+$0x2940];
	v34 =	vmul.f32 v34, v19  }
0x365: {  	[tilespmem:s0+$0xFFFFFF60] =	vst v32;
	v32 =	vshll.u32 v38, $0x10;
	v38 =	vand.u32 $0xFFFF0000, v38;
	v43 =	vshll.u32 v37, $0x10  }
0x366: {  	[tilespmem:s0+$0xFFFFFF70] =	vst v33;
	v33 =	vand.u32 $0xFFFF0000, v37;
	v32 =	vmul.f32 v32, v17;
	v37 =	vmul.f32 v43, v25  }
0x367: {  	v38 =	vmul.f32 v38, v17;
	v43 =	vld [tilespmem:s5+$0x40];
	v44 =	vshll.u32 v36, $0x10;
	v33 =	vmul.f32 v33, v25  }
0x368: {  	v36 =	vand.u32 $0xFFFF0000, v36;
	v45 =	vld [tilespmem:s5+$0x440];
	v32 =	vadd.f32 v37, v32;
	v37 =	vmul.f32 v44, v23  }
0x369: {  	v36 =	vmul.f32 v36, v23;
	v44 =	vld [tilespmem:s5+$0x1040];
	v46 =	vshll.u32 v39, $0x10;
	v33 =	vadd.f32 v33, v38  }
0x36a: {  	v39 =	vand.u32 $0xFFFF0000, v39;
	v38 =	vld [tilespmem:s9+$0x2540];
	v32 =	vadd.f32 v37, v32;
	v37 =	vmul.f32 v46, v14  }
0x36b: {  	v33 =	vadd.f32 v36, v33;
	v36 =	vmul.f32 v39, v14;
	v39 =	vmul.f32 v42, v18;
	v18 =	vmovc v28  }
0x36c: {  	v28 =	vshll.u32 v43, $0x10;
	v42 =	vand.u32 $0xFFFF0000, v43;
	v32 =	vadd.f32 v37, v32  }
0x36d: {  	v37 =	vshll.u32 v45, $0x10;
	v43 =	vand.u32 $0xFFFF0000, v45;
	v33 =	vadd.f32 v36, v33  }
0x36e: {  	v28 =	vmul.f32 v28, v18;
	v36 =	vshll.u32 v44, $0x10;
	v37 =	vmul.f32 v37, v27;
	[tilespmem:s0+$0x80] =	vst v32  }
0x36f: {  	v42 =	vmul.f32 v42, v18;
	v32 =	vand.u32 $0xFFFF0000, v44;
	v43 =	vmul.f32 v43, v27;
	[tilespmem:s0+$0x90] =	vst v33  }
0x370: {  	v33 =	vmul.f32 v36, v24;
	v32 =	vmul.f32 v32, v24;
	v28 =	vadd.f32 v37, v28;
	v36 =	vld [tilespmem:s8+$0x50]  }
0x371: {  	v37 =	vshll.u32 v38, $0x10;
	v38 =	vand.u32 $0xFFFF0000, v38;
	v42 =	vadd.f32 v43, v42;
	v43 =	vld [tilespmem:s8+$0x450]  }
0x372: {  	v28 =	vadd.f32 v33, v28;
	v33 =	vmul.f32 v37, v21;
	v37 =	vmul.f32 v38, v21  }
0x373: {  	v35 =	vmul.f32 v35, v19;
	v32 =	vadd.f32 v32, v42;
	v42 =	vmul.f32 v31, v16;
	v16 =	vmovc v25;
	v38 =	vld [tilespmem:s3+$0x2550]  }
0x374: {  	v19 =	vmovc v27;
	v25 =	vadd.f32 v33, v28;
	v28 =	vshll.u32 v40, $0x10;
	v33 =	vand.u32 $0xFFFF0000, v40  }
0x375: {  	v27 =	vadd.f32 v34, v41;
	v31 =	vadd.f32 v37, v32;
	v37 =	vshll.u32 v26, $0x10;
	v32 =	vld [tilespmem:s3+$0x2950]  }
0x376: {  	v26 =	vand.u32 $0xFFFF0000, v36;
	[tilespmem:s0+$0xFFFFFF80] =	vst v25;
	v25 =	vshll.u32 v36, $0x10;
	v34 =	vshll.u32 v43, $0x10  }
0x377: {  	[tilespmem:s0+$0xFFFFFF90] =	vst v31;
	v31 =	vand.u32 $0xFFFF0000, v43;
	v25 =	vmul.f32 v25, v17;
	v34 =	vmul.f32 v34, v16  }
0x378: {  	v26 =	vmul.f32 v26, v17;
	v36 =	vld [tilespmem:s5+$0x50];
	v40 =	vshll.u32 v38, $0x10;
	v31 =	vmul.f32 v31, v16  }
0x379: {  	v38 =	vand.u32 $0xFFFF0000, v38;
	v41 =	vld [tilespmem:s5+$0x450];
	v25 =	vadd.f32 v34, v25;
	v34 =	vmul.f32 v40, v23  }
0x37a: {  	v40 =	vld [tilespmem:s5+$0x1050];
	v43 =	vshll.u32 v32, $0x10;
	v26 =	vadd.f32 v31, v26;
	v31 =	vmul.f32 v38, v23  }
0x37b: {  	v32 =	vand.u32 $0xFFFF0000, v32;
	v38 =	vld [tilespmem:s9+$0x2550];
	v25 =	vadd.f32 v34, v25;
	v34 =	vmul.f32 v43, v14  }
0x37c: {  	v32 =	vmul.f32 v32, v14;
	v31 =	vadd.f32 v31, v26;
	v26 =	vadd.f32 v35, v39  }
0x37d: {  	v35 =	vshll.u32 v36, $0x10;
	v36 =	vand.u32 $0xFFFF0000, v36;
	v25 =	vadd.f32 v34, v25  }
0x37e: {  	v34 =	vshll.u32 v41, $0x10;
	v39 =	vand.u32 $0xFFFF0000, v41;
	v31 =	vadd.f32 v32, v31  }
0x37f: {  	v35 =	vmul.f32 v35, v18;
	v32 =	vshll.u32 v40, $0x10;
	v34 =	vmul.f32 v34, v19;
	[tilespmem:s0+$0xA0] =	vst v25  }
0x380: {  	v36 =	vmul.f32 v36, v18;
	v25 =	vand.u32 $0xFFFF0000, v40;
	v39 =	vmul.f32 v39, v19;
	[tilespmem:s0+$0xB0] =	vst v31  }
0x381: {  	v32 =	vmul.f32 v32, v24;
	v25 =	vmul.f32 v25, v24;
	v31 =	vadd.f32 v34, v35;
	v40 =	vld [tilespmem:s8+$0x60]  }
0x382: {  	v34 =	vshll.u32 v38, $0x10;
	v35 =	vand.u32 $0xFFFF0000, v38;
	v36 =	vadd.f32 v39, v36;
	v38 =	vld [tilespmem:s8+$0x460]  }
0x383: {  	v34 =	vmul.f32 v34, v21;
	v35 =	vmul.f32 v35, v21;
	v32 =	vadd.f32 v32, v31  }
0x384: {  	v36 =	vadd.f32 v25, v36;
	v31 =	vmul.f32 v28, v20;
	v28 =	vadd.f32 v42, v30;
	v25 =	vld [tilespmem:s3+$0x2560]  }
.Ltmp4:
0x385: {  	v30 =	vmul.f32 v37, v15;
	v15 =	vmovc v23;
	v39 =	vadd.f32 v34, v32;
	v34 =	vmul.f32 v33, v20;
	(pc) =	sbr.rel @p0 .LBB2_10-.Ltmp4, $4  }
0x386: {  	v23 =	vadd.f32 v35, v36;
	v36 =	vshll.u32 v29, $0x10;
	v35 =	vand.u32 $0xFFFF0000, v29;
	v20 =	vmovc v24;
	v32 =	vld [tilespmem:s3+$0x2960]  }
0x387: {  	v24 =	vshll.u32 v40, $0x10;
	v29 =	vand.u32 $0xFFFF0000, v40;
	[tilespmem:s0+$0xFFFFFFA0] =	vst v39;
	v33 =	vshll.u32 v38, $0x10  }
0x388: {  	v37 =	vand.u32 $0xFFFF0000, v38;
	[tilespmem:s0+$0xFFFFFFB0] =	vst v23;
	v23 =	vmul.f32 v24, v17;
	v33 =	vmul.f32 v33, v16  }
0x389: {  	s11 =	sadd.s32 $0x2, s11;
	v29 =	vmul.f32 v29, v17;
	v37 =	vmul.f32 v37, v16;
	v24 =	vld [tilespmem:s5+$0x60];
	v38 =	vshll.u32 v25, $0x10  }
0x38a: {  	v25 =	vand.u32 $0xFFFF0000, v25;
	v23 =	vadd.f32 v33, v23;
	v62 =	vmul.f32 v38, v15  }
0x38b: {  	v40 =	vld [tilespmem:s5+$0x460];
	v63 =	vshll.u32 v32, $0x10;
	v29 =	vadd.f32 v37, v29;
	v25 =	vmul.f32 v25, v15  }
0x38c: {  	v41 =	vand.u32 $0xFFFF0000, v32;
	v23 =	vadd.f32 v62, v23;
	v42 =	vmul.f32 v63, v14  }
0x38d: {  	v44 =	vld [tilespmem:s5+$0x1060];
	v43 =	vmul.f32 v41, v14;
	v25 =	vadd.f32 v25, v29  }
0x38e: {  	v23 =	vadd.f32 v42, v23  }
0x38f: {  	v45 =	vld [tilespmem:s9+$0x2560];
	v22 =	vshll.u32 v22, $0x10;
	v57 =	vadd.f32 v31, v27;
	v25 =	vadd.f32 v43, v25  }
0x390: {  	v46 =	vshll.u32 v24, $0x10;
	v47 =	vand.u32 $0xFFFF0000, v24;
	v48 =	vshll.u32 v40, $0x10;
	[tilespmem:s0+$0xC0] =	vst v23  }
0x391: {  	v33 =	vmul.f32 v46, v18;
	v49 =	vand.u32 $0xFFFF0000, v40;
	v23 =	vmul.f32 v48, v19;
	[tilespmem:s0+$0xD0] =	vst v25  }
0x392: {  	v24 =	vmul.f32 v47, v18;
	v51 =	vshll.u32 v44, $0x10;
	v25 =	vmul.f32 v49, v19;
	v50 =	vld [tilespmem:s8+$0x70]  }
0x393: {  	v32 =	vand.u32 $0xFFFF0000, v44;
	v38 =	vmul.f32 v51, v20;
	v23 =	vadd.f32 v23, v33;
	v52 =	vld [tilespmem:s8+$0x470]  }
0x394: {  	v53 =	vshll.u32 v45, $0x10;
	v32 =	vmul.f32 v32, v20;
	v54 =	vld [tilespmem:s3+$0x2570];
	v24 =	vadd.f32 v25, v24  }
0x395: {  	v29 =	vand.u32 $0xFFFF0000, v45;
	v25 =	vmul.f32 v53, v21;
	v23 =	vadd.f32 v38, v23  }
0x396: {  	v60 =	vadd.f32 v34, v26;
	v29 =	vmul.f32 v29, v21;
	v24 =	vadd.f32 v32, v24  }
0x397: {  	v58 =	vmul.f32 v36, v13;
	v28 =	vadd.f32 v30, v28;
	v23 =	vadd.f32 v25, v23  }
0x398: {  	v12 =	vmul.f32 v22, v12;
	v63 =	vmul.f32 v35, v13;
	v32 =	vld [tilespmem:s3+$0x2970];
	v24 =	vadd.f32 v29, v24  }
0x399: {  	v55 =	vand.u32 $0xFFFF0000, v50;
	v56 =	vand.u32 $0xFFFF0000, v52;
	v59 =	vand.u32 $0xFFFF0000, v54;
	[tilespmem:s0+$0xFFFFFFC0] =	vst v23  }
0x39a: {  	v41 =	vshll.u32 v50, $0x10;
	v25 =	vmul.f32 v55, v17;
	v29 =	vmul.f32 v56, v16;
	[tilespmem:s0+$0xFFFFFFD0] =	vst v24  }
0x39b: {  	v42 =	vshll.u32 v52, $0x10;
	v53 =	vshll.u32 v54, $0x10;
	v61 =	vmul.f32 v59, v15;
	v62 =	vld [tilespmem:s5+$0x70]  }
0x39c: {  	v43 =	vmul.f32 v41, v17;
	v51 =	vmul.f32 v42, v16;
	v25 =	vadd.f32 v29, v25;
	v35 =	vld [tilespmem:s5+$0x470]  }
0x39d: {  	v13 =	vadd.f32 v63, v60;
	v56 =	vmul.f32 v53, v15;
	v34 =	vand.u32 $0xFFFF0000, v32  }
0x39e: {  	v40 =	vld [tilespmem:s5+$0x1070];
	v16 =	vadd.f32 v51, v43;
	v39 =	vmul.f32 v34, v14;
	v36 =	vadd.f32 v61, v25  }
0x39f: {  	v12 =	vadd.f32 v12, v28;
	v23 =	vadd.f32 v58, v57;
	v59 =	vshll.u32 v32, $0x10  }
0x3a0: {  	[tilespmem:s31+$0xFFFFFFF0] =	vst v13;
	v47 =	vld [tilespmem:s9+$0x2570];
	v13 =	vmul.f32 v59, v14;
	v61 =	vadd.f32 v56, v16;
	v22 =	vadd.f32 v39, v36  }
0x3a1: {  	v44 =	vshll.u32 v62, $0x10;
	v45 =	vand.u32 $0xFFFF0000, v62;
	v46 =	vshll.u32 v35, $0x10  }
0x3a2: {  	v48 =	vand.u32 $0xFFFF0000, v35;
	v25 =	vmul.f32 v44, v18;
	v28 =	vmul.f32 v46, v19  }
0x3a3: {  	v52 =	vshll.u32 v40, $0x10;
	v49 =	vmul.f32 v45, v18;
	v50 =	vmul.f32 v48, v19  }
0x3a4: {  	v24 =	vand.u32 $0xFFFF0000, v40;
	v54 =	vmul.f32 v52, v20;
	v25 =	vadd.f32 v28, v25  }
0x3a5: {  	v57 =	vshll.u32 v47, $0x10;
	v55 =	vmul.f32 v24, v20;
	v18 =	vadd.f32 v50, v49  }
0x3a6: {  	s26 =	sadd.s32 $0x1, s26;
	[tilespmem:s31+$0xE0] =	vst v12;
	v58 =	vand.u32 $0xFFFF0000, v47;
	v20 =	vmul.f32 v57, v21;
	v19 =	vadd.f32 v54, v25  }
0x3a7: {  	p0 =	sne.s32 s26, $0x7;
	[tilespmem:s31+$0xFFFFFFE0] =	vst v23;
	v12 =	vadd.f32 v13, v61;
	v60 =	vmul.f32 v58, v21;
	v17 =	vadd.f32 v55, v18  }
.Ltmp5:
0x3a8: {  	[tilespmem:s0+$0xF0] =	vst v22;
	v62 =	vadd.f32 v20, v19;
	(pc) =	sbr.rel @p0 .LBB2_3-.Ltmp5, $4  }
0x3a9: {  	s30 =	sadd.s32 s30, s29;
	[tilespmem:s0+$0xE0] =	vst v12;
	v63 =	vadd.f32 v60, v17  }
0x3aa: {  	s3 =	sshrl.u32 s30, $0x3;
	[tilespmem:s0+$0xFFFFFFE0] =	vst v62  }
0x3ab: {  	s31 =	sadd.s32 s1, s3;
	[tilespmem:s0+$0xFFFFFFF0] =	vst v63  }
0x3ac: {  	[hbm4b:s31+s2] =	stream.linear.scatter [tilespmem:s22], [sflag:$0x4], $0xE00, $0x38;
	[tilespmem:$0x6100] =	vst v63  }
0x3ad: {  	s0 =	simm.s32 $0x3  }
0x3ae: {  	_ =	swait.ge [sflag:s0], $0xE00  }
0x3af: {  	[sflag:s0] =	ssyncset.done $0x0  }
0x3b0: {  	[sflag:s0] =	ssyncadd.s32 $0xFFFFF200  }
0x3b1: {  	_ =	swait.ge [sflag:s21], $0xE00  }
0x3b2: {  	s3 =	rddreg [dreg:$0x7]  }
0x3b3: {  	s3 =	sadd.s32 $0x1, s3  }
0x3b4: {  	p0 =	sne.s32 s3, $0x10  }
.Ltmp6:
0x3b5: {  	_ = 	snop;
	(pc) =	sbr.rel @p0 .LBB2_2-.Ltmp6, $3  }
0x3b6: {  	_ =	sdelay $0x1  }
0x3b7: {  	[sflag:s21] =	ssyncset.done $0x0  }
0x3b8: {  	[sflag:s21] =	ssyncadd.s32 $0xFFFFF200  }
0x3b9: {  	s3 =	rddreg [dreg:$0x6]  }
0x3ba: {  	s0 =	rddreg [dreg:$0x5];
	s3 =	sadd.s32 $0x1, s3  }
0x3bb: {  	p0 =	sne.s32 s3, s0  }
.Ltmp7:
0x3bc: {  	_ = 	snop;
	(pc) =	sbr.rel @p0 .LBB2_1-.Ltmp7, $1  }
0x3bd: {  	_ =	sdelay $0x3  }
0x3be: {  	_ =	sfence.sel $0x180000  }
0x3bf: {  	[bflag:$0x0] =	sbarrier.arrive $0xFFFF  }
0x3c0: {  	_ =	strace $0x90000047  }
0x3c1: {  	s0 =	stileid.u32;
	[bflag:$0x2] =	sbarrier.arrive $0xFFFF  }
0x3c2: {  	p0 =	sne.s32 s0, $0x0;
	s0 =	rddreg [dreg:$0x2]  }
0x3c3: {  	s0 =	sadd.s32 @!p0 $0x100000, s0  }
0x3c4: {  	[sflag:s0] =	ssyncadd.tile.s32 @!p0 $0x1;
	_ =	shalt  }
.Lfunc_end2:
_tile_overlayer_lowered:
.L_overlay_start_2:
0x3c5: {  	(tag) =	ssettag $0x2  }
0x3c6: {  	s0 =	rddreg [dreg:$0x0];
	s2 =	stileid.u32  }
0x3c7: {  	s1 =	rddreg [dreg:$0x1];
	p0 =	sne.s32 s2, $0x0  }
0x3c8: {  	s3 =	rddreg [dreg:$0x2];
	[bflag:$0x3] =	sbarrier.arrive $0xFFFF;
	s2 =	simm.s32 @!p0 $0x1C05  }
0x3c9: {  	[timem:s3], [sflag:s2] =	dma.local @!p0 [hbm:s0], s1  }
0x3ca: {  	s0 =	simm.s32 @!p0 $0x5  }
0x3cb: {  	_ =	swait.ge @!p0 [sflag:s0], s1  }
0x3cc: {  	s1 =	ssub.s32 @!p0 $0x0, s1;
	[sflag:s0] =	ssyncset.done @!p0 $0x0  }
0x3cd: {  	[sflag:s0] =	ssyncadd.s32 @!p0 s1  }
0x3ce: {  	[bflag:$0x3] =	sbarrier.arrive $0xFFFF  }
0x3cf: {  	_ =	shalt  }

// kernel: sparse-core-data-format-call.cloned.1.call-start
scs
called_computation_lowered:
.L_overlay_start_0:
0x0: {  	s2 =	sld [smem:$0x3FD9]  }
0x1: {  	s3 =	sld [smem:$0x3FFE];
	_ =	sdelay $0x1  }
0x2: {  	s1 =	srdreg.scid  }
0x3: {  	s0 =	sand.u32 $0x1, s1  }
0x4: {  	s18 =	sshll.u32 s0, $0xA;
	s2 =	sadd.s32 s3, s2  }
0x5: {  	s2 =	sadd.s32 s2, s18  }
0x6: {  	[smem:$0x3FC6] =	sst s2  }
0x7: {  	_ = 	snop  }
0x8: {  	s2 =	sld [smem:$0x3FD0];
	(tm) =	ssettm $0x1  }
0x9: {  	s19 =	sld [smem:$0x3FFB];
	_ =	sdelay $0x3  }
0xa: {  	_ =	strace s19  }
0xb: {  	s3 =	sld [smem:$0x3FFC];
	_ =	sdelay $0x3  }
0xc: {  	_ =	strace s3  }
0xd: {  	s3 =	sld [smem:$0x3FFD];
	_ =	sdelay $0x3  }
0xe: {  	_ =	strace s3  }
0xf: {  	_ =	strace $0x8FFFFFFF  }
0x10: {  	s20 =	sld [smem:$0x3FDB];
	_ =	sdelay $0x1  }
0x11: {  	s4 =	simm.s32 $_scs_section_size  }
0x12: {  	s5 =	simm.s32 $_size__tile_overlayer_lowered;
	s6 =	simm.s32 $_tile_overlayer_lowered  }
0x13: {  	s23 =	simm.s32 $0x1BFF;
	s22 =	sshll.u32 s6, $0x1;
	s3 =	sadd.s32 s4, s20  }
0x14: {  	s7 =	simm.s32 $0x0;
	s21 =	sshll.u32 s5, $0x1;
	s5 =	sadd.s32 s22, s3  }
0x15: {  	[timem:s7], [sflag:s23] =	dma.local [hbm:s5], s21  }
0x16: {  	_ =	swait.ge [sflag:s23], s21  }
0x17: {  	s4 =	ssub.s32 $0x0, s21;
	[sflag:s23] =	ssyncset.done $0x0  }
0x18: {  	[sflag:s23] =	ssyncadd.s32 s4;
	_ =	sdelay $0x1  }
0x19: {  	s24 =	simm.s32 $0x1B8B  }
0x1a: {  	_ =	swait.ge [sflag:s24], $0x1  }
0x1b: {  	[sflag:s24] =	ssyncset.done $0x0  }
0x1c: {  	s26 =	simm.s32 $0x1B8E;
	s25 =	sld [smem:$0x3FFE];
	[sflag:s24] =	ssyncadd.s32 $0xFFFFFFFF  }
0x1d: {  	s27 =	simm.s32 $execute0_lowered;
	[smem:$0x3FD2] =	sst s26  }
0x1e: {  	s5 =	sshll.u32 s27, $0x1;
	_ =	strace $0x80000049;
	[dreg:$0x1] =	wrdreg $0xFFFFFFFF  }
0x1f: {  	s28 =	simm.s32 $_size_execute0_lowered;
	s3 =	sadd.s32 s3, s5;
	[dreg:$0x0] =	wrdreg $0x0  }
0x20: {  	s5 =	sshll.u32 s28, $0x1;
	[dreg:$0x2] =	wrdreg s3  }
0x21: {  	[dreg:$0x3] =	wrdreg s5  }
0x22: {  	[dreg:$0x4] =	wrdreg $0xC0  }
0x23: {  	_ =	task [dreg:s7], $0x5FFFF  }
0x24: {  	[dreg:$0x1] =	wrdreg $0xFFFFFFFF  }
0x25: {  	[dreg:$0x0] =	wrdreg $0x60  }
0x26: {  	[dreg:$0x2] =	wrdreg s25  }
0x27: {  	[dreg:$0x3] =	wrdreg s2  }
0x28: {  	[dreg:$0x4] =	wrdreg $0x9  }
0x29: {  	_ =	task.clear_ibuf [dreg:s7], $0x5FFFF;
	_ =	strace $0x90000049  }
0x2a: {  	s29 =	simm.s32 $0x9;
	_ =	strace $0x8000004B  }
0x2b: {  	_ =	swait.ge [sflag:s29], $0x1  }
0x2c: {  	[sflag:s29] =	ssyncadd.s32 $0xFFFFFFFF  }
0x2d: {  	_ =	strace $0x9000004B  }
0x2e: {  	_ =	sfence  }
0x2f: {  	s30 =	sld [smem:$0x0];
	_ =	sdelay $0x2  }
0x30: {  	s31 =	sshll.u32 s1, $0xD;
	s1 =	sshrl.u32 s1, $0x2  }
0x31: {  	s3 =	sand.u32 $0x4000, s31;
	s1 =	sadd.s32 s1, s30  }
0x32: {  	s0 =	sor.u32 s3, s0;
	s1 =	sshll.u32 s1, $0x11  }
0x33: {  	s0 =	sor.u32 s1, s0  }
0x34: {  	s0 =	sadd.s32 $0x8F2B, s0  }
0x35: {  	[sflag:s0] =	ssyncadd.remote.s32 $0x1  }
0x36: {  	_ =	sfence.sel $0xFFFF  }
0x37: {  	[dreg:$0x0] =	wrdreg $0xFFFFFFFF;
	(pc) =	sbr.abs _section_cstart, $3  }
0x38: {  	[dreg:$0x1] =	wrdreg $0xFFFFFFFF  }
0x39: {  	_ =	task.clear_ibuf [dreg:s7], $0x2FFFF;
	_ =	strace $0x9FFFFFFF  }
0x3a: {  	(tm) =	ssettm $0x7FFFFFFF  }
0x3b: {  	_ =	shalt  }
tec
execute0_lowered:
.L_overlay_start_1:
0x0: {  	(tag) =	ssettag $0x1  }
0x1: {  	s0 =	srdreg.scid;
	s3 =	rddreg [dreg:$0x0];
	s9 =	simm.s32 $0x2  }
0x2: {  	s22 =	simm.s32 $0x0;
	s11 =	simm.s32 $0x400;
	s0 =	sshll.u32 s0, $0x7  }
0x3: {  	s12 =	simm.s32 $0x800;
	s13 =	simm.s32 $0x0;
	s1 =	sand.u32 $0x80, s0  }
0x4: {  	s19 =	simm.s32 $0x0;
	s0 =	stileid.u32;
	s2 =	ssub.s32 $0x100, s1  }
0x5: {  	s21 =	simm.s32 $0x0;
	s4 =	sshrl.u32 s0, $0x2;
	s5 =	sshrl.u32 s2, $0x7  }
0x6: {  	s6 =	ssub.s32 $0x11, s4;
	s2 =	sshrl.u32 s2, $0x8;
	s7 =	sand.u32 $0x1, s5  }
0x7: {  	s20 =	simm.s32 $0x0;
	s6 =	sshrl.u32 s6, $0x2;
	s7 =	sadd.s32 s2, s7  }
0x8: {  	s23 =	simm.s32 $0x0;
	s14 =	simm.s32 $0x0;
	s7 =	smul.u32 s7, s6  }
.Ltmp0:
0x9: {  	s16 =	simm.s32 $0x0;
	s5 =	rddreg [dreg:$0x1];
	(pc) =	sbr.rel .LBB1_1-.Ltmp0, $4  }
0xa: {  	s18 =	simm.s32 $0x0;
	s8 =	sand.u32 $0x3, s0;
	s2 =	rddreg [dreg:$0x2]  }
0xb: {  	_ =	strace $0x8000004A;
	s6 =	simm.s32 $0x1;
	s7 =	smul.u32 $0xE, s7  }
0xc: {  	s15 =	smov.u32 s4;
	s17 =	smov.u32 s8;
	[sflag:s6] =	ssyncpa.u1 $0x0  }
0xd: {  	[sflag:s9] =	ssyncpa.u1 $0x0;
	s9 =	sshll.u32 s1, $0x3;
	s10 =	sor.u32 $0x1, s7  }
.LBB1_4:
0xe: {  	_ =	sdelay $0x3  }
0xf: {  	[tilespmem:v0+s26+$0xFFFFFFD0 ss:$0x1] =	vst.idx.msk $0xffff, v6  }
0x10: {  	v56 =	vld.idx.msk [tilespmem:v1+s25+$0x0 ss:$0x1], $0xffff;
	[tilespmem:v0+s26+$0xFFFFFFE0 ss:$0x1] =	vst.idx.msk $0xffff, v4  }
0x11: {  	v57 =	vld.idx.msk [tilespmem:v1+s25+$0xFFFFFF90 ss:$0x1], $0xffff;
	[tilespmem:v0+s26+$0xFFFFFFF0 ss:$0x1] =	vst.idx.msk $0xffff, v2  }
0x12: {  	v58 =	vld.idx.msk [tilespmem:v1+s25+$0xFFFFFFA0 ss:$0x1], $0xffff;
	[tilespmem:v0+s26+$0x0 ss:$0x1] =	vst.idx.msk $0xffff, v3  }
0x13: {  	v59 =	vld.idx.msk [tilespmem:v1+s25+$0xFFFFFFB0 ss:$0x1], $0xffff;
	[tilespmem:v0+s26+$0x10 ss:$0x1] =	vst.idx.msk $0xffff, v5  }
0x14: {  	v60 =	vld.idx.msk [tilespmem:v1+s25+$0xFFFFFFC0 ss:$0x1], $0xffff;
	[tilespmem:v0+s26+$0x20 ss:$0x1] =	vst.idx.msk $0xffff, v7  }
0x15: {  	s28 =	sshll.u32 s20, $0x8;
	v61 =	vld.idx.msk [tilespmem:v1+s25+$0xFFFFFFD0 ss:$0x1], $0xffff;
	[tilespmem:v0+s25+$0x30 ss:$0x1] =	vst.idx.msk $0xffff, v56  }
0x16: {  	v62 =	vld.idx.msk [tilespmem:v1+s25+$0xFFFFFFE0 ss:$0x1], $0xffff;
	s22 =	sshll.u32 s22, $0x3;
	s27 =	sshll.u32 s20, $0x7;
	s23 =	smul.u32 $0xC4000, s23;
	[tilespmem:v0+s25+$0xFFFFFFC0 ss:$0x1] =	vst.idx.msk $0xffff, v57  }
0x17: {  	v63 =	vld.idx.msk [tilespmem:v1+s25+$0xFFFFFFF0 ss:$0x1], $0xffff;
	s21 =	smul.u32 $0xE000, s21;
	s19 =	sshll.u32 s19, $0xC;
	s26 =	sand.u32 $0x7800, s28;
	[tilespmem:v0+s25+$0xFFFFFFD0 ss:$0x1] =	vst.idx.msk $0xffff, v58  }
0x18: {  	s29 =	sand.u32 $0x300, s27;
	s22 =	sor.u32 s26, s22;
	s23 =	sadd.s32 s5, s23;
	[tilespmem:v0+s25+$0xFFFFFFE0 ss:$0x1] =	vst.idx.msk $0xffff, v59  }
0x19: {  	s30 =	sshll.u32 s20, $0x4;
	s22 =	sor.u32 s29, s22;
	s21 =	sadd.s32 s21, s23;
	[tilespmem:v0+s25+$0xFFFFFFF0 ss:$0x1] =	vst.idx.msk $0xffff, v60  }
0x1a: {  	s20 =	sand.u32 $0x10, s30;
	s22 =	sshrl.u32 s22, $0x3;
	s19 =	sadd.s32 s19, s21;
	[tilespmem:v0+s25+$0x0 ss:$0x1] =	vst.idx.msk $0xffff, v61  }
0x1b: {  	[tilespmem:v0+s25+$0x10 ss:$0x1] =	vst.idx.msk $0xffff, v62;
	s31 =	sand.u32 $0xFE0, s22;
	s19 =	sadd.s32 s20, s19  }
0x1c: {  	[tilespmem:v0+s25+$0x20 ss:$0x1] =	vst.idx.msk $0xffff, v63;
	s19 =	sadd.s32 s31, s19  }
0x1d: {  	[hbm4b:s19+s11] =	stream.strided.scatter [tilespmem:s24], [sflag:$0x2], $0x4000, s12, s11, $0x38;
	[tilespmem:$0x10000] =	vst v63  }
.LBB1_5:
0x1e: {  	s24 =	sadd.s32 $0x1, s14  }
0x1f: {  	s19 =	sadd.s32 $0x4, s15;
	s25 =	smov.u32 s15;
	p1 =	sgt.s32 s24, $0xD  }
0x20: {  	s25 =	smov.u32 @p1 s19  }
0x21: {  	s26 =	smov.u32 s16;
	s19 =	sadd.s32 $0x80, s16;
	p2 =	sgt.s32 s25, $0xD  }
0x22: {  	s26 =	smov.u32 @p2 s19  }
0x23: {  	s27 =	smov.u32 s17;
	s19 =	sadd.s32 $0x4, s17;
	p3 =	sgt.s32 s26, $0x7F  }
0x24: {  	p0 =	slt.u32 s18, $0x2;
	s21 =	smov.u32 s15;
	s27 =	smov.u32 @p3 s19  }
0x25: {  	s20 =	smov.u32 s16;
	s24 =	simm.s32 @p1 $0x0;
	p1 =	sgt.s32 s27, $0x3  }
0x26: {  	s22 =	simm.s32 @!p0 $0x2;
	s27 =	smov.u32 @p1 s8;
	p1 =	sne.s32 s18, s10  }
.Ltmp1:
0x27: {  	s23 =	smov.u32 s17;
	_ =	swait.ge @!p0 [sflag:s22], $0x4000;
	(pc) =	sbr.rel @!p1 .LBB1_6-.Ltmp1, $4  }
0x28: {  	s13 =	sadd.s32 $0x4000, s13;
	[sflag:s22] =	ssyncset.done @!p0 $0x0;
	s25 =	smov.u32 @p2 s4  }
0x29: {  	[sflag:s22] =	ssyncadd.s32 @!p0 $0xFFFFC000;
	s22 =	smov.u32 s1;
	s15 =	smov.u32 s25  }
0x2a: {  	s26 =	simm.s32 @p3 $0x0;
	s19 =	smov.u32 s14;
	s14 =	smov.u32 s24  }
0x2b: {  	s16 =	smov.u32 s26;
	s18 =	sadd.s32 $0x1, s18;
	s17 =	smov.u32 s27  }
.LBB1_1:
0x2c: {  	p0 =	sge.u32 s18, s7  }
0x2d: {  	s31 =	sadd.s32 $0xFFFFFFFF, s18;
	s24 =	sxor.u32 @!p0 $0xFFFFFFFF, s18  }
0x2e: {  	s25 =	sshll.u32 @!p0 s14, $0x8;
	s26 =	smul.u32 @!p0 $0xE0000, s17;
	s27 =	sshll.u32 @!p0 s14, $0x7  }
0x2f: {  	s28 =	smul.u32 @!p0 $0x1C00, s16;
	s29 =	sshll.u32 @!p0 s15, $0x9;
	s24 =	sshll.u32 @!p0 s24, $0xE  }
0x30: {  	s25 =	sand.u32 @!p0 $0x800, s25;
	s27 =	sand.u32 @!p0 $0x300, s27;
	s26 =	sadd.s32 @!p0 s3, s26  }
0x31: {  	s25 =	sor.u32 @!p0 s9, s25;
	s26 =	sadd.s32 @!p0 s28, s26;
	s28 =	sshll.u32 @!p0 s14, $0x4  }
0x32: {  	s25 =	sor.u32 @!p0 s27, s25;
	s27 =	sand.u32 @!p0 $0x10, s28;
	s26 =	sadd.s32 @!p0 s29, s26  }
0x33: {  	s24 =	sand.u32 @!p0 $0x4000, s24;
	s25 =	sshrl.u32 @!p0 s25, $0x3;
	s26 =	sadd.s32 @!p0 s27, s26  }
0x34: {  	s27 =	simm.s32 @!p0 $0xE000;
	s25 =	sadd.s32 @!p0 s25, s26;
	s26 =	simm.s32 @!p0 $0x80  }
0x35: {  	[tilespmem:s24], [sflag:$0x1] =	stream.strided.gather @!p0 [hbm4b:s25+s26], $0x4000, s27, s26, $0x38;
	[tilespmem:$0x10000] =	vst v63  }
0x36: {  	p0 =	sge.u32 s31, s7  }
.Ltmp2:
0x37: {  	_ = 	snop;
	(pc) =	sbr.rel @p0 .LBB1_5-.Ltmp2, $1  }
0x38: {  	_ =	sdelay $0x3  }
0x39: {  	s24 =	sand.u32 $0x4000, s13  }
0x3a: {  	s25 =	sor.u32 $0x70, s24  }
0x3b: {  	v1 =	vmov s25;
	_ =	sdelay $0x1  }
0x3c: {  	_ =	swait.ge [sflag:s6], $0x4000  }
0x3d: {  	[sflag:s6] =	ssyncset.done $0x0  }
0x3e: {  	s26 =	simm.s32 $0x0;
	[sflag:s6] =	ssyncadd.s32 $0xFFFFC000  }
0x3f: {  	s24 =	sor.u32 $0x8040, s24;
	v7 =	vld.idx.msk [tilespmem:v1+s26+$0x0 ss:$0x1], $0xffff  }
0x40: {  	v0 =	vmov s24;
	v8 =	vld.idx.msk [tilespmem:v1+s26+$0xFFFFFF90 ss:$0x1], $0xffff  }
0x41: {  	v6 =	vld.idx.msk [tilespmem:v1+s26+$0xFFFFFFA0 ss:$0x1], $0xffff  }
0x42: {  	v4 =	vld.idx.msk [tilespmem:v1+s26+$0xFFFFFFB0 ss:$0x1], $0xffff  }
0x43: {  	v2 =	vld.idx.msk [tilespmem:v1+s26+$0xFFFFFFC0 ss:$0x1], $0xffff  }
0x44: {  	s31 =	sshll.u32 s18, $0xE;
	v3 =	vld.idx.msk [tilespmem:v1+s26+$0xFFFFFFD0 ss:$0x1], $0xffff  }
0x45: {  	s24 =	sand.u32 $0x4000, s31;
	v5 =	vld.idx.msk [tilespmem:v1+s26+$0xFFFFFFE0 ss:$0x1], $0xffff;
	[tilespmem:v0+s26+$0x30 ss:$0x1] =	vst.idx.msk $0xffff, v7  }
0x46: {  	s27 =	simm.s32 $0x400;
	s25 =	simm.s32 $0x80;
	s24 =	sor.u32 $0x8000, s24;
	[tilespmem:v0+s26+$0xFFFFFFC0 ss:$0x1] =	vst.idx.msk $0xffff, v8;
	v7 =	vld.idx.msk [tilespmem:v1+s26+$0xFFFFFFF0 ss:$0x1], $0xffff  }
.LBB1_3:
0x47: {  	p0 =	sne.s32 s27, $0xFE00;
	v8 =	vld.idx.msk [tilespmem:v1+s25+$0x0 ss:$0x1], $0xffff;
	[tilespmem:v0+s26+$0xFFFFFFD0 ss:$0x1] =	vst.idx.msk $0xffff, v6  }
0x48: {  	v9 =	vld.idx.msk [tilespmem:v1+s25+$0xFFFFFF90 ss:$0x1], $0xffff;
	[tilespmem:v0+s26+$0xFFFFFFE0 ss:$0x1] =	vst.idx.msk $0xffff, v4  }
0x49: {  	v6 =	vld.idx.msk [tilespmem:v1+s25+$0xFFFFFFA0 ss:$0x1], $0xffff;
	[tilespmem:v0+s26+$0xFFFFFFF0 ss:$0x1] =	vst.idx.msk $0xffff, v2  }
.Ltmp3:
0x4a: {  	v4 =	vld.idx.msk [tilespmem:v1+s25+$0xFFFFFFB0 ss:$0x1], $0xffff;
	[tilespmem:v0+s26+$0x0 ss:$0x1] =	vst.idx.msk $0xffff, v3;
	(pc) =	sbr.rel @p0 .LBB1_3-.Ltmp3, $4  }
0x4b: {  	v2 =	vld.idx.msk [tilespmem:v1+s25+$0xFFFFFFC0 ss:$0x1], $0xffff;
	[tilespmem:v0+s26+$0x10 ss:$0x1] =	vst.idx.msk $0xffff, v5  }
0x4c: {  	v3 =	vld.idx.msk [tilespmem:v1+s25+$0xFFFFFFD0 ss:$0x1], $0xffff;
	[tilespmem:v0+s26+$0x20 ss:$0x1] =	vst.idx.msk $0xffff, v7;
	s26 =	smov.u32 s25  }
0x4d: {  	v5 =	vld.idx.msk [tilespmem:v1+s26+$0xFFFFFFE0 ss:$0x1], $0xffff;
	[tilespmem:v0+s26+$0x30 ss:$0x1] =	vst.idx.msk $0xffff, v8  }
0x4e: {  	s25 =	sshra.s32 s27, $0x2;
	s27 =	sadd.s32 $0x200, s27;
	[tilespmem:v0+s26+$0xFFFFFFC0 ss:$0x1] =	vst.idx.msk $0xffff, v9;
	v7 =	vld.idx.msk [tilespmem:v1+s26+$0xFFFFFFF0 ss:$0x1], $0xffff  }
.Ltmp4:
0x4f: {  	_ = 	snop;
	(pc) =	sbr.rel .LBB1_4-.Ltmp4, $1  }
0x50: {  	_ =	sdelay $0x3  }
.LBB1_6:
0x51: {  	_ =	sfence.sel $0x180000  }
0x52: {  	s1 =	simm.s32 $0x1;
	[bflag:$0x0] =	sbarrier.arrive $0xFFFF  }
0x53: {  	s31 =	simm.s32 $0x2;
	[sflag:s1] =	ssyncpa.u1 $0x1  }
0x54: {  	[sflag:s31] =	ssyncpa.u1 $0x1  }
0x55: {  	p0 =	sne.s32 s0, $0x0;
	_ =	strace $0x9000004A  }
0x56: {  	s0 =	sadd.s32 @!p0 $0x100000, s2;
	[bflag:$0x2] =	sbarrier.arrive $0xFFFF  }
0x57: {  	[sflag:s0] =	ssyncadd.tile.s32 @!p0 $0x1;
	_ =	shalt  }
.Lfunc_end1:
_tile_overlayer_lowered:
.L_overlay_start_2:
0x58: {  	(tag) =	ssettag $0x2  }
0x59: {  	s0 =	rddreg [dreg:$0x0];
	s2 =	stileid.u32  }
0x5a: {  	s1 =	rddreg [dreg:$0x1];
	p0 =	sne.s32 s2, $0x0  }
0x5b: {  	s3 =	rddreg [dreg:$0x2];
	[bflag:$0x3] =	sbarrier.arrive $0xFFFF;
	s2 =	simm.s32 @!p0 $0x1C01  }
0x5c: {  	[timem:s3], [sflag:s2] =	dma.local @!p0 [hbm:s0], s1  }
0x5d: {  	s0 =	simm.s32 @!p0 $0x1  }
0x5e: {  	_ =	swait.ge @!p0 [sflag:s0], s1  }
0x5f: {  	s1 =	ssub.s32 @!p0 $0x0, s1;
	[sflag:s0] =	ssyncset.done @!p0 $0x0  }
0x60: {  	[sflag:s0] =	ssyncadd.s32 @!p0 s1  }
0x61: {  	[bflag:$0x3] =	sbarrier.arrive $0xFFFF  }
0x62: {  	_ =	shalt  }

</sc_bundles>
